<compile_context>
chip_gen: v7x
topology: tpu7x:2x2x1
jax: 0.10.2.dev20260603
libtpu: 0.0.44.dev20260713+nightly
codegen_flags: <defaults>
</compile_context>

<pallas_src>
import jax
import jax.numpy as jnp
from jax import lax
from jax.experimental import pallas as pl
from jax.experimental.pallas import tpu as pltpu
from jax.experimental.pallas import tpu_sc as plsc

N_TOKENS = 32768
N_EXPERTS = 64
K = 8
L = 16
NC = 2
NS = 16
NW = NC * NS
TOK_PER_W = N_TOKENS // NW
GROUPS = TOK_PER_W // L

IDMASK = (1 << 6) - 1

SORT8 = [(0, 1), (2, 3), (4, 5), (6, 7),
         (0, 2), (1, 3), (4, 6), (5, 7),
         (1, 2), (5, 6),
         (0, 4), (1, 5), (2, 6), (3, 7),
         (2, 4), (3, 5),
         (1, 2), (3, 4), (5, 6)]

BITONIC8 = [(0, 4), (1, 5), (2, 6), (3, 7),
            (0, 2), (1, 3), (4, 6), (5, 7),
            (0, 1), (2, 3), (4, 5), (6, 7)]


def _sort8_desc(v):
    for i, j in SORT8:
        hi = jnp.maximum(v[i], v[j])
        lo = jnp.minimum(v[i], v[j])
        v[i], v[j] = hi, lo
    return v


def _merge_top8(a, b):
    m = [jnp.maximum(a[i], b[7 - i]) for i in range(8)]
    for i, j in BITONIC8:
        hi = jnp.maximum(m[i], m[j])
        lo = jnp.minimum(m[i], m[j])
        m[i], m[j] = hi, lo
    return m


HALF = TOK_PER_W // 2


def _topk_body(lt_hbm, w_hbm, ids_hbm, lt_out_hbm, logits_v, w_v, ids_v,
               sem_in, sem_out):
    wid = lax.axis_index("s") * NC + lax.axis_index("c")
    t0 = wid * TOK_PER_W
    pltpu.sync_copy(lt_hbm.at[:, pl.ds(t0, HALF)],
                    logits_v.at[:, pl.ds(0, HALF)])
    fetch2 = pltpu.make_async_copy(
        lt_hbm.at[:, pl.ds(t0 + HALF, HALF)],
        logits_v.at[:, pl.ds(HALF, HALF)], sem_in)
    fetch2.start()
    pass1 = pltpu.make_async_copy(
        logits_v.at[:, pl.ds(0, HALF)],
        lt_out_hbm.at[:, pl.ds(t0, HALF)], sem_out)
    pass1.start()

    def group(i):
        off = i * L
        packed = []
        for e in range(N_EXPERTS):
            v = logits_v[e, pl.ds(off, L)]
            vi = plsc.bitcast(v, jnp.int32)
            vi = (vi & ~IDMASK) | (IDMASK - e)
            packed.append(plsc.bitcast(vi, jnp.float32))
        tops = [_sort8_desc(packed[8 * g:8 * g + 8]) for g in range(8)]
        m01 = _merge_top8(tops[0], tops[1])
        m23 = _merge_top8(tops[2], tops[3])
        m45 = _merge_top8(tops[4], tops[5])
        m67 = _merge_top8(tops[6], tops[7])
        m03 = _merge_top8(m01, m23)
        m47 = _merge_top8(m45, m67)
        top = _merge_top8(m03, m47)

        lanes = lax.iota(jnp.int32, L) + off
        ids = []
        ve = []
        for j in range(K):
            ti = plsc.bitcast(top[j], jnp.int32)
            idj = IDMASK - (ti & IDMASK)
            ids.append(idj)
            ve.append(plsc.load_gather(logits_v, [idj, lanes]))
        for i, j in [(0, 1), (2, 3), (4, 5), (6, 7),
                     (1, 2), (3, 4), (5, 6),
                     (0, 1), (2, 3), (4, 5), (6, 7)]:
            swap = ve[i] < ve[j]
            vi = jnp.where(swap, ve[j], ve[i])
            vj = jnp.where(swap, ve[i], ve[j])
            ve[i], ve[j] = vi, vj
            ii = jnp.where(swap, ids[j], ids[i])
            ij = jnp.where(swap, ids[i], ids[j])
            ids[i], ids[j] = ii, ij

        es = [jnp.exp(ve[j] - ve[0]) for j in range(1, K)]
        denom = es[0]
        for e in es[1:]:
            denom = denom + e
        inv = 1.0 / (denom + 1.0)
        w_v[0, pl.ds(off, L)] = inv
        for j in range(1, K):
            w_v[j, pl.ds(off, L)] = es[j - 1] * inv
        for j in range(K):
            ids_v[j, pl.ds(off, L)] = ids[j]

    plsc.parallel_loop(0, GROUPS // 2, unroll=2)(group)
    fetch2.wait()
    pass2 = pltpu.make_async_copy(
        logits_v.at[:, pl.ds(HALF, HALF)],
        lt_out_hbm.at[:, pl.ds(t0 + HALF, HALF)], sem_out)
    pass2.start()
    plsc.parallel_loop(GROUPS // 2, GROUPS, unroll=2)(group)

    pltpu.sync_copy(w_v, w_hbm.at[:, pl.ds(t0, TOK_PER_W)])
    pltpu.sync_copy(ids_v, ids_hbm.at[:, pl.ds(t0, TOK_PER_W)])
    pass1.wait()
    pass2.wait()


def kernel(hidden_states, router_logits):
    del hidden_states
    fn = pl.kernel(
        _topk_body,
        out_type=(
            jax.ShapeDtypeStruct((K, N_TOKENS), jnp.float32),
            jax.ShapeDtypeStruct((K, N_TOKENS), jnp.int32),
            jax.ShapeDtypeStruct((N_EXPERTS, N_TOKENS), jnp.float32),
        ),
        mesh=plsc.VectorSubcoreMesh(core_axis_name="c", subcore_axis_name="s"),
        compiler_params=pltpu.CompilerParams(
            needs_layout_passes=False, skip_device_barrier=True),
        scratch_types=[
            pltpu.VMEM((N_EXPERTS, TOK_PER_W), jnp.float32),
            pltpu.VMEM((K, TOK_PER_W), jnp.float32),
            pltpu.VMEM((K, TOK_PER_W), jnp.int32),
            pltpu.SemaphoreType.DMA,
            pltpu.SemaphoreType.DMA,
        ],
    )
    w8, ids8, lt_out = fn(router_logits.T)
    return w8.T, ids8.T, lt_out.T

# --- scband reference (transcript-rebuilt; emitter-appended) ---
"""Pipeline reference for scband-top-k-78752520339604 (READ-ONLY COPY).

The authoritative reference and input builder live on the scoring server;
editing this copy changes nothing except your own understanding.
"""

import jax, jax.numpy as jnp
import numpy as np

TOP_K = 8
RENORMALIZE = True

def setup_inputs(seed: int = 0) -> dict:
    key = jax.random.key(seed)
    k1, k2 = jax.random.split(key)
    hidden_states = jax.random.normal(k1, (32768, 2048), dtype=jnp.float32)
    router_logits = jax.random.normal(k2, (32768, 64), dtype=jnp.float32)
    return {"hidden_states": hidden_states, "router_logits": router_logits}

def reference(hidden_states, router_logits):
    # torch-native fused_topk path of TopK.select_experts:
    # softmax over router logits, top-k selection, optional renormalize.
    probs = jax.nn.softmax(router_logits.astype(jnp.float32), axis=-1)
    topk_weights, topk_ids = jax.lax.top_k(probs, TOP_K)
    if RENORMALIZE:
        topk_weights = topk_weights / jnp.sum(topk_weights, axis=-1, keepdims=True)
    topk_ids = topk_ids.astype(jnp.int32)
    # StandardTopKOutput(topk_weights, topk_ids, router_logits)
    return topk_weights, topk_ids, router_logits

if __name__ == "__main__":
    import jax
    _d = setup_inputs()
    print(jax.jit(kernel)(*tuple(_d.values())))

</pallas_src>

<mosaic_0001>
#map = affine_map<(d0, d1) -> (0, 0)>
module attributes {stable_mosaic.version = 14 : i64} {
  func.func @_topk_body(%arg0: i32, %arg1: i32, %arg2: memref<64x32768xf32, #tpu.memory_space<hbm>>, %arg3: memref<8x32768xf32, #tpu.memory_space<hbm>>, %arg4: memref<8x32768xi32, #tpu.memory_space<hbm>>, %arg5: memref<64x32768xf32, #tpu.memory_space<hbm>>, %arg6: memref<64x1024xf32, #tpu.memory_space<vmem>>, %arg7: memref<8x1024xf32, #tpu.memory_space<vmem>>, %arg8: memref<8x1024xi32, #tpu.memory_space<vmem>>, %arg9: memref<!tpu.dma_semaphore, #tpu.memory_space<semaphore_mem>>, %arg10: memref<!tpu.dma_semaphore, #tpu.memory_space<semaphore_mem>>) attributes {dimension_semantics = [#tpu.dimension_semantics<core_parallel>, #tpu.dimension_semantics<subcore_parallel>], iteration_bounds = array<i64: 2, 16>, scalar_prefetch = 0 : i64, scratch_operands = 5 : i64, tpu.core_type = #tpu.core_type<sc_vector_subcore>, window_params = [{transform_indices = #map}, {transform_indices = #map}, {transform_indices = #map}, {transform_indices = #map}]} {
    %mul3A = arith.constant 2 : i32
    %mul3A_0 = arith.muli %arg1, %mul3A : i32
    %add3A = arith.addi %mul3A_0, %arg0 : i32
    %mul3A_1 = arith.constant 1024 : i32
    %mul3A_2 = arith.muli %add3A, %mul3A_1 : i32
    "tpu.region"() ({
      %run_scoped3A = tpu.sem_alloc : memref<!tpu.dma_semaphore, #tpu.memory_space<semaphore_mem>>
      %dma_start3A_70 = arith.constant 0 : i32
      %dma_start3A_71 = arith.constant 0 : i32
      %dma_start3A_72 = tpu.memref_slice %arg6[%dma_start3A_70, %dma_start3A_71] : memref<64x1024xf32, #tpu.memory_space<vmem>> -> memref<64x512xf32, #tpu.memory_space<vmem>>
      %dma_start3A_73 = arith.constant 0 : i32
      %dma_start3A_74 = tpu.memref_slice %arg2[%dma_start3A_73, %mul3A_2] : memref<64x32768xf32, #tpu.memory_space<hbm>> -> memref<64x512xf32, #tpu.memory_space<hbm>>
      %dma_start3A_75 = arith.constant 0 : i32
      %dma_start3A_76 = arith.constant 0 : i32
      %dma_start3A_77 = tpu.memref_slice %arg6[%dma_start3A_75, %dma_start3A_76] : memref<64x1024xf32, #tpu.memory_space<vmem>> -> memref<64x512xf32, #tpu.memory_space<vmem>>
      %dma_start3A_78 = arith.constant 0 : i32
      %dma_start3A_79 = tpu.memref_slice %arg2[%dma_start3A_78, %mul3A_2] : memref<64x32768xf32, #tpu.memory_space<hbm>> -> memref<64x512xf32, #tpu.memory_space<hbm>>
      tpu.enqueue_dma source(%dma_start3A_79 : memref<64x512xf32, #tpu.memory_space<hbm>>) target(%dma_start3A_77 : memref<64x512xf32, #tpu.memory_space<vmem>>) target_semaphore(%run_scoped3A : memref<!tpu.dma_semaphore, #tpu.memory_space<semaphore_mem>>)
      %dma_wait3A_80 = arith.constant 0 : i32
      %dma_wait3A_81 = arith.constant 0 : i32
      %dma_wait3A_82 = tpu.memref_slice %arg6[%dma_wait3A_80, %dma_wait3A_81] : memref<64x1024xf32, #tpu.memory_space<vmem>> -> memref<64x512xf32, #tpu.memory_space<vmem>>
      %dma_wait3A_83 = arith.constant 0 : i32
      %dma_wait3A_84 = tpu.memref_slice %arg2[%dma_wait3A_83, %mul3A_2] : memref<64x32768xf32, #tpu.memory_space<hbm>> -> memref<64x512xf32, #tpu.memory_space<hbm>>
      %dma_wait3A_85 = arith.constant 0 : i32
      %dma_wait3A_86 = arith.constant 0 : i32
      %dma_wait3A_87 = tpu.memref_slice %arg6[%dma_wait3A_85, %dma_wait3A_86] : memref<64x1024xf32, #tpu.memory_space<vmem>> -> memref<64x512xf32, #tpu.memory_space<vmem>>
      %dma_wait3A_88 = arith.constant 0 : i32
      %dma_wait3A_89 = tpu.memref_slice %arg2[%dma_wait3A_88, %mul3A_2] : memref<64x32768xf32, #tpu.memory_space<hbm>> -> memref<64x512xf32, #tpu.memory_space<hbm>>
      tpu.wait_dma2 semaphore(%run_scoped3A : memref<!tpu.dma_semaphore, #tpu.memory_space<semaphore_mem>>) src(%dma_wait3A_89 : memref<64x512xf32, #tpu.memory_space<hbm>>) dst(%dma_wait3A_87 : memref<64x512xf32, #tpu.memory_space<vmem>>)
      tpu.yield
    }) : () -> ()
    %add3A_3 = arith.constant 512 : i32
    %add3A_4 = arith.addi %mul3A_2, %add3A_3 : i32
    %dma_start3A = arith.constant 0 : i32
    %dma_start3A_5 = arith.constant 512 : i32
    %dma_start3A_6 = tpu.memref_slice %arg6[%dma_start3A, %dma_start3A_5] : memref<64x1024xf32, #tpu.memory_space<vmem>> -> memref<64x512xf32, #tpu.memory_space<vmem>>
    %dma_start3A_7 = arith.constant 0 : i32
    %dma_start3A_8 = tpu.memref_slice %arg2[%dma_start3A_7, %add3A_4] : memref<64x32768xf32, #tpu.memory_space<hbm>> -> memref<64x512xf32, #tpu.memory_space<hbm>>
    %dma_start3A_9 = arith.constant 0 : i32
    %dma_start3A_10 = arith.constant 512 : i32
    %dma_start3A_11 = tpu.memref_slice %arg6[%dma_start3A_9, %dma_start3A_10] : memref<64x1024xf32, #tpu.memory_space<vmem>> -> memref<64x512xf32, #tpu.memory_space<vmem>>
    %dma_start3A_12 = arith.constant 0 : i32
    %dma_start3A_13 = tpu.memref_slice %arg2[%dma_start3A_12, %add3A_4] : memref<64x32768xf32, #tpu.memory_space<hbm>> -> memref<64x512xf32, #tpu.memory_space<hbm>>
    tpu.enqueue_dma source(%dma_start3A_13 : memref<64x512xf32, #tpu.memory_space<hbm>>) target(%dma_start3A_11 : memref<64x512xf32, #tpu.memory_space<vmem>>) target_semaphore(%arg9 : memref<!tpu.dma_semaphore, #tpu.memory_space<semaphore_mem>>)
    %dma_start3A_14 = arith.constant 0 : i32
    %dma_start3A_15 = arith.constant 0 : i32
    %dma_start3A_16 = tpu.memref_slice %arg6[%dma_start3A_14, %dma_start3A_15] : memref<64x1024xf32, #tpu.memory_space<vmem>> -> memref<64x512xf32, #tpu.memory_space<vmem>>
    %dma_start3A_17 = arith.constant 0 : i32
    %dma_start3A_18 = tpu.memref_slice %arg5[%dma_start3A_17, %mul3A_2] : memref<64x32768xf32, #tpu.memory_space<hbm>> -> memref<64x512xf32, #tpu.memory_space<hbm>>
    %dma_start3A_19 = arith.constant 0 : i32
    %dma_start3A_20 = tpu.memref_slice %arg5[%dma_start3A_19, %mul3A_2] : memref<64x32768xf32, #tpu.memory_space<hbm>> -> memref<64x512xf32, #tpu.memory_space<hbm>>
    %dma_start3A_21 = arith.constant 0 : i32
    %dma_start3A_22 = arith.constant 0 : i32
    %dma_start3A_23 = tpu.memref_slice %arg6[%dma_start3A_21, %dma_start3A_22] : memref<64x1024xf32, #tpu.memory_space<vmem>> -> memref<64x512xf32, #tpu.memory_space<vmem>>
    tpu.enqueue_dma source(%dma_start3A_23 : memref<64x512xf32, #tpu.memory_space<vmem>>) target(%dma_start3A_20 : memref<64x512xf32, #tpu.memory_space<hbm>>) target_semaphore(%arg10 : memref<!tpu.dma_semaphore, #tpu.memory_space<semaphore_mem>>)
    %parallel_loop3A = arith.constant 0 : i32
    %parallel_loop3A_24 = arith.constant 32 : i32
    %parallel_loop3A_25 = arith.constant 1 : i32
    scf.for %parallel_loop3A_70 = %parallel_loop3A to %parallel_loop3A_24 step %parallel_loop3A_25  : i32 {
      %parallel_loop3A_71 = arith.constant 16 : i32
      %parallel_loop3A_72 = arith.muli %parallel_loop3A_70, %parallel_loop3A_71 : i32
      %parallel_loop3A_73 = arith.constant 0 : i32
      %parallel_loop3A_74 = arith.index_cast %parallel_loop3A_73 : i32 to index
      %parallel_loop3A_75 = arith.index_cast %parallel_loop3A_72 : i32 to index
      %parallel_loop3A_76 = tpu.vector_load %arg6[%parallel_loop3A_74, %parallel_loop3A_75] {strides = array<i32>} : memref<64x1024xf32, #tpu.memory_space<vmem>>, vector<16xf32>,
      %parallel_loop3A_77 = vector.bitcast %parallel_loop3A_76 : vector<16xf32> to vector<16xi32>
      %parallel_loop3A_78 = arith.constant -64 : i32
      %parallel_loop3A_79 = vector.broadcast %parallel_loop3A_78 : i32 to vector<16xi32>
      %parallel_loop3A_80 = arith.andi %parallel_loop3A_77, %parallel_loop3A_79 : vector<16xi32>
      %parallel_loop3A_81 = arith.constant 63 : i32
      %parallel_loop3A_82 = vector.broadcast %parallel_loop3A_81 : i32 to vector<16xi32>
      %parallel_loop3A_83 = arith.ori %parallel_loop3A_80, %parallel_loop3A_82 : vector<16xi32>
      %parallel_loop3A_84 = vector.bitcast %parallel_loop3A_83 : vector<16xi32> to vector<16xf32>
      %parallel_loop3A_85 = arith.constant 1 : i32
      %parallel_loop3A_86 = arith.index_cast %parallel_loop3A_85 : i32 to index
      %parallel_loop3A_87 = arith.index_cast %parallel_loop3A_72 : i32 to index
      %parallel_loop3A_88 = tpu.vector_load %arg6[%parallel_loop3A_86, %parallel_loop3A_87] {strides = array<i32>} : memref<64x1024xf32, #tpu.memory_space<vmem>>, vector<16xf32>,
      %parallel_loop3A_89 = vector.bitcast %parallel_loop3A_88 : vector<16xf32> to vector<16xi32>
      %parallel_loop3A_90 = arith.constant -64 : i32
      %parallel_loop3A_91 = vector.broadcast %parallel_loop3A_90 : i32 to vector<16xi32>
      %parallel_loop3A_92 = arith.andi %parallel_loop3A_89, %parallel_loop3A_91 : vector<16xi32>
      %parallel_loop3A_93 = arith.constant 62 : i32
      %parallel_loop3A_94 = vector.broadcast %parallel_loop3A_93 : i32 to vector<16xi32>
      %parallel_loop3A_95 = arith.ori %parallel_loop3A_92, %parallel_loop3A_94 : vector<16xi32>
      %parallel_loop3A_96 = vector.bitcast %parallel_loop3A_95 : vector<16xi32> to vector<16xf32>
      %parallel_loop3A_97 = arith.constant 2 : i32
      %parallel_loop3A_98 = arith.index_cast %parallel_loop3A_97 : i32 to index
      %parallel_loop3A_99 = arith.index_cast %parallel_loop3A_72 : i32 to index
      %parallel_loop3A_100 = tpu.vector_load %arg6[%parallel_loop3A_98, %parallel_loop3A_99] {strides = array<i32>} : memref<64x1024xf32, #tpu.memory_space<vmem>>, vector<16xf32>,
      %parallel_loop3A_101 = vector.bitcast %parallel_loop3A_100 : vector<16xf32> to vector<16xi32>
      %parallel_loop3A_102 = arith.constant -64 : i32
      %parallel_loop3A_103 = vector.broadcast %parallel_loop3A_102 : i32 to vector<16xi32>
      %parallel_loop3A_104 = arith.andi %parallel_loop3A_101, %parallel_loop3A_103 : vector<16xi32>
      %parallel_loop3A_105 = arith.constant 61 : i32
      %parallel_loop3A_106 = vector.broadcast %parallel_loop3A_105 : i32 to vector<16xi32>
      %parallel_loop3A_107 = arith.ori %parallel_loop3A_104, %parallel_loop3A_106 : vector<16xi32>
      %parallel_loop3A_108 = vector.bitcast %parallel_loop3A_107 : vector<16xi32> to vector<16xf32>
      %parallel_loop3A_109 = arith.constant 3 : i32
      %parallel_loop3A_110 = arith.index_cast %parallel_loop3A_109 : i32 to index
      %parallel_loop3A_111 = arith.index_cast %parallel_loop3A_72 : i32 to index
      %parallel_loop3A_112 = tpu.vector_load %arg6[%parallel_loop3A_110, %parallel_loop3A_111] {strides = array<i32>} : memref<64x1024xf32, #tpu.memory_space<vmem>>, vector<16xf32>,
      %parallel_loop3A_113 = vector.bitcast %parallel_loop3A_112 : vector<16xf32> to vector<16xi32>
      %parallel_loop3A_114 = arith.constant -64 : i32
      %parallel_loop3A_115 = vector.broadcast %parallel_loop3A_114 : i32 to vector<16xi32>
      %parallel_loop3A_116 = arith.andi %parallel_loop3A_113, %parallel_loop3A_115 : vector<16xi32>
      %parallel_loop3A_117 = arith.constant 60 : i32
      %parallel_loop3A_118 = vector.broadcast %parallel_loop3A_117 : i32 to vector<16xi32>
      %parallel_loop3A_119 = arith.ori %parallel_loop3A_116, %parallel_loop3A_118 : vector<16xi32>
      %parallel_loop3A_120 = vector.bitcast %parallel_loop3A_119 : vector<16xi32> to vector<16xf32>
      %parallel_loop3A_121 = arith.constant 4 : i32
      %parallel_loop3A_122 = arith.index_cast %parallel_loop3A_121 : i32 to index
      %parallel_loop3A_123 = arith.index_cast %parallel_loop3A_72 : i32 to index
      %parallel_loop3A_124 = tpu.vector_load %arg6[%parallel_loop3A_122, %parallel_loop3A_123] {strides = array<i32>} : memref<64x1024xf32, #tpu.memory_space<vmem>>, vector<16xf32>,
      %parallel_loop3A_125 = vector.bitcast %parallel_loop3A_124 : vector<16xf32> to vector<16xi32>
      %parallel_loop3A_126 = arith.constant -64 : i32
      %parallel_loop3A_127 = vector.broadcast %parallel_loop3A_126 : i32 to vector<16xi32>
      %parallel_loop3A_128 = arith.andi %parallel_loop3A_125, %parallel_loop3A_127 : vector<16xi32>
      %parallel_loop3A_129 = arith.constant 59 : i32
      %parallel_loop3A_130 = vector.broadcast %parallel_loop3A_129 : i32 to vector<16xi32>
      %parallel_loop3A_131 = arith.ori %parallel_loop3A_128, %parallel_loop3A_130 : vector<16xi32>
      %parallel_loop3A_132 = vector.bitcast %parallel_loop3A_131 : vector<16xi32> to vector<16xf32>
      %parallel_loop3A_133 = arith.constant 5 : i32
      %parallel_loop3A_134 = arith.index_cast %parallel_loop3A_133 : i32 to index
      %parallel_loop3A_135 = arith.index_cast %parallel_loop3A_72 : i32 to index
      %parallel_loop3A_136 = tpu.vector_load %arg6[%parallel_loop3A_134, %parallel_loop3A_135] {strides = array<i32>} : memref<64x1024xf32, #tpu.memory_space<vmem>>, vector<16xf32>,
      %parallel_loop3A_137 = vector.bitcast %parallel_loop3A_136 : vector<16xf32> to vector<16xi32>
      %parallel_loop3A_138 = arith.constant -64 : i32
      %parallel_loop3A_139 = vector.broadcast %parallel_loop3A_138 : i32 to vector<16xi32>
      %parallel_loop3A_140 = arith.andi %parallel_loop3A_137, %parallel_loop3A_139 : vector<16xi32>
      %parallel_loop3A_141 = arith.constant 58 : i32
      %parallel_loop3A_142 = vector.broadcast %parallel_loop3A_141 : i32 to vector<16xi32>
      %parallel_loop3A_143 = arith.ori %parallel_loop3A_140, %parallel_loop3A_142 : vector<16xi32>
      %parallel_loop3A_144 = vector.bitcast %parallel_loop3A_143 : vector<16xi32> to vector<16xf32>
      %parallel_loop3A_145 = arith.constant 6 : i32
      %parallel_loop3A_146 = arith.index_cast %parallel_loop3A_145 : i32 to index
      %parallel_loop3A_147 = arith.index_cast %parallel_loop3A_72 : i32 to index
      %parallel_loop3A_148 = tpu.vector_load %arg6[%parallel_loop3A_146, %parallel_loop3A_147] {strides = array<i32>} : memref<64x1024xf32, #tpu.memory_space<vmem>>, vector<16xf32>,
      %parallel_loop3A_149 = vector.bitcast %parallel_loop3A_148 : vector<16xf32> to vector<16xi32>
      %parallel_loop3A_150 = arith.constant -64 : i32
      %parallel_loop3A_151 = vector.broadcast %parallel_loop3A_150 : i32 to vector<16xi32>
      %parallel_loop3A_152 = arith.andi %parallel_loop3A_149, %parallel_loop3A_151 : vector<16xi32>
      %parallel_loop3A_153 = arith.constant 57 : i32
      %parallel_loop3A_154 = vector.broadcast %parallel_loop3A_153 : i32 to vector<16xi32>
      %parallel_loop3A_155 = arith.ori %parallel_loop3A_152, %parallel_loop3A_154 : vector<16xi32>
      %parallel_loop3A_156 = vector.bitcast %parallel_loop3A_155 : vector<16xi32> to vector<16xf32>
      %parallel_loop3A_157 = arith.constant 7 : i32
      %parallel_loop3A_158 = arith.index_cast %parallel_loop3A_157 : i32 to index
      %parallel_loop3A_159 = arith.index_cast %parallel_loop3A_72 : i32 to index
      %parallel_loop3A_160 = tpu.vector_load %arg6[%parallel_loop3A_158, %parallel_loop3A_159] {strides = array<i32>} : memref<64x1024xf32, #tpu.memory_space<vmem>>, vector<16xf32>,
      %parallel_loop3A_161 = vector.bitcast %parallel_loop3A_160 : vector<16xf32> to vector<16xi32>
      %parallel_loop3A_162 = arith.constant -64 : i32
      %parallel_loop3A_163 = vector.broadcast %parallel_loop3A_162 : i32 to vector<16xi32>
      %parallel_loop3A_164 = arith.andi %parallel_loop3A_161, %parallel_loop3A_163 : vector<16xi32>
      %parallel_loop3A_165 = arith.constant 56 : i32
      %parallel_loop3A_166 = vector.broadcast %parallel_loop3A_165 : i32 to vector<16xi32>
      %parallel_loop3A_167 = arith.ori %parallel_loop3A_164, %parallel_loop3A_166 : vector<16xi32>
      %parallel_loop3A_168 = vector.bitcast %parallel_loop3A_167 : vector<16xi32> to vector<16xf32>
      %parallel_loop3A_169 = arith.constant 8 : i32
      %parallel_loop3A_170 = arith.index_cast %parallel_loop3A_169 : i32 to index
      %parallel_loop3A_171 = arith.index_cast %parallel_loop3A_72 : i32 to index
      %parallel_loop3A_172 = tpu.vector_load %arg6[%parallel_loop3A_170, %parallel_loop3A_171] {strides = array<i32>} : memref<64x1024xf32, #tpu.memory_space<vmem>>, vector<16xf32>,
      %parallel_loop3A_173 = vector.bitcast %parallel_loop3A_172 : vector<16xf32> to vector<16xi32>
      %parallel_loop3A_174 = arith.constant -64 : i32
      %parallel_loop3A_175 = vector.broadcast %parallel_loop3A_174 : i32 to vector<16xi32>
      %parallel_loop3A_176 = arith.andi %parallel_loop3A_173, %parallel_loop3A_175 : vector<16xi32>
      %parallel_loop3A_177 = arith.constant 55 : i32
      %parallel_loop3A_178 = vector.broadcast %parallel_loop3A_177 : i32 to vector<16xi32>
      %parallel_loop3A_179 = arith.ori %parallel_loop3A_176, %parallel_loop3A_178 : vector<16xi32>
      %parallel_loop3A_180 = vector.bitcast %parallel_loop3A_179 : vector<16xi32> to vector<16xf32>
      %parallel_loop3A_181 = arith.constant 9 : i32
      %parallel_loop3A_182 = arith.index_cast %parallel_loop3A_181 : i32 to index
      %parallel_loop3A_183 = arith.index_cast %parallel_loop3A_72 : i32 to index
      %parallel_loop3A_184 = tpu.vector_load %arg6[%parallel_loop3A_182, %parallel_loop3A_183] {strides = array<i32>} : memref<64x1024xf32, #tpu.memory_space<vmem>>, vector<16xf32>,
      %parallel_loop3A_185 = vector.bitcast %parallel_loop3A_184 : vector<16xf32> to vector<16xi32>
      %parallel_loop3A_186 = arith.constant -64 : i32
      %parallel_loop3A_187 = vector.broadcast %parallel_loop3A_186 : i32 to vector<16xi32>
      %parallel_loop3A_188 = arith.andi %parallel_loop3A_185, %parallel_loop3A_187 : vector<16xi32>
      %parallel_loop3A_189 = arith.constant 54 : i32
      %parallel_loop3A_190 = vector.broadcast %parallel_loop3A_189 : i32 to vector<16xi32>
      %parallel_loop3A_191 = arith.ori %parallel_loop3A_188, %parallel_loop3A_190 : vector<16xi32>
      %parallel_loop3A_192 = vector.bitcast %parallel_loop3A_191 : vector<16xi32> to vector<16xf32>
      %parallel_loop3A_193 = arith.constant 10 : i32
      %parallel_loop3A_194 = arith.index_cast %parallel_loop3A_193 : i32 to index
      %parallel_loop3A_195 = arith.index_cast %parallel_loop3A_72 : i32 to index
      %parallel_loop3A_196 = tpu.vector_load %arg6[%parallel_loop3A_194, %parallel_loop3A_195] {strides = array<i32>} : memref<64x1024xf32, #tpu.memory_space<vmem>>, vector<16xf32>,
      %parallel_loop3A_197 = vector.bitcast %parallel_loop3A_196 : vector<16xf32> to vector<16xi32>
      %parallel_loop3A_198 = arith.constant -64 : i32
      %parallel_loop3A_199 = vector.broadcast %parallel_loop3A_198 : i32 to vector<16xi32>
      %parallel_loop3A_200 = arith.andi %parallel_loop3A_197, %parallel_loop3A_199 : vector<16xi32>
      %parallel_loop3A_201 = arith.constant 53 : i32
      %parallel_loop3A_202 = vector.broadcast %parallel_loop3A_201 : i32 to vector<16xi32>
      %parallel_loop3A_203 = arith.ori %parallel_loop3A_200, %parallel_loop3A_202 : vector<16xi32>
      %parallel_loop3A_204 = vector.bitcast %parallel_loop3A_203 : vector<16xi32> to vector<16xf32>
      %parallel_loop3A_205 = arith.constant 11 : i32
      %parallel_loop3A_206 = arith.index_cast %parallel_loop3A_205 : i32 to index
      %parallel_loop3A_207 = arith.index_cast %parallel_loop3A_72 : i32 to index
      %parallel_loop3A_208 = tpu.vector_load %arg6[%parallel_loop3A_206, %parallel_loop3A_207] {strides = array<i32>} : memref<64x1024xf32, #tpu.memory_space<vmem>>, vector<16xf32>,
      %parallel_loop3A_209 = vector.bitcast %parallel_loop3A_208 : vector<16xf32> to vector<16xi32>
      %parallel_loop3A_210 = arith.constant -64 : i32
      %parallel_loop3A_211 = vector.broadcast %parallel_loop3A_210 : i32 to vector<16xi32>
      %parallel_loop3A_212 = arith.andi %parallel_loop3A_209, %parallel_loop3A_211 : vector<16xi32>
      %parallel_loop3A_213 = arith.constant 52 : i32
      %parallel_loop3A_214 = vector.broadcast %parallel_loop3A_213 : i32 to vector<16xi32>
      %parallel_loop3A_215 = arith.ori %parallel_loop3A_212, %parallel_loop3A_214 : vector<16xi32>
      %parallel_loop3A_216 = vector.bitcast %parallel_loop3A_215 : vector<16xi32> to vector<16xf32>
      %parallel_loop3A_217 = arith.constant 12 : i32
      %parallel_loop3A_218 = arith.index_cast %parallel_loop3A_217 : i32 to index
      %parallel_loop3A_219 = arith.index_cast %parallel_loop3A_72 : i32 to index
      %parallel_loop3A_220 = tpu.vector_load %arg6[%parallel_loop3A_218, %parallel_loop3A_219] {strides = array<i32>} : memref<64x1024xf32, #tpu.memory_space<vmem>>, vector<16xf32>,
      %parallel_loop3A_221 = vector.bitcast %parallel_loop3A_220 : vector<16xf32> to vector<16xi32>
      %parallel_loop3A_222 = arith.constant -64 : i32
      %parallel_loop3A_223 = vector.broadcast %parallel_loop3A_222 : i32 to vector<16xi32>
      %parallel_loop3A_224 = arith.andi %parallel_loop3A_221, %parallel_loop3A_223 : vector<16xi32>
      %parallel_loop3A_225 = arith.constant 51 : i32
      %parallel_loop3A_226 = vector.broadcast %parallel_loop3A_225 : i32 to vector<16xi32>
      %parallel_loop3A_227 = arith.ori %parallel_loop3A_224, %parallel_loop3A_226 : vector<16xi32>
      %parallel_loop3A_228 = vector.bitcast %parallel_loop3A_227 : vector<16xi32> to vector<16xf32>
      %parallel_loop3A_229 = arith.constant 13 : i32
      %parallel_loop3A_230 = arith.index_cast %parallel_loop3A_229 : i32 to index
      %parallel_loop3A_231 = arith.index_cast %parallel_loop3A_72 : i32 to index
      %parallel_loop3A_232 = tpu.vector_load %arg6[%parallel_loop3A_230, %parallel_loop3A_231] {strides = array<i32>} : memref<64x1024xf32, #tpu.memory_space<vmem>>, vector<16xf32>,
      %parallel_loop3A_233 = vector.bitcast %parallel_loop3A_232 : vector<16xf32> to vector<16xi32>
      %parallel_loop3A_234 = arith.constant -64 : i32
      %parallel_loop3A_235 = vector.broadcast %parallel_loop3A_234 : i32 to vector<16xi32>
      %parallel_loop3A_236 = arith.andi %parallel_loop3A_233, %parallel_loop3A_235 : vector<16xi32>
      %parallel_loop3A_237 = arith.constant 50 : i32
      %parallel_loop3A_238 = vector.broadcast %parallel_loop3A_237 : i32 to vector<16xi32>
      %parallel_loop3A_239 = arith.ori %parallel_loop3A_236, %parallel_loop3A_238 : vector<16xi32>
      %parallel_loop3A_240 = vector.bitcast %parallel_loop3A_239 : vector<16xi32> to vector<16xf32>
      %parallel_loop3A_241 = arith.constant 14 : i32
      %parallel_loop3A_242 = arith.index_cast %parallel_loop3A_241 : i32 to index
      %parallel_loop3A_243 = arith.index_cast %parallel_loop3A_72 : i32 to index
      %parallel_loop3A_244 = tpu.vector_load %arg6[%parallel_loop3A_242, %parallel_loop3A_243] {strides = array<i32>} : memref<64x1024xf32, #tpu.memory_space<vmem>>, vector<16xf32>,
      %parallel_loop3A_245 = vector.bitcast %parallel_loop3A_244 : vector<16xf32> to vector<16xi32>
      %parallel_loop3A_246 = arith.constant -64 : i32
      %parallel_loop3A_247 = vector.broadcast %parallel_loop3A_246 : i32 to vector<16xi32>
      %parallel_loop3A_248 = arith.andi %parallel_loop3A_245, %parallel_loop3A_247 : vector<16xi32>
      %parallel_loop3A_249 = arith.constant 49 : i32
      %parallel_loop3A_250 = vector.broadcast %parallel_loop3A_249 : i32 to vector<16xi32>
      %parallel_loop3A_251 = arith.ori %parallel_loop3A_248, %parallel_loop3A_250 : vector<16xi32>
      %parallel_loop3A_252 = vector.bitcast %parallel_loop3A_251 : vector<16xi32> to vector<16xf32>
      %parallel_loop3A_253 = arith.constant 15 : i32
      %parallel_loop3A_254 = arith.index_cast %parallel_loop3A_253 : i32 to index
      %parallel_loop3A_255 = arith.index_cast %parallel_loop3A_72 : i32 to index
      %parallel_loop3A_256 = tpu.vector_load %arg6[%parallel_loop3A_254, %parallel_loop3A_255] {strides = array<i32>} : memref<64x1024xf32, #tpu.memory_space<vmem>>, vector<16xf32>,
      %parallel_loop3A_257 = vector.bitcast %parallel_loop3A_256 : vector<16xf32> to vector<16xi32>
      %parallel_loop3A_258 = arith.constant -64 : i32
      %parallel_loop3A_259 = vector.broadcast %parallel_loop3A_258 : i32 to vector<16xi32>
      %parallel_loop3A_260 = arith.andi %parallel_loop3A_257, %parallel_loop3A_259 : vector<16xi32>
      %parallel_loop3A_261 = arith.constant 48 : i32
      %parallel_loop3A_262 = vector.broadcast %parallel_loop3A_261 : i32 to vector<16xi32>
      %parallel_loop3A_263 = arith.ori %parallel_loop3A_260, %parallel_loop3A_262 : vector<16xi32>
      %parallel_loop3A_264 = vector.bitcast %parallel_loop3A_263 : vector<16xi32> to vector<16xf32>
      %parallel_loop3A_265 = arith.constant 16 : i32
      %parallel_loop3A_266 = arith.index_cast %parallel_loop3A_265 : i32 to index
      %parallel_loop3A_267 = arith.index_cast %parallel_loop3A_72 : i32 to index
      %parallel_loop3A_268 = tpu.vector_load %arg6[%parallel_loop3A_266, %parallel_loop3A_267] {strides = array<i32>} : memref<64x1024xf32, #tpu.memory_space<vmem>>, vector<16xf32>,
      %parallel_loop3A_269 = vector.bitcast %parallel_loop3A_268 : vector<16xf32> to vector<16xi32>
      %parallel_loop3A_270 = arith.constant -64 : i32
      %parallel_loop3A_271 = vector.broadcast %parallel_loop3A_270 : i32 to vector<16xi32>
      %parallel_loop3A_272 = arith.andi %parallel_loop3A_269, %parallel_loop3A_271 : vector<16xi32>
      %parallel_loop3A_273 = arith.constant 47 : i32
      %parallel_loop3A_274 = vector.broadcast %parallel_loop3A_273 : i32 to vector<16xi32>
      %parallel_loop3A_275 = arith.ori %parallel_loop3A_272, %parallel_loop3A_274 : vector<16xi32>
      %parallel_loop3A_276 = vector.bitcast %parallel_loop3A_275 : vector<16xi32> to vector<16xf32>
      %parallel_loop3A_277 = arith.constant 17 : i32
      %parallel_loop3A_278 = arith.index_cast %parallel_loop3A_277 : i32 to index
      %parallel_loop3A_279 = arith.index_cast %parallel_loop3A_72 : i32 to index
      %parallel_loop3A_280 = tpu.vector_load %arg6[%parallel_loop3A_278, %parallel_loop3A_279] {strides = array<i32>} : memref<64x1024xf32, #tpu.memory_space<vmem>>, vector<16xf32>,
      %parallel_loop3A_281 = vector.bitcast %parallel_loop3A_280 : vector<16xf32> to vector<16xi32>
      %parallel_loop3A_282 = arith.constant -64 : i32
      %parallel_loop3A_283 = vector.broadcast %parallel_loop3A_282 : i32 to vector<16xi32>
      %parallel_loop3A_284 = arith.andi %parallel_loop3A_281, %parallel_loop3A_283 : vector<16xi32>
      %parallel_loop3A_285 = arith.constant 46 : i32
      %parallel_loop3A_286 = vector.broadcast %parallel_loop3A_285 : i32 to vector<16xi32>
      %parallel_loop3A_287 = arith.ori %parallel_loop3A_284, %parallel_loop3A_286 : vector<16xi32>
      %parallel_loop3A_288 = vector.bitcast %parallel_loop3A_287 : vector<16xi32> to vector<16xf32>
      %parallel_loop3A_289 = arith.constant 18 : i32
      %parallel_loop3A_290 = arith.index_cast %parallel_loop3A_289 : i32 to index
      %parallel_loop3A_291 = arith.index_cast %parallel_loop3A_72 : i32 to index
      %parallel_loop3A_292 = tpu.vector_load %arg6[%parallel_loop3A_290, %parallel_loop3A_291] {strides = array<i32>} : memref<64x1024xf32, #tpu.memory_space<vmem>>, vector<16xf32>,
      %parallel_loop3A_293 = vector.bitcast %parallel_loop3A_292 : vector<16xf32> to vector<16xi32>
      %parallel_loop3A_294 = arith.constant -64 : i32
      %parallel_loop3A_295 = vector.broadcast %parallel_loop3A_294 : i32 to vector<16xi32>
      %parallel_loop3A_296 = arith.andi %parallel_loop3A_293, %parallel_loop3A_295 : vector<16xi32>
      %parallel_loop3A_297 = arith.constant 45 : i32
      %parallel_loop3A_298 = vector.broadcast %parallel_loop3A_297 : i32 to vector<16xi32>
      %parallel_loop3A_299 = arith.ori %parallel_loop3A_296, %parallel_loop3A_298 : vector<16xi32>
      %parallel_loop3A_300 = vector.bitcast %parallel_loop3A_299 : vector<16xi32> to vector<16xf32>
      %parallel_loop3A_301 = arith.constant 19 : i32
      %parallel_loop3A_302 = arith.index_cast %parallel_loop3A_301 : i32 to index
      %parallel_loop3A_303 = arith.index_cast %parallel_loop3A_72 : i32 to index
      %parallel_loop3A_304 = tpu.vector_load %arg6[%parallel_loop3A_302, %parallel_loop3A_303] {strides = array<i32>} : memref<64x1024xf32, #tpu.memory_space<vmem>>, vector<16xf32>,
      %parallel_loop3A_305 = vector.bitcast %parallel_loop3A_304 : vector<16xf32> to vector<16xi32>
      %parallel_loop3A_306 = arith.constant -64 : i32
      %parallel_loop3A_307 = vector.broadcast %parallel_loop3A_306 : i32 to vector<16xi32>
      %parallel_loop3A_308 = arith.andi %parallel_loop3A_305, %parallel_loop3A_307 : vector<16xi32>
      %parallel_loop3A_309 = arith.constant 44 : i32
      %parallel_loop3A_310 = vector.broadcast %parallel_loop3A_309 : i32 to vector<16xi32>
      %parallel_loop3A_311 = arith.ori %parallel_loop3A_308, %parallel_loop3A_310 : vector<16xi32>
      %parallel_loop3A_312 = vector.bitcast %parallel_loop3A_311 : vector<16xi32> to vector<16xf32>
      %parallel_loop3A_313 = arith.constant 20 : i32
      %parallel_loop3A_314 = arith.index_cast %parallel_loop3A_313 : i32 to index
      %parallel_loop3A_315 = arith.index_cast %parallel_loop3A_72 : i32 to index
      %parallel_loop3A_316 = tpu.vector_load %arg6[%parallel_loop3A_314, %parallel_loop3A_315] {strides = array<i32>} : memref<64x1024xf32, #tpu.memory_space<vmem>>, vector<16xf32>,
      %parallel_loop3A_317 = vector.bitcast %parallel_loop3A_316 : vector<16xf32> to vector<16xi32>
      %parallel_loop3A_318 = arith.constant -64 : i32
      %parallel_loop3A_319 = vector.broadcast %parallel_loop3A_318 : i32 to vector<16xi32>
      %parallel_loop3A_320 = arith.andi %parallel_loop3A_317, %parallel_loop3A_319 : vector<16xi32>
      %parallel_loop3A_321 = arith.constant 43 : i32
      %parallel_loop3A_322 = vector.broadcast %parallel_loop3A_321 : i32 to vector<16xi32>
      %parallel_loop3A_323 = arith.ori %parallel_loop3A_320, %parallel_loop3A_322 : vector<16xi32>
      %parallel_loop3A_324 = vector.bitcast %parallel_loop3A_323 : vector<16xi32> to vector<16xf32>
      %parallel_loop3A_325 = arith.constant 21 : i32
      %parallel_loop3A_326 = arith.index_cast %parallel_loop3A_325 : i32 to index
      %parallel_loop3A_327 = arith.index_cast %parallel_loop3A_72 : i32 to index
      %parallel_loop3A_328 = tpu.vector_load %arg6[%parallel_loop3A_326, %parallel_loop3A_327] {strides = array<i32>} : memref<64x1024xf32, #tpu.memory_space<vmem>>, vector<16xf32>,
      %parallel_loop3A_329 = vector.bitcast %parallel_loop3A_328 : vector<16xf32> to vector<16xi32>
      %parallel_loop3A_330 = arith.constant -64 : i32
      %parallel_loop3A_331 = vector.broadcast %parallel_loop3A_330 : i32 to vector<16xi32>
      %parallel_loop3A_332 = arith.andi %parallel_loop3A_329, %parallel_loop3A_331 : vector<16xi32>
      %parallel_loop3A_333 = arith.constant 42 : i32
      %parallel_loop3A_334 = vector.broadcast %parallel_loop3A_333 : i32 to vector<16xi32>
      %parallel_loop3A_335 = arith.ori %parallel_loop3A_332, %parallel_loop3A_334 : vector<16xi32>
      %parallel_loop3A_336 = vector.bitcast %parallel_loop3A_335 : vector<16xi32> to vector<16xf32>
      %parallel_loop3A_337 = arith.constant 22 : i32
      %parallel_loop3A_338 = arith.index_cast %parallel_loop3A_337 : i32 to index
      %parallel_loop3A_339 = arith.index_cast %parallel_loop3A_72 : i32 to index
      %parallel_loop3A_340 = tpu.vector_load %arg6[%parallel_loop3A_338, %parallel_loop3A_339] {strides = array<i32>} : memref<64x1024xf32, #tpu.memory_space<vmem>>, vector<16xf32>,
      %parallel_loop3A_341 = vector.bitcast %parallel_loop3A_340 : vector<16xf32> to vector<16xi32>
      %parallel_loop3A_342 = arith.constant -64 : i32
      %parallel_loop3A_343 = vector.broadcast %parallel_loop3A_342 : i32 to vector<16xi32>
      %parallel_loop3A_344 = arith.andi %parallel_loop3A_341, %parallel_loop3A_343 : vector<16xi32>
      %parallel_loop3A_345 = arith.constant 41 : i32
      %parallel_loop3A_346 = vector.broadcast %parallel_loop3A_345 : i32 to vector<16xi32>
      %parallel_loop3A_347 = arith.ori %parallel_loop3A_344, %parallel_loop3A_346 : vector<16xi32>
      %parallel_loop3A_348 = vector.bitcast %parallel_loop3A_347 : vector<16xi32> to vector<16xf32>
      %parallel_loop3A_349 = arith.constant 23 : i32
      %parallel_loop3A_350 = arith.index_cast %parallel_loop3A_349 : i32 to index
      %parallel_loop3A_351 = arith.index_cast %parallel_loop3A_72 : i32 to index
      %parallel_loop3A_352 = tpu.vector_load %arg6[%parallel_loop3A_350, %parallel_loop3A_351] {strides = array<i32>} : memref<64x1024xf32, #tpu.memory_space<vmem>>, vector<16xf32>,
      %parallel_loop3A_353 = vector.bitcast %parallel_loop3A_352 : vector<16xf32> to vector<16xi32>
      %parallel_loop3A_354 = arith.constant -64 : i32
      %parallel_loop3A_355 = vector.broadcast %parallel_loop3A_354 : i32 to vector<16xi32>
      %parallel_loop3A_356 = arith.andi %parallel_loop3A_353, %parallel_loop3A_355 : vector<16xi32>
      %parallel_loop3A_357 = arith.constant 40 : i32
      %parallel_loop3A_358 = vector.broadcast %parallel_loop3A_357 : i32 to vector<16xi32>
      %parallel_loop3A_359 = arith.ori %parallel_loop3A_356, %parallel_loop3A_358 : vector<16xi32>
      %parallel_loop3A_360 = vector.bitcast %parallel_loop3A_359 : vector<16xi32> to vector<16xf32>
      %parallel_loop3A_361 = arith.constant 24 : i32
      %parallel_loop3A_362 = arith.index_cast %parallel_loop3A_361 : i32 to index
      %parallel_loop3A_363 = arith.index_cast %parallel_loop3A_72 : i32 to index
      %parallel_loop3A_364 = tpu.vector_load %arg6[%parallel_loop3A_362, %parallel_loop3A_363] {strides = array<i32>} : memref<64x1024xf32, #tpu.memory_space<vmem>>, vector<16xf32>,
      %parallel_loop3A_365 = vector.bitcast %parallel_loop3A_364 : vector<16xf32> to vector<16xi32>
      %parallel_loop3A_366 = arith.constant -64 : i32
      %parallel_loop3A_367 = vector.broadcast %parallel_loop3A_366 : i32 to vector<16xi32>
      %parallel_loop3A_368 = arith.andi %parallel_loop3A_365, %parallel_loop3A_367 : vector<16xi32>
      %parallel_loop3A_369 = arith.constant 39 : i32
      %parallel_loop3A_370 = vector.broadcast %parallel_loop3A_369 : i32 to vector<16xi32>
      %parallel_loop3A_371 = arith.ori %parallel_loop3A_368, %parallel_loop3A_370 : vector<16xi32>
      %parallel_loop3A_372 = vector.bitcast %parallel_loop3A_371 : vector<16xi32> to vector<16xf32>
      %parallel_loop3A_373 = arith.constant 25 : i32
      %parallel_loop3A_374 = arith.index_cast %parallel_loop3A_373 : i32 to index
      %parallel_loop3A_375 = arith.index_cast %parallel_loop3A_72 : i32 to index
      %parallel_loop3A_376 = tpu.vector_load %arg6[%parallel_loop3A_374, %parallel_loop3A_375] {strides = array<i32>} : memref<64x1024xf32, #tpu.memory_space<vmem>>, vector<16xf32>,
      %parallel_loop3A_377 = vector.bitcast %parallel_loop3A_376 : vector<16xf32> to vector<16xi32>
      %parallel_loop3A_378 = arith.constant -64 : i32
      %parallel_loop3A_379 = vector.broadcast %parallel_loop3A_378 : i32 to vector<16xi32>
      %parallel_loop3A_380 = arith.andi %parallel_loop3A_377, %parallel_loop3A_379 : vector<16xi32>
      %parallel_loop3A_381 = arith.constant 38 : i32
      %parallel_loop3A_382 = vector.broadcast %parallel_loop3A_381 : i32 to vector<16xi32>
      %parallel_loop3A_383 = arith.ori %parallel_loop3A_380, %parallel_loop3A_382 : vector<16xi32>
      %parallel_loop3A_384 = vector.bitcast %parallel_loop3A_383 : vector<16xi32> to vector<16xf32>
      %parallel_loop3A_385 = arith.constant 26 : i32
      %parallel_loop3A_386 = arith.index_cast %parallel_loop3A_385 : i32 to index
      %parallel_loop3A_387 = arith.index_cast %parallel_loop3A_72 : i32 to index
      %parallel_loop3A_388 = tpu.vector_load %arg6[%parallel_loop3A_386, %parallel_loop3A_387] {strides = array<i32>} : memref<64x1024xf32, #tpu.memory_space<vmem>>, vector<16xf32>,
      %parallel_loop3A_389 = vector.bitcast %parallel_loop3A_388 : vector<16xf32> to vector<16xi32>
      %parallel_loop3A_390 = arith.constant -64 : i32
      %parallel_loop3A_391 = vector.broadcast %parallel_loop3A_390 : i32 to vector<16xi32>
      %parallel_loop3A_392 = arith.andi %parallel_loop3A_389, %parallel_loop3A_391 : vector<16xi32>
      %parallel_loop3A_393 = arith.constant 37 : i32
      %parallel_loop3A_394 = vector.broadcast %parallel_loop3A_393 : i32 to vector<16xi32>
      %parallel_loop3A_395 = arith.ori %parallel_loop3A_392, %parallel_loop3A_394 : vector<16xi32>
      %parallel_loop3A_396 = vector.bitcast %parallel_loop3A_395 : vector<16xi32> to vector<16xf32>
      %parallel_loop3A_397 = arith.constant 27 : i32
      %parallel_loop3A_398 = arith.index_cast %parallel_loop3A_397 : i32 to index
      %parallel_loop3A_399 = arith.index_cast %parallel_loop3A_72 : i32 to index
      %parallel_loop3A_400 = tpu.vector_load %arg6[%parallel_loop3A_398, %parallel_loop3A_399] {strides = array<i32>} : memref<64x1024xf32, #tpu.memory_space<vmem>>, vector<16xf32>,
      %parallel_loop3A_401 = vector.bitcast %parallel_loop3A_400 : vector<16xf32> to vector<16xi32>
      %parallel_loop3A_402 = arith.constant -64 : i32
      %parallel_loop3A_403 = vector.broadcast %parallel_loop3A_402 : i32 to vector<16xi32>
      %parallel_loop3A_404 = arith.andi %parallel_loop3A_401, %parallel_loop3A_403 : vector<16xi32>
      %parallel_loop3A_405 = arith.constant 36 : i32
      %parallel_loop3A_406 = vector.broadcast %parallel_loop3A_405 : i32 to vector<16xi32>
      %parallel_loop3A_407 = arith.ori %parallel_loop3A_404, %parallel_loop3A_406 : vector<16xi32>
      %parallel_loop3A_408 = vector.bitcast %parallel_loop3A_407 : vector<16xi32> to vector<16xf32>
      %parallel_loop3A_409 = arith.constant 28 : i32
      %parallel_loop3A_410 = arith.index_cast %parallel_loop3A_409 : i32 to index
      %parallel_loop3A_411 = arith.index_cast %parallel_loop3A_72 : i32 to index
      %parallel_loop3A_412 = tpu.vector_load %arg6[%parallel_loop3A_410, %parallel_loop3A_411] {strides = array<i32>} : memref<64x1024xf32, #tpu.memory_space<vmem>>, vector<16xf32>,
      %parallel_loop3A_413 = vector.bitcast %parallel_loop3A_412 : vector<16xf32> to vector<16xi32>
      %parallel_loop3A_414 = arith.constant -64 : i32
      %parallel_loop3A_415 = vector.broadcast %parallel_loop3A_414 : i32 to vector<16xi32>
      %parallel_loop3A_416 = arith.andi %parallel_loop3A_413, %parallel_loop3A_415 : vector<16xi32>
      %parallel_loop3A_417 = arith.constant 35 : i32
      %parallel_loop3A_418 = vector.broadcast %parallel_loop3A_417 : i32 to vector<16xi32>
      %parallel_loop3A_419 = arith.ori %parallel_loop3A_416, %parallel_loop3A_418 : vector<16xi32>
      %parallel_loop3A_420 = vector.bitcast %parallel_loop3A_419 : vector<16xi32> to vector<16xf32>
      %parallel_loop3A_421 = arith.constant 29 : i32
      %parallel_loop3A_422 = arith.index_cast %parallel_loop3A_421 : i32 to index
      %parallel_loop3A_423 = arith.index_cast %parallel_loop3A_72 : i32 to index
      %parallel_loop3A_424 = tpu.vector_load %arg6[%parallel_loop3A_422, %parallel_loop3A_423] {strides = array<i32>} : memref<64x1024xf32, #tpu.memory_space<vmem>>, vector<16xf32>,
      %parallel_loop3A_425 = vector.bitcast %parallel_loop3A_424 : vector<16xf32> to vector<16xi32>
      %parallel_loop3A_426 = arith.constant -64 : i32
      %parallel_loop3A_427 = vector.broadcast %parallel_loop3A_426 : i32 to vector<16xi32>
      %parallel_loop3A_428 = arith.andi %parallel_loop3A_425, %parallel_loop3A_427 : vector<16xi32>
      %parallel_loop3A_429 = arith.constant 34 : i32
      %parallel_loop3A_430 = vector.broadcast %parallel_loop3A_429 : i32 to vector<16xi32>
      %parallel_loop3A_431 = arith.ori %parallel_loop3A_428, %parallel_loop3A_430 : vector<16xi32>
      %parallel_loop3A_432 = vector.bitcast %parallel_loop3A_431 : vector<16xi32> to vector<16xf32>
      %parallel_loop3A_433 = arith.constant 30 : i32
      %parallel_loop3A_434 = arith.index_cast %parallel_loop3A_433 : i32 to index
      %parallel_loop3A_435 = arith.index_cast %parallel_loop3A_72 : i32 to index
      %parallel_loop3A_436 = tpu.vector_load %arg6[%parallel_loop3A_434, %parallel_loop3A_435] {strides = array<i32>} : memref<64x1024xf32, #tpu.memory_space<vmem>>, vector<16xf32>,
      %parallel_loop3A_437 = vector.bitcast %parallel_loop3A_436 : vector<16xf32> to vector<16xi32>
      %parallel_loop3A_438 = arith.constant -64 : i32
      %parallel_loop3A_439 = vector.broadcast %parallel_loop3A_438 : i32 to vector<16xi32>
      %parallel_loop3A_440 = arith.andi %parallel_loop3A_437, %parallel_loop3A_439 : vector<16xi32>
      %parallel_loop3A_441 = arith.constant 33 : i32
      %parallel_loop3A_442 = vector.broadcast %parallel_loop3A_441 : i32 to vector<16xi32>
      %parallel_loop3A_443 = arith.ori %parallel_loop3A_440, %parallel_loop3A_442 : vector<16xi32>
      %parallel_loop3A_444 = vector.bitcast %parallel_loop3A_443 : vector<16xi32> to vector<16xf32>
      %parallel_loop3A_445 = arith.constant 31 : i32
      %parallel_loop3A_446 = arith.index_cast %parallel_loop3A_445 : i32 to index
      %parallel_loop3A_447 = arith.index_cast %parallel_loop3A_72 : i32 to index
      %parallel_loop3A_448 = tpu.vector_load %arg6[%parallel_loop3A_446, %parallel_loop3A_447] {strides = array<i32>} : memref<64x1024xf32, #tpu.memory_space<vmem>>, vector<16xf32>,
      %parallel_loop3A_449 = vector.bitcast %parallel_loop3A_448 : vector<16xf32> to vector<16xi32>
      %parallel_loop3A_450 = arith.constant -64 : i32
      %parallel_loop3A_451 = vector.broadcast %parallel_loop3A_450 : i32 to vector<16xi32>
      %parallel_loop3A_452 = arith.andi %parallel_loop3A_449, %parallel_loop3A_451 : vector<16xi32>
      %parallel_loop3A_453 = arith.constant 32 : i32
      %parallel_loop3A_454 = vector.broadcast %parallel_loop3A_453 : i32 to vector<16xi32>
      %parallel_loop3A_455 = arith.ori %parallel_loop3A_452, %parallel_loop3A_454 : vector<16xi32>
      %parallel_loop3A_456 = vector.bitcast %parallel_loop3A_455 : vector<16xi32> to vector<16xf32>
      %parallel_loop3A_457 = arith.constant 32 : i32
      %parallel_loop3A_458 = arith.index_cast %parallel_loop3A_457 : i32 to index
      %parallel_loop3A_459 = arith.index_cast %parallel_loop3A_72 : i32 to index
      %parallel_loop3A_460 = tpu.vector_load %arg6[%parallel_loop3A_458, %parallel_loop3A_459] {strides = array<i32>} : memref<64x1024xf32, #tpu.memory_space<vmem>>, vector<16xf32>,
      %parallel_loop3A_461 = vector.bitcast %parallel_loop3A_460 : vector<16xf32> to vector<16xi32>
      %parallel_loop3A_462 = arith.constant -64 : i32
      %parallel_loop3A_463 = vector.broadcast %parallel_loop3A_462 : i32 to vector<16xi32>
      %parallel_loop3A_464 = arith.andi %parallel_loop3A_461, %parallel_loop3A_463 : vector<16xi32>
      %parallel_loop3A_465 = arith.constant 31 : i32
      %parallel_loop3A_466 = vector.broadcast %parallel_loop3A_465 : i32 to vector<16xi32>
      %parallel_loop3A_467 = arith.ori %parallel_loop3A_464, %parallel_loop3A_466 : vector<16xi32>
      %parallel_loop3A_468 = vector.bitcast %parallel_loop3A_467 : vector<16xi32> to vector<16xf32>
      %parallel_loop3A_469 = arith.constant 33 : i32
      %parallel_loop3A_470 = arith.index_cast %parallel_loop3A_469 : i32 to index
      %parallel_loop3A_471 = arith.index_cast %parallel_loop3A_72 : i32 to index
      %parallel_loop3A_472 = tpu.vector_load %arg6[%parallel_loop3A_470, %parallel_loop3A_471] {strides = array<i32>} : memref<64x1024xf32, #tpu.memory_space<vmem>>, vector<16xf32>,
      %parallel_loop3A_473 = vector.bitcast %parallel_loop3A_472 : vector<16xf32> to vector<16xi32>
      %parallel_loop3A_474 = arith.constant -64 : i32
      %parallel_loop3A_475 = vector.broadcast %parallel_loop3A_474 : i32 to vector<16xi32>
      %parallel_loop3A_476 = arith.andi %parallel_loop3A_473, %parallel_loop3A_475 : vector<16xi32>
      %parallel_loop3A_477 = arith.constant 30 : i32
      %parallel_loop3A_478 = vector.broadcast %parallel_loop3A_477 : i32 to vector<16xi32>
      %parallel_loop3A_479 = arith.ori %parallel_loop3A_476, %parallel_loop3A_478 : vector<16xi32>
      %parallel_loop3A_480 = vector.bitcast %parallel_loop3A_479 : vector<16xi32> to vector<16xf32>
      %parallel_loop3A_481 = arith.constant 34 : i32
      %parallel_loop3A_482 = arith.index_cast %parallel_loop3A_481 : i32 to index
      %parallel_loop3A_483 = arith.index_cast %parallel_loop3A_72 : i32 to index
      %parallel_loop3A_484 = tpu.vector_load %arg6[%parallel_loop3A_482, %parallel_loop3A_483] {strides = array<i32>} : memref<64x1024xf32, #tpu.memory_space<vmem>>, vector<16xf32>,
      %parallel_loop3A_485 = vector.bitcast %parallel_loop3A_484 : vector<16xf32> to vector<16xi32>
      %parallel_loop3A_486 = arith.constant -64 : i32
      %parallel_loop3A_487 = vector.broadcast %parallel_loop3A_486 : i32 to vector<16xi32>
      %parallel_loop3A_488 = arith.andi %parallel_loop3A_485, %parallel_loop3A_487 : vector<16xi32>
      %parallel_loop3A_489 = arith.constant 29 : i32
      %parallel_loop3A_490 = vector.broadcast %parallel_loop3A_489 : i32 to vector<16xi32>
      %parallel_loop3A_491 = arith.ori %parallel_loop3A_488, %parallel_loop3A_490 : vector<16xi32>
      %parallel_loop3A_492 = vector.bitcast %parallel_loop3A_491 : vector<16xi32> to vector<16xf32>
      %parallel_loop3A_493 = arith.constant 35 : i32
      %parallel_loop3A_494 = arith.index_cast %parallel_loop3A_493 : i32 to index
      %parallel_loop3A_495 = arith.index_cast %parallel_loop3A_72 : i32 to index
      %parallel_loop3A_496 = tpu.vector_load %arg6[%parallel_loop3A_494, %parallel_loop3A_495] {strides = array<i32>} : memref<64x1024xf32, #tpu.memory_space<vmem>>, vector<16xf32>,
      %parallel_loop3A_497 = vector.bitcast %parallel_loop3A_496 : vector<16xf32> to vector<16xi32>
      %parallel_loop3A_498 = arith.constant -64 : i32
      %parallel_loop3A_499 = vector.broadcast %parallel_loop3A_498 : i32 to vector<16xi32>
      %parallel_loop3A_500 = arith.andi %parallel_loop3A_497, %parallel_loop3A_499 : vector<16xi32>
      %parallel_loop3A_501 = arith.constant 28 : i32
      %parallel_loop3A_502 = vector.broadcast %parallel_loop3A_501 : i32 to vector<16xi32>
      %parallel_loop3A_503 = arith.ori %parallel_loop3A_500, %parallel_loop3A_502 : vector<16xi32>
      %parallel_loop3A_504 = vector.bitcast %parallel_loop3A_503 : vector<16xi32> to vector<16xf32>
      %parallel_loop3A_505 = arith.constant 36 : i32
      %parallel_loop3A_506 = arith.index_cast %parallel_loop3A_505 : i32 to index
      %parallel_loop3A_507 = arith.index_cast %parallel_loop3A_72 : i32 to index
      %parallel_loop3A_508 = tpu.vector_load %arg6[%parallel_loop3A_506, %parallel_loop3A_507] {strides = array<i32>} : memref<64x1024xf32, #tpu.memory_space<vmem>>, vector<16xf32>,
      %parallel_loop3A_509 = vector.bitcast %parallel_loop3A_508 : vector<16xf32> to vector<16xi32>
      %parallel_loop3A_510 = arith.constant -64 : i32
      %parallel_loop3A_511 = vector.broadcast %parallel_loop3A_510 : i32 to vector<16xi32>
      %parallel_loop3A_512 = arith.andi %parallel_loop3A_509, %parallel_loop3A_511 : vector<16xi32>
      %parallel_loop3A_513 = arith.constant 27 : i32
      %parallel_loop3A_514 = vector.broadcast %parallel_loop3A_513 : i32 to vector<16xi32>
      %parallel_loop3A_515 = arith.ori %parallel_loop3A_512, %parallel_loop3A_514 : vector<16xi32>
      %parallel_loop3A_516 = vector.bitcast %parallel_loop3A_515 : vector<16xi32> to vector<16xf32>
      %parallel_loop3A_517 = arith.constant 37 : i32
      %parallel_loop3A_518 = arith.index_cast %parallel_loop3A_517 : i32 to index
      %parallel_loop3A_519 = arith.index_cast %parallel_loop3A_72 : i32 to index
      %parallel_loop3A_520 = tpu.vector_load %arg6[%parallel_loop3A_518, %parallel_loop3A_519] {strides = array<i32>} : memref<64x1024xf32, #tpu.memory_space<vmem>>, vector<16xf32>,
      %parallel_loop3A_521 = vector.bitcast %parallel_loop3A_520 : vector<16xf32> to vector<16xi32>
      %parallel_loop3A_522 = arith.constant -64 : i32
      %parallel_loop3A_523 = vector.broadcast %parallel_loop3A_522 : i32 to vector<16xi32>
      %parallel_loop3A_524 = arith.andi %parallel_loop3A_521, %parallel_loop3A_523 : vector<16xi32>
      %parallel_loop3A_525 = arith.constant 26 : i32
      %parallel_loop3A_526 = vector.broadcast %parallel_loop3A_525 : i32 to vector<16xi32>
      %parallel_loop3A_527 = arith.ori %parallel_loop3A_524, %parallel_loop3A_526 : vector<16xi32>
      %parallel_loop3A_528 = vector.bitcast %parallel_loop3A_527 : vector<16xi32> to vector<16xf32>
      %parallel_loop3A_529 = arith.constant 38 : i32
      %parallel_loop3A_530 = arith.index_cast %parallel_loop3A_529 : i32 to index
      %parallel_loop3A_531 = arith.index_cast %parallel_loop3A_72 : i32 to index
      %parallel_loop3A_532 = tpu.vector_load %arg6[%parallel_loop3A_530, %parallel_loop3A_531] {strides = array<i32>} : memref<64x1024xf32, #tpu.memory_space<vmem>>, vector<16xf32>,
      %parallel_loop3A_533 = vector.bitcast %parallel_loop3A_532 : vector<16xf32> to vector<16xi32>
      %parallel_loop3A_534 = arith.constant -64 : i32
      %parallel_loop3A_535 = vector.broadcast %parallel_loop3A_534 : i32 to vector<16xi32>
      %parallel_loop3A_536 = arith.andi %parallel_loop3A_533, %parallel_loop3A_535 : vector<16xi32>
      %parallel_loop3A_537 = arith.constant 25 : i32
      %parallel_loop3A_538 = vector.broadcast %parallel_loop3A_537 : i32 to vector<16xi32>
      %parallel_loop3A_539 = arith.ori %parallel_loop3A_536, %parallel_loop3A_538 : vector<16xi32>
      %parallel_loop3A_540 = vector.bitcast %parallel_loop3A_539 : vector<16xi32> to vector<16xf32>
      %parallel_loop3A_541 = arith.constant 39 : i32
      %parallel_loop3A_542 = arith.index_cast %parallel_loop3A_541 : i32 to index
      %parallel_loop3A_543 = arith.index_cast %parallel_loop3A_72 : i32 to index
      %parallel_loop3A_544 = tpu.vector_load %arg6[%parallel_loop3A_542, %parallel_loop3A_543] {strides = array<i32>} : memref<64x1024xf32, #tpu.memory_space<vmem>>, vector<16xf32>,
      %parallel_loop3A_545 = vector.bitcast %parallel_loop3A_544 : vector<16xf32> to vector<16xi32>
      %parallel_loop3A_546 = arith.constant -64 : i32
      %parallel_loop3A_547 = vector.broadcast %parallel_loop3A_546 : i32 to vector<16xi32>
      %parallel_loop3A_548 = arith.andi %parallel_loop3A_545, %parallel_loop3A_547 : vector<16xi32>
      %parallel_loop3A_549 = arith.constant 24 : i32
      %parallel_loop3A_550 = vector.broadcast %parallel_loop3A_549 : i32 to vector<16xi32>
      %parallel_loop3A_551 = arith.ori %parallel_loop3A_548, %parallel_loop3A_550 : vector<16xi32>
      %parallel_loop3A_552 = vector.bitcast %parallel_loop3A_551 : vector<16xi32> to vector<16xf32>
      %parallel_loop3A_553 = arith.constant 40 : i32
      %parallel_loop3A_554 = arith.index_cast %parallel_loop3A_553 : i32 to index
      %parallel_loop3A_555 = arith.index_cast %parallel_loop3A_72 : i32 to index
      %parallel_loop3A_556 = tpu.vector_load %arg6[%parallel_loop3A_554, %parallel_loop3A_555] {strides = array<i32>} : memref<64x1024xf32, #tpu.memory_space<vmem>>, vector<16xf32>,
      %parallel_loop3A_557 = vector.bitcast %parallel_loop3A_556 : vector<16xf32> to vector<16xi32>
      %parallel_loop3A_558 = arith.constant -64 : i32
      %parallel_loop3A_559 = vector.broadcast %parallel_loop3A_558 : i32 to vector<16xi32>
      %parallel_loop3A_560 = arith.andi %parallel_loop3A_557, %parallel_loop3A_559 : vector<16xi32>
      %parallel_loop3A_561 = arith.constant 23 : i32
      %parallel_loop3A_562 = vector.broadcast %parallel_loop3A_561 : i32 to vector<16xi32>
      %parallel_loop3A_563 = arith.ori %parallel_loop3A_560, %parallel_loop3A_562 : vector<16xi32>
      %parallel_loop3A_564 = vector.bitcast %parallel_loop3A_563 : vector<16xi32> to vector<16xf32>
      %parallel_loop3A_565 = arith.constant 41 : i32
      %parallel_loop3A_566 = arith.index_cast %parallel_loop3A_565 : i32 to index
      %parallel_loop3A_567 = arith.index_cast %parallel_loop3A_72 : i32 to index
      %parallel_loop3A_568 = tpu.vector_load %arg6[%parallel_loop3A_566, %parallel_loop3A_567] {strides = array<i32>} : memref<64x1024xf32, #tpu.memory_space<vmem>>, vector<16xf32>,
      %parallel_loop3A_569 = vector.bitcast %parallel_loop3A_568 : vector<16xf32> to vector<16xi32>
      %parallel_loop3A_570 = arith.constant -64 : i32
      %parallel_loop3A_571 = vector.broadcast %parallel_loop3A_570 : i32 to vector<16xi32>
      %parallel_loop3A_572 = arith.andi %parallel_loop3A_569, %parallel_loop3A_571 : vector<16xi32>
      %parallel_loop3A_573 = arith.constant 22 : i32
      %parallel_loop3A_574 = vector.broadcast %parallel_loop3A_573 : i32 to vector<16xi32>
      %parallel_loop3A_575 = arith.ori %parallel_loop3A_572, %parallel_loop3A_574 : vector<16xi32>
      %parallel_loop3A_576 = vector.bitcast %parallel_loop3A_575 : vector<16xi32> to vector<16xf32>
      %parallel_loop3A_577 = arith.constant 42 : i32
      %parallel_loop3A_578 = arith.index_cast %parallel_loop3A_577 : i32 to index
      %parallel_loop3A_579 = arith.index_cast %parallel_loop3A_72 : i32 to index
      %parallel_loop3A_580 = tpu.vector_load %arg6[%parallel_loop3A_578, %parallel_loop3A_579] {strides = array<i32>} : memref<64x1024xf32, #tpu.memory_space<vmem>>, vector<16xf32>,
      %parallel_loop3A_581 = vector.bitcast %parallel_loop3A_580 : vector<16xf32> to vector<16xi32>
      %parallel_loop3A_582 = arith.constant -64 : i32
      %parallel_loop3A_583 = vector.broadcast %parallel_loop3A_582 : i32 to vector<16xi32>
      %parallel_loop3A_584 = arith.andi %parallel_loop3A_581, %parallel_loop3A_583 : vector<16xi32>
      %parallel_loop3A_585 = arith.constant 21 : i32
      %parallel_loop3A_586 = vector.broadcast %parallel_loop3A_585 : i32 to vector<16xi32>
      %parallel_loop3A_587 = arith.ori %parallel_loop3A_584, %parallel_loop3A_586 : vector<16xi32>
      %parallel_loop3A_588 = vector.bitcast %parallel_loop3A_587 : vector<16xi32> to vector<16xf32>
      %parallel_loop3A_589 = arith.constant 43 : i32
      %parallel_loop3A_590 = arith.index_cast %parallel_loop3A_589 : i32 to index
      %parallel_loop3A_591 = arith.index_cast %parallel_loop3A_72 : i32 to index
      %parallel_loop3A_592 = tpu.vector_load %arg6[%parallel_loop3A_590, %parallel_loop3A_591] {strides = array<i32>} : memref<64x1024xf32, #tpu.memory_space<vmem>>, vector<16xf32>,
      %parallel_loop3A_593 = vector.bitcast %parallel_loop3A_592 : vector<16xf32> to vector<16xi32>
      %parallel_loop3A_594 = arith.constant -64 : i32
      %parallel_loop3A_595 = vector.broadcast %parallel_loop3A_594 : i32 to vector<16xi32>
      %parallel_loop3A_596 = arith.andi %parallel_loop3A_593, %parallel_loop3A_595 : vector<16xi32>
      %parallel_loop3A_597 = arith.constant 20 : i32
      %parallel_loop3A_598 = vector.broadcast %parallel_loop3A_597 : i32 to vector<16xi32>
      %parallel_loop3A_599 = arith.ori %parallel_loop3A_596, %parallel_loop3A_598 : vector<16xi32>
      %parallel_loop3A_600 = vector.bitcast %parallel_loop3A_599 : vector<16xi32> to vector<16xf32>
      %parallel_loop3A_601 = arith.constant 44 : i32
      %parallel_loop3A_602 = arith.index_cast %parallel_loop3A_601 : i32 to index
      %parallel_loop3A_603 = arith.index_cast %parallel_loop3A_72 : i32 to index
      %parallel_loop3A_604 = tpu.vector_load %arg6[%parallel_loop3A_602, %parallel_loop3A_603] {strides = array<i32>} : memref<64x1024xf32, #tpu.memory_space<vmem>>, vector<16xf32>,
      %parallel_loop3A_605 = vector.bitcast %parallel_loop3A_604 : vector<16xf32> to vector<16xi32>
      %parallel_loop3A_606 = arith.constant -64 : i32
      %parallel_loop3A_607 = vector.broadcast %parallel_loop3A_606 : i32 to vector<16xi32>
      %parallel_loop3A_608 = arith.andi %parallel_loop3A_605, %parallel_loop3A_607 : vector<16xi32>
      %parallel_loop3A_609 = arith.constant 19 : i32
      %parallel_loop3A_610 = vector.broadcast %parallel_loop3A_609 : i32 to vector<16xi32>
      %parallel_loop3A_611 = arith.ori %parallel_loop3A_608, %parallel_loop3A_610 : vector<16xi32>
      %parallel_loop3A_612 = vector.bitcast %parallel_loop3A_611 : vector<16xi32> to vector<16xf32>
      %parallel_loop3A_613 = arith.constant 45 : i32
      %parallel_loop3A_614 = arith.index_cast %parallel_loop3A_613 : i32 to index
      %parallel_loop3A_615 = arith.index_cast %parallel_loop3A_72 : i32 to index
      %parallel_loop3A_616 = tpu.vector_load %arg6[%parallel_loop3A_614, %parallel_loop3A_615] {strides = array<i32>} : memref<64x1024xf32, #tpu.memory_space<vmem>>, vector<16xf32>,
      %parallel_loop3A_617 = vector.bitcast %parallel_loop3A_616 : vector<16xf32> to vector<16xi32>
      %parallel_loop3A_618 = arith.constant -64 : i32
      %parallel_loop3A_619 = vector.broadcast %parallel_loop3A_618 : i32 to vector<16xi32>
      %parallel_loop3A_620 = arith.andi %parallel_loop3A_617, %parallel_loop3A_619 : vector<16xi32>
      %parallel_loop3A_621 = arith.constant 18 : i32
      %parallel_loop3A_622 = vector.broadcast %parallel_loop3A_621 : i32 to vector<16xi32>
      %parallel_loop3A_623 = arith.ori %parallel_loop3A_620, %parallel_loop3A_622 : vector<16xi32>
      %parallel_loop3A_624 = vector.bitcast %parallel_loop3A_623 : vector<16xi32> to vector<16xf32>
      %parallel_loop3A_625 = arith.constant 46 : i32
      %parallel_loop3A_626 = arith.index_cast %parallel_loop3A_625 : i32 to index
      %parallel_loop3A_627 = arith.index_cast %parallel_loop3A_72 : i32 to index
      %parallel_loop3A_628 = tpu.vector_load %arg6[%parallel_loop3A_626, %parallel_loop3A_627] {strides = array<i32>} : memref<64x1024xf32, #tpu.memory_space<vmem>>, vector<16xf32>,
      %parallel_loop3A_629 = vector.bitcast %parallel_loop3A_628 : vector<16xf32> to vector<16xi32>
      %parallel_loop3A_630 = arith.constant -64 : i32
      %parallel_loop3A_631 = vector.broadcast %parallel_loop3A_630 : i32 to vector<16xi32>
      %parallel_loop3A_632 = arith.andi %parallel_loop3A_629, %parallel_loop3A_631 : vector<16xi32>
      %parallel_loop3A_633 = arith.constant 17 : i32
      %parallel_loop3A_634 = vector.broadcast %parallel_loop3A_633 : i32 to vector<16xi32>
      %parallel_loop3A_635 = arith.ori %parallel_loop3A_632, %parallel_loop3A_634 : vector<16xi32>
      %parallel_loop3A_636 = vector.bitcast %parallel_loop3A_635 : vector<16xi32> to vector<16xf32>
      %parallel_loop3A_637 = arith.constant 47 : i32
      %parallel_loop3A_638 = arith.index_cast %parallel_loop3A_637 : i32 to index
      %parallel_loop3A_639 = arith.index_cast %parallel_loop3A_72 : i32 to index
      %parallel_loop3A_640 = tpu.vector_load %arg6[%parallel_loop3A_638, %parallel_loop3A_639] {strides = array<i32>} : memref<64x1024xf32, #tpu.memory_space<vmem>>, vector<16xf32>,
      %parallel_loop3A_641 = vector.bitcast %parallel_loop3A_640 : vector<16xf32> to vector<16xi32>
      %parallel_loop3A_642 = arith.constant -64 : i32
      %parallel_loop3A_643 = vector.broadcast %parallel_loop3A_642 : i32 to vector<16xi32>
      %parallel_loop3A_644 = arith.andi %parallel_loop3A_641, %parallel_loop3A_643 : vector<16xi32>
      %parallel_loop3A_645 = arith.constant 16 : i32
      %parallel_loop3A_646 = vector.broadcast %parallel_loop3A_645 : i32 to vector<16xi32>
      %parallel_loop3A_647 = arith.ori %parallel_loop3A_644, %parallel_loop3A_646 : vector<16xi32>
      %parallel_loop3A_648 = vector.bitcast %parallel_loop3A_647 : vector<16xi32> to vector<16xf32>
      %parallel_loop3A_649 = arith.constant 48 : i32
      %parallel_loop3A_650 = arith.index_cast %parallel_loop3A_649 : i32 to index
      %parallel_loop3A_651 = arith.index_cast %parallel_loop3A_72 : i32 to index
      %parallel_loop3A_652 = tpu.vector_load %arg6[%parallel_loop3A_650, %parallel_loop3A_651] {strides = array<i32>} : memref<64x1024xf32, #tpu.memory_space<vmem>>, vector<16xf32>,
      %parallel_loop3A_653 = vector.bitcast %parallel_loop3A_652 : vector<16xf32> to vector<16xi32>
      %parallel_loop3A_654 = arith.constant -64 : i32
      %parallel_loop3A_655 = vector.broadcast %parallel_loop3A_654 : i32 to vector<16xi32>
      %parallel_loop3A_656 = arith.andi %parallel_loop3A_653, %parallel_loop3A_655 : vector<16xi32>
      %parallel_loop3A_657 = arith.constant 15 : i32
      %parallel_loop3A_658 = vector.broadcast %parallel_loop3A_657 : i32 to vector<16xi32>
      %parallel_loop3A_659 = arith.ori %parallel_loop3A_656, %parallel_loop3A_658 : vector<16xi32>
      %parallel_loop3A_660 = vector.bitcast %parallel_loop3A_659 : vector<16xi32> to vector<16xf32>
      %parallel_loop3A_661 = arith.constant 49 : i32
      %parallel_loop3A_662 = arith.index_cast %parallel_loop3A_661 : i32 to index
      %parallel_loop3A_663 = arith.index_cast %parallel_loop3A_72 : i32 to index
      %parallel_loop3A_664 = tpu.vector_load %arg6[%parallel_loop3A_662, %parallel_loop3A_663] {strides = array<i32>} : memref<64x1024xf32, #tpu.memory_space<vmem>>, vector<16xf32>,
      %parallel_loop3A_665 = vector.bitcast %parallel_loop3A_664 : vector<16xf32> to vector<16xi32>
      %parallel_loop3A_666 = arith.constant -64 : i32
      %parallel_loop3A_667 = vector.broadcast %parallel_loop3A_666 : i32 to vector<16xi32>
      %parallel_loop3A_668 = arith.andi %parallel_loop3A_665, %parallel_loop3A_667 : vector<16xi32>
      %parallel_loop3A_669 = arith.constant 14 : i32
      %parallel_loop3A_670 = vector.broadcast %parallel_loop3A_669 : i32 to vector<16xi32>
      %parallel_loop3A_671 = arith.ori %parallel_loop3A_668, %parallel_loop3A_670 : vector<16xi32>
      %parallel_loop3A_672 = vector.bitcast %parallel_loop3A_671 : vector<16xi32> to vector<16xf32>
      %parallel_loop3A_673 = arith.constant 50 : i32
      %parallel_loop3A_674 = arith.index_cast %parallel_loop3A_673 : i32 to index
      %parallel_loop3A_675 = arith.index_cast %parallel_loop3A_72 : i32 to index
      %parallel_loop3A_676 = tpu.vector_load %arg6[%parallel_loop3A_674, %parallel_loop3A_675] {strides = array<i32>} : memref<64x1024xf32, #tpu.memory_space<vmem>>, vector<16xf32>,
      %parallel_loop3A_677 = vector.bitcast %parallel_loop3A_676 : vector<16xf32> to vector<16xi32>
      %parallel_loop3A_678 = arith.constant -64 : i32
      %parallel_loop3A_679 = vector.broadcast %parallel_loop3A_678 : i32 to vector<16xi32>
      %parallel_loop3A_680 = arith.andi %parallel_loop3A_677, %parallel_loop3A_679 : vector<16xi32>
      %parallel_loop3A_681 = arith.constant 13 : i32
      %parallel_loop3A_682 = vector.broadcast %parallel_loop3A_681 : i32 to vector<16xi32>
      %parallel_loop3A_683 = arith.ori %parallel_loop3A_680, %parallel_loop3A_682 : vector<16xi32>
      %parallel_loop3A_684 = vector.bitcast %parallel_loop3A_683 : vector<16xi32> to vector<16xf32>
      %parallel_loop3A_685 = arith.constant 51 : i32
      %parallel_loop3A_686 = arith.index_cast %parallel_loop3A_685 : i32 to index
      %parallel_loop3A_687 = arith.index_cast %parallel_loop3A_72 : i32 to index
      %parallel_loop3A_688 = tpu.vector_load %arg6[%parallel_loop3A_686, %parallel_loop3A_687] {strides = array<i32>} : memref<64x1024xf32, #tpu.memory_space<vmem>>, vector<16xf32>,
      %parallel_loop3A_689 = vector.bitcast %parallel_loop3A_688 : vector<16xf32> to vector<16xi32>
      %parallel_loop3A_690 = arith.constant -64 : i32
      %parallel_loop3A_691 = vector.broadcast %parallel_loop3A_690 : i32 to vector<16xi32>
      %parallel_loop3A_692 = arith.andi %parallel_loop3A_689, %parallel_loop3A_691 : vector<16xi32>
      %parallel_loop3A_693 = arith.constant 12 : i32
      %parallel_loop3A_694 = vector.broadcast %parallel_loop3A_693 : i32 to vector<16xi32>
      %parallel_loop3A_695 = arith.ori %parallel_loop3A_692, %parallel_loop3A_694 : vector<16xi32>
      %parallel_loop3A_696 = vector.bitcast %parallel_loop3A_695 : vector<16xi32> to vector<16xf32>
      %parallel_loop3A_697 = arith.constant 52 : i32
      %parallel_loop3A_698 = arith.index_cast %parallel_loop3A_697 : i32 to index
      %parallel_loop3A_699 = arith.index_cast %parallel_loop3A_72 : i32 to index
      %parallel_loop3A_700 = tpu.vector_load %arg6[%parallel_loop3A_698, %parallel_loop3A_699] {strides = array<i32>} : memref<64x1024xf32, #tpu.memory_space<vmem>>, vector<16xf32>,
      %parallel_loop3A_701 = vector.bitcast %parallel_loop3A_700 : vector<16xf32> to vector<16xi32>
      %parallel_loop3A_702 = arith.constant -64 : i32
      %parallel_loop3A_703 = vector.broadcast %parallel_loop3A_702 : i32 to vector<16xi32>
      %parallel_loop3A_704 = arith.andi %parallel_loop3A_701, %parallel_loop3A_703 : vector<16xi32>
      %parallel_loop3A_705 = arith.constant 11 : i32
      %parallel_loop3A_706 = vector.broadcast %parallel_loop3A_705 : i32 to vector<16xi32>
      %parallel_loop3A_707 = arith.ori %parallel_loop3A_704, %parallel_loop3A_706 : vector<16xi32>
      %parallel_loop3A_708 = vector.bitcast %parallel_loop3A_707 : vector<16xi32> to vector<16xf32>
      %parallel_loop3A_709 = arith.constant 53 : i32
      %parallel_loop3A_710 = arith.index_cast %parallel_loop3A_709 : i32 to index
      %parallel_loop3A_711 = arith.index_cast %parallel_loop3A_72 : i32 to index
      %parallel_loop3A_712 = tpu.vector_load %arg6[%parallel_loop3A_710, %parallel_loop3A_711] {strides = array<i32>} : memref<64x1024xf32, #tpu.memory_space<vmem>>, vector<16xf32>,
      %parallel_loop3A_713 = vector.bitcast %parallel_loop3A_712 : vector<16xf32> to vector<16xi32>
      %parallel_loop3A_714 = arith.constant -64 : i32
      %parallel_loop3A_715 = vector.broadcast %parallel_loop3A_714 : i32 to vector<16xi32>
      %parallel_loop3A_716 = arith.andi %parallel_loop3A_713, %parallel_loop3A_715 : vector<16xi32>
      %parallel_loop3A_717 = arith.constant 10 : i32
      %parallel_loop3A_718 = vector.broadcast %parallel_loop3A_717 : i32 to vector<16xi32>
      %parallel_loop3A_719 = arith.ori %parallel_loop3A_716, %parallel_loop3A_718 : vector<16xi32>
      %parallel_loop3A_720 = vector.bitcast %parallel_loop3A_719 : vector<16xi32> to vector<16xf32>
      %parallel_loop3A_721 = arith.constant 54 : i32
      %parallel_loop3A_722 = arith.index_cast %parallel_loop3A_721 : i32 to index
      %parallel_loop3A_723 = arith.index_cast %parallel_loop3A_72 : i32 to index
      %parallel_loop3A_724 = tpu.vector_load %arg6[%parallel_loop3A_722, %parallel_loop3A_723] {strides = array<i32>} : memref<64x1024xf32, #tpu.memory_space<vmem>>, vector<16xf32>,
      %parallel_loop3A_725 = vector.bitcast %parallel_loop3A_724 : vector<16xf32> to vector<16xi32>
      %parallel_loop3A_726 = arith.constant -64 : i32
      %parallel_loop3A_727 = vector.broadcast %parallel_loop3A_726 : i32 to vector<16xi32>
      %parallel_loop3A_728 = arith.andi %parallel_loop3A_725, %parallel_loop3A_727 : vector<16xi32>
      %parallel_loop3A_729 = arith.constant 9 : i32
      %parallel_loop3A_730 = vector.broadcast %parallel_loop3A_729 : i32 to vector<16xi32>
      %parallel_loop3A_731 = arith.ori %parallel_loop3A_728, %parallel_loop3A_730 : vector<16xi32>
      %parallel_loop3A_732 = vector.bitcast %parallel_loop3A_731 : vector<16xi32> to vector<16xf32>
      %parallel_loop3A_733 = arith.constant 55 : i32
      %parallel_loop3A_734 = arith.index_cast %parallel_loop3A_733 : i32 to index
      %parallel_loop3A_735 = arith.index_cast %parallel_loop3A_72 : i32 to index
      %parallel_loop3A_736 = tpu.vector_load %arg6[%parallel_loop3A_734, %parallel_loop3A_735] {strides = array<i32>} : memref<64x1024xf32, #tpu.memory_space<vmem>>, vector<16xf32>,
      %parallel_loop3A_737 = vector.bitcast %parallel_loop3A_736 : vector<16xf32> to vector<16xi32>
      %parallel_loop3A_738 = arith.constant -64 : i32
      %parallel_loop3A_739 = vector.broadcast %parallel_loop3A_738 : i32 to vector<16xi32>
      %parallel_loop3A_740 = arith.andi %parallel_loop3A_737, %parallel_loop3A_739 : vector<16xi32>
      %parallel_loop3A_741 = arith.constant 8 : i32
      %parallel_loop3A_742 = vector.broadcast %parallel_loop3A_741 : i32 to vector<16xi32>
      %parallel_loop3A_743 = arith.ori %parallel_loop3A_740, %parallel_loop3A_742 : vector<16xi32>
      %parallel_loop3A_744 = vector.bitcast %parallel_loop3A_743 : vector<16xi32> to vector<16xf32>
      %parallel_loop3A_745 = arith.constant 56 : i32
      %parallel_loop3A_746 = arith.index_cast %parallel_loop3A_745 : i32 to index
      %parallel_loop3A_747 = arith.index_cast %parallel_loop3A_72 : i32 to index
      %parallel_loop3A_748 = tpu.vector_load %arg6[%parallel_loop3A_746, %parallel_loop3A_747] {strides = array<i32>} : memref<64x1024xf32, #tpu.memory_space<vmem>>, vector<16xf32>,
      %parallel_loop3A_749 = vector.bitcast %parallel_loop3A_748 : vector<16xf32> to vector<16xi32>
      %parallel_loop3A_750 = arith.constant -64 : i32
      %parallel_loop3A_751 = vector.broadcast %parallel_loop3A_750 : i32 to vector<16xi32>
      %parallel_loop3A_752 = arith.andi %parallel_loop3A_749, %parallel_loop3A_751 : vector<16xi32>
      %parallel_loop3A_753 = arith.constant 7 : i32
      %parallel_loop3A_754 = vector.broadcast %parallel_loop3A_753 : i32 to vector<16xi32>
      %parallel_loop3A_755 = arith.ori %parallel_loop3A_752, %parallel_loop3A_754 : vector<16xi32>
      %parallel_loop3A_756 = vector.bitcast %parallel_loop3A_755 : vector<16xi32> to vector<16xf32>
      %parallel_loop3A_757 = arith.constant 57 : i32
      %parallel_loop3A_758 = arith.index_cast %parallel_loop3A_757 : i32 to index
      %parallel_loop3A_759 = arith.index_cast %parallel_loop3A_72 : i32 to index
      %parallel_loop3A_760 = tpu.vector_load %arg6[%parallel_loop3A_758, %parallel_loop3A_759] {strides = array<i32>} : memref<64x1024xf32, #tpu.memory_space<vmem>>, vector<16xf32>,
      %parallel_loop3A_761 = vector.bitcast %parallel_loop3A_760 : vector<16xf32> to vector<16xi32>
      %parallel_loop3A_762 = arith.constant -64 : i32
      %parallel_loop3A_763 = vector.broadcast %parallel_loop3A_762 : i32 to vector<16xi32>
      %parallel_loop3A_764 = arith.andi %parallel_loop3A_761, %parallel_loop3A_763 : vector<16xi32>
      %parallel_loop3A_765 = arith.constant 6 : i32
      %parallel_loop3A_766 = vector.broadcast %parallel_loop3A_765 : i32 to vector<16xi32>
      %parallel_loop3A_767 = arith.ori %parallel_loop3A_764, %parallel_loop3A_766 : vector<16xi32>
      %parallel_loop3A_768 = vector.bitcast %parallel_loop3A_767 : vector<16xi32> to vector<16xf32>
      %parallel_loop3A_769 = arith.constant 58 : i32
      %parallel_loop3A_770 = arith.index_cast %parallel_loop3A_769 : i32 to index
      %parallel_loop3A_771 = arith.index_cast %parallel_loop3A_72 : i32 to index
      %parallel_loop3A_772 = tpu.vector_load %arg6[%parallel_loop3A_770, %parallel_loop3A_771] {strides = array<i32>} : memref<64x1024xf32, #tpu.memory_space<vmem>>, vector<16xf32>,
      %parallel_loop3A_773 = vector.bitcast %parallel_loop3A_772 : vector<16xf32> to vector<16xi32>
      %parallel_loop3A_774 = arith.constant -64 : i32
      %parallel_loop3A_775 = vector.broadcast %parallel_loop3A_774 : i32 to vector<16xi32>
      %parallel_loop3A_776 = arith.andi %parallel_loop3A_773, %parallel_loop3A_775 : vector<16xi32>
      %parallel_loop3A_777 = arith.constant 5 : i32
      %parallel_loop3A_778 = vector.broadcast %parallel_loop3A_777 : i32 to vector<16xi32>
      %parallel_loop3A_779 = arith.ori %parallel_loop3A_776, %parallel_loop3A_778 : vector<16xi32>
      %parallel_loop3A_780 = vector.bitcast %parallel_loop3A_779 : vector<16xi32> to vector<16xf32>
      %parallel_loop3A_781 = arith.constant 59 : i32
      %parallel_loop3A_782 = arith.index_cast %parallel_loop3A_781 : i32 to index
      %parallel_loop3A_783 = arith.index_cast %parallel_loop3A_72 : i32 to index
      %parallel_loop3A_784 = tpu.vector_load %arg6[%parallel_loop3A_782, %parallel_loop3A_783] {strides = array<i32>} : memref<64x1024xf32, #tpu.memory_space<vmem>>, vector<16xf32>,
      %parallel_loop3A_785 = vector.bitcast %parallel_loop3A_784 : vector<16xf32> to vector<16xi32>
      %parallel_loop3A_786 = arith.constant -64 : i32
      %parallel_loop3A_787 = vector.broadcast %parallel_loop3A_786 : i32 to vector<16xi32>
      %parallel_loop3A_788 = arith.andi %parallel_loop3A_785, %parallel_loop3A_787 : vector<16xi32>
      %parallel_loop3A_789 = arith.constant 4 : i32
      %parallel_loop3A_790 = vector.broadcast %parallel_loop3A_789 : i32 to vector<16xi32>
      %parallel_loop3A_791 = arith.ori %parallel_loop3A_788, %parallel_loop3A_790 : vector<16xi32>
      %parallel_loop3A_792 = vector.bitcast %parallel_loop3A_791 : vector<16xi32> to vector<16xf32>
      %parallel_loop3A_793 = arith.constant 60 : i32
      %parallel_loop3A_794 = arith.index_cast %parallel_loop3A_793 : i32 to index
      %parallel_loop3A_795 = arith.index_cast %parallel_loop3A_72 : i32 to index
      %parallel_loop3A_796 = tpu.vector_load %arg6[%parallel_loop3A_794, %parallel_loop3A_795] {strides = array<i32>} : memref<64x1024xf32, #tpu.memory_space<vmem>>, vector<16xf32>,
      %parallel_loop3A_797 = vector.bitcast %parallel_loop3A_796 : vector<16xf32> to vector<16xi32>
      %parallel_loop3A_798 = arith.constant -64 : i32
      %parallel_loop3A_799 = vector.broadcast %parallel_loop3A_798 : i32 to vector<16xi32>
      %parallel_loop3A_800 = arith.andi %parallel_loop3A_797, %parallel_loop3A_799 : vector<16xi32>
      %parallel_loop3A_801 = arith.constant 3 : i32
      %parallel_loop3A_802 = vector.broadcast %parallel_loop3A_801 : i32 to vector<16xi32>
      %parallel_loop3A_803 = arith.ori %parallel_loop3A_800, %parallel_loop3A_802 : vector<16xi32>
      %parallel_loop3A_804 = vector.bitcast %parallel_loop3A_803 : vector<16xi32> to vector<16xf32>
      %parallel_loop3A_805 = arith.constant 61 : i32
      %parallel_loop3A_806 = arith.index_cast %parallel_loop3A_805 : i32 to index
      %parallel_loop3A_807 = arith.index_cast %parallel_loop3A_72 : i32 to index
      %parallel_loop3A_808 = tpu.vector_load %arg6[%parallel_loop3A_806, %parallel_loop3A_807] {strides = array<i32>} : memref<64x1024xf32, #tpu.memory_space<vmem>>, vector<16xf32>,
      %parallel_loop3A_809 = vector.bitcast %parallel_loop3A_808 : vector<16xf32> to vector<16xi32>
      %parallel_loop3A_810 = arith.constant -64 : i32
      %parallel_loop3A_811 = vector.broadcast %parallel_loop3A_810 : i32 to vector<16xi32>
      %parallel_loop3A_812 = arith.andi %parallel_loop3A_809, %parallel_loop3A_811 : vector<16xi32>
      %parallel_loop3A_813 = arith.constant 2 : i32
      %parallel_loop3A_814 = vector.broadcast %parallel_loop3A_813 : i32 to vector<16xi32>
      %parallel_loop3A_815 = arith.ori %parallel_loop3A_812, %parallel_loop3A_814 : vector<16xi32>
      %parallel_loop3A_816 = vector.bitcast %parallel_loop3A_815 : vector<16xi32> to vector<16xf32>
      %parallel_loop3A_817 = arith.constant 62 : i32
      %parallel_loop3A_818 = arith.index_cast %parallel_loop3A_817 : i32 to index
      %parallel_loop3A_819 = arith.index_cast %parallel_loop3A_72 : i32 to index
      %parallel_loop3A_820 = tpu.vector_load %arg6[%parallel_loop3A_818, %parallel_loop3A_819] {strides = array<i32>} : memref<64x1024xf32, #tpu.memory_space<vmem>>, vector<16xf32>,
      %parallel_loop3A_821 = vector.bitcast %parallel_loop3A_820 : vector<16xf32> to vector<16xi32>
      %parallel_loop3A_822 = arith.constant -64 : i32
      %parallel_loop3A_823 = vector.broadcast %parallel_loop3A_822 : i32 to vector<16xi32>
      %parallel_loop3A_824 = arith.andi %parallel_loop3A_821, %parallel_loop3A_823 : vector<16xi32>
      %parallel_loop3A_825 = arith.constant 1 : i32
      %parallel_loop3A_826 = vector.broadcast %parallel_loop3A_825 : i32 to vector<16xi32>
      %parallel_loop3A_827 = arith.ori %parallel_loop3A_824, %parallel_loop3A_826 : vector<16xi32>
      %parallel_loop3A_828 = vector.bitcast %parallel_loop3A_827 : vector<16xi32> to vector<16xf32>
      %parallel_loop3A_829 = arith.constant 63 : i32
      %parallel_loop3A_830 = arith.index_cast %parallel_loop3A_829 : i32 to index
      %parallel_loop3A_831 = arith.index_cast %parallel_loop3A_72 : i32 to index
      %parallel_loop3A_832 = tpu.vector_load %arg6[%parallel_loop3A_830, %parallel_loop3A_831] {strides = array<i32>} : memref<64x1024xf32, #tpu.memory_space<vmem>>, vector<16xf32>,
      %parallel_loop3A_833 = vector.bitcast %parallel_loop3A_832 : vector<16xf32> to vector<16xi32>
      %parallel_loop3A_834 = arith.constant -64 : i32
      %parallel_loop3A_835 = vector.broadcast %parallel_loop3A_834 : i32 to vector<16xi32>
      %parallel_loop3A_836 = arith.andi %parallel_loop3A_833, %parallel_loop3A_835 : vector<16xi32>
      %parallel_loop3A_837 = arith.constant 0 : i32
      %parallel_loop3A_838 = vector.broadcast %parallel_loop3A_837 : i32 to vector<16xi32>
      %parallel_loop3A_839 = arith.ori %parallel_loop3A_836, %parallel_loop3A_838 : vector<16xi32>
      %parallel_loop3A_840 = vector.bitcast %parallel_loop3A_839 : vector<16xi32> to vector<16xf32>
      %parallel_loop3A_841 = arith.maximumf %parallel_loop3A_84, %parallel_loop3A_96 : vector<16xf32>
      %parallel_loop3A_842 = arith.minimumf %parallel_loop3A_84, %parallel_loop3A_96 : vector<16xf32>
      %parallel_loop3A_843 = arith.maximumf %parallel_loop3A_108, %parallel_loop3A_120 : vector<16xf32>
      %parallel_loop3A_844 = arith.minimumf %parallel_loop3A_108, %parallel_loop3A_120 : vector<16xf32>
      %parallel_loop3A_845 = arith.maximumf %parallel_loop3A_132, %parallel_loop3A_144 : vector<16xf32>
      %parallel_loop3A_846 = arith.minimumf %parallel_loop3A_132, %parallel_loop3A_144 : vector<16xf32>
      %parallel_loop3A_847 = arith.maximumf %parallel_loop3A_156, %parallel_loop3A_168 : vector<16xf32>
      %parallel_loop3A_848 = arith.minimumf %parallel_loop3A_156, %parallel_loop3A_168 : vector<16xf32>
      %parallel_loop3A_849 = arith.maximumf %parallel_loop3A_841, %parallel_loop3A_843 : vector<16xf32>
      %parallel_loop3A_850 = arith.minimumf %parallel_loop3A_841, %parallel_loop3A_843 : vector<16xf32>
      %parallel_loop3A_851 = arith.maximumf %parallel_loop3A_842, %parallel_loop3A_844 : vector<16xf32>
      %parallel_loop3A_852 = arith.minimumf %parallel_loop3A_842, %parallel_loop3A_844 : vector<16xf32>
      %parallel_loop3A_853 = arith.maximumf %parallel_loop3A_845, %parallel_loop3A_847 : vector<16xf32>
      %parallel_loop3A_854 = arith.minimumf %parallel_loop3A_845, %parallel_loop3A_847 : vector<16xf32>
      %parallel_loop3A_855 = arith.maximumf %parallel_loop3A_846, %parallel_loop3A_848 : vector<16xf32>
      %parallel_loop3A_856 = arith.minimumf %parallel_loop3A_846, %parallel_loop3A_848 : vector<16xf32>
      %parallel_loop3A_857 = arith.maximumf %parallel_loop3A_851, %parallel_loop3A_850 : vector<16xf32>
      %parallel_loop3A_858 = arith.minimumf %parallel_loop3A_851, %parallel_loop3A_850 : vector<16xf32>
      %parallel_loop3A_859 = arith.maximumf %parallel_loop3A_855, %parallel_loop3A_854 : vector<16xf32>
      %parallel_loop3A_860 = arith.minimumf %parallel_loop3A_855, %parallel_loop3A_854 : vector<16xf32>
      %parallel_loop3A_861 = arith.maximumf %parallel_loop3A_849, %parallel_loop3A_853 : vector<16xf32>
      %parallel_loop3A_862 = arith.minimumf %parallel_loop3A_849, %parallel_loop3A_853 : vector<16xf32>
      %parallel_loop3A_863 = arith.maximumf %parallel_loop3A_857, %parallel_loop3A_859 : vector<16xf32>
      %parallel_loop3A_864 = arith.minimumf %parallel_loop3A_857, %parallel_loop3A_859 : vector<16xf32>
      %parallel_loop3A_865 = arith.maximumf %parallel_loop3A_858, %parallel_loop3A_860 : vector<16xf32>
      %parallel_loop3A_866 = arith.minimumf %parallel_loop3A_858, %parallel_loop3A_860 : vector<16xf32>
      %parallel_loop3A_867 = arith.maximumf %parallel_loop3A_852, %parallel_loop3A_856 : vector<16xf32>
      %parallel_loop3A_868 = arith.minimumf %parallel_loop3A_852, %parallel_loop3A_856 : vector<16xf32>
      %parallel_loop3A_869 = arith.maximumf %parallel_loop3A_865, %parallel_loop3A_862 : vector<16xf32>
      %parallel_loop3A_870 = arith.minimumf %parallel_loop3A_865, %parallel_loop3A_862 : vector<16xf32>
      %parallel_loop3A_871 = arith.maximumf %parallel_loop3A_867, %parallel_loop3A_864 : vector<16xf32>
      %parallel_loop3A_872 = arith.minimumf %parallel_loop3A_867, %parallel_loop3A_864 : vector<16xf32>
      %parallel_loop3A_873 = arith.maximumf %parallel_loop3A_863, %parallel_loop3A_869 : vector<16xf32>
      %parallel_loop3A_874 = arith.minimumf %parallel_loop3A_863, %parallel_loop3A_869 : vector<16xf32>
      %parallel_loop3A_875 = arith.maximumf %parallel_loop3A_871, %parallel_loop3A_870 : vector<16xf32>
      %parallel_loop3A_876 = arith.minimumf %parallel_loop3A_871, %parallel_loop3A_870 : vector<16xf32>
      %parallel_loop3A_877 = arith.maximumf %parallel_loop3A_872, %parallel_loop3A_866 : vector<16xf32>
      %parallel_loop3A_878 = arith.minimumf %parallel_loop3A_872, %parallel_loop3A_866 : vector<16xf32>
      %parallel_loop3A_879 = arith.maximumf %parallel_loop3A_180, %parallel_loop3A_192 : vector<16xf32>
      %parallel_loop3A_880 = arith.minimumf %parallel_loop3A_180, %parallel_loop3A_192 : vector<16xf32>
      %parallel_loop3A_881 = arith.maximumf %parallel_loop3A_204, %parallel_loop3A_216 : vector<16xf32>
      %parallel_loop3A_882 = arith.minimumf %parallel_loop3A_204, %parallel_loop3A_216 : vector<16xf32>
      %parallel_loop3A_883 = arith.maximumf %parallel_loop3A_228, %parallel_loop3A_240 : vector<16xf32>
      %parallel_loop3A_884 = arith.minimumf %parallel_loop3A_228, %parallel_loop3A_240 : vector<16xf32>
      %parallel_loop3A_885 = arith.maximumf %parallel_loop3A_252, %parallel_loop3A_264 : vector<16xf32>
      %parallel_loop3A_886 = arith.minimumf %parallel_loop3A_252, %parallel_loop3A_264 : vector<16xf32>
      %parallel_loop3A_887 = arith.maximumf %parallel_loop3A_879, %parallel_loop3A_881 : vector<16xf32>
      %parallel_loop3A_888 = arith.minimumf %parallel_loop3A_879, %parallel_loop3A_881 : vector<16xf32>
      %parallel_loop3A_889 = arith.maximumf %parallel_loop3A_880, %parallel_loop3A_882 : vector<16xf32>
      %parallel_loop3A_890 = arith.minimumf %parallel_loop3A_880, %parallel_loop3A_882 : vector<16xf32>
      %parallel_loop3A_891 = arith.maximumf %parallel_loop3A_883, %parallel_loop3A_885 : vector<16xf32>
      %parallel_loop3A_892 = arith.minimumf %parallel_loop3A_883, %parallel_loop3A_885 : vector<16xf32>
      %parallel_loop3A_893 = arith.maximumf %parallel_loop3A_884, %parallel_loop3A_886 : vector<16xf32>
      %parallel_loop3A_894 = arith.minimumf %parallel_loop3A_884, %parallel_loop3A_886 : vector<16xf32>
      %parallel_loop3A_895 = arith.maximumf %parallel_loop3A_889, %parallel_loop3A_888 : vector<16xf32>
      %parallel_loop3A_896 = arith.minimumf %parallel_loop3A_889, %parallel_loop3A_888 : vector<16xf32>
      %parallel_loop3A_897 = arith.maximumf %parallel_loop3A_893, %parallel_loop3A_892 : vector<16xf32>
      %parallel_loop3A_898 = arith.minimumf %parallel_loop3A_893, %parallel_loop3A_892 : vector<16xf32>
      %parallel_loop3A_899 = arith.maximumf %parallel_loop3A_887, %parallel_loop3A_891 : vector<16xf32>
      %parallel_loop3A_900 = arith.minimumf %parallel_loop3A_887, %parallel_loop3A_891 : vector<16xf32>
      %parallel_loop3A_901 = arith.maximumf %parallel_loop3A_895, %parallel_loop3A_897 : vector<16xf32>
      %parallel_loop3A_902 = arith.minimumf %parallel_loop3A_895, %parallel_loop3A_897 : vector<16xf32>
      %parallel_loop3A_903 = arith.maximumf %parallel_loop3A_896, %parallel_loop3A_898 : vector<16xf32>
      %parallel_loop3A_904 = arith.minimumf %parallel_loop3A_896, %parallel_loop3A_898 : vector<16xf32>
      %parallel_loop3A_905 = arith.maximumf %parallel_loop3A_890, %parallel_loop3A_894 : vector<16xf32>
      %parallel_loop3A_906 = arith.minimumf %parallel_loop3A_890, %parallel_loop3A_894 : vector<16xf32>
      %parallel_loop3A_907 = arith.maximumf %parallel_loop3A_903, %parallel_loop3A_900 : vector<16xf32>
      %parallel_loop3A_908 = arith.minimumf %parallel_loop3A_903, %parallel_loop3A_900 : vector<16xf32>
      %parallel_loop3A_909 = arith.maximumf %parallel_loop3A_905, %parallel_loop3A_902 : vector<16xf32>
      %parallel_loop3A_910 = arith.minimumf %parallel_loop3A_905, %parallel_loop3A_902 : vector<16xf32>
      %parallel_loop3A_911 = arith.maximumf %parallel_loop3A_901, %parallel_loop3A_907 : vector<16xf32>
      %parallel_loop3A_912 = arith.minimumf %parallel_loop3A_901, %parallel_loop3A_907 : vector<16xf32>
      %parallel_loop3A_913 = arith.maximumf %parallel_loop3A_909, %parallel_loop3A_908 : vector<16xf32>
      %parallel_loop3A_914 = arith.minimumf %parallel_loop3A_909, %parallel_loop3A_908 : vector<16xf32>
      %parallel_loop3A_915 = arith.maximumf %parallel_loop3A_910, %parallel_loop3A_904 : vector<16xf32>
      %parallel_loop3A_916 = arith.minimumf %parallel_loop3A_910, %parallel_loop3A_904 : vector<16xf32>
      %parallel_loop3A_917 = arith.maximumf %parallel_loop3A_276, %parallel_loop3A_288 : vector<16xf32>
      %parallel_loop3A_918 = arith.minimumf %parallel_loop3A_276, %parallel_loop3A_288 : vector<16xf32>
      %parallel_loop3A_919 = arith.maximumf %parallel_loop3A_300, %parallel_loop3A_312 : vector<16xf32>
      %parallel_loop3A_920 = arith.minimumf %parallel_loop3A_300, %parallel_loop3A_312 : vector<16xf32>
      %parallel_loop3A_921 = arith.maximumf %parallel_loop3A_324, %parallel_loop3A_336 : vector<16xf32>
      %parallel_loop3A_922 = arith.minimumf %parallel_loop3A_324, %parallel_loop3A_336 : vector<16xf32>
      %parallel_loop3A_923 = arith.maximumf %parallel_loop3A_348, %parallel_loop3A_360 : vector<16xf32>
      %parallel_loop3A_924 = arith.minimumf %parallel_loop3A_348, %parallel_loop3A_360 : vector<16xf32>
      %parallel_loop3A_925 = arith.maximumf %parallel_loop3A_917, %parallel_loop3A_919 : vector<16xf32>
      %parallel_loop3A_926 = arith.minimumf %parallel_loop3A_917, %parallel_loop3A_919 : vector<16xf32>
      %parallel_loop3A_927 = arith.maximumf %parallel_loop3A_918, %parallel_loop3A_920 : vector<16xf32>
      %parallel_loop3A_928 = arith.minimumf %parallel_loop3A_918, %parallel_loop3A_920 : vector<16xf32>
      %parallel_loop3A_929 = arith.maximumf %parallel_loop3A_921, %parallel_loop3A_923 : vector<16xf32>
      %parallel_loop3A_930 = arith.minimumf %parallel_loop3A_921, %parallel_loop3A_923 : vector<16xf32>
      %parallel_loop3A_931 = arith.maximumf %parallel_loop3A_922, %parallel_loop3A_924 : vector<16xf32>
      %parallel_loop3A_932 = arith.minimumf %parallel_loop3A_922, %parallel_loop3A_924 : vector<16xf32>
      %parallel_loop3A_933 = arith.maximumf %parallel_loop3A_927, %parallel_loop3A_926 : vector<16xf32>
      %parallel_loop3A_934 = arith.minimumf %parallel_loop3A_927, %parallel_loop3A_926 : vector<16xf32>
      %parallel_loop3A_935 = arith.maximumf %parallel_loop3A_931, %parallel_loop3A_930 : vector<16xf32>
      %parallel_loop3A_936 = arith.minimumf %parallel_loop3A_931, %parallel_loop3A_930 : vector<16xf32>
      %parallel_loop3A_937 = arith.maximumf %parallel_loop3A_925, %parallel_loop3A_929 : vector<16xf32>
      %parallel_loop3A_938 = arith.minimumf %parallel_loop3A_925, %parallel_loop3A_929 : vector<16xf32>
      %parallel_loop3A_939 = arith.maximumf %parallel_loop3A_933, %parallel_loop3A_935 : vector<16xf32>
      %parallel_loop3A_940 = arith.minimumf %parallel_loop3A_933, %parallel_loop3A_935 : vector<16xf32>
      %parallel_loop3A_941 = arith.maximumf %parallel_loop3A_934, %parallel_loop3A_936 : vector<16xf32>
      %parallel_loop3A_942 = arith.minimumf %parallel_loop3A_934, %parallel_loop3A_936 : vector<16xf32>
      %parallel_loop3A_943 = arith.maximumf %parallel_loop3A_928, %parallel_loop3A_932 : vector<16xf32>
      %parallel_loop3A_944 = arith.minimumf %parallel_loop3A_928, %parallel_loop3A_932 : vector<16xf32>
      %parallel_loop3A_945 = arith.maximumf %parallel_loop3A_941, %parallel_loop3A_938 : vector<16xf32>
      %parallel_loop3A_946 = arith.minimumf %parallel_loop3A_941, %parallel_loop3A_938 : vector<16xf32>
      %parallel_loop3A_947 = arith.maximumf %parallel_loop3A_943, %parallel_loop3A_940 : vector<16xf32>
      %parallel_loop3A_948 = arith.minimumf %parallel_loop3A_943, %parallel_loop3A_940 : vector<16xf32>
      %parallel_loop3A_949 = arith.maximumf %parallel_loop3A_939, %parallel_loop3A_945 : vector<16xf32>
      %parallel_loop3A_950 = arith.minimumf %parallel_loop3A_939, %parallel_loop3A_945 : vector<16xf32>
      %parallel_loop3A_951 = arith.maximumf %parallel_loop3A_947, %parallel_loop3A_946 : vector<16xf32>
      %parallel_loop3A_952 = arith.minimumf %parallel_loop3A_947, %parallel_loop3A_946 : vector<16xf32>
      %parallel_loop3A_953 = arith.maximumf %parallel_loop3A_948, %parallel_loop3A_942 : vector<16xf32>
      %parallel_loop3A_954 = arith.minimumf %parallel_loop3A_948, %parallel_loop3A_942 : vector<16xf32>
      %parallel_loop3A_955 = arith.maximumf %parallel_loop3A_372, %parallel_loop3A_384 : vector<16xf32>
      %parallel_loop3A_956 = arith.minimumf %parallel_loop3A_372, %parallel_loop3A_384 : vector<16xf32>
      %parallel_loop3A_957 = arith.maximumf %parallel_loop3A_396, %parallel_loop3A_408 : vector<16xf32>
      %parallel_loop3A_958 = arith.minimumf %parallel_loop3A_396, %parallel_loop3A_408 : vector<16xf32>
      %parallel_loop3A_959 = arith.maximumf %parallel_loop3A_420, %parallel_loop3A_432 : vector<16xf32>
      %parallel_loop3A_960 = arith.minimumf %parallel_loop3A_420, %parallel_loop3A_432 : vector<16xf32>
      %parallel_loop3A_961 = arith.maximumf %parallel_loop3A_444, %parallel_loop3A_456 : vector<16xf32>
      %parallel_loop3A_962 = arith.minimumf %parallel_loop3A_444, %parallel_loop3A_456 : vector<16xf32>
      %parallel_loop3A_963 = arith.maximumf %parallel_loop3A_955, %parallel_loop3A_957 : vector<16xf32>
      %parallel_loop3A_964 = arith.minimumf %parallel_loop3A_955, %parallel_loop3A_957 : vector<16xf32>
      %parallel_loop3A_965 = arith.maximumf %parallel_loop3A_956, %parallel_loop3A_958 : vector<16xf32>
      %parallel_loop3A_966 = arith.minimumf %parallel_loop3A_956, %parallel_loop3A_958 : vector<16xf32>
      %parallel_loop3A_967 = arith.maximumf %parallel_loop3A_959, %parallel_loop3A_961 : vector<16xf32>
      %parallel_loop3A_968 = arith.minimumf %parallel_loop3A_959, %parallel_loop3A_961 : vector<16xf32>
      %parallel_loop3A_969 = arith.maximumf %parallel_loop3A_960, %parallel_loop3A_962 : vector<16xf32>
      %parallel_loop3A_970 = arith.minimumf %parallel_loop3A_960, %parallel_loop3A_962 : vector<16xf32>
      %parallel_loop3A_971 = arith.maximumf %parallel_loop3A_965, %parallel_loop3A_964 : vector<16xf32>
      %parallel_loop3A_972 = arith.minimumf %parallel_loop3A_965, %parallel_loop3A_964 : vector<16xf32>
      %parallel_loop3A_973 = arith.maximumf %parallel_loop3A_969, %parallel_loop3A_968 : vector<16xf32>
      %parallel_loop3A_974 = arith.minimumf %parallel_loop3A_969, %parallel_loop3A_968 : vector<16xf32>
      %parallel_loop3A_975 = arith.maximumf %parallel_loop3A_963, %parallel_loop3A_967 : vector<16xf32>
      %parallel_loop3A_976 = arith.minimumf %parallel_loop3A_963, %parallel_loop3A_967 : vector<16xf32>
      %parallel_loop3A_977 = arith.maximumf %parallel_loop3A_971, %parallel_loop3A_973 : vector<16xf32>
      %parallel_loop3A_978 = arith.minimumf %parallel_loop3A_971, %parallel_loop3A_973 : vector<16xf32>
      %parallel_loop3A_979 = arith.maximumf %parallel_loop3A_972, %parallel_loop3A_974 : vector<16xf32>
      %parallel_loop3A_980 = arith.minimumf %parallel_loop3A_972, %parallel_loop3A_974 : vector<16xf32>
      %parallel_loop3A_981 = arith.maximumf %parallel_loop3A_966, %parallel_loop3A_970 : vector<16xf32>
      %parallel_loop3A_982 = arith.minimumf %parallel_loop3A_966, %parallel_loop3A_970 : vector<16xf32>
      %parallel_loop3A_983 = arith.maximumf %parallel_loop3A_979, %parallel_loop3A_976 : vector<16xf32>
      %parallel_loop3A_984 = arith.minimumf %parallel_loop3A_979, %parallel_loop3A_976 : vector<16xf32>
      %parallel_loop3A_985 = arith.maximumf %parallel_loop3A_981, %parallel_loop3A_978 : vector<16xf32>
      %parallel_loop3A_986 = arith.minimumf %parallel_loop3A_981, %parallel_loop3A_978 : vector<16xf32>
      %parallel_loop3A_987 = arith.maximumf %parallel_loop3A_977, %parallel_loop3A_983 : vector<16xf32>
      %parallel_loop3A_988 = arith.minimumf %parallel_loop3A_977, %parallel_loop3A_983 : vector<16xf32>
      %parallel_loop3A_989 = arith.maximumf %parallel_loop3A_985, %parallel_loop3A_984 : vector<16xf32>
      %parallel_loop3A_990 = arith.minimumf %parallel_loop3A_985, %parallel_loop3A_984 : vector<16xf32>
      %parallel_loop3A_991 = arith.maximumf %parallel_loop3A_986, %parallel_loop3A_980 : vector<16xf32>
      %parallel_loop3A_992 = arith.minimumf %parallel_loop3A_986, %parallel_loop3A_980 : vector<16xf32>
      %parallel_loop3A_993 = arith.maximumf %parallel_loop3A_468, %parallel_loop3A_480 : vector<16xf32>
      %parallel_loop3A_994 = arith.minimumf %parallel_loop3A_468, %parallel_loop3A_480 : vector<16xf32>
      %parallel_loop3A_995 = arith.maximumf %parallel_loop3A_492, %parallel_loop3A_504 : vector<16xf32>
      %parallel_loop3A_996 = arith.minimumf %parallel_loop3A_492, %parallel_loop3A_504 : vector<16xf32>
      %parallel_loop3A_997 = arith.maximumf %parallel_loop3A_516, %parallel_loop3A_528 : vector<16xf32>
      %parallel_loop3A_998 = arith.minimumf %parallel_loop3A_516, %parallel_loop3A_528 : vector<16xf32>
      %parallel_loop3A_999 = arith.maximumf %parallel_loop3A_540, %parallel_loop3A_552 : vector<16xf32>
      %parallel_loop3A_1000 = arith.minimumf %parallel_loop3A_540, %parallel_loop3A_552 : vector<16xf32>
      %parallel_loop3A_1001 = arith.maximumf %parallel_loop3A_993, %parallel_loop3A_995 : vector<16xf32>
      %parallel_loop3A_1002 = arith.minimumf %parallel_loop3A_993, %parallel_loop3A_995 : vector<16xf32>
      %parallel_loop3A_1003 = arith.maximumf %parallel_loop3A_994, %parallel_loop3A_996 : vector<16xf32>
      %parallel_loop3A_1004 = arith.minimumf %parallel_loop3A_994, %parallel_loop3A_996 : vector<16xf32>
      %parallel_loop3A_1005 = arith.maximumf %parallel_loop3A_997, %parallel_loop3A_999 : vector<16xf32>
      %parallel_loop3A_1006 = arith.minimumf %parallel_loop3A_997, %parallel_loop3A_999 : vector<16xf32>
      %parallel_loop3A_1007 = arith.maximumf %parallel_loop3A_998, %parallel_loop3A_1000 : vector<16xf32>
      %parallel_loop3A_1008 = arith.minimumf %parallel_loop3A_998, %parallel_loop3A_1000 : vector<16xf32>
      %parallel_loop3A_1009 = arith.maximumf %parallel_loop3A_1003, %parallel_loop3A_1002 : vector<16xf32>
      %parallel_loop3A_1010 = arith.minimumf %parallel_loop3A_1003, %parallel_loop3A_1002 : vector<16xf32>
      %parallel_loop3A_1011 = arith.maximumf %parallel_loop3A_1007, %parallel_loop3A_1006 : vector<16xf32>
      %parallel_loop3A_1012 = arith.minimumf %parallel_loop3A_1007, %parallel_loop3A_1006 : vector<16xf32>
      %parallel_loop3A_1013 = arith.maximumf %parallel_loop3A_1001, %parallel_loop3A_1005 : vector<16xf32>
      %parallel_loop3A_1014 = arith.minimumf %parallel_loop3A_1001, %parallel_loop3A_1005 : vector<16xf32>
      %parallel_loop3A_1015 = arith.maximumf %parallel_loop3A_1009, %parallel_loop3A_1011 : vector<16xf32>
      %parallel_loop3A_1016 = arith.minimumf %parallel_loop3A_1009, %parallel_loop3A_1011 : vector<16xf32>
      %parallel_loop3A_1017 = arith.maximumf %parallel_loop3A_1010, %parallel_loop3A_1012 : vector<16xf32>
      %parallel_loop3A_1018 = arith.minimumf %parallel_loop3A_1010, %parallel_loop3A_1012 : vector<16xf32>
      %parallel_loop3A_1019 = arith.maximumf %parallel_loop3A_1004, %parallel_loop3A_1008 : vector<16xf32>
      %parallel_loop3A_1020 = arith.minimumf %parallel_loop3A_1004, %parallel_loop3A_1008 : vector<16xf32>
      %parallel_loop3A_1021 = arith.maximumf %parallel_loop3A_1017, %parallel_loop3A_1014 : vector<16xf32>
      %parallel_loop3A_1022 = arith.minimumf %parallel_loop3A_1017, %parallel_loop3A_1014 : vector<16xf32>
      %parallel_loop3A_1023 = arith.maximumf %parallel_loop3A_1019, %parallel_loop3A_1016 : vector<16xf32>
      %parallel_loop3A_1024 = arith.minimumf %parallel_loop3A_1019, %parallel_loop3A_1016 : vector<16xf32>
      %parallel_loop3A_1025 = arith.maximumf %parallel_loop3A_1015, %parallel_loop3A_1021 : vector<16xf32>
      %parallel_loop3A_1026 = arith.minimumf %parallel_loop3A_1015, %parallel_loop3A_1021 : vector<16xf32>
      %parallel_loop3A_1027 = arith.maximumf %parallel_loop3A_1023, %parallel_loop3A_1022 : vector<16xf32>
      %parallel_loop3A_1028 = arith.minimumf %parallel_loop3A_1023, %parallel_loop3A_1022 : vector<16xf32>
      %parallel_loop3A_1029 = arith.maximumf %parallel_loop3A_1024, %parallel_loop3A_1018 : vector<16xf32>
      %parallel_loop3A_1030 = arith.minimumf %parallel_loop3A_1024, %parallel_loop3A_1018 : vector<16xf32>
      %parallel_loop3A_1031 = arith.maximumf %parallel_loop3A_564, %parallel_loop3A_576 : vector<16xf32>
      %parallel_loop3A_1032 = arith.minimumf %parallel_loop3A_564, %parallel_loop3A_576 : vector<16xf32>
      %parallel_loop3A_1033 = arith.maximumf %parallel_loop3A_588, %parallel_loop3A_600 : vector<16xf32>
      %parallel_loop3A_1034 = arith.minimumf %parallel_loop3A_588, %parallel_loop3A_600 : vector<16xf32>
      %parallel_loop3A_1035 = arith.maximumf %parallel_loop3A_612, %parallel_loop3A_624 : vector<16xf32>
      %parallel_loop3A_1036 = arith.minimumf %parallel_loop3A_612, %parallel_loop3A_624 : vector<16xf32>
      %parallel_loop3A_1037 = arith.maximumf %parallel_loop3A_636, %parallel_loop3A_648 : vector<16xf32>
      %parallel_loop3A_1038 = arith.minimumf %parallel_loop3A_636, %parallel_loop3A_648 : vector<16xf32>
      %parallel_loop3A_1039 = arith.maximumf %parallel_loop3A_1031, %parallel_loop3A_1033 : vector<16xf32>
      %parallel_loop3A_1040 = arith.minimumf %parallel_loop3A_1031, %parallel_loop3A_1033 : vector<16xf32>
      %parallel_loop3A_1041 = arith.maximumf %parallel_loop3A_1032, %parallel_loop3A_1034 : vector<16xf32>
      %parallel_loop3A_1042 = arith.minimumf %parallel_loop3A_1032, %parallel_loop3A_1034 : vector<16xf32>
      %parallel_loop3A_1043 = arith.maximumf %parallel_loop3A_1035, %parallel_loop3A_1037 : vector<16xf32>
      %parallel_loop3A_1044 = arith.minimumf %parallel_loop3A_1035, %parallel_loop3A_1037 : vector<16xf32>
      %parallel_loop3A_1045 = arith.maximumf %parallel_loop3A_1036, %parallel_loop3A_1038 : vector<16xf32>
      %parallel_loop3A_1046 = arith.minimumf %parallel_loop3A_1036, %parallel_loop3A_1038 : vector<16xf32>
      %parallel_loop3A_1047 = arith.maximumf %parallel_loop3A_1041, %parallel_loop3A_1040 : vector<16xf32>
      %parallel_loop3A_1048 = arith.minimumf %parallel_loop3A_1041, %parallel_loop3A_1040 : vector<16xf32>
      %parallel_loop3A_1049 = arith.maximumf %parallel_loop3A_1045, %parallel_loop3A_1044 : vector<16xf32>
      %parallel_loop3A_1050 = arith.minimumf %parallel_loop3A_1045, %parallel_loop3A_1044 : vector<16xf32>
      %parallel_loop3A_1051 = arith.maximumf %parallel_loop3A_1039, %parallel_loop3A_1043 : vector<16xf32>
      %parallel_loop3A_1052 = arith.minimumf %parallel_loop3A_1039, %parallel_loop3A_1043 : vector<16xf32>
      %parallel_loop3A_1053 = arith.maximumf %parallel_loop3A_1047, %parallel_loop3A_1049 : vector<16xf32>
      %parallel_loop3A_1054 = arith.minimumf %parallel_loop3A_1047, %parallel_loop3A_1049 : vector<16xf32>
      %parallel_loop3A_1055 = arith.maximumf %parallel_loop3A_1048, %parallel_loop3A_1050 : vector<16xf32>
      %parallel_loop3A_1056 = arith.minimumf %parallel_loop3A_1048, %parallel_loop3A_1050 : vector<16xf32>
      %parallel_loop3A_1057 = arith.maximumf %parallel_loop3A_1042, %parallel_loop3A_1046 : vector<16xf32>
      %parallel_loop3A_1058 = arith.minimumf %parallel_loop3A_1042, %parallel_loop3A_1046 : vector<16xf32>
      %parallel_loop3A_1059 = arith.maximumf %parallel_loop3A_1055, %parallel_loop3A_1052 : vector<16xf32>
      %parallel_loop3A_1060 = arith.minimumf %parallel_loop3A_1055, %parallel_loop3A_1052 : vector<16xf32>
      %parallel_loop3A_1061 = arith.maximumf %parallel_loop3A_1057, %parallel_loop3A_1054 : vector<16xf32>
      %parallel_loop3A_1062 = arith.minimumf %parallel_loop3A_1057, %parallel_loop3A_1054 : vector<16xf32>
      %parallel_loop3A_1063 = arith.maximumf %parallel_loop3A_1053, %parallel_loop3A_1059 : vector<16xf32>
      %parallel_loop3A_1064 = arith.minimumf %parallel_loop3A_1053, %parallel_loop3A_1059 : vector<16xf32>
      %parallel_loop3A_1065 = arith.maximumf %parallel_loop3A_1061, %parallel_loop3A_1060 : vector<16xf32>
      %parallel_loop3A_1066 = arith.minimumf %parallel_loop3A_1061, %parallel_loop3A_1060 : vector<16xf32>
      %parallel_loop3A_1067 = arith.maximumf %parallel_loop3A_1062, %parallel_loop3A_1056 : vector<16xf32>
      %parallel_loop3A_1068 = arith.minimumf %parallel_loop3A_1062, %parallel_loop3A_1056 : vector<16xf32>
      %parallel_loop3A_1069 = arith.maximumf %parallel_loop3A_660, %parallel_loop3A_672 : vector<16xf32>
      %parallel_loop3A_1070 = arith.minimumf %parallel_loop3A_660, %parallel_loop3A_672 : vector<16xf32>
      %parallel_loop3A_1071 = arith.maximumf %parallel_loop3A_684, %parallel_loop3A_696 : vector<16xf32>
      %parallel_loop3A_1072 = arith.minimumf %parallel_loop3A_684, %parallel_loop3A_696 : vector<16xf32>
      %parallel_loop3A_1073 = arith.maximumf %parallel_loop3A_708, %parallel_loop3A_720 : vector<16xf32>
      %parallel_loop3A_1074 = arith.minimumf %parallel_loop3A_708, %parallel_loop3A_720 : vector<16xf32>
      %parallel_loop3A_1075 = arith.maximumf %parallel_loop3A_732, %parallel_loop3A_744 : vector<16xf32>
      %parallel_loop3A_1076 = arith.minimumf %parallel_loop3A_732, %parallel_loop3A_744 : vector<16xf32>
      %parallel_loop3A_1077 = arith.maximumf %parallel_loop3A_1069, %parallel_loop3A_1071 : vector<16xf32>
      %parallel_loop3A_1078 = arith.minimumf %parallel_loop3A_1069, %parallel_loop3A_1071 : vector<16xf32>
      %parallel_loop3A_1079 = arith.maximumf %parallel_loop3A_1070, %parallel_loop3A_1072 : vector<16xf32>
      %parallel_loop3A_1080 = arith.minimumf %parallel_loop3A_1070, %parallel_loop3A_1072 : vector<16xf32>
      %parallel_loop3A_1081 = arith.maximumf %parallel_loop3A_1073, %parallel_loop3A_1075 : vector<16xf32>
      %parallel_loop3A_1082 = arith.minimumf %parallel_loop3A_1073, %parallel_loop3A_1075 : vector<16xf32>
      %parallel_loop3A_1083 = arith.maximumf %parallel_loop3A_1074, %parallel_loop3A_1076 : vector<16xf32>
      %parallel_loop3A_1084 = arith.minimumf %parallel_loop3A_1074, %parallel_loop3A_1076 : vector<16xf32>
      %parallel_loop3A_1085 = arith.maximumf %parallel_loop3A_1079, %parallel_loop3A_1078 : vector<16xf32>
      %parallel_loop3A_1086 = arith.minimumf %parallel_loop3A_1079, %parallel_loop3A_1078 : vector<16xf32>
      %parallel_loop3A_1087 = arith.maximumf %parallel_loop3A_1083, %parallel_loop3A_1082 : vector<16xf32>
      %parallel_loop3A_1088 = arith.minimumf %parallel_loop3A_1083, %parallel_loop3A_1082 : vector<16xf32>
      %parallel_loop3A_1089 = arith.maximumf %parallel_loop3A_1077, %parallel_loop3A_1081 : vector<16xf32>
      %parallel_loop3A_1090 = arith.minimumf %parallel_loop3A_1077, %parallel_loop3A_1081 : vector<16xf32>
      %parallel_loop3A_1091 = arith.maximumf %parallel_loop3A_1085, %parallel_loop3A_1087 : vector<16xf32>
      %parallel_loop3A_1092 = arith.minimumf %parallel_loop3A_1085, %parallel_loop3A_1087 : vector<16xf32>
      %parallel_loop3A_1093 = arith.maximumf %parallel_loop3A_1086, %parallel_loop3A_1088 : vector<16xf32>
      %parallel_loop3A_1094 = arith.minimumf %parallel_loop3A_1086, %parallel_loop3A_1088 : vector<16xf32>
      %parallel_loop3A_1095 = arith.maximumf %parallel_loop3A_1080, %parallel_loop3A_1084 : vector<16xf32>
      %parallel_loop3A_1096 = arith.minimumf %parallel_loop3A_1080, %parallel_loop3A_1084 : vector<16xf32>
      %parallel_loop3A_1097 = arith.maximumf %parallel_loop3A_1093, %parallel_loop3A_1090 : vector<16xf32>
      %parallel_loop3A_1098 = arith.minimumf %parallel_loop3A_1093, %parallel_loop3A_1090 : vector<16xf32>
      %parallel_loop3A_1099 = arith.maximumf %parallel_loop3A_1095, %parallel_loop3A_1092 : vector<16xf32>
      %parallel_loop3A_1100 = arith.minimumf %parallel_loop3A_1095, %parallel_loop3A_1092 : vector<16xf32>
      %parallel_loop3A_1101 = arith.maximumf %parallel_loop3A_1091, %parallel_loop3A_1097 : vector<16xf32>
      %parallel_loop3A_1102 = arith.minimumf %parallel_loop3A_1091, %parallel_loop3A_1097 : vector<16xf32>
      %parallel_loop3A_1103 = arith.maximumf %parallel_loop3A_1099, %parallel_loop3A_1098 : vector<16xf32>
      %parallel_loop3A_1104 = arith.minimumf %parallel_loop3A_1099, %parallel_loop3A_1098 : vector<16xf32>
      %parallel_loop3A_1105 = arith.maximumf %parallel_loop3A_1100, %parallel_loop3A_1094 : vector<16xf32>
      %parallel_loop3A_1106 = arith.minimumf %parallel_loop3A_1100, %parallel_loop3A_1094 : vector<16xf32>
      %parallel_loop3A_1107 = arith.maximumf %parallel_loop3A_756, %parallel_loop3A_768 : vector<16xf32>
      %parallel_loop3A_1108 = arith.minimumf %parallel_loop3A_756, %parallel_loop3A_768 : vector<16xf32>
      %parallel_loop3A_1109 = arith.maximumf %parallel_loop3A_780, %parallel_loop3A_792 : vector<16xf32>
      %parallel_loop3A_1110 = arith.minimumf %parallel_loop3A_780, %parallel_loop3A_792 : vector<16xf32>
      %parallel_loop3A_1111 = arith.maximumf %parallel_loop3A_804, %parallel_loop3A_816 : vector<16xf32>
      %parallel_loop3A_1112 = arith.minimumf %parallel_loop3A_804, %parallel_loop3A_816 : vector<16xf32>
      %parallel_loop3A_1113 = arith.maximumf %parallel_loop3A_828, %parallel_loop3A_840 : vector<16xf32>
      %parallel_loop3A_1114 = arith.minimumf %parallel_loop3A_828, %parallel_loop3A_840 : vector<16xf32>
      %parallel_loop3A_1115 = arith.maximumf %parallel_loop3A_1107, %parallel_loop3A_1109 : vector<16xf32>
      %parallel_loop3A_1116 = arith.minimumf %parallel_loop3A_1107, %parallel_loop3A_1109 : vector<16xf32>
      %parallel_loop3A_1117 = arith.maximumf %parallel_loop3A_1108, %parallel_loop3A_1110 : vector<16xf32>
      %parallel_loop3A_1118 = arith.minimumf %parallel_loop3A_1108, %parallel_loop3A_1110 : vector<16xf32>
      %parallel_loop3A_1119 = arith.maximumf %parallel_loop3A_1111, %parallel_loop3A_1113 : vector<16xf32>
      %parallel_loop3A_1120 = arith.minimumf %parallel_loop3A_1111, %parallel_loop3A_1113 : vector<16xf32>
      %parallel_loop3A_1121 = arith.maximumf %parallel_loop3A_1112, %parallel_loop3A_1114 : vector<16xf32>
      %parallel_loop3A_1122 = arith.minimumf %parallel_loop3A_1112, %parallel_loop3A_1114 : vector<16xf32>
      %parallel_loop3A_1123 = arith.maximumf %parallel_loop3A_1117, %parallel_loop3A_1116 : vector<16xf32>
      %parallel_loop3A_1124 = arith.minimumf %parallel_loop3A_1117, %parallel_loop3A_1116 : vector<16xf32>
      %parallel_loop3A_1125 = arith.maximumf %parallel_loop3A_1121, %parallel_loop3A_1120 : vector<16xf32>
      %parallel_loop3A_1126 = arith.minimumf %parallel_loop3A_1121, %parallel_loop3A_1120 : vector<16xf32>
      %parallel_loop3A_1127 = arith.maximumf %parallel_loop3A_1115, %parallel_loop3A_1119 : vector<16xf32>
      %parallel_loop3A_1128 = arith.minimumf %parallel_loop3A_1115, %parallel_loop3A_1119 : vector<16xf32>
      %parallel_loop3A_1129 = arith.maximumf %parallel_loop3A_1123, %parallel_loop3A_1125 : vector<16xf32>
      %parallel_loop3A_1130 = arith.minimumf %parallel_loop3A_1123, %parallel_loop3A_1125 : vector<16xf32>
      %parallel_loop3A_1131 = arith.maximumf %parallel_loop3A_1124, %parallel_loop3A_1126 : vector<16xf32>
      %parallel_loop3A_1132 = arith.minimumf %parallel_loop3A_1124, %parallel_loop3A_1126 : vector<16xf32>
      %parallel_loop3A_1133 = arith.maximumf %parallel_loop3A_1118, %parallel_loop3A_1122 : vector<16xf32>
      %parallel_loop3A_1134 = arith.minimumf %parallel_loop3A_1118, %parallel_loop3A_1122 : vector<16xf32>
      %parallel_loop3A_1135 = arith.maximumf %parallel_loop3A_1131, %parallel_loop3A_1128 : vector<16xf32>
      %parallel_loop3A_1136 = arith.minimumf %parallel_loop3A_1131, %parallel_loop3A_1128 : vector<16xf32>
      %parallel_loop3A_1137 = arith.maximumf %parallel_loop3A_1133, %parallel_loop3A_1130 : vector<16xf32>
      %parallel_loop3A_1138 = arith.minimumf %parallel_loop3A_1133, %parallel_loop3A_1130 : vector<16xf32>
      %parallel_loop3A_1139 = arith.maximumf %parallel_loop3A_1129, %parallel_loop3A_1135 : vector<16xf32>
      %parallel_loop3A_1140 = arith.minimumf %parallel_loop3A_1129, %parallel_loop3A_1135 : vector<16xf32>
      %parallel_loop3A_1141 = arith.maximumf %parallel_loop3A_1137, %parallel_loop3A_1136 : vector<16xf32>
      %parallel_loop3A_1142 = arith.minimumf %parallel_loop3A_1137, %parallel_loop3A_1136 : vector<16xf32>
      %parallel_loop3A_1143 = arith.maximumf %parallel_loop3A_1138, %parallel_loop3A_1132 : vector<16xf32>
      %parallel_loop3A_1144 = arith.minimumf %parallel_loop3A_1138, %parallel_loop3A_1132 : vector<16xf32>
      %parallel_loop3A_1145 = arith.maximumf %parallel_loop3A_861, %parallel_loop3A_906 : vector<16xf32>
      %parallel_loop3A_1146 = arith.maximumf %parallel_loop3A_873, %parallel_loop3A_916 : vector<16xf32>
      %parallel_loop3A_1147 = arith.maximumf %parallel_loop3A_874, %parallel_loop3A_915 : vector<16xf32>
      %parallel_loop3A_1148 = arith.maximumf %parallel_loop3A_875, %parallel_loop3A_914 : vector<16xf32>
      %parallel_loop3A_1149 = arith.maximumf %parallel_loop3A_876, %parallel_loop3A_913 : vector<16xf32>
      %parallel_loop3A_1150 = arith.maximumf %parallel_loop3A_877, %parallel_loop3A_912 : vector<16xf32>
      %parallel_loop3A_1151 = arith.maximumf %parallel_loop3A_878, %parallel_loop3A_911 : vector<16xf32>
      %parallel_loop3A_1152 = arith.maximumf %parallel_loop3A_868, %parallel_loop3A_899 : vector<16xf32>
      %parallel_loop3A_1153 = arith.maximumf %parallel_loop3A_1145, %parallel_loop3A_1149 : vector<16xf32>
      %parallel_loop3A_1154 = arith.minimumf %parallel_loop3A_1145, %parallel_loop3A_1149 : vector<16xf32>
      %parallel_loop3A_1155 = arith.maximumf %parallel_loop3A_1146, %parallel_loop3A_1150 : vector<16xf32>
      %parallel_loop3A_1156 = arith.minimumf %parallel_loop3A_1146, %parallel_loop3A_1150 : vector<16xf32>
      %parallel_loop3A_1157 = arith.maximumf %parallel_loop3A_1147, %parallel_loop3A_1151 : vector<16xf32>
      %parallel_loop3A_1158 = arith.minimumf %parallel_loop3A_1147, %parallel_loop3A_1151 : vector<16xf32>
      %parallel_loop3A_1159 = arith.maximumf %parallel_loop3A_1148, %parallel_loop3A_1152 : vector<16xf32>
      %parallel_loop3A_1160 = arith.minimumf %parallel_loop3A_1148, %parallel_loop3A_1152 : vector<16xf32>
      %parallel_loop3A_1161 = arith.maximumf %parallel_loop3A_1153, %parallel_loop3A_1157 : vector<16xf32>
      %parallel_loop3A_1162 = arith.minimumf %parallel_loop3A_1153, %parallel_loop3A_1157 : vector<16xf32>
      %parallel_loop3A_1163 = arith.maximumf %parallel_loop3A_1155, %parallel_loop3A_1159 : vector<16xf32>
      %parallel_loop3A_1164 = arith.minimumf %parallel_loop3A_1155, %parallel_loop3A_1159 : vector<16xf32>
      %parallel_loop3A_1165 = arith.maximumf %parallel_loop3A_1154, %parallel_loop3A_1158 : vector<16xf32>
      %parallel_loop3A_1166 = arith.minimumf %parallel_loop3A_1154, %parallel_loop3A_1158 : vector<16xf32>
      %parallel_loop3A_1167 = arith.maximumf %parallel_loop3A_1156, %parallel_loop3A_1160 : vector<16xf32>
      %parallel_loop3A_1168 = arith.minimumf %parallel_loop3A_1156, %parallel_loop3A_1160 : vector<16xf32>
      %parallel_loop3A_1169 = arith.maximumf %parallel_loop3A_1161, %parallel_loop3A_1163 : vector<16xf32>
      %parallel_loop3A_1170 = arith.minimumf %parallel_loop3A_1161, %parallel_loop3A_1163 : vector<16xf32>
      %parallel_loop3A_1171 = arith.maximumf %parallel_loop3A_1162, %parallel_loop3A_1164 : vector<16xf32>
      %parallel_loop3A_1172 = arith.minimumf %parallel_loop3A_1162, %parallel_loop3A_1164 : vector<16xf32>
      %parallel_loop3A_1173 = arith.maximumf %parallel_loop3A_1165, %parallel_loop3A_1167 : vector<16xf32>
      %parallel_loop3A_1174 = arith.minimumf %parallel_loop3A_1165, %parallel_loop3A_1167 : vector<16xf32>
      %parallel_loop3A_1175 = arith.maximumf %parallel_loop3A_1166, %parallel_loop3A_1168 : vector<16xf32>
      %parallel_loop3A_1176 = arith.minimumf %parallel_loop3A_1166, %parallel_loop3A_1168 : vector<16xf32>
      %parallel_loop3A_1177 = arith.maximumf %parallel_loop3A_937, %parallel_loop3A_982 : vector<16xf32>
      %parallel_loop3A_1178 = arith.maximumf %parallel_loop3A_949, %parallel_loop3A_992 : vector<16xf32>
      %parallel_loop3A_1179 = arith.maximumf %parallel_loop3A_950, %parallel_loop3A_991 : vector<16xf32>
      %parallel_loop3A_1180 = arith.maximumf %parallel_loop3A_951, %parallel_loop3A_990 : vector<16xf32>
      %parallel_loop3A_1181 = arith.maximumf %parallel_loop3A_952, %parallel_loop3A_989 : vector<16xf32>
      %parallel_loop3A_1182 = arith.maximumf %parallel_loop3A_953, %parallel_loop3A_988 : vector<16xf32>
      %parallel_loop3A_1183 = arith.maximumf %parallel_loop3A_954, %parallel_loop3A_987 : vector<16xf32>
      %parallel_loop3A_1184 = arith.maximumf %parallel_loop3A_944, %parallel_loop3A_975 : vector<16xf32>
      %parallel_loop3A_1185 = arith.maximumf %parallel_loop3A_1177, %parallel_loop3A_1181 : vector<16xf32>
      %parallel_loop3A_1186 = arith.minimumf %parallel_loop3A_1177, %parallel_loop3A_1181 : vector<16xf32>
      %parallel_loop3A_1187 = arith.maximumf %parallel_loop3A_1178, %parallel_loop3A_1182 : vector<16xf32>
      %parallel_loop3A_1188 = arith.minimumf %parallel_loop3A_1178, %parallel_loop3A_1182 : vector<16xf32>
      %parallel_loop3A_1189 = arith.maximumf %parallel_loop3A_1179, %parallel_loop3A_1183 : vector<16xf32>
      %parallel_loop3A_1190 = arith.minimumf %parallel_loop3A_1179, %parallel_loop3A_1183 : vector<16xf32>
      %parallel_loop3A_1191 = arith.maximumf %parallel_loop3A_1180, %parallel_loop3A_1184 : vector<16xf32>
      %parallel_loop3A_1192 = arith.minimumf %parallel_loop3A_1180, %parallel_loop3A_1184 : vector<16xf32>
      %parallel_loop3A_1193 = arith.maximumf %parallel_loop3A_1185, %parallel_loop3A_1189 : vector<16xf32>
      %parallel_loop3A_1194 = arith.minimumf %parallel_loop3A_1185, %parallel_loop3A_1189 : vector<16xf32>
      %parallel_loop3A_1195 = arith.maximumf %parallel_loop3A_1187, %parallel_loop3A_1191 : vector<16xf32>
      %parallel_loop3A_1196 = arith.minimumf %parallel_loop3A_1187, %parallel_loop3A_1191 : vector<16xf32>
      %parallel_loop3A_1197 = arith.maximumf %parallel_loop3A_1186, %parallel_loop3A_1190 : vector<16xf32>
      %parallel_loop3A_1198 = arith.minimumf %parallel_loop3A_1186, %parallel_loop3A_1190 : vector<16xf32>
      %parallel_loop3A_1199 = arith.maximumf %parallel_loop3A_1188, %parallel_loop3A_1192 : vector<16xf32>
      %parallel_loop3A_1200 = arith.minimumf %parallel_loop3A_1188, %parallel_loop3A_1192 : vector<16xf32>
      %parallel_loop3A_1201 = arith.maximumf %parallel_loop3A_1193, %parallel_loop3A_1195 : vector<16xf32>
      %parallel_loop3A_1202 = arith.minimumf %parallel_loop3A_1193, %parallel_loop3A_1195 : vector<16xf32>
      %parallel_loop3A_1203 = arith.maximumf %parallel_loop3A_1194, %parallel_loop3A_1196 : vector<16xf32>
      %parallel_loop3A_1204 = arith.minimumf %parallel_loop3A_1194, %parallel_loop3A_1196 : vector<16xf32>
      %parallel_loop3A_1205 = arith.maximumf %parallel_loop3A_1197, %parallel_loop3A_1199 : vector<16xf32>
      %parallel_loop3A_1206 = arith.minimumf %parallel_loop3A_1197, %parallel_loop3A_1199 : vector<16xf32>
      %parallel_loop3A_1207 = arith.maximumf %parallel_loop3A_1198, %parallel_loop3A_1200 : vector<16xf32>
      %parallel_loop3A_1208 = arith.minimumf %parallel_loop3A_1198, %parallel_loop3A_1200 : vector<16xf32>
      %parallel_loop3A_1209 = arith.maximumf %parallel_loop3A_1013, %parallel_loop3A_1058 : vector<16xf32>
      %parallel_loop3A_1210 = arith.maximumf %parallel_loop3A_1025, %parallel_loop3A_1068 : vector<16xf32>
      %parallel_loop3A_1211 = arith.maximumf %parallel_loop3A_1026, %parallel_loop3A_1067 : vector<16xf32>
      %parallel_loop3A_1212 = arith.maximumf %parallel_loop3A_1027, %parallel_loop3A_1066 : vector<16xf32>
      %parallel_loop3A_1213 = arith.maximumf %parallel_loop3A_1028, %parallel_loop3A_1065 : vector<16xf32>
      %parallel_loop3A_1214 = arith.maximumf %parallel_loop3A_1029, %parallel_loop3A_1064 : vector<16xf32>
      %parallel_loop3A_1215 = arith.maximumf %parallel_loop3A_1030, %parallel_loop3A_1063 : vector<16xf32>
      %parallel_loop3A_1216 = arith.maximumf %parallel_loop3A_1020, %parallel_loop3A_1051 : vector<16xf32>
      %parallel_loop3A_1217 = arith.maximumf %parallel_loop3A_1209, %parallel_loop3A_1213 : vector<16xf32>
      %parallel_loop3A_1218 = arith.minimumf %parallel_loop3A_1209, %parallel_loop3A_1213 : vector<16xf32>
      %parallel_loop3A_1219 = arith.maximumf %parallel_loop3A_1210, %parallel_loop3A_1214 : vector<16xf32>
      %parallel_loop3A_1220 = arith.minimumf %parallel_loop3A_1210, %parallel_loop3A_1214 : vector<16xf32>
      %parallel_loop3A_1221 = arith.maximumf %parallel_loop3A_1211, %parallel_loop3A_1215 : vector<16xf32>
      %parallel_loop3A_1222 = arith.minimumf %parallel_loop3A_1211, %parallel_loop3A_1215 : vector<16xf32>
      %parallel_loop3A_1223 = arith.maximumf %parallel_loop3A_1212, %parallel_loop3A_1216 : vector<16xf32>
      %parallel_loop3A_1224 = arith.minimumf %parallel_loop3A_1212, %parallel_loop3A_1216 : vector<16xf32>
      %parallel_loop3A_1225 = arith.maximumf %parallel_loop3A_1217, %parallel_loop3A_1221 : vector<16xf32>
      %parallel_loop3A_1226 = arith.minimumf %parallel_loop3A_1217, %parallel_loop3A_1221 : vector<16xf32>
      %parallel_loop3A_1227 = arith.maximumf %parallel_loop3A_1219, %parallel_loop3A_1223 : vector<16xf32>
      %parallel_loop3A_1228 = arith.minimumf %parallel_loop3A_1219, %parallel_loop3A_1223 : vector<16xf32>
      %parallel_loop3A_1229 = arith.maximumf %parallel_loop3A_1218, %parallel_loop3A_1222 : vector<16xf32>
      %parallel_loop3A_1230 = arith.minimumf %parallel_loop3A_1218, %parallel_loop3A_1222 : vector<16xf32>
      %parallel_loop3A_1231 = arith.maximumf %parallel_loop3A_1220, %parallel_loop3A_1224 : vector<16xf32>
      %parallel_loop3A_1232 = arith.minimumf %parallel_loop3A_1220, %parallel_loop3A_1224 : vector<16xf32>
      %parallel_loop3A_1233 = arith.maximumf %parallel_loop3A_1225, %parallel_loop3A_1227 : vector<16xf32>
      %parallel_loop3A_1234 = arith.minimumf %parallel_loop3A_1225, %parallel_loop3A_1227 : vector<16xf32>
      %parallel_loop3A_1235 = arith.maximumf %parallel_loop3A_1226, %parallel_loop3A_1228 : vector<16xf32>
      %parallel_loop3A_1236 = arith.minimumf %parallel_loop3A_1226, %parallel_loop3A_1228 : vector<16xf32>
      %parallel_loop3A_1237 = arith.maximumf %parallel_loop3A_1229, %parallel_loop3A_1231 : vector<16xf32>
      %parallel_loop3A_1238 = arith.minimumf %parallel_loop3A_1229, %parallel_loop3A_1231 : vector<16xf32>
      %parallel_loop3A_1239 = arith.maximumf %parallel_loop3A_1230, %parallel_loop3A_1232 : vector<16xf32>
      %parallel_loop3A_1240 = arith.minimumf %parallel_loop3A_1230, %parallel_loop3A_1232 : vector<16xf32>
      %parallel_loop3A_1241 = arith.maximumf %parallel_loop3A_1089, %parallel_loop3A_1134 : vector<16xf32>
      %parallel_loop3A_1242 = arith.maximumf %parallel_loop3A_1101, %parallel_loop3A_1144 : vector<16xf32>
      %parallel_loop3A_1243 = arith.maximumf %parallel_loop3A_1102, %parallel_loop3A_1143 : vector<16xf32>
      %parallel_loop3A_1244 = arith.maximumf %parallel_loop3A_1103, %parallel_loop3A_1142 : vector<16xf32>
      %parallel_loop3A_1245 = arith.maximumf %parallel_loop3A_1104, %parallel_loop3A_1141 : vector<16xf32>
      %parallel_loop3A_1246 = arith.maximumf %parallel_loop3A_1105, %parallel_loop3A_1140 : vector<16xf32>
      %parallel_loop3A_1247 = arith.maximumf %parallel_loop3A_1106, %parallel_loop3A_1139 : vector<16xf32>
      %parallel_loop3A_1248 = arith.maximumf %parallel_loop3A_1096, %parallel_loop3A_1127 : vector<16xf32>
      %parallel_loop3A_1249 = arith.maximumf %parallel_loop3A_1241, %parallel_loop3A_1245 : vector<16xf32>
      %parallel_loop3A_1250 = arith.minimumf %parallel_loop3A_1241, %parallel_loop3A_1245 : vector<16xf32>
      %parallel_loop3A_1251 = arith.maximumf %parallel_loop3A_1242, %parallel_loop3A_1246 : vector<16xf32>
      %parallel_loop3A_1252 = arith.minimumf %parallel_loop3A_1242, %parallel_loop3A_1246 : vector<16xf32>
      %parallel_loop3A_1253 = arith.maximumf %parallel_loop3A_1243, %parallel_loop3A_1247 : vector<16xf32>
      %parallel_loop3A_1254 = arith.minimumf %parallel_loop3A_1243, %parallel_loop3A_1247 : vector<16xf32>
      %parallel_loop3A_1255 = arith.maximumf %parallel_loop3A_1244, %parallel_loop3A_1248 : vector<16xf32>
      %parallel_loop3A_1256 = arith.minimumf %parallel_loop3A_1244, %parallel_loop3A_1248 : vector<16xf32>
      %parallel_loop3A_1257 = arith.maximumf %parallel_loop3A_1249, %parallel_loop3A_1253 : vector<16xf32>
      %parallel_loop3A_1258 = arith.minimumf %parallel_loop3A_1249, %parallel_loop3A_1253 : vector<16xf32>
      %parallel_loop3A_1259 = arith.maximumf %parallel_loop3A_1251, %parallel_loop3A_1255 : vector<16xf32>
      %parallel_loop3A_1260 = arith.minimumf %parallel_loop3A_1251, %parallel_loop3A_1255 : vector<16xf32>
      %parallel_loop3A_1261 = arith.maximumf %parallel_loop3A_1250, %parallel_loop3A_1254 : vector<16xf32>
      %parallel_loop3A_1262 = arith.minimumf %parallel_loop3A_1250, %parallel_loop3A_1254 : vector<16xf32>
      %parallel_loop3A_1263 = arith.maximumf %parallel_loop3A_1252, %parallel_loop3A_1256 : vector<16xf32>
      %parallel_loop3A_1264 = arith.minimumf %parallel_loop3A_1252, %parallel_loop3A_1256 : vector<16xf32>
      %parallel_loop3A_1265 = arith.maximumf %parallel_loop3A_1257, %parallel_loop3A_1259 : vector<16xf32>
      %parallel_loop3A_1266 = arith.minimumf %parallel_loop3A_1257, %parallel_loop3A_1259 : vector<16xf32>
      %parallel_loop3A_1267 = arith.maximumf %parallel_loop3A_1258, %parallel_loop3A_1260 : vector<16xf32>
      %parallel_loop3A_1268 = arith.minimumf %parallel_loop3A_1258, %parallel_loop3A_1260 : vector<16xf32>
      %parallel_loop3A_1269 = arith.maximumf %parallel_loop3A_1261, %parallel_loop3A_1263 : vector<16xf32>
      %parallel_loop3A_1270 = arith.minimumf %parallel_loop3A_1261, %parallel_loop3A_1263 : vector<16xf32>
      %parallel_loop3A_1271 = arith.maximumf %parallel_loop3A_1262, %parallel_loop3A_1264 : vector<16xf32>
      %parallel_loop3A_1272 = arith.minimumf %parallel_loop3A_1262, %parallel_loop3A_1264 : vector<16xf32>
      %parallel_loop3A_1273 = arith.maximumf %parallel_loop3A_1169, %parallel_loop3A_1208 : vector<16xf32>
      %parallel_loop3A_1274 = arith.maximumf %parallel_loop3A_1170, %parallel_loop3A_1207 : vector<16xf32>
      %parallel_loop3A_1275 = arith.maximumf %parallel_loop3A_1171, %parallel_loop3A_1206 : vector<16xf32>
      %parallel_loop3A_1276 = arith.maximumf %parallel_loop3A_1172, %parallel_loop3A_1205 : vector<16xf32>
      %parallel_loop3A_1277 = arith.maximumf %parallel_loop3A_1173, %parallel_loop3A_1204 : vector<16xf32>
      %parallel_loop3A_1278 = arith.maximumf %parallel_loop3A_1174, %parallel_loop3A_1203 : vector<16xf32>
      %parallel_loop3A_1279 = arith.maximumf %parallel_loop3A_1175, %parallel_loop3A_1202 : vector<16xf32>
      %parallel_loop3A_1280 = arith.maximumf %parallel_loop3A_1176, %parallel_loop3A_1201 : vector<16xf32>
      %parallel_loop3A_1281 = arith.maximumf %parallel_loop3A_1273, %parallel_loop3A_1277 : vector<16xf32>
      %parallel_loop3A_1282 = arith.minimumf %parallel_loop3A_1273, %parallel_loop3A_1277 : vector<16xf32>
      %parallel_loop3A_1283 = arith.maximumf %parallel_loop3A_1274, %parallel_loop3A_1278 : vector<16xf32>
      %parallel_loop3A_1284 = arith.minimumf %parallel_loop3A_1274, %parallel_loop3A_1278 : vector<16xf32>
      %parallel_loop3A_1285 = arith.maximumf %parallel_loop3A_1275, %parallel_loop3A_1279 : vector<16xf32>
      %parallel_loop3A_1286 = arith.minimumf %parallel_loop3A_1275, %parallel_loop3A_1279 : vector<16xf32>
      %parallel_loop3A_1287 = arith.maximumf %parallel_loop3A_1276, %parallel_loop3A_1280 : vector<16xf32>
      %parallel_loop3A_1288 = arith.minimumf %parallel_loop3A_1276, %parallel_loop3A_1280 : vector<16xf32>
      %parallel_loop3A_1289 = arith.maximumf %parallel_loop3A_1281, %parallel_loop3A_1285 : vector<16xf32>
      %parallel_loop3A_1290 = arith.minimumf %parallel_loop3A_1281, %parallel_loop3A_1285 : vector<16xf32>
      %parallel_loop3A_1291 = arith.maximumf %parallel_loop3A_1283, %parallel_loop3A_1287 : vector<16xf32>
      %parallel_loop3A_1292 = arith.minimumf %parallel_loop3A_1283, %parallel_loop3A_1287 : vector<16xf32>
      %parallel_loop3A_1293 = arith.maximumf %parallel_loop3A_1282, %parallel_loop3A_1286 : vector<16xf32>
      %parallel_loop3A_1294 = arith.minimumf %parallel_loop3A_1282, %parallel_loop3A_1286 : vector<16xf32>
      %parallel_loop3A_1295 = arith.maximumf %parallel_loop3A_1284, %parallel_loop3A_1288 : vector<16xf32>
      %parallel_loop3A_1296 = arith.minimumf %parallel_loop3A_1284, %parallel_loop3A_1288 : vector<16xf32>
      %parallel_loop3A_1297 = arith.maximumf %parallel_loop3A_1289, %parallel_loop3A_1291 : vector<16xf32>
      %parallel_loop3A_1298 = arith.minimumf %parallel_loop3A_1289, %parallel_loop3A_1291 : vector<16xf32>
      %parallel_loop3A_1299 = arith.maximumf %parallel_loop3A_1290, %parallel_loop3A_1292 : vector<16xf32>
      %parallel_loop3A_1300 = arith.minimumf %parallel_loop3A_1290, %parallel_loop3A_1292 : vector<16xf32>
      %parallel_loop3A_1301 = arith.maximumf %parallel_loop3A_1293, %parallel_loop3A_1295 : vector<16xf32>
      %parallel_loop3A_1302 = arith.minimumf %parallel_loop3A_1293, %parallel_loop3A_1295 : vector<16xf32>
      %parallel_loop3A_1303 = arith.maximumf %parallel_loop3A_1294, %parallel_loop3A_1296 : vector<16xf32>
      %parallel_loop3A_1304 = arith.minimumf %parallel_loop3A_1294, %parallel_loop3A_1296 : vector<16xf32>
      %parallel_loop3A_1305 = arith.maximumf %parallel_loop3A_1233, %parallel_loop3A_1272 : vector<16xf32>
      %parallel_loop3A_1306 = arith.maximumf %parallel_loop3A_1234, %parallel_loop3A_1271 : vector<16xf32>
      %parallel_loop3A_1307 = arith.maximumf %parallel_loop3A_1235, %parallel_loop3A_1270 : vector<16xf32>
      %parallel_loop3A_1308 = arith.maximumf %parallel_loop3A_1236, %parallel_loop3A_1269 : vector<16xf32>
      %parallel_loop3A_1309 = arith.maximumf %parallel_loop3A_1237, %parallel_loop3A_1268 : vector<16xf32>
      %parallel_loop3A_1310 = arith.maximumf %parallel_loop3A_1238, %parallel_loop3A_1267 : vector<16xf32>
      %parallel_loop3A_1311 = arith.maximumf %parallel_loop3A_1239, %parallel_loop3A_1266 : vector<16xf32>
      %parallel_loop3A_1312 = arith.maximumf %parallel_loop3A_1240, %parallel_loop3A_1265 : vector<16xf32>
      %parallel_loop3A_1313 = arith.maximumf %parallel_loop3A_1305, %parallel_loop3A_1309 : vector<16xf32>
      %parallel_loop3A_1314 = arith.minimumf %parallel_loop3A_1305, %parallel_loop3A_1309 : vector<16xf32>
      %parallel_loop3A_1315 = arith.maximumf %parallel_loop3A_1306, %parallel_loop3A_1310 : vector<16xf32>
      %parallel_loop3A_1316 = arith.minimumf %parallel_loop3A_1306, %parallel_loop3A_1310 : vector<16xf32>
      %parallel_loop3A_1317 = arith.maximumf %parallel_loop3A_1307, %parallel_loop3A_1311 : vector<16xf32>
      %parallel_loop3A_1318 = arith.minimumf %parallel_loop3A_1307, %parallel_loop3A_1311 : vector<16xf32>
      %parallel_loop3A_1319 = arith.maximumf %parallel_loop3A_1308, %parallel_loop3A_1312 : vector<16xf32>
      %parallel_loop3A_1320 = arith.minimumf %parallel_loop3A_1308, %parallel_loop3A_1312 : vector<16xf32>
      %parallel_loop3A_1321 = arith.maximumf %parallel_loop3A_1313, %parallel_loop3A_1317 : vector<16xf32>
      %parallel_loop3A_1322 = arith.minimumf %parallel_loop3A_1313, %parallel_loop3A_1317 : vector<16xf32>
      %parallel_loop3A_1323 = arith.maximumf %parallel_loop3A_1315, %parallel_loop3A_1319 : vector<16xf32>
      %parallel_loop3A_1324 = arith.minimumf %parallel_loop3A_1315, %parallel_loop3A_1319 : vector<16xf32>
      %parallel_loop3A_1325 = arith.maximumf %parallel_loop3A_1314, %parallel_loop3A_1318 : vector<16xf32>
      %parallel_loop3A_1326 = arith.minimumf %parallel_loop3A_1314, %parallel_loop3A_1318 : vector<16xf32>
      %parallel_loop3A_1327 = arith.maximumf %parallel_loop3A_1316, %parallel_loop3A_1320 : vector<16xf32>
      %parallel_loop3A_1328 = arith.minimumf %parallel_loop3A_1316, %parallel_loop3A_1320 : vector<16xf32>
      %parallel_loop3A_1329 = arith.maximumf %parallel_loop3A_1321, %parallel_loop3A_1323 : vector<16xf32>
      %parallel_loop3A_1330 = arith.minimumf %parallel_loop3A_1321, %parallel_loop3A_1323 : vector<16xf32>
      %parallel_loop3A_1331 = arith.maximumf %parallel_loop3A_1322, %parallel_loop3A_1324 : vector<16xf32>
      %parallel_loop3A_1332 = arith.minimumf %parallel_loop3A_1322, %parallel_loop3A_1324 : vector<16xf32>
      %parallel_loop3A_1333 = arith.maximumf %parallel_loop3A_1325, %parallel_loop3A_1327 : vector<16xf32>
      %parallel_loop3A_1334 = arith.minimumf %parallel_loop3A_1325, %parallel_loop3A_1327 : vector<16xf32>
      %parallel_loop3A_1335 = arith.maximumf %parallel_loop3A_1326, %parallel_loop3A_1328 : vector<16xf32>
      %parallel_loop3A_1336 = arith.minimumf %parallel_loop3A_1326, %parallel_loop3A_1328 : vector<16xf32>
      %parallel_loop3A_1337 = arith.maximumf %parallel_loop3A_1297, %parallel_loop3A_1336 : vector<16xf32>
      %parallel_loop3A_1338 = arith.maximumf %parallel_loop3A_1298, %parallel_loop3A_1335 : vector<16xf32>
      %parallel_loop3A_1339 = arith.maximumf %parallel_loop3A_1299, %parallel_loop3A_1334 : vector<16xf32>
      %parallel_loop3A_1340 = arith.maximumf %parallel_loop3A_1300, %parallel_loop3A_1333 : vector<16xf32>
      %parallel_loop3A_1341 = arith.maximumf %parallel_loop3A_1301, %parallel_loop3A_1332 : vector<16xf32>
      %parallel_loop3A_1342 = arith.maximumf %parallel_loop3A_1302, %parallel_loop3A_1331 : vector<16xf32>
      %parallel_loop3A_1343 = arith.maximumf %parallel_loop3A_1303, %parallel_loop3A_1330 : vector<16xf32>
      %parallel_loop3A_1344 = arith.maximumf %parallel_loop3A_1304, %parallel_loop3A_1329 : vector<16xf32>
      %parallel_loop3A_1345 = arith.maximumf %parallel_loop3A_1337, %parallel_loop3A_1341 : vector<16xf32>
      %parallel_loop3A_1346 = arith.minimumf %parallel_loop3A_1337, %parallel_loop3A_1341 : vector<16xf32>
      %parallel_loop3A_1347 = arith.maximumf %parallel_loop3A_1338, %parallel_loop3A_1342 : vector<16xf32>
      %parallel_loop3A_1348 = arith.minimumf %parallel_loop3A_1338, %parallel_loop3A_1342 : vector<16xf32>
      %parallel_loop3A_1349 = arith.maximumf %parallel_loop3A_1339, %parallel_loop3A_1343 : vector<16xf32>
      %parallel_loop3A_1350 = arith.minimumf %parallel_loop3A_1339, %parallel_loop3A_1343 : vector<16xf32>
      %parallel_loop3A_1351 = arith.maximumf %parallel_loop3A_1340, %parallel_loop3A_1344 : vector<16xf32>
      %parallel_loop3A_1352 = arith.minimumf %parallel_loop3A_1340, %parallel_loop3A_1344 : vector<16xf32>
      %parallel_loop3A_1353 = arith.maximumf %parallel_loop3A_1345, %parallel_loop3A_1349 : vector<16xf32>
      %parallel_loop3A_1354 = arith.minimumf %parallel_loop3A_1345, %parallel_loop3A_1349 : vector<16xf32>
      %parallel_loop3A_1355 = arith.maximumf %parallel_loop3A_1347, %parallel_loop3A_1351 : vector<16xf32>
      %parallel_loop3A_1356 = arith.minimumf %parallel_loop3A_1347, %parallel_loop3A_1351 : vector<16xf32>
      %parallel_loop3A_1357 = arith.maximumf %parallel_loop3A_1346, %parallel_loop3A_1350 : vector<16xf32>
      %parallel_loop3A_1358 = arith.minimumf %parallel_loop3A_1346, %parallel_loop3A_1350 : vector<16xf32>
      %parallel_loop3A_1359 = arith.maximumf %parallel_loop3A_1348, %parallel_loop3A_1352 : vector<16xf32>
      %parallel_loop3A_1360 = arith.minimumf %parallel_loop3A_1348, %parallel_loop3A_1352 : vector<16xf32>
      %parallel_loop3A_1361 = arith.maximumf %parallel_loop3A_1353, %parallel_loop3A_1355 : vector<16xf32>
      %parallel_loop3A_1362 = arith.minimumf %parallel_loop3A_1353, %parallel_loop3A_1355 : vector<16xf32>
      %parallel_loop3A_1363 = arith.maximumf %parallel_loop3A_1354, %parallel_loop3A_1356 : vector<16xf32>
      %parallel_loop3A_1364 = arith.minimumf %parallel_loop3A_1354, %parallel_loop3A_1356 : vector<16xf32>
      %parallel_loop3A_1365 = arith.maximumf %parallel_loop3A_1357, %parallel_loop3A_1359 : vector<16xf32>
      %parallel_loop3A_1366 = arith.minimumf %parallel_loop3A_1357, %parallel_loop3A_1359 : vector<16xf32>
      %parallel_loop3A_1367 = arith.maximumf %parallel_loop3A_1358, %parallel_loop3A_1360 : vector<16xf32>
      %parallel_loop3A_1368 = arith.minimumf %parallel_loop3A_1358, %parallel_loop3A_1360 : vector<16xf32>
      %parallel_loop3A_1369 = tpu.iota {dimensions = array<i32: 0>} : vector<16xi32>
      %parallel_loop3A_1370 = vector.broadcast %parallel_loop3A_72 : i32 to vector<16xi32>
      %parallel_loop3A_1371 = arith.addi %parallel_loop3A_1369, %parallel_loop3A_1370 : vector<16xi32>
      %parallel_loop3A_1372 = vector.bitcast %parallel_loop3A_1361 : vector<16xf32> to vector<16xi32>
      %parallel_loop3A_1373 = arith.constant 63 : i32
      %parallel_loop3A_1374 = vector.broadcast %parallel_loop3A_1373 : i32 to vector<16xi32>
      %parallel_loop3A_1375 = arith.andi %parallel_loop3A_1372, %parallel_loop3A_1374 : vector<16xi32>
      %parallel_loop3A_1376 = arith.constant 63 : i32
      %parallel_loop3A_1377 = vector.broadcast %parallel_loop3A_1376 : i32 to vector<16xi32>
      %parallel_loop3A_1378 = arith.subi %parallel_loop3A_1377, %parallel_loop3A_1375 : vector<16xi32>
      %parallel_loop3A_1379 = tpu.vector_load_idx %arg6[%parallel_loop3A_1378, %parallel_loop3A_1371] : memref<64x1024xf32, #tpu.memory_space<vmem>>[vector<16xi32>, vector<16xi32>], vector<16xf32>,
      %parallel_loop3A_1380 = vector.bitcast %parallel_loop3A_1362 : vector<16xf32> to vector<16xi32>
      %parallel_loop3A_1381 = arith.constant 63 : i32
      %parallel_loop3A_1382 = vector.broadcast %parallel_loop3A_1381 : i32 to vector<16xi32>
      %parallel_loop3A_1383 = arith.andi %parallel_loop3A_1380, %parallel_loop3A_1382 : vector<16xi32>
      %parallel_loop3A_1384 = arith.constant 63 : i32
      %parallel_loop3A_1385 = vector.broadcast %parallel_loop3A_1384 : i32 to vector<16xi32>
      %parallel_loop3A_1386 = arith.subi %parallel_loop3A_1385, %parallel_loop3A_1383 : vector<16xi32>
      %parallel_loop3A_1387 = tpu.vector_load_idx %arg6[%parallel_loop3A_1386, %parallel_loop3A_1371] : memref<64x1024xf32, #tpu.memory_space<vmem>>[vector<16xi32>, vector<16xi32>], vector<16xf32>,
      %parallel_loop3A_1388 = vector.bitcast %parallel_loop3A_1363 : vector<16xf32> to vector<16xi32>
      %parallel_loop3A_1389 = arith.constant 63 : i32
      %parallel_loop3A_1390 = vector.broadcast %parallel_loop3A_1389 : i32 to vector<16xi32>
      %parallel_loop3A_1391 = arith.andi %parallel_loop3A_1388, %parallel_loop3A_1390 : vector<16xi32>
      %parallel_loop3A_1392 = arith.constant 63 : i32
      %parallel_loop3A_1393 = vector.broadcast %parallel_loop3A_1392 : i32 to vector<16xi32>
      %parallel_loop3A_1394 = arith.subi %parallel_loop3A_1393, %parallel_loop3A_1391 : vector<16xi32>
      %parallel_loop3A_1395 = tpu.vector_load_idx %arg6[%parallel_loop3A_1394, %parallel_loop3A_1371] : memref<64x1024xf32, #tpu.memory_space<vmem>>[vector<16xi32>, vector<16xi32>], vector<16xf32>,
      %parallel_loop3A_1396 = vector.bitcast %parallel_loop3A_1364 : vector<16xf32> to vector<16xi32>
      %parallel_loop3A_1397 = arith.constant 63 : i32
      %parallel_loop3A_1398 = vector.broadcast %parallel_loop3A_1397 : i32 to vector<16xi32>
      %parallel_loop3A_1399 = arith.andi %parallel_loop3A_1396, %parallel_loop3A_1398 : vector<16xi32>
      %parallel_loop3A_1400 = arith.constant 63 : i32
      %parallel_loop3A_1401 = vector.broadcast %parallel_loop3A_1400 : i32 to vector<16xi32>
      %parallel_loop3A_1402 = arith.subi %parallel_loop3A_1401, %parallel_loop3A_1399 : vector<16xi32>
      %parallel_loop3A_1403 = tpu.vector_load_idx %arg6[%parallel_loop3A_1402, %parallel_loop3A_1371] : memref<64x1024xf32, #tpu.memory_space<vmem>>[vector<16xi32>, vector<16xi32>], vector<16xf32>,
      %parallel_loop3A_1404 = vector.bitcast %parallel_loop3A_1365 : vector<16xf32> to vector<16xi32>
      %parallel_loop3A_1405 = arith.constant 63 : i32
      %parallel_loop3A_1406 = vector.broadcast %parallel_loop3A_1405 : i32 to vector<16xi32>
      %parallel_loop3A_1407 = arith.andi %parallel_loop3A_1404, %parallel_loop3A_1406 : vector<16xi32>
      %parallel_loop3A_1408 = arith.constant 63 : i32
      %parallel_loop3A_1409 = vector.broadcast %parallel_loop3A_1408 : i32 to vector<16xi32>
      %parallel_loop3A_1410 = arith.subi %parallel_loop3A_1409, %parallel_loop3A_1407 : vector<16xi32>
      %parallel_loop3A_1411 = tpu.vector_load_idx %arg6[%parallel_loop3A_1410, %parallel_loop3A_1371] : memref<64x1024xf32, #tpu.memory_space<vmem>>[vector<16xi32>, vector<16xi32>], vector<16xf32>,
      %parallel_loop3A_1412 = vector.bitcast %parallel_loop3A_1366 : vector<16xf32> to vector<16xi32>
      %parallel_loop3A_1413 = arith.constant 63 : i32
      %parallel_loop3A_1414 = vector.broadcast %parallel_loop3A_1413 : i32 to vector<16xi32>
      %parallel_loop3A_1415 = arith.andi %parallel_loop3A_1412, %parallel_loop3A_1414 : vector<16xi32>
      %parallel_loop3A_1416 = arith.constant 63 : i32
      %parallel_loop3A_1417 = vector.broadcast %parallel_loop3A_1416 : i32 to vector<16xi32>
      %parallel_loop3A_1418 = arith.subi %parallel_loop3A_1417, %parallel_loop3A_1415 : vector<16xi32>
      %parallel_loop3A_1419 = tpu.vector_load_idx %arg6[%parallel_loop3A_1418, %parallel_loop3A_1371] : memref<64x1024xf32, #tpu.memory_space<vmem>>[vector<16xi32>, vector<16xi32>], vector<16xf32>,
      %parallel_loop3A_1420 = vector.bitcast %parallel_loop3A_1367 : vector<16xf32> to vector<16xi32>
      %parallel_loop3A_1421 = arith.constant 63 : i32
      %parallel_loop3A_1422 = vector.broadcast %parallel_loop3A_1421 : i32 to vector<16xi32>
      %parallel_loop3A_1423 = arith.andi %parallel_loop3A_1420, %parallel_loop3A_1422 : vector<16xi32>
      %parallel_loop3A_1424 = arith.constant 63 : i32
      %parallel_loop3A_1425 = vector.broadcast %parallel_loop3A_1424 : i32 to vector<16xi32>
      %parallel_loop3A_1426 = arith.subi %parallel_loop3A_1425, %parallel_loop3A_1423 : vector<16xi32>
      %parallel_loop3A_1427 = tpu.vector_load_idx %arg6[%parallel_loop3A_1426, %parallel_loop3A_1371] : memref<64x1024xf32, #tpu.memory_space<vmem>>[vector<16xi32>, vector<16xi32>], vector<16xf32>,
      %parallel_loop3A_1428 = vector.bitcast %parallel_loop3A_1368 : vector<16xf32> to vector<16xi32>
      %parallel_loop3A_1429 = arith.constant 63 : i32
      %parallel_loop3A_1430 = vector.broadcast %parallel_loop3A_1429 : i32 to vector<16xi32>
      %parallel_loop3A_1431 = arith.andi %parallel_loop3A_1428, %parallel_loop3A_1430 : vector<16xi32>
      %parallel_loop3A_1432 = arith.constant 63 : i32
      %parallel_loop3A_1433 = vector.broadcast %parallel_loop3A_1432 : i32 to vector<16xi32>
      %parallel_loop3A_1434 = arith.subi %parallel_loop3A_1433, %parallel_loop3A_1431 : vector<16xi32>
      %parallel_loop3A_1435 = tpu.vector_load_idx %arg6[%parallel_loop3A_1434, %parallel_loop3A_1371] : memref<64x1024xf32, #tpu.memory_space<vmem>>[vector<16xi32>, vector<16xi32>], vector<16xf32>,
      %parallel_loop3A_1436 = arith.cmpf olt, %parallel_loop3A_1379, %parallel_loop3A_1387 : vector<16xf32>
      %parallel_loop3A_1437 = arith.select %parallel_loop3A_1436, %parallel_loop3A_1387, %parallel_loop3A_1379 : vector<16xi1>, vector<16xf32>
      %parallel_loop3A_1438 = arith.select %parallel_loop3A_1436, %parallel_loop3A_1379, %parallel_loop3A_1387 : vector<16xi1>, vector<16xf32>
      %parallel_loop3A_1439 = arith.select %parallel_loop3A_1436, %parallel_loop3A_1386, %parallel_loop3A_1378 : vector<16xi1>, vector<16xi32>
      %parallel_loop3A_1440 = arith.select %parallel_loop3A_1436, %parallel_loop3A_1378, %parallel_loop3A_1386 : vector<16xi1>, vector<16xi32>
      %parallel_loop3A_1441 = arith.cmpf olt, %parallel_loop3A_1395, %parallel_loop3A_1403 : vector<16xf32>
      %parallel_loop3A_1442 = arith.select %parallel_loop3A_1441, %parallel_loop3A_1403, %parallel_loop3A_1395 : vector<16xi1>, vector<16xf32>
      %parallel_loop3A_1443 = arith.select %parallel_loop3A_1441, %parallel_loop3A_1395, %parallel_loop3A_1403 : vector<16xi1>, vector<16xf32>
      %parallel_loop3A_1444 = arith.select %parallel_loop3A_1441, %parallel_loop3A_1402, %parallel_loop3A_1394 : vector<16xi1>, vector<16xi32>
      %parallel_loop3A_1445 = arith.select %parallel_loop3A_1441, %parallel_loop3A_1394, %parallel_loop3A_1402 : vector<16xi1>, vector<16xi32>
      %parallel_loop3A_1446 = arith.cmpf olt, %parallel_loop3A_1411, %parallel_loop3A_1419 : vector<16xf32>
      %parallel_loop3A_1447 = arith.select %parallel_loop3A_1446, %parallel_loop3A_1419, %parallel_loop3A_1411 : vector<16xi1>, vector<16xf32>
      %parallel_loop3A_1448 = arith.select %parallel_loop3A_1446, %parallel_loop3A_1411, %parallel_loop3A_1419 : vector<16xi1>, vector<16xf32>
      %parallel_loop3A_1449 = arith.select %parallel_loop3A_1446, %parallel_loop3A_1418, %parallel_loop3A_1410 : vector<16xi1>, vector<16xi32>
      %parallel_loop3A_1450 = arith.select %parallel_loop3A_1446, %parallel_loop3A_1410, %parallel_loop3A_1418 : vector<16xi1>, vector<16xi32>
      %parallel_loop3A_1451 = arith.cmpf olt, %parallel_loop3A_1427, %parallel_loop3A_1435 : vector<16xf32>
      %parallel_loop3A_1452 = arith.select %parallel_loop3A_1451, %parallel_loop3A_1435, %parallel_loop3A_1427 : vector<16xi1>, vector<16xf32>
      %parallel_loop3A_1453 = arith.select %parallel_loop3A_1451, %parallel_loop3A_1427, %parallel_loop3A_1435 : vector<16xi1>, vector<16xf32>
      %parallel_loop3A_1454 = arith.select %parallel_loop3A_1451, %parallel_loop3A_1434, %parallel_loop3A_1426 : vector<16xi1>, vector<16xi32>
      %parallel_loop3A_1455 = arith.select %parallel_loop3A_1451, %parallel_loop3A_1426, %parallel_loop3A_1434 : vector<16xi1>, vector<16xi32>
      %parallel_loop3A_1456 = arith.cmpf olt, %parallel_loop3A_1438, %parallel_loop3A_1442 : vector<16xf32>
      %parallel_loop3A_1457 = arith.select %parallel_loop3A_1456, %parallel_loop3A_1442, %parallel_loop3A_1438 : vector<16xi1>, vector<16xf32>
      %parallel_loop3A_1458 = arith.select %parallel_loop3A_1456, %parallel_loop3A_1438, %parallel_loop3A_1442 : vector<16xi1>, vector<16xf32>
      %parallel_loop3A_1459 = arith.select %parallel_loop3A_1456, %parallel_loop3A_1444, %parallel_loop3A_1440 : vector<16xi1>, vector<16xi32>
      %parallel_loop3A_1460 = arith.select %parallel_loop3A_1456, %parallel_loop3A_1440, %parallel_loop3A_1444 : vector<16xi1>, vector<16xi32>
      %parallel_loop3A_1461 = arith.cmpf olt, %parallel_loop3A_1443, %parallel_loop3A_1447 : vector<16xf32>
      %parallel_loop3A_1462 = arith.select %parallel_loop3A_1461, %parallel_loop3A_1447, %parallel_loop3A_1443 : vector<16xi1>, vector<16xf32>
      %parallel_loop3A_1463 = arith.select %parallel_loop3A_1461, %parallel_loop3A_1443, %parallel_loop3A_1447 : vector<16xi1>, vector<16xf32>
      %parallel_loop3A_1464 = arith.select %parallel_loop3A_1461, %parallel_loop3A_1449, %parallel_loop3A_1445 : vector<16xi1>, vector<16xi32>
      %parallel_loop3A_1465 = arith.select %parallel_loop3A_1461, %parallel_loop3A_1445, %parallel_loop3A_1449 : vector<16xi1>, vector<16xi32>
      %parallel_loop3A_1466 = arith.cmpf olt, %parallel_loop3A_1448, %parallel_loop3A_1452 : vector<16xf32>
      %parallel_loop3A_1467 = arith.select %parallel_loop3A_1466, %parallel_loop3A_1452, %parallel_loop3A_1448 : vector<16xi1>, vector<16xf32>
      %parallel_loop3A_1468 = arith.select %parallel_loop3A_1466, %parallel_loop3A_1448, %parallel_loop3A_1452 : vector<16xi1>, vector<16xf32>
      %parallel_loop3A_1469 = arith.select %parallel_loop3A_1466, %parallel_loop3A_1454, %parallel_loop3A_1450 : vector<16xi1>, vector<16xi32>
      %parallel_loop3A_1470 = arith.select %parallel_loop3A_1466, %parallel_loop3A_1450, %parallel_loop3A_1454 : vector<16xi1>, vector<16xi32>
      %parallel_loop3A_1471 = arith.cmpf olt, %parallel_loop3A_1437, %parallel_loop3A_1457 : vector<16xf32>
      %parallel_loop3A_1472 = arith.select %parallel_loop3A_1471, %parallel_loop3A_1457, %parallel_loop3A_1437 : vector<16xi1>, vector<16xf32>
      %parallel_loop3A_1473 = arith.select %parallel_loop3A_1471, %parallel_loop3A_1437, %parallel_loop3A_1457 : vector<16xi1>, vector<16xf32>
      %parallel_loop3A_1474 = arith.select %parallel_loop3A_1471, %parallel_loop3A_1459, %parallel_loop3A_1439 : vector<16xi1>, vector<16xi32>
      %parallel_loop3A_1475 = arith.select %parallel_loop3A_1471, %parallel_loop3A_1439, %parallel_loop3A_1459 : vector<16xi1>, vector<16xi32>
      %parallel_loop3A_1476 = arith.cmpf olt, %parallel_loop3A_1458, %parallel_loop3A_1462 : vector<16xf32>
      %parallel_loop3A_1477 = arith.select %parallel_loop3A_1476, %parallel_loop3A_1462, %parallel_loop3A_1458 : vector<16xi1>, vector<16xf32>
      %parallel_loop3A_1478 = arith.select %parallel_loop3A_1476, %parallel_loop3A_1458, %parallel_loop3A_1462 : vector<16xi1>, vector<16xf32>
      %parallel_loop3A_1479 = arith.select %parallel_loop3A_1476, %parallel_loop3A_1464, %parallel_loop3A_1460 : vector<16xi1>, vector<16xi32>
      %parallel_loop3A_1480 = arith.select %parallel_loop3A_1476, %parallel_loop3A_1460, %parallel_loop3A_1464 : vector<16xi1>, vector<16xi32>
      %parallel_loop3A_1481 = arith.cmpf olt, %parallel_loop3A_1463, %parallel_loop3A_1467 : vector<16xf32>
      %parallel_loop3A_1482 = arith.select %parallel_loop3A_1481, %parallel_loop3A_1467, %parallel_loop3A_1463 : vector<16xi1>, vector<16xf32>
      %parallel_loop3A_1483 = arith.select %parallel_loop3A_1481, %parallel_loop3A_1463, %parallel_loop3A_1467 : vector<16xi1>, vector<16xf32>
      %parallel_loop3A_1484 = arith.select %parallel_loop3A_1481, %parallel_loop3A_1469, %parallel_loop3A_1465 : vector<16xi1>, vector<16xi32>
      %parallel_loop3A_1485 = arith.select %parallel_loop3A_1481, %parallel_loop3A_1465, %parallel_loop3A_1469 : vector<16xi1>, vector<16xi32>
      %parallel_loop3A_1486 = arith.cmpf olt, %parallel_loop3A_1468, %parallel_loop3A_1453 : vector<16xf32>
      %parallel_loop3A_1487 = arith.select %parallel_loop3A_1486, %parallel_loop3A_1453, %parallel_loop3A_1468 : vector<16xi1>, vector<16xf32>
      %parallel_loop3A_1488 = arith.select %parallel_loop3A_1486, %parallel_loop3A_1468, %parallel_loop3A_1453 : vector<16xi1>, vector<16xf32>
      %parallel_loop3A_1489 = arith.select %parallel_loop3A_1486, %parallel_loop3A_1455, %parallel_loop3A_1470 : vector<16xi1>, vector<16xi32>
      %parallel_loop3A_1490 = arith.select %parallel_loop3A_1486, %parallel_loop3A_1470, %parallel_loop3A_1455 : vector<16xi1>, vector<16xi32>
      %parallel_loop3A_1491 = arith.subf %parallel_loop3A_1473, %parallel_loop3A_1472 : vector<16xf32>
      %parallel_loop3A_1492 = math.exp %parallel_loop3A_1491 : vector<16xf32>
      %parallel_loop3A_1493 = arith.subf %parallel_loop3A_1477, %parallel_loop3A_1472 : vector<16xf32>
      %parallel_loop3A_1494 = math.exp %parallel_loop3A_1493 : vector<16xf32>
      %parallel_loop3A_1495 = arith.subf %parallel_loop3A_1478, %parallel_loop3A_1472 : vector<16xf32>
      %parallel_loop3A_1496 = math.exp %parallel_loop3A_1495 : vector<16xf32>
      %parallel_loop3A_1497 = arith.subf %parallel_loop3A_1482, %parallel_loop3A_1472 : vector<16xf32>
      %parallel_loop3A_1498 = math.exp %parallel_loop3A_1497 : vector<16xf32>
      %parallel_loop3A_1499 = arith.subf %parallel_loop3A_1483, %parallel_loop3A_1472 : vector<16xf32>
      %parallel_loop3A_1500 = math.exp %parallel_loop3A_1499 : vector<16xf32>
      %parallel_loop3A_1501 = arith.subf %parallel_loop3A_1487, %parallel_loop3A_1472 : vector<16xf32>
      %parallel_loop3A_1502 = math.exp %parallel_loop3A_1501 : vector<16xf32>
      %parallel_loop3A_1503 = arith.subf %parallel_loop3A_1488, %parallel_loop3A_1472 : vector<16xf32>
      %parallel_loop3A_1504 = math.exp %parallel_loop3A_1503 : vector<16xf32>
      %parallel_loop3A_1505 = arith.addf %parallel_loop3A_1492, %parallel_loop3A_1494 : vector<16xf32>
      %parallel_loop3A_1506 = arith.addf %parallel_loop3A_1505, %parallel_loop3A_1496 : vector<16xf32>
      %parallel_loop3A_1507 = arith.addf %parallel_loop3A_1506, %parallel_loop3A_1498 : vector<16xf32>
      %parallel_loop3A_1508 = arith.addf %parallel_loop3A_1507, %parallel_loop3A_1500 : vector<16xf32>
      %parallel_loop3A_1509 = arith.addf %parallel_loop3A_1508, %parallel_loop3A_1502 : vector<16xf32>
      %parallel_loop3A_1510 = arith.addf %parallel_loop3A_1509, %parallel_loop3A_1504 : vector<16xf32>
      %parallel_loop3A_1511 = arith.constant 1.000000e+00 : f32
      %parallel_loop3A_1512 = vector.broadcast %parallel_loop3A_1511 : f32 to vector<16xf32>
      %parallel_loop3A_1513 = arith.addf %parallel_loop3A_1510, %parallel_loop3A_1512 : vector<16xf32>
      %parallel_loop3A_1514 = arith.constant 1.000000e+00 : f32
      %parallel_loop3A_1515 = vector.broadcast %parallel_loop3A_1514 : f32 to vector<16xf32>
      %parallel_loop3A_1516 = arith.divf %parallel_loop3A_1515, %parallel_loop3A_1513 : vector<16xf32>
      %parallel_loop3A_1517 = arith.constant 0 : i32
      %parallel_loop3A_1518 = arith.index_cast %parallel_loop3A_1517 : i32 to index
      %parallel_loop3A_1519 = arith.index_cast %parallel_loop3A_72 : i32 to index
      %parallel_loop3A_1520 = tpu.vector_load %arg7[%parallel_loop3A_1518, %parallel_loop3A_1519] {strides = array<i32>} : memref<8x1024xf32, #tpu.memory_space<vmem>>, vector<16xf32>,
      tpu.vector_store %arg7[%parallel_loop3A_1518, %parallel_loop3A_1519], %parallel_loop3A_1516 {strides = array<i32>} : memref<8x1024xf32, #tpu.memory_space<vmem>>, vector<16xf32>,
      %parallel_loop3A_1521 = arith.mulf %parallel_loop3A_1492, %parallel_loop3A_1516 : vector<16xf32>
      %parallel_loop3A_1522 = arith.constant 1 : i32
      %parallel_loop3A_1523 = arith.index_cast %parallel_loop3A_1522 : i32 to index
      %parallel_loop3A_1524 = arith.index_cast %parallel_loop3A_72 : i32 to index
      %parallel_loop3A_1525 = tpu.vector_load %arg7[%parallel_loop3A_1523, %parallel_loop3A_1524] {strides = array<i32>} : memref<8x1024xf32, #tpu.memory_space<vmem>>, vector<16xf32>,
      tpu.vector_store %arg7[%parallel_loop3A_1523, %parallel_loop3A_1524], %parallel_loop3A_1521 {strides = array<i32>} : memref<8x1024xf32, #tpu.memory_space<vmem>>, vector<16xf32>,
      %parallel_loop3A_1526 = arith.mulf %parallel_loop3A_1494, %parallel_loop3A_1516 : vector<16xf32>
      %parallel_loop3A_1527 = arith.constant 2 : i32
      %parallel_loop3A_1528 = arith.index_cast %parallel_loop3A_1527 : i32 to index
      %parallel_loop3A_1529 = arith.index_cast %parallel_loop3A_72 : i32 to index
      %parallel_loop3A_1530 = tpu.vector_load %arg7[%parallel_loop3A_1528, %parallel_loop3A_1529] {strides = array<i32>} : memref<8x1024xf32, #tpu.memory_space<vmem>>, vector<16xf32>,
      tpu.vector_store %arg7[%parallel_loop3A_1528, %parallel_loop3A_1529], %parallel_loop3A_1526 {strides = array<i32>} : memref<8x1024xf32, #tpu.memory_space<vmem>>, vector<16xf32>,
      %parallel_loop3A_1531 = arith.mulf %parallel_loop3A_1496, %parallel_loop3A_1516 : vector<16xf32>
      %parallel_loop3A_1532 = arith.constant 3 : i32
      %parallel_loop3A_1533 = arith.index_cast %parallel_loop3A_1532 : i32 to index
      %parallel_loop3A_1534 = arith.index_cast %parallel_loop3A_72 : i32 to index
      %parallel_loop3A_1535 = tpu.vector_load %arg7[%parallel_loop3A_1533, %parallel_loop3A_1534] {strides = array<i32>} : memref<8x1024xf32, #tpu.memory_space<vmem>>, vector<16xf32>,
      tpu.vector_store %arg7[%parallel_loop3A_1533, %parallel_loop3A_1534], %parallel_loop3A_1531 {strides = array<i32>} : memref<8x1024xf32, #tpu.memory_space<vmem>>, vector<16xf32>,
      %parallel_loop3A_1536 = arith.mulf %parallel_loop3A_1498, %parallel_loop3A_1516 : vector<16xf32>
      %parallel_loop3A_1537 = arith.constant 4 : i32
      %parallel_loop3A_1538 = arith.index_cast %parallel_loop3A_1537 : i32 to index
      %parallel_loop3A_1539 = arith.index_cast %parallel_loop3A_72 : i32 to index
      %parallel_loop3A_1540 = tpu.vector_load %arg7[%parallel_loop3A_1538, %parallel_loop3A_1539] {strides = array<i32>} : memref<8x1024xf32, #tpu.memory_space<vmem>>, vector<16xf32>,
      tpu.vector_store %arg7[%parallel_loop3A_1538, %parallel_loop3A_1539], %parallel_loop3A_1536 {strides = array<i32>} : memref<8x1024xf32, #tpu.memory_space<vmem>>, vector<16xf32>,
      %parallel_loop3A_1541 = arith.mulf %parallel_loop3A_1500, %parallel_loop3A_1516 : vector<16xf32>
      %parallel_loop3A_1542 = arith.constant 5 : i32
      %parallel_loop3A_1543 = arith.index_cast %parallel_loop3A_1542 : i32 to index
      %parallel_loop3A_1544 = arith.index_cast %parallel_loop3A_72 : i32 to index
      %parallel_loop3A_1545 = tpu.vector_load %arg7[%parallel_loop3A_1543, %parallel_loop3A_1544] {strides = array<i32>} : memref<8x1024xf32, #tpu.memory_space<vmem>>, vector<16xf32>,
      tpu.vector_store %arg7[%parallel_loop3A_1543, %parallel_loop3A_1544], %parallel_loop3A_1541 {strides = array<i32>} : memref<8x1024xf32, #tpu.memory_space<vmem>>, vector<16xf32>,
      %parallel_loop3A_1546 = arith.mulf %parallel_loop3A_1502, %parallel_loop3A_1516 : vector<16xf32>
      %parallel_loop3A_1547 = arith.constant 6 : i32
      %parallel_loop3A_1548 = arith.index_cast %parallel_loop3A_1547 : i32 to index
      %parallel_loop3A_1549 = arith.index_cast %parallel_loop3A_72 : i32 to index
      %parallel_loop3A_1550 = tpu.vector_load %arg7[%parallel_loop3A_1548, %parallel_loop3A_1549] {strides = array<i32>} : memref<8x1024xf32, #tpu.memory_space<vmem>>, vector<16xf32>,
      tpu.vector_store %arg7[%parallel_loop3A_1548, %parallel_loop3A_1549], %parallel_loop3A_1546 {strides = array<i32>} : memref<8x1024xf32, #tpu.memory_space<vmem>>, vector<16xf32>,
      %parallel_loop3A_1551 = arith.mulf %parallel_loop3A_1504, %parallel_loop3A_1516 : vector<16xf32>
      %parallel_loop3A_1552 = arith.constant 7 : i32
      %parallel_loop3A_1553 = arith.index_cast %parallel_loop3A_1552 : i32 to index
      %parallel_loop3A_1554 = arith.index_cast %parallel_loop3A_72 : i32 to index
      %parallel_loop3A_1555 = tpu.vector_load %arg7[%parallel_loop3A_1553, %parallel_loop3A_1554] {strides = array<i32>} : memref<8x1024xf32, #tpu.memory_space<vmem>>, vector<16xf32>,
      tpu.vector_store %arg7[%parallel_loop3A_1553, %parallel_loop3A_1554], %parallel_loop3A_1551 {strides = array<i32>} : memref<8x1024xf32, #tpu.memory_space<vmem>>, vector<16xf32>,
      %parallel_loop3A_1556 = arith.constant 0 : i32
      %parallel_loop3A_1557 = arith.index_cast %parallel_loop3A_1556 : i32 to index
      %parallel_loop3A_1558 = arith.index_cast %parallel_loop3A_72 : i32 to index
      %parallel_loop3A_1559 = tpu.vector_load %arg8[%parallel_loop3A_1557, %parallel_loop3A_1558] {strides = array<i32>} : memref<8x1024xi32, #tpu.memory_space<vmem>>, vector<16xi32>,
      tpu.vector_store %arg8[%parallel_loop3A_1557, %parallel_loop3A_1558], %parallel_loop3A_1474 {strides = array<i32>} : memref<8x1024xi32, #tpu.memory_space<vmem>>, vector<16xi32>,
      %parallel_loop3A_1560 = arith.constant 1 : i32
      %parallel_loop3A_1561 = arith.index_cast %parallel_loop3A_1560 : i32 to index
      %parallel_loop3A_1562 = arith.index_cast %parallel_loop3A_72 : i32 to index
      %parallel_loop3A_1563 = tpu.vector_load %arg8[%parallel_loop3A_1561, %parallel_loop3A_1562] {strides = array<i32>} : memref<8x1024xi32, #tpu.memory_space<vmem>>, vector<16xi32>,
      tpu.vector_store %arg8[%parallel_loop3A_1561, %parallel_loop3A_1562], %parallel_loop3A_1475 {strides = array<i32>} : memref<8x1024xi32, #tpu.memory_space<vmem>>, vector<16xi32>,
      %parallel_loop3A_1564 = arith.constant 2 : i32
      %parallel_loop3A_1565 = arith.index_cast %parallel_loop3A_1564 : i32 to index
      %parallel_loop3A_1566 = arith.index_cast %parallel_loop3A_72 : i32 to index
      %parallel_loop3A_1567 = tpu.vector_load %arg8[%parallel_loop3A_1565, %parallel_loop3A_1566] {strides = array<i32>} : memref<8x1024xi32, #tpu.memory_space<vmem>>, vector<16xi32>,
      tpu.vector_store %arg8[%parallel_loop3A_1565, %parallel_loop3A_1566], %parallel_loop3A_1479 {strides = array<i32>} : memref<8x1024xi32, #tpu.memory_space<vmem>>, vector<16xi32>,
      %parallel_loop3A_1568 = arith.constant 3 : i32
      %parallel_loop3A_1569 = arith.index_cast %parallel_loop3A_1568 : i32 to index
      %parallel_loop3A_1570 = arith.index_cast %parallel_loop3A_72 : i32 to index
      %parallel_loop3A_1571 = tpu.vector_load %arg8[%parallel_loop3A_1569, %parallel_loop3A_1570] {strides = array<i32>} : memref<8x1024xi32, #tpu.memory_space<vmem>>, vector<16xi32>,
      tpu.vector_store %arg8[%parallel_loop3A_1569, %parallel_loop3A_1570], %parallel_loop3A_1480 {strides = array<i32>} : memref<8x1024xi32, #tpu.memory_space<vmem>>, vector<16xi32>,
      %parallel_loop3A_1572 = arith.constant 4 : i32
      %parallel_loop3A_1573 = arith.index_cast %parallel_loop3A_1572 : i32 to index
      %parallel_loop3A_1574 = arith.index_cast %parallel_loop3A_72 : i32 to index
      %parallel_loop3A_1575 = tpu.vector_load %arg8[%parallel_loop3A_1573, %parallel_loop3A_1574] {strides = array<i32>} : memref<8x1024xi32, #tpu.memory_space<vmem>>, vector<16xi32>,
      tpu.vector_store %arg8[%parallel_loop3A_1573, %parallel_loop3A_1574], %parallel_loop3A_1484 {strides = array<i32>} : memref<8x1024xi32, #tpu.memory_space<vmem>>, vector<16xi32>,
      %parallel_loop3A_1576 = arith.constant 5 : i32
      %parallel_loop3A_1577 = arith.index_cast %parallel_loop3A_1576 : i32 to index
      %parallel_loop3A_1578 = arith.index_cast %parallel_loop3A_72 : i32 to index
      %parallel_loop3A_1579 = tpu.vector_load %arg8[%parallel_loop3A_1577, %parallel_loop3A_1578] {strides = array<i32>} : memref<8x1024xi32, #tpu.memory_space<vmem>>, vector<16xi32>,
      tpu.vector_store %arg8[%parallel_loop3A_1577, %parallel_loop3A_1578], %parallel_loop3A_1485 {strides = array<i32>} : memref<8x1024xi32, #tpu.memory_space<vmem>>, vector<16xi32>,
      %parallel_loop3A_1580 = arith.constant 6 : i32
      %parallel_loop3A_1581 = arith.index_cast %parallel_loop3A_1580 : i32 to index
      %parallel_loop3A_1582 = arith.index_cast %parallel_loop3A_72 : i32 to index
      %parallel_loop3A_1583 = tpu.vector_load %arg8[%parallel_loop3A_1581, %parallel_loop3A_1582] {strides = array<i32>} : memref<8x1024xi32, #tpu.memory_space<vmem>>, vector<16xi32>,
      tpu.vector_store %arg8[%parallel_loop3A_1581, %parallel_loop3A_1582], %parallel_loop3A_1489 {strides = array<i32>} : memref<8x1024xi32, #tpu.memory_space<vmem>>, vector<16xi32>,
      %parallel_loop3A_1584 = arith.constant 7 : i32
      %parallel_loop3A_1585 = arith.index_cast %parallel_loop3A_1584 : i32 to index
      %parallel_loop3A_1586 = arith.index_cast %parallel_loop3A_72 : i32 to index
      %parallel_loop3A_1587 = tpu.vector_load %arg8[%parallel_loop3A_1585, %parallel_loop3A_1586] {strides = array<i32>} : memref<8x1024xi32, #tpu.memory_space<vmem>>, vector<16xi32>,
      tpu.vector_store %arg8[%parallel_loop3A_1585, %parallel_loop3A_1586], %parallel_loop3A_1490 {strides = array<i32>} : memref<8x1024xi32, #tpu.memory_space<vmem>>, vector<16xi32>,
    } {sc.loop_unroll_factor = 2 : i64, sc.parallel_access}
    %dma_wait3A = arith.constant 0 : i32
    %dma_wait3A_26 = arith.constant 512 : i32
    %dma_wait3A_27 = tpu.memref_slice %arg6[%dma_wait3A, %dma_wait3A_26] : memref<64x1024xf32, #tpu.memory_space<vmem>> -> memref<64x512xf32, #tpu.memory_space<vmem>>
    %dma_wait3A_28 = arith.constant 0 : i32
    %dma_wait3A_29 = tpu.memref_slice %arg2[%dma_wait3A_28, %add3A_4] : memref<64x32768xf32, #tpu.memory_space<hbm>> -> memref<64x512xf32, #tpu.memory_space<hbm>>
    %dma_wait3A_30 = arith.constant 0 : i32
    %dma_wait3A_31 = arith.constant 512 : i32
    %dma_wait3A_32 = tpu.memref_slice %arg6[%dma_wait3A_30, %dma_wait3A_31] : memref<64x1024xf32, #tpu.memory_space<vmem>> -> memref<64x512xf32, #tpu.memory_space<vmem>>
    %dma_wait3A_33 = arith.constant 0 : i32
    %dma_wait3A_34 = tpu.memref_slice %arg2[%dma_wait3A_33, %add3A_4] : memref<64x32768xf32, #tpu.memory_space<hbm>> -> memref<64x512xf32, #tpu.memory_space<hbm>>
    tpu.wait_dma2 semaphore(%arg9 : memref<!tpu.dma_semaphore, #tpu.memory_space<semaphore_mem>>) src(%dma_wait3A_34 : memref<64x512xf32, #tpu.memory_space<hbm>>) dst(%dma_wait3A_32 : memref<64x512xf32, #tpu.memory_space<vmem>>)
    %add3A_35 = arith.constant 512 : i32
    %add3A_36 = arith.addi %mul3A_2, %add3A_35 : i32
    %dma_start3A_37 = arith.constant 0 : i32
    %dma_start3A_38 = arith.constant 512 : i32
    %dma_start3A_39 = tpu.memref_slice %arg6[%dma_start3A_37, %dma_start3A_38] : memref<64x1024xf32, #tpu.memory_space<vmem>> -> memref<64x512xf32, #tpu.memory_space<vmem>>
    %dma_start3A_40 = arith.constant 0 : i32
    %dma_start3A_41 = tpu.memref_slice %arg5[%dma_start3A_40, %add3A_36] : memref<64x32768xf32, #tpu.memory_space<hbm>> -> memref<64x512xf32, #tpu.memory_space<hbm>>
    %dma_start3A_42 = arith.constant 0 : i32
    %dma_start3A_43 = tpu.memref_slice %arg5[%dma_start3A_42, %add3A_36] : memref<64x32768xf32, #tpu.memory_space<hbm>> -> memref<64x512xf32, #tpu.memory_space<hbm>>
    %dma_start3A_44 = arith.constant 0 : i32
    %dma_start3A_45 = arith.constant 512 : i32
    %dma_start3A_46 = tpu.memref_slice %arg6[%dma_start3A_44, %dma_start3A_45] : memref<64x1024xf32, #tpu.memory_space<vmem>> -> memref<64x512xf32, #tpu.memory_space<vmem>>
    tpu.enqueue_dma source(%dma_start3A_46 : memref<64x512xf32, #tpu.memory_space<vmem>>) target(%dma_start3A_43 : memref<64x512xf32, #tpu.memory_space<hbm>>) target_semaphore(%arg10 : memref<!tpu.dma_semaphore, #tpu.memory_space<semaphore_mem>>)
    %parallel_loop3A_47 = arith.constant 32 : i32
    %parallel_loop3A_48 = arith.constant 64 : i32
    %parallel_loop3A_49 = arith.constant 1 : i32
    scf.for %parallel_loop3A_70 = %parallel_loop3A_47 to %parallel_loop3A_48 step %parallel_loop3A_49  : i32 {
      %parallel_loop3A_71 = arith.constant 16 : i32
      %parallel_loop3A_72 = arith.muli %parallel_loop3A_70, %parallel_loop3A_71 : i32
      %parallel_loop3A_73 = arith.constant 0 : i32
      %parallel_loop3A_74 = arith.index_cast %parallel_loop3A_73 : i32 to index
      %parallel_loop3A_75 = arith.index_cast %parallel_loop3A_72 : i32 to index
      %parallel_loop3A_76 = tpu.vector_load %arg6[%parallel_loop3A_74, %parallel_loop3A_75] {strides = array<i32>} : memref<64x1024xf32, #tpu.memory_space<vmem>>, vector<16xf32>,
      %parallel_loop3A_77 = vector.bitcast %parallel_loop3A_76 : vector<16xf32> to vector<16xi32>
      %parallel_loop3A_78 = arith.constant -64 : i32
      %parallel_loop3A_79 = vector.broadcast %parallel_loop3A_78 : i32 to vector<16xi32>
      %parallel_loop3A_80 = arith.andi %parallel_loop3A_77, %parallel_loop3A_79 : vector<16xi32>
      %parallel_loop3A_81 = arith.constant 63 : i32
      %parallel_loop3A_82 = vector.broadcast %parallel_loop3A_81 : i32 to vector<16xi32>
      %parallel_loop3A_83 = arith.ori %parallel_loop3A_80, %parallel_loop3A_82 : vector<16xi32>
      %parallel_loop3A_84 = vector.bitcast %parallel_loop3A_83 : vector<16xi32> to vector<16xf32>
      %parallel_loop3A_85 = arith.constant 1 : i32
      %parallel_loop3A_86 = arith.index_cast %parallel_loop3A_85 : i32 to index
      %parallel_loop3A_87 = arith.index_cast %parallel_loop3A_72 : i32 to index
      %parallel_loop3A_88 = tpu.vector_load %arg6[%parallel_loop3A_86, %parallel_loop3A_87] {strides = array<i32>} : memref<64x1024xf32, #tpu.memory_space<vmem>>, vector<16xf32>,
      %parallel_loop3A_89 = vector.bitcast %parallel_loop3A_88 : vector<16xf32> to vector<16xi32>
      %parallel_loop3A_90 = arith.constant -64 : i32
      %parallel_loop3A_91 = vector.broadcast %parallel_loop3A_90 : i32 to vector<16xi32>
      %parallel_loop3A_92 = arith.andi %parallel_loop3A_89, %parallel_loop3A_91 : vector<16xi32>
      %parallel_loop3A_93 = arith.constant 62 : i32
      %parallel_loop3A_94 = vector.broadcast %parallel_loop3A_93 : i32 to vector<16xi32>
      %parallel_loop3A_95 = arith.ori %parallel_loop3A_92, %parallel_loop3A_94 : vector<16xi32>
      %parallel_loop3A_96 = vector.bitcast %parallel_loop3A_95 : vector<16xi32> to vector<16xf32>
      %parallel_loop3A_97 = arith.constant 2 : i32
      %parallel_loop3A_98 = arith.index_cast %parallel_loop3A_97 : i32 to index
      %parallel_loop3A_99 = arith.index_cast %parallel_loop3A_72 : i32 to index
      %parallel_loop3A_100 = tpu.vector_load %arg6[%parallel_loop3A_98, %parallel_loop3A_99] {strides = array<i32>} : memref<64x1024xf32, #tpu.memory_space<vmem>>, vector<16xf32>,
      %parallel_loop3A_101 = vector.bitcast %parallel_loop3A_100 : vector<16xf32> to vector<16xi32>
      %parallel_loop3A_102 = arith.constant -64 : i32
      %parallel_loop3A_103 = vector.broadcast %parallel_loop3A_102 : i32 to vector<16xi32>
      %parallel_loop3A_104 = arith.andi %parallel_loop3A_101, %parallel_loop3A_103 : vector<16xi32>
      %parallel_loop3A_105 = arith.constant 61 : i32
      %parallel_loop3A_106 = vector.broadcast %parallel_loop3A_105 : i32 to vector<16xi32>
      %parallel_loop3A_107 = arith.ori %parallel_loop3A_104, %parallel_loop3A_106 : vector<16xi32>
      %parallel_loop3A_108 = vector.bitcast %parallel_loop3A_107 : vector<16xi32> to vector<16xf32>
      %parallel_loop3A_109 = arith.constant 3 : i32
      %parallel_loop3A_110 = arith.index_cast %parallel_loop3A_109 : i32 to index
      %parallel_loop3A_111 = arith.index_cast %parallel_loop3A_72 : i32 to index
      %parallel_loop3A_112 = tpu.vector_load %arg6[%parallel_loop3A_110, %parallel_loop3A_111] {strides = array<i32>} : memref<64x1024xf32, #tpu.memory_space<vmem>>, vector<16xf32>,
      %parallel_loop3A_113 = vector.bitcast %parallel_loop3A_112 : vector<16xf32> to vector<16xi32>
      %parallel_loop3A_114 = arith.constant -64 : i32
      %parallel_loop3A_115 = vector.broadcast %parallel_loop3A_114 : i32 to vector<16xi32>
      %parallel_loop3A_116 = arith.andi %parallel_loop3A_113, %parallel_loop3A_115 : vector<16xi32>
      %parallel_loop3A_117 = arith.constant 60 : i32
      %parallel_loop3A_118 = vector.broadcast %parallel_loop3A_117 : i32 to vector<16xi32>
      %parallel_loop3A_119 = arith.ori %parallel_loop3A_116, %parallel_loop3A_118 : vector<16xi32>
      %parallel_loop3A_120 = vector.bitcast %parallel_loop3A_119 : vector<16xi32> to vector<16xf32>
      %parallel_loop3A_121 = arith.constant 4 : i32
      %parallel_loop3A_122 = arith.index_cast %parallel_loop3A_121 : i32 to index
      %parallel_loop3A_123 = arith.index_cast %parallel_loop3A_72 : i32 to index
      %parallel_loop3A_124 = tpu.vector_load %arg6[%parallel_loop3A_122, %parallel_loop3A_123] {strides = array<i32>} : memref<64x1024xf32, #tpu.memory_space<vmem>>, vector<16xf32>,
      %parallel_loop3A_125 = vector.bitcast %parallel_loop3A_124 : vector<16xf32> to vector<16xi32>
      %parallel_loop3A_126 = arith.constant -64 : i32
      %parallel_loop3A_127 = vector.broadcast %parallel_loop3A_126 : i32 to vector<16xi32>
      %parallel_loop3A_128 = arith.andi %parallel_loop3A_125, %parallel_loop3A_127 : vector<16xi32>
      %parallel_loop3A_129 = arith.constant 59 : i32
      %parallel_loop3A_130 = vector.broadcast %parallel_loop3A_129 : i32 to vector<16xi32>
      %parallel_loop3A_131 = arith.ori %parallel_loop3A_128, %parallel_loop3A_130 : vector<16xi32>
      %parallel_loop3A_132 = vector.bitcast %parallel_loop3A_131 : vector<16xi32> to vector<16xf32>
      %parallel_loop3A_133 = arith.constant 5 : i32
      %parallel_loop3A_134 = arith.index_cast %parallel_loop3A_133 : i32 to index
      %parallel_loop3A_135 = arith.index_cast %parallel_loop3A_72 : i32 to index
      %parallel_loop3A_136 = tpu.vector_load %arg6[%parallel_loop3A_134, %parallel_loop3A_135] {strides = array<i32>} : memref<64x1024xf32, #tpu.memory_space<vmem>>, vector<16xf32>,
      %parallel_loop3A_137 = vector.bitcast %parallel_loop3A_136 : vector<16xf32> to vector<16xi32>
      %parallel_loop3A_138 = arith.constant -64 : i32
      %parallel_loop3A_139 = vector.broadcast %parallel_loop3A_138 : i32 to vector<16xi32>
      %parallel_loop3A_140 = arith.andi %parallel_loop3A_137, %parallel_loop3A_139 : vector<16xi32>
      %parallel_loop3A_141 = arith.constant 58 : i32
      %parallel_loop3A_142 = vector.broadcast %parallel_loop3A_141 : i32 to vector<16xi32>
      %parallel_loop3A_143 = arith.ori %parallel_loop3A_140, %parallel_loop3A_142 : vector<16xi32>
      %parallel_loop3A_144 = vector.bitcast %parallel_loop3A_143 : vector<16xi32> to vector<16xf32>
      %parallel_loop3A_145 = arith.constant 6 : i32
      %parallel_loop3A_146 = arith.index_cast %parallel_loop3A_145 : i32 to index
      %parallel_loop3A_147 = arith.index_cast %parallel_loop3A_72 : i32 to index
      %parallel_loop3A_148 = tpu.vector_load %arg6[%parallel_loop3A_146, %parallel_loop3A_147] {strides = array<i32>} : memref<64x1024xf32, #tpu.memory_space<vmem>>, vector<16xf32>,
      %parallel_loop3A_149 = vector.bitcast %parallel_loop3A_148 : vector<16xf32> to vector<16xi32>
      %parallel_loop3A_150 = arith.constant -64 : i32
      %parallel_loop3A_151 = vector.broadcast %parallel_loop3A_150 : i32 to vector<16xi32>
      %parallel_loop3A_152 = arith.andi %parallel_loop3A_149, %parallel_loop3A_151 : vector<16xi32>
      %parallel_loop3A_153 = arith.constant 57 : i32
      %parallel_loop3A_154 = vector.broadcast %parallel_loop3A_153 : i32 to vector<16xi32>
      %parallel_loop3A_155 = arith.ori %parallel_loop3A_152, %parallel_loop3A_154 : vector<16xi32>
      %parallel_loop3A_156 = vector.bitcast %parallel_loop3A_155 : vector<16xi32> to vector<16xf32>
      %parallel_loop3A_157 = arith.constant 7 : i32
      %parallel_loop3A_158 = arith.index_cast %parallel_loop3A_157 : i32 to index
      %parallel_loop3A_159 = arith.index_cast %parallel_loop3A_72 : i32 to index
      %parallel_loop3A_160 = tpu.vector_load %arg6[%parallel_loop3A_158, %parallel_loop3A_159] {strides = array<i32>} : memref<64x1024xf32, #tpu.memory_space<vmem>>, vector<16xf32>,
      %parallel_loop3A_161 = vector.bitcast %parallel_loop3A_160 : vector<16xf32> to vector<16xi32>
      %parallel_loop3A_162 = arith.constant -64 : i32
      %parallel_loop3A_163 = vector.broadcast %parallel_loop3A_162 : i32 to vector<16xi32>
      %parallel_loop3A_164 = arith.andi %parallel_loop3A_161, %parallel_loop3A_163 : vector<16xi32>
      %parallel_loop3A_165 = arith.constant 56 : i32
      %parallel_loop3A_166 = vector.broadcast %parallel_loop3A_165 : i32 to vector<16xi32>
      %parallel_loop3A_167 = arith.ori %parallel_loop3A_164, %parallel_loop3A_166 : vector<16xi32>
      %parallel_loop3A_168 = vector.bitcast %parallel_loop3A_167 : vector<16xi32> to vector<16xf32>
      %parallel_loop3A_169 = arith.constant 8 : i32
      %parallel_loop3A_170 = arith.index_cast %parallel_loop3A_169 : i32 to index
      %parallel_loop3A_171 = arith.index_cast %parallel_loop3A_72 : i32 to index
      %parallel_loop3A_172 = tpu.vector_load %arg6[%parallel_loop3A_170, %parallel_loop3A_171] {strides = array<i32>} : memref<64x1024xf32, #tpu.memory_space<vmem>>, vector<16xf32>,
      %parallel_loop3A_173 = vector.bitcast %parallel_loop3A_172 : vector<16xf32> to vector<16xi32>
      %parallel_loop3A_174 = arith.constant -64 : i32
      %parallel_loop3A_175 = vector.broadcast %parallel_loop3A_174 : i32 to vector<16xi32>
      %parallel_loop3A_176 = arith.andi %parallel_loop3A_173, %parallel_loop3A_175 : vector<16xi32>
      %parallel_loop3A_177 = arith.constant 55 : i32
      %parallel_loop3A_178 = vector.broadcast %parallel_loop3A_177 : i32 to vector<16xi32>
      %parallel_loop3A_179 = arith.ori %parallel_loop3A_176, %parallel_loop3A_178 : vector<16xi32>
      %parallel_loop3A_180 = vector.bitcast %parallel_loop3A_179 : vector<16xi32> to vector<16xf32>
      %parallel_loop3A_181 = arith.constant 9 : i32
      %parallel_loop3A_182 = arith.index_cast %parallel_loop3A_181 : i32 to index
      %parallel_loop3A_183 = arith.index_cast %parallel_loop3A_72 : i32 to index
      %parallel_loop3A_184 = tpu.vector_load %arg6[%parallel_loop3A_182, %parallel_loop3A_183] {strides = array<i32>} : memref<64x1024xf32, #tpu.memory_space<vmem>>, vector<16xf32>,
      %parallel_loop3A_185 = vector.bitcast %parallel_loop3A_184 : vector<16xf32> to vector<16xi32>
      %parallel_loop3A_186 = arith.constant -64 : i32
      %parallel_loop3A_187 = vector.broadcast %parallel_loop3A_186 : i32 to vector<16xi32>
      %parallel_loop3A_188 = arith.andi %parallel_loop3A_185, %parallel_loop3A_187 : vector<16xi32>
      %parallel_loop3A_189 = arith.constant 54 : i32
      %parallel_loop3A_190 = vector.broadcast %parallel_loop3A_189 : i32 to vector<16xi32>
      %parallel_loop3A_191 = arith.ori %parallel_loop3A_188, %parallel_loop3A_190 : vector<16xi32>
      %parallel_loop3A_192 = vector.bitcast %parallel_loop3A_191 : vector<16xi32> to vector<16xf32>
      %parallel_loop3A_193 = arith.constant 10 : i32
      %parallel_loop3A_194 = arith.index_cast %parallel_loop3A_193 : i32 to index
      %parallel_loop3A_195 = arith.index_cast %parallel_loop3A_72 : i32 to index
      %parallel_loop3A_196 = tpu.vector_load %arg6[%parallel_loop3A_194, %parallel_loop3A_195] {strides = array<i32>} : memref<64x1024xf32, #tpu.memory_space<vmem>>, vector<16xf32>,
      %parallel_loop3A_197 = vector.bitcast %parallel_loop3A_196 : vector<16xf32> to vector<16xi32>
      %parallel_loop3A_198 = arith.constant -64 : i32
      %parallel_loop3A_199 = vector.broadcast %parallel_loop3A_198 : i32 to vector<16xi32>
      %parallel_loop3A_200 = arith.andi %parallel_loop3A_197, %parallel_loop3A_199 : vector<16xi32>
      %parallel_loop3A_201 = arith.constant 53 : i32
      %parallel_loop3A_202 = vector.broadcast %parallel_loop3A_201 : i32 to vector<16xi32>
      %parallel_loop3A_203 = arith.ori %parallel_loop3A_200, %parallel_loop3A_202 : vector<16xi32>
      %parallel_loop3A_204 = vector.bitcast %parallel_loop3A_203 : vector<16xi32> to vector<16xf32>
      %parallel_loop3A_205 = arith.constant 11 : i32
      %parallel_loop3A_206 = arith.index_cast %parallel_loop3A_205 : i32 to index
      %parallel_loop3A_207 = arith.index_cast %parallel_loop3A_72 : i32 to index
      %parallel_loop3A_208 = tpu.vector_load %arg6[%parallel_loop3A_206, %parallel_loop3A_207] {strides = array<i32>} : memref<64x1024xf32, #tpu.memory_space<vmem>>, vector<16xf32>,
      %parallel_loop3A_209 = vector.bitcast %parallel_loop3A_208 : vector<16xf32> to vector<16xi32>
      %parallel_loop3A_210 = arith.constant -64 : i32
      %parallel_loop3A_211 = vector.broadcast %parallel_loop3A_210 : i32 to vector<16xi32>
      %parallel_loop3A_212 = arith.andi %parallel_loop3A_209, %parallel_loop3A_211 : vector<16xi32>
      %parallel_loop3A_213 = arith.constant 52 : i32
      %parallel_loop3A_214 = vector.broadcast %parallel_loop3A_213 : i32 to vector<16xi32>
      %parallel_loop3A_215 = arith.ori %parallel_loop3A_212, %parallel_loop3A_214 : vector<16xi32>
      %parallel_loop3A_216 = vector.bitcast %parallel_loop3A_215 : vector<16xi32> to vector<16xf32>
      %parallel_loop3A_217 = arith.constant 12 : i32
      %parallel_loop3A_218 = arith.index_cast %parallel_loop3A_217 : i32 to index
      %parallel_loop3A_219 = arith.index_cast %parallel_loop3A_72 : i32 to index
      %parallel_loop3A_220 = tpu.vector_load %arg6[%parallel_loop3A_218, %parallel_loop3A_219] {strides = array<i32>} : memref<64x1024xf32, #tpu.memory_space<vmem>>, vector<16xf32>,
      %parallel_loop3A_221 = vector.bitcast %parallel_loop3A_220 : vector<16xf32> to vector<16xi32>
      %parallel_loop3A_222 = arith.constant -64 : i32
      %parallel_loop3A_223 = vector.broadcast %parallel_loop3A_222 : i32 to vector<16xi32>
      %parallel_loop3A_224 = arith.andi %parallel_loop3A_221, %parallel_loop3A_223 : vector<16xi32>
      %parallel_loop3A_225 = arith.constant 51 : i32
      %parallel_loop3A_226 = vector.broadcast %parallel_loop3A_225 : i32 to vector<16xi32>
      %parallel_loop3A_227 = arith.ori %parallel_loop3A_224, %parallel_loop3A_226 : vector<16xi32>
      %parallel_loop3A_228 = vector.bitcast %parallel_loop3A_227 : vector<16xi32> to vector<16xf32>
      %parallel_loop3A_229 = arith.constant 13 : i32
      %parallel_loop3A_230 = arith.index_cast %parallel_loop3A_229 : i32 to index
      %parallel_loop3A_231 = arith.index_cast %parallel_loop3A_72 : i32 to index
      %parallel_loop3A_232 = tpu.vector_load %arg6[%parallel_loop3A_230, %parallel_loop3A_231] {strides = array<i32>} : memref<64x1024xf32, #tpu.memory_space<vmem>>, vector<16xf32>,
      %parallel_loop3A_233 = vector.bitcast %parallel_loop3A_232 : vector<16xf32> to vector<16xi32>
      %parallel_loop3A_234 = arith.constant -64 : i32
      %parallel_loop3A_235 = vector.broadcast %parallel_loop3A_234 : i32 to vector<16xi32>
      %parallel_loop3A_236 = arith.andi %parallel_loop3A_233, %parallel_loop3A_235 : vector<16xi32>
      %parallel_loop3A_237 = arith.constant 50 : i32
      %parallel_loop3A_238 = vector.broadcast %parallel_loop3A_237 : i32 to vector<16xi32>
      %parallel_loop3A_239 = arith.ori %parallel_loop3A_236, %parallel_loop3A_238 : vector<16xi32>
      %parallel_loop3A_240 = vector.bitcast %parallel_loop3A_239 : vector<16xi32> to vector<16xf32>
      %parallel_loop3A_241 = arith.constant 14 : i32
      %parallel_loop3A_242 = arith.index_cast %parallel_loop3A_241 : i32 to index
      %parallel_loop3A_243 = arith.index_cast %parallel_loop3A_72 : i32 to index
      %parallel_loop3A_244 = tpu.vector_load %arg6[%parallel_loop3A_242, %parallel_loop3A_243] {strides = array<i32>} : memref<64x1024xf32, #tpu.memory_space<vmem>>, vector<16xf32>,
      %parallel_loop3A_245 = vector.bitcast %parallel_loop3A_244 : vector<16xf32> to vector<16xi32>
      %parallel_loop3A_246 = arith.constant -64 : i32
      %parallel_loop3A_247 = vector.broadcast %parallel_loop3A_246 : i32 to vector<16xi32>
      %parallel_loop3A_248 = arith.andi %parallel_loop3A_245, %parallel_loop3A_247 : vector<16xi32>
      %parallel_loop3A_249 = arith.constant 49 : i32
      %parallel_loop3A_250 = vector.broadcast %parallel_loop3A_249 : i32 to vector<16xi32>
      %parallel_loop3A_251 = arith.ori %parallel_loop3A_248, %parallel_loop3A_250 : vector<16xi32>
      %parallel_loop3A_252 = vector.bitcast %parallel_loop3A_251 : vector<16xi32> to vector<16xf32>
      %parallel_loop3A_253 = arith.constant 15 : i32
      %parallel_loop3A_254 = arith.index_cast %parallel_loop3A_253 : i32 to index
      %parallel_loop3A_255 = arith.index_cast %parallel_loop3A_72 : i32 to index
      %parallel_loop3A_256 = tpu.vector_load %arg6[%parallel_loop3A_254, %parallel_loop3A_255] {strides = array<i32>} : memref<64x1024xf32, #tpu.memory_space<vmem>>, vector<16xf32>,
      %parallel_loop3A_257 = vector.bitcast %parallel_loop3A_256 : vector<16xf32> to vector<16xi32>
      %parallel_loop3A_258 = arith.constant -64 : i32
      %parallel_loop3A_259 = vector.broadcast %parallel_loop3A_258 : i32 to vector<16xi32>
      %parallel_loop3A_260 = arith.andi %parallel_loop3A_257, %parallel_loop3A_259 : vector<16xi32>
      %parallel_loop3A_261 = arith.constant 48 : i32
      %parallel_loop3A_262 = vector.broadcast %parallel_loop3A_261 : i32 to vector<16xi32>
      %parallel_loop3A_263 = arith.ori %parallel_loop3A_260, %parallel_loop3A_262 : vector<16xi32>
      %parallel_loop3A_264 = vector.bitcast %parallel_loop3A_263 : vector<16xi32> to vector<16xf32>
      %parallel_loop3A_265 = arith.constant 16 : i32
      %parallel_loop3A_266 = arith.index_cast %parallel_loop3A_265 : i32 to index
      %parallel_loop3A_267 = arith.index_cast %parallel_loop3A_72 : i32 to index
      %parallel_loop3A_268 = tpu.vector_load %arg6[%parallel_loop3A_266, %parallel_loop3A_267] {strides = array<i32>} : memref<64x1024xf32, #tpu.memory_space<vmem>>, vector<16xf32>,
      %parallel_loop3A_269 = vector.bitcast %parallel_loop3A_268 : vector<16xf32> to vector<16xi32>
      %parallel_loop3A_270 = arith.constant -64 : i32
      %parallel_loop3A_271 = vector.broadcast %parallel_loop3A_270 : i32 to vector<16xi32>
      %parallel_loop3A_272 = arith.andi %parallel_loop3A_269, %parallel_loop3A_271 : vector<16xi32>
      %parallel_loop3A_273 = arith.constant 47 : i32
      %parallel_loop3A_274 = vector.broadcast %parallel_loop3A_273 : i32 to vector<16xi32>
      %parallel_loop3A_275 = arith.ori %parallel_loop3A_272, %parallel_loop3A_274 : vector<16xi32>
      %parallel_loop3A_276 = vector.bitcast %parallel_loop3A_275 : vector<16xi32> to vector<16xf32>
      %parallel_loop3A_277 = arith.constant 17 : i32
      %parallel_loop3A_278 = arith.index_cast %parallel_loop3A_277 : i32 to index
      %parallel_loop3A_279 = arith.index_cast %parallel_loop3A_72 : i32 to index
      %parallel_loop3A_280 = tpu.vector_load %arg6[%parallel_loop3A_278, %parallel_loop3A_279] {strides = array<i32>} : memref<64x1024xf32, #tpu.memory_space<vmem>>, vector<16xf32>,
      %parallel_loop3A_281 = vector.bitcast %parallel_loop3A_280 : vector<16xf32> to vector<16xi32>
      %parallel_loop3A_282 = arith.constant -64 : i32
      %parallel_loop3A_283 = vector.broadcast %parallel_loop3A_282 : i32 to vector<16xi32>
      %parallel_loop3A_284 = arith.andi %parallel_loop3A_281, %parallel_loop3A_283 : vector<16xi32>
      %parallel_loop3A_285 = arith.constant 46 : i32
      %parallel_loop3A_286 = vector.broadcast %parallel_loop3A_285 : i32 to vector<16xi32>
      %parallel_loop3A_287 = arith.ori %parallel_loop3A_284, %parallel_loop3A_286 : vector<16xi32>
      %parallel_loop3A_288 = vector.bitcast %parallel_loop3A_287 : vector<16xi32> to vector<16xf32>
      %parallel_loop3A_289 = arith.constant 18 : i32
      %parallel_loop3A_290 = arith.index_cast %parallel_loop3A_289 : i32 to index
      %parallel_loop3A_291 = arith.index_cast %parallel_loop3A_72 : i32 to index
      %parallel_loop3A_292 = tpu.vector_load %arg6[%parallel_loop3A_290, %parallel_loop3A_291] {strides = array<i32>} : memref<64x1024xf32, #tpu.memory_space<vmem>>, vector<16xf32>,
      %parallel_loop3A_293 = vector.bitcast %parallel_loop3A_292 : vector<16xf32> to vector<16xi32>
      %parallel_loop3A_294 = arith.constant -64 : i32
      %parallel_loop3A_295 = vector.broadcast %parallel_loop3A_294 : i32 to vector<16xi32>
      %parallel_loop3A_296 = arith.andi %parallel_loop3A_293, %parallel_loop3A_295 : vector<16xi32>
      %parallel_loop3A_297 = arith.constant 45 : i32
      %parallel_loop3A_298 = vector.broadcast %parallel_loop3A_297 : i32 to vector<16xi32>
      %parallel_loop3A_299 = arith.ori %parallel_loop3A_296, %parallel_loop3A_298 : vector<16xi32>
      %parallel_loop3A_300 = vector.bitcast %parallel_loop3A_299 : vector<16xi32> to vector<16xf32>
      %parallel_loop3A_301 = arith.constant 19 : i32
      %parallel_loop3A_302 = arith.index_cast %parallel_loop3A_301 : i32 to index
      %parallel_loop3A_303 = arith.index_cast %parallel_loop3A_72 : i32 to index
      %parallel_loop3A_304 = tpu.vector_load %arg6[%parallel_loop3A_302, %parallel_loop3A_303] {strides = array<i32>} : memref<64x1024xf32, #tpu.memory_space<vmem>>, vector<16xf32>,
      %parallel_loop3A_305 = vector.bitcast %parallel_loop3A_304 : vector<16xf32> to vector<16xi32>
      %parallel_loop3A_306 = arith.constant -64 : i32
      %parallel_loop3A_307 = vector.broadcast %parallel_loop3A_306 : i32 to vector<16xi32>
      %parallel_loop3A_308 = arith.andi %parallel_loop3A_305, %parallel_loop3A_307 : vector<16xi32>
      %parallel_loop3A_309 = arith.constant 44 : i32
      %parallel_loop3A_310 = vector.broadcast %parallel_loop3A_309 : i32 to vector<16xi32>
      %parallel_loop3A_311 = arith.ori %parallel_loop3A_308, %parallel_loop3A_310 : vector<16xi32>
      %parallel_loop3A_312 = vector.bitcast %parallel_loop3A_311 : vector<16xi32> to vector<16xf32>
      %parallel_loop3A_313 = arith.constant 20 : i32
      %parallel_loop3A_314 = arith.index_cast %parallel_loop3A_313 : i32 to index
      %parallel_loop3A_315 = arith.index_cast %parallel_loop3A_72 : i32 to index
      %parallel_loop3A_316 = tpu.vector_load %arg6[%parallel_loop3A_314, %parallel_loop3A_315] {strides = array<i32>} : memref<64x1024xf32, #tpu.memory_space<vmem>>, vector<16xf32>,
      %parallel_loop3A_317 = vector.bitcast %parallel_loop3A_316 : vector<16xf32> to vector<16xi32>
      %parallel_loop3A_318 = arith.constant -64 : i32
      %parallel_loop3A_319 = vector.broadcast %parallel_loop3A_318 : i32 to vector<16xi32>
      %parallel_loop3A_320 = arith.andi %parallel_loop3A_317, %parallel_loop3A_319 : vector<16xi32>
      %parallel_loop3A_321 = arith.constant 43 : i32
      %parallel_loop3A_322 = vector.broadcast %parallel_loop3A_321 : i32 to vector<16xi32>
      %parallel_loop3A_323 = arith.ori %parallel_loop3A_320, %parallel_loop3A_322 : vector<16xi32>
      %parallel_loop3A_324 = vector.bitcast %parallel_loop3A_323 : vector<16xi32> to vector<16xf32>
      %parallel_loop3A_325 = arith.constant 21 : i32
      %parallel_loop3A_326 = arith.index_cast %parallel_loop3A_325 : i32 to index
      %parallel_loop3A_327 = arith.index_cast %parallel_loop3A_72 : i32 to index
      %parallel_loop3A_328 = tpu.vector_load %arg6[%parallel_loop3A_326, %parallel_loop3A_327] {strides = array<i32>} : memref<64x1024xf32, #tpu.memory_space<vmem>>, vector<16xf32>,
      %parallel_loop3A_329 = vector.bitcast %parallel_loop3A_328 : vector<16xf32> to vector<16xi32>
      %parallel_loop3A_330 = arith.constant -64 : i32
      %parallel_loop3A_331 = vector.broadcast %parallel_loop3A_330 : i32 to vector<16xi32>
      %parallel_loop3A_332 = arith.andi %parallel_loop3A_329, %parallel_loop3A_331 : vector<16xi32>
      %parallel_loop3A_333 = arith.constant 42 : i32
      %parallel_loop3A_334 = vector.broadcast %parallel_loop3A_333 : i32 to vector<16xi32>
      %parallel_loop3A_335 = arith.ori %parallel_loop3A_332, %parallel_loop3A_334 : vector<16xi32>
      %parallel_loop3A_336 = vector.bitcast %parallel_loop3A_335 : vector<16xi32> to vector<16xf32>
      %parallel_loop3A_337 = arith.constant 22 : i32
      %parallel_loop3A_338 = arith.index_cast %parallel_loop3A_337 : i32 to index
      %parallel_loop3A_339 = arith.index_cast %parallel_loop3A_72 : i32 to index
      %parallel_loop3A_340 = tpu.vector_load %arg6[%parallel_loop3A_338, %parallel_loop3A_339] {strides = array<i32>} : memref<64x1024xf32, #tpu.memory_space<vmem>>, vector<16xf32>,
      %parallel_loop3A_341 = vector.bitcast %parallel_loop3A_340 : vector<16xf32> to vector<16xi32>
      %parallel_loop3A_342 = arith.constant -64 : i32
      %parallel_loop3A_343 = vector.broadcast %parallel_loop3A_342 : i32 to vector<16xi32>
      %parallel_loop3A_344 = arith.andi %parallel_loop3A_341, %parallel_loop3A_343 : vector<16xi32>
      %parallel_loop3A_345 = arith.constant 41 : i32
      %parallel_loop3A_346 = vector.broadcast %parallel_loop3A_345 : i32 to vector<16xi32>
      %parallel_loop3A_347 = arith.ori %parallel_loop3A_344, %parallel_loop3A_346 : vector<16xi32>
      %parallel_loop3A_348 = vector.bitcast %parallel_loop3A_347 : vector<16xi32> to vector<16xf32>
      %parallel_loop3A_349 = arith.constant 23 : i32
      %parallel_loop3A_350 = arith.index_cast %parallel_loop3A_349 : i32 to index
      %parallel_loop3A_351 = arith.index_cast %parallel_loop3A_72 : i32 to index
      %parallel_loop3A_352 = tpu.vector_load %arg6[%parallel_loop3A_350, %parallel_loop3A_351] {strides = array<i32>} : memref<64x1024xf32, #tpu.memory_space<vmem>>, vector<16xf32>,
      %parallel_loop3A_353 = vector.bitcast %parallel_loop3A_352 : vector<16xf32> to vector<16xi32>
      %parallel_loop3A_354 = arith.constant -64 : i32
      %parallel_loop3A_355 = vector.broadcast %parallel_loop3A_354 : i32 to vector<16xi32>
      %parallel_loop3A_356 = arith.andi %parallel_loop3A_353, %parallel_loop3A_355 : vector<16xi32>
      %parallel_loop3A_357 = arith.constant 40 : i32
      %parallel_loop3A_358 = vector.broadcast %parallel_loop3A_357 : i32 to vector<16xi32>
      %parallel_loop3A_359 = arith.ori %parallel_loop3A_356, %parallel_loop3A_358 : vector<16xi32>
      %parallel_loop3A_360 = vector.bitcast %parallel_loop3A_359 : vector<16xi32> to vector<16xf32>
      %parallel_loop3A_361 = arith.constant 24 : i32
      %parallel_loop3A_362 = arith.index_cast %parallel_loop3A_361 : i32 to index
      %parallel_loop3A_363 = arith.index_cast %parallel_loop3A_72 : i32 to index
      %parallel_loop3A_364 = tpu.vector_load %arg6[%parallel_loop3A_362, %parallel_loop3A_363] {strides = array<i32>} : memref<64x1024xf32, #tpu.memory_space<vmem>>, vector<16xf32>,
      %parallel_loop3A_365 = vector.bitcast %parallel_loop3A_364 : vector<16xf32> to vector<16xi32>
      %parallel_loop3A_366 = arith.constant -64 : i32
      %parallel_loop3A_367 = vector.broadcast %parallel_loop3A_366 : i32 to vector<16xi32>
      %parallel_loop3A_368 = arith.andi %parallel_loop3A_365, %parallel_loop3A_367 : vector<16xi32>
      %parallel_loop3A_369 = arith.constant 39 : i32
      %parallel_loop3A_370 = vector.broadcast %parallel_loop3A_369 : i32 to vector<16xi32>
      %parallel_loop3A_371 = arith.ori %parallel_loop3A_368, %parallel_loop3A_370 : vector<16xi32>
      %parallel_loop3A_372 = vector.bitcast %parallel_loop3A_371 : vector<16xi32> to vector<16xf32>
      %parallel_loop3A_373 = arith.constant 25 : i32
      %parallel_loop3A_374 = arith.index_cast %parallel_loop3A_373 : i32 to index
      %parallel_loop3A_375 = arith.index_cast %parallel_loop3A_72 : i32 to index
      %parallel_loop3A_376 = tpu.vector_load %arg6[%parallel_loop3A_374, %parallel_loop3A_375] {strides = array<i32>} : memref<64x1024xf32, #tpu.memory_space<vmem>>, vector<16xf32>,
      %parallel_loop3A_377 = vector.bitcast %parallel_loop3A_376 : vector<16xf32> to vector<16xi32>
      %parallel_loop3A_378 = arith.constant -64 : i32
      %parallel_loop3A_379 = vector.broadcast %parallel_loop3A_378 : i32 to vector<16xi32>
      %parallel_loop3A_380 = arith.andi %parallel_loop3A_377, %parallel_loop3A_379 : vector<16xi32>
      %parallel_loop3A_381 = arith.constant 38 : i32
      %parallel_loop3A_382 = vector.broadcast %parallel_loop3A_381 : i32 to vector<16xi32>
      %parallel_loop3A_383 = arith.ori %parallel_loop3A_380, %parallel_loop3A_382 : vector<16xi32>
      %parallel_loop3A_384 = vector.bitcast %parallel_loop3A_383 : vector<16xi32> to vector<16xf32>
      %parallel_loop3A_385 = arith.constant 26 : i32
      %parallel_loop3A_386 = arith.index_cast %parallel_loop3A_385 : i32 to index
      %parallel_loop3A_387 = arith.index_cast %parallel_loop3A_72 : i32 to index
      %parallel_loop3A_388 = tpu.vector_load %arg6[%parallel_loop3A_386, %parallel_loop3A_387] {strides = array<i32>} : memref<64x1024xf32, #tpu.memory_space<vmem>>, vector<16xf32>,
      %parallel_loop3A_389 = vector.bitcast %parallel_loop3A_388 : vector<16xf32> to vector<16xi32>
      %parallel_loop3A_390 = arith.constant -64 : i32
      %parallel_loop3A_391 = vector.broadcast %parallel_loop3A_390 : i32 to vector<16xi32>
      %parallel_loop3A_392 = arith.andi %parallel_loop3A_389, %parallel_loop3A_391 : vector<16xi32>
      %parallel_loop3A_393 = arith.constant 37 : i32
      %parallel_loop3A_394 = vector.broadcast %parallel_loop3A_393 : i32 to vector<16xi32>
      %parallel_loop3A_395 = arith.ori %parallel_loop3A_392, %parallel_loop3A_394 : vector<16xi32>
      %parallel_loop3A_396 = vector.bitcast %parallel_loop3A_395 : vector<16xi32> to vector<16xf32>
      %parallel_loop3A_397 = arith.constant 27 : i32
      %parallel_loop3A_398 = arith.index_cast %parallel_loop3A_397 : i32 to index
      %parallel_loop3A_399 = arith.index_cast %parallel_loop3A_72 : i32 to index
      %parallel_loop3A_400 = tpu.vector_load %arg6[%parallel_loop3A_398, %parallel_loop3A_399] {strides = array<i32>} : memref<64x1024xf32, #tpu.memory_space<vmem>>, vector<16xf32>,
      %parallel_loop3A_401 = vector.bitcast %parallel_loop3A_400 : vector<16xf32> to vector<16xi32>
      %parallel_loop3A_402 = arith.constant -64 : i32
      %parallel_loop3A_403 = vector.broadcast %parallel_loop3A_402 : i32 to vector<16xi32>
      %parallel_loop3A_404 = arith.andi %parallel_loop3A_401, %parallel_loop3A_403 : vector<16xi32>
      %parallel_loop3A_405 = arith.constant 36 : i32
      %parallel_loop3A_406 = vector.broadcast %parallel_loop3A_405 : i32 to vector<16xi32>
      %parallel_loop3A_407 = arith.ori %parallel_loop3A_404, %parallel_loop3A_406 : vector<16xi32>
      %parallel_loop3A_408 = vector.bitcast %parallel_loop3A_407 : vector<16xi32> to vector<16xf32>
      %parallel_loop3A_409 = arith.constant 28 : i32
      %parallel_loop3A_410 = arith.index_cast %parallel_loop3A_409 : i32 to index
      %parallel_loop3A_411 = arith.index_cast %parallel_loop3A_72 : i32 to index
      %parallel_loop3A_412 = tpu.vector_load %arg6[%parallel_loop3A_410, %parallel_loop3A_411] {strides = array<i32>} : memref<64x1024xf32, #tpu.memory_space<vmem>>, vector<16xf32>,
      %parallel_loop3A_413 = vector.bitcast %parallel_loop3A_412 : vector<16xf32> to vector<16xi32>
      %parallel_loop3A_414 = arith.constant -64 : i32
      %parallel_loop3A_415 = vector.broadcast %parallel_loop3A_414 : i32 to vector<16xi32>
      %parallel_loop3A_416 = arith.andi %parallel_loop3A_413, %parallel_loop3A_415 : vector<16xi32>
      %parallel_loop3A_417 = arith.constant 35 : i32
      %parallel_loop3A_418 = vector.broadcast %parallel_loop3A_417 : i32 to vector<16xi32>
      %parallel_loop3A_419 = arith.ori %parallel_loop3A_416, %parallel_loop3A_418 : vector<16xi32>
      %parallel_loop3A_420 = vector.bitcast %parallel_loop3A_419 : vector<16xi32> to vector<16xf32>
      %parallel_loop3A_421 = arith.constant 29 : i32
      %parallel_loop3A_422 = arith.index_cast %parallel_loop3A_421 : i32 to index
      %parallel_loop3A_423 = arith.index_cast %parallel_loop3A_72 : i32 to index
      %parallel_loop3A_424 = tpu.vector_load %arg6[%parallel_loop3A_422, %parallel_loop3A_423] {strides = array<i32>} : memref<64x1024xf32, #tpu.memory_space<vmem>>, vector<16xf32>,
      %parallel_loop3A_425 = vector.bitcast %parallel_loop3A_424 : vector<16xf32> to vector<16xi32>
      %parallel_loop3A_426 = arith.constant -64 : i32
      %parallel_loop3A_427 = vector.broadcast %parallel_loop3A_426 : i32 to vector<16xi32>
      %parallel_loop3A_428 = arith.andi %parallel_loop3A_425, %parallel_loop3A_427 : vector<16xi32>
      %parallel_loop3A_429 = arith.constant 34 : i32
      %parallel_loop3A_430 = vector.broadcast %parallel_loop3A_429 : i32 to vector<16xi32>
      %parallel_loop3A_431 = arith.ori %parallel_loop3A_428, %parallel_loop3A_430 : vector<16xi32>
      %parallel_loop3A_432 = vector.bitcast %parallel_loop3A_431 : vector<16xi32> to vector<16xf32>
      %parallel_loop3A_433 = arith.constant 30 : i32
      %parallel_loop3A_434 = arith.index_cast %parallel_loop3A_433 : i32 to index
      %parallel_loop3A_435 = arith.index_cast %parallel_loop3A_72 : i32 to index
      %parallel_loop3A_436 = tpu.vector_load %arg6[%parallel_loop3A_434, %parallel_loop3A_435] {strides = array<i32>} : memref<64x1024xf32, #tpu.memory_space<vmem>>, vector<16xf32>,
      %parallel_loop3A_437 = vector.bitcast %parallel_loop3A_436 : vector<16xf32> to vector<16xi32>
      %parallel_loop3A_438 = arith.constant -64 : i32
      %parallel_loop3A_439 = vector.broadcast %parallel_loop3A_438 : i32 to vector<16xi32>
      %parallel_loop3A_440 = arith.andi %parallel_loop3A_437, %parallel_loop3A_439 : vector<16xi32>
      %parallel_loop3A_441 = arith.constant 33 : i32
      %parallel_loop3A_442 = vector.broadcast %parallel_loop3A_441 : i32 to vector<16xi32>
      %parallel_loop3A_443 = arith.ori %parallel_loop3A_440, %parallel_loop3A_442 : vector<16xi32>
      %parallel_loop3A_444 = vector.bitcast %parallel_loop3A_443 : vector<16xi32> to vector<16xf32>
      %parallel_loop3A_445 = arith.constant 31 : i32
      %parallel_loop3A_446 = arith.index_cast %parallel_loop3A_445 : i32 to index
      %parallel_loop3A_447 = arith.index_cast %parallel_loop3A_72 : i32 to index
      %parallel_loop3A_448 = tpu.vector_load %arg6[%parallel_loop3A_446, %parallel_loop3A_447] {strides = array<i32>} : memref<64x1024xf32, #tpu.memory_space<vmem>>, vector<16xf32>,
      %parallel_loop3A_449 = vector.bitcast %parallel_loop3A_448 : vector<16xf32> to vector<16xi32>
      %parallel_loop3A_450 = arith.constant -64 : i32
      %parallel_loop3A_451 = vector.broadcast %parallel_loop3A_450 : i32 to vector<16xi32>
      %parallel_loop3A_452 = arith.andi %parallel_loop3A_449, %parallel_loop3A_451 : vector<16xi32>
      %parallel_loop3A_453 = arith.constant 32 : i32
      %parallel_loop3A_454 = vector.broadcast %parallel_loop3A_453 : i32 to vector<16xi32>
      %parallel_loop3A_455 = arith.ori %parallel_loop3A_452, %parallel_loop3A_454 : vector<16xi32>
      %parallel_loop3A_456 = vector.bitcast %parallel_loop3A_455 : vector<16xi32> to vector<16xf32>
      %parallel_loop3A_457 = arith.constant 32 : i32
      %parallel_loop3A_458 = arith.index_cast %parallel_loop3A_457 : i32 to index
      %parallel_loop3A_459 = arith.index_cast %parallel_loop3A_72 : i32 to index
      %parallel_loop3A_460 = tpu.vector_load %arg6[%parallel_loop3A_458, %parallel_loop3A_459] {strides = array<i32>} : memref<64x1024xf32, #tpu.memory_space<vmem>>, vector<16xf32>,
      %parallel_loop3A_461 = vector.bitcast %parallel_loop3A_460 : vector<16xf32> to vector<16xi32>
      %parallel_loop3A_462 = arith.constant -64 : i32
      %parallel_loop3A_463 = vector.broadcast %parallel_loop3A_462 : i32 to vector<16xi32>
      %parallel_loop3A_464 = arith.andi %parallel_loop3A_461, %parallel_loop3A_463 : vector<16xi32>
      %parallel_loop3A_465 = arith.constant 31 : i32
      %parallel_loop3A_466 = vector.broadcast %parallel_loop3A_465 : i32 to vector<16xi32>
      %parallel_loop3A_467 = arith.ori %parallel_loop3A_464, %parallel_loop3A_466 : vector<16xi32>
      %parallel_loop3A_468 = vector.bitcast %parallel_loop3A_467 : vector<16xi32> to vector<16xf32>
      %parallel_loop3A_469 = arith.constant 33 : i32
      %parallel_loop3A_470 = arith.index_cast %parallel_loop3A_469 : i32 to index
      %parallel_loop3A_471 = arith.index_cast %parallel_loop3A_72 : i32 to index
      %parallel_loop3A_472 = tpu.vector_load %arg6[%parallel_loop3A_470, %parallel_loop3A_471] {strides = array<i32>} : memref<64x1024xf32, #tpu.memory_space<vmem>>, vector<16xf32>,
      %parallel_loop3A_473 = vector.bitcast %parallel_loop3A_472 : vector<16xf32> to vector<16xi32>
      %parallel_loop3A_474 = arith.constant -64 : i32
      %parallel_loop3A_475 = vector.broadcast %parallel_loop3A_474 : i32 to vector<16xi32>
      %parallel_loop3A_476 = arith.andi %parallel_loop3A_473, %parallel_loop3A_475 : vector<16xi32>
      %parallel_loop3A_477 = arith.constant 30 : i32
      %parallel_loop3A_478 = vector.broadcast %parallel_loop3A_477 : i32 to vector<16xi32>
      %parallel_loop3A_479 = arith.ori %parallel_loop3A_476, %parallel_loop3A_478 : vector<16xi32>
      %parallel_loop3A_480 = vector.bitcast %parallel_loop3A_479 : vector<16xi32> to vector<16xf32>
      %parallel_loop3A_481 = arith.constant 34 : i32
      %parallel_loop3A_482 = arith.index_cast %parallel_loop3A_481 : i32 to index
      %parallel_loop3A_483 = arith.index_cast %parallel_loop3A_72 : i32 to index
      %parallel_loop3A_484 = tpu.vector_load %arg6[%parallel_loop3A_482, %parallel_loop3A_483] {strides = array<i32>} : memref<64x1024xf32, #tpu.memory_space<vmem>>, vector<16xf32>,
      %parallel_loop3A_485 = vector.bitcast %parallel_loop3A_484 : vector<16xf32> to vector<16xi32>
      %parallel_loop3A_486 = arith.constant -64 : i32
      %parallel_loop3A_487 = vector.broadcast %parallel_loop3A_486 : i32 to vector<16xi32>
      %parallel_loop3A_488 = arith.andi %parallel_loop3A_485, %parallel_loop3A_487 : vector<16xi32>
      %parallel_loop3A_489 = arith.constant 29 : i32
      %parallel_loop3A_490 = vector.broadcast %parallel_loop3A_489 : i32 to vector<16xi32>
      %parallel_loop3A_491 = arith.ori %parallel_loop3A_488, %parallel_loop3A_490 : vector<16xi32>
      %parallel_loop3A_492 = vector.bitcast %parallel_loop3A_491 : vector<16xi32> to vector<16xf32>
      %parallel_loop3A_493 = arith.constant 35 : i32
      %parallel_loop3A_494 = arith.index_cast %parallel_loop3A_493 : i32 to index
      %parallel_loop3A_495 = arith.index_cast %parallel_loop3A_72 : i32 to index
      %parallel_loop3A_496 = tpu.vector_load %arg6[%parallel_loop3A_494, %parallel_loop3A_495] {strides = array<i32>} : memref<64x1024xf32, #tpu.memory_space<vmem>>, vector<16xf32>,
      %parallel_loop3A_497 = vector.bitcast %parallel_loop3A_496 : vector<16xf32> to vector<16xi32>
      %parallel_loop3A_498 = arith.constant -64 : i32
      %parallel_loop3A_499 = vector.broadcast %parallel_loop3A_498 : i32 to vector<16xi32>
      %parallel_loop3A_500 = arith.andi %parallel_loop3A_497, %parallel_loop3A_499 : vector<16xi32>
      %parallel_loop3A_501 = arith.constant 28 : i32
      %parallel_loop3A_502 = vector.broadcast %parallel_loop3A_501 : i32 to vector<16xi32>
      %parallel_loop3A_503 = arith.ori %parallel_loop3A_500, %parallel_loop3A_502 : vector<16xi32>
      %parallel_loop3A_504 = vector.bitcast %parallel_loop3A_503 : vector<16xi32> to vector<16xf32>
      %parallel_loop3A_505 = arith.constant 36 : i32
      %parallel_loop3A_506 = arith.index_cast %parallel_loop3A_505 : i32 to index
      %parallel_loop3A_507 = arith.index_cast %parallel_loop3A_72 : i32 to index
      %parallel_loop3A_508 = tpu.vector_load %arg6[%parallel_loop3A_506, %parallel_loop3A_507] {strides = array<i32>} : memref<64x1024xf32, #tpu.memory_space<vmem>>, vector<16xf32>,
      %parallel_loop3A_509 = vector.bitcast %parallel_loop3A_508 : vector<16xf32> to vector<16xi32>
      %parallel_loop3A_510 = arith.constant -64 : i32
      %parallel_loop3A_511 = vector.broadcast %parallel_loop3A_510 : i32 to vector<16xi32>
      %parallel_loop3A_512 = arith.andi %parallel_loop3A_509, %parallel_loop3A_511 : vector<16xi32>
      %parallel_loop3A_513 = arith.constant 27 : i32
      %parallel_loop3A_514 = vector.broadcast %parallel_loop3A_513 : i32 to vector<16xi32>
      %parallel_loop3A_515 = arith.ori %parallel_loop3A_512, %parallel_loop3A_514 : vector<16xi32>
      %parallel_loop3A_516 = vector.bitcast %parallel_loop3A_515 : vector<16xi32> to vector<16xf32>
      %parallel_loop3A_517 = arith.constant 37 : i32
      %parallel_loop3A_518 = arith.index_cast %parallel_loop3A_517 : i32 to index
      %parallel_loop3A_519 = arith.index_cast %parallel_loop3A_72 : i32 to index
      %parallel_loop3A_520 = tpu.vector_load %arg6[%parallel_loop3A_518, %parallel_loop3A_519] {strides = array<i32>} : memref<64x1024xf32, #tpu.memory_space<vmem>>, vector<16xf32>,
      %parallel_loop3A_521 = vector.bitcast %parallel_loop3A_520 : vector<16xf32> to vector<16xi32>
      %parallel_loop3A_522 = arith.constant -64 : i32
      %parallel_loop3A_523 = vector.broadcast %parallel_loop3A_522 : i32 to vector<16xi32>
      %parallel_loop3A_524 = arith.andi %parallel_loop3A_521, %parallel_loop3A_523 : vector<16xi32>
      %parallel_loop3A_525 = arith.constant 26 : i32
      %parallel_loop3A_526 = vector.broadcast %parallel_loop3A_525 : i32 to vector<16xi32>
      %parallel_loop3A_527 = arith.ori %parallel_loop3A_524, %parallel_loop3A_526 : vector<16xi32>
      %parallel_loop3A_528 = vector.bitcast %parallel_loop3A_527 : vector<16xi32> to vector<16xf32>
      %parallel_loop3A_529 = arith.constant 38 : i32
      %parallel_loop3A_530 = arith.index_cast %parallel_loop3A_529 : i32 to index
      %parallel_loop3A_531 = arith.index_cast %parallel_loop3A_72 : i32 to index
      %parallel_loop3A_532 = tpu.vector_load %arg6[%parallel_loop3A_530, %parallel_loop3A_531] {strides = array<i32>} : memref<64x1024xf32, #tpu.memory_space<vmem>>, vector<16xf32>,
      %parallel_loop3A_533 = vector.bitcast %parallel_loop3A_532 : vector<16xf32> to vector<16xi32>
      %parallel_loop3A_534 = arith.constant -64 : i32
      %parallel_loop3A_535 = vector.broadcast %parallel_loop3A_534 : i32 to vector<16xi32>
      %parallel_loop3A_536 = arith.andi %parallel_loop3A_533, %parallel_loop3A_535 : vector<16xi32>
      %parallel_loop3A_537 = arith.constant 25 : i32
      %parallel_loop3A_538 = vector.broadcast %parallel_loop3A_537 : i32 to vector<16xi32>
      %parallel_loop3A_539 = arith.ori %parallel_loop3A_536, %parallel_loop3A_538 : vector<16xi32>
      %parallel_loop3A_540 = vector.bitcast %parallel_loop3A_539 : vector<16xi32> to vector<16xf32>
      %parallel_loop3A_541 = arith.constant 39 : i32
      %parallel_loop3A_542 = arith.index_cast %parallel_loop3A_541 : i32 to index
      %parallel_loop3A_543 = arith.index_cast %parallel_loop3A_72 : i32 to index
      %parallel_loop3A_544 = tpu.vector_load %arg6[%parallel_loop3A_542, %parallel_loop3A_543] {strides = array<i32>} : memref<64x1024xf32, #tpu.memory_space<vmem>>, vector<16xf32>,
      %parallel_loop3A_545 = vector.bitcast %parallel_loop3A_544 : vector<16xf32> to vector<16xi32>
      %parallel_loop3A_546 = arith.constant -64 : i32
      %parallel_loop3A_547 = vector.broadcast %parallel_loop3A_546 : i32 to vector<16xi32>
      %parallel_loop3A_548 = arith.andi %parallel_loop3A_545, %parallel_loop3A_547 : vector<16xi32>
      %parallel_loop3A_549 = arith.constant 24 : i32
      %parallel_loop3A_550 = vector.broadcast %parallel_loop3A_549 : i32 to vector<16xi32>
      %parallel_loop3A_551 = arith.ori %parallel_loop3A_548, %parallel_loop3A_550 : vector<16xi32>
      %parallel_loop3A_552 = vector.bitcast %parallel_loop3A_551 : vector<16xi32> to vector<16xf32>
      %parallel_loop3A_553 = arith.constant 40 : i32
      %parallel_loop3A_554 = arith.index_cast %parallel_loop3A_553 : i32 to index
      %parallel_loop3A_555 = arith.index_cast %parallel_loop3A_72 : i32 to index
      %parallel_loop3A_556 = tpu.vector_load %arg6[%parallel_loop3A_554, %parallel_loop3A_555] {strides = array<i32>} : memref<64x1024xf32, #tpu.memory_space<vmem>>, vector<16xf32>,
      %parallel_loop3A_557 = vector.bitcast %parallel_loop3A_556 : vector<16xf32> to vector<16xi32>
      %parallel_loop3A_558 = arith.constant -64 : i32
      %parallel_loop3A_559 = vector.broadcast %parallel_loop3A_558 : i32 to vector<16xi32>
      %parallel_loop3A_560 = arith.andi %parallel_loop3A_557, %parallel_loop3A_559 : vector<16xi32>
      %parallel_loop3A_561 = arith.constant 23 : i32
      %parallel_loop3A_562 = vector.broadcast %parallel_loop3A_561 : i32 to vector<16xi32>
      %parallel_loop3A_563 = arith.ori %parallel_loop3A_560, %parallel_loop3A_562 : vector<16xi32>
      %parallel_loop3A_564 = vector.bitcast %parallel_loop3A_563 : vector<16xi32> to vector<16xf32>
      %parallel_loop3A_565 = arith.constant 41 : i32
      %parallel_loop3A_566 = arith.index_cast %parallel_loop3A_565 : i32 to index
      %parallel_loop3A_567 = arith.index_cast %parallel_loop3A_72 : i32 to index
      %parallel_loop3A_568 = tpu.vector_load %arg6[%parallel_loop3A_566, %parallel_loop3A_567] {strides = array<i32>} : memref<64x1024xf32, #tpu.memory_space<vmem>>, vector<16xf32>,
      %parallel_loop3A_569 = vector.bitcast %parallel_loop3A_568 : vector<16xf32> to vector<16xi32>
      %parallel_loop3A_570 = arith.constant -64 : i32
      %parallel_loop3A_571 = vector.broadcast %parallel_loop3A_570 : i32 to vector<16xi32>
      %parallel_loop3A_572 = arith.andi %parallel_loop3A_569, %parallel_loop3A_571 : vector<16xi32>
      %parallel_loop3A_573 = arith.constant 22 : i32
      %parallel_loop3A_574 = vector.broadcast %parallel_loop3A_573 : i32 to vector<16xi32>
      %parallel_loop3A_575 = arith.ori %parallel_loop3A_572, %parallel_loop3A_574 : vector<16xi32>
      %parallel_loop3A_576 = vector.bitcast %parallel_loop3A_575 : vector<16xi32> to vector<16xf32>
      %parallel_loop3A_577 = arith.constant 42 : i32
      %parallel_loop3A_578 = arith.index_cast %parallel_loop3A_577 : i32 to index
      %parallel_loop3A_579 = arith.index_cast %parallel_loop3A_72 : i32 to index
      %parallel_loop3A_580 = tpu.vector_load %arg6[%parallel_loop3A_578, %parallel_loop3A_579] {strides = array<i32>} : memref<64x1024xf32, #tpu.memory_space<vmem>>, vector<16xf32>,
      %parallel_loop3A_581 = vector.bitcast %parallel_loop3A_580 : vector<16xf32> to vector<16xi32>
      %parallel_loop3A_582 = arith.constant -64 : i32
      %parallel_loop3A_583 = vector.broadcast %parallel_loop3A_582 : i32 to vector<16xi32>
      %parallel_loop3A_584 = arith.andi %parallel_loop3A_581, %parallel_loop3A_583 : vector<16xi32>
      %parallel_loop3A_585 = arith.constant 21 : i32
      %parallel_loop3A_586 = vector.broadcast %parallel_loop3A_585 : i32 to vector<16xi32>
      %parallel_loop3A_587 = arith.ori %parallel_loop3A_584, %parallel_loop3A_586 : vector<16xi32>
      %parallel_loop3A_588 = vector.bitcast %parallel_loop3A_587 : vector<16xi32> to vector<16xf32>
      %parallel_loop3A_589 = arith.constant 43 : i32
      %parallel_loop3A_590 = arith.index_cast %parallel_loop3A_589 : i32 to index
      %parallel_loop3A_591 = arith.index_cast %parallel_loop3A_72 : i32 to index
      %parallel_loop3A_592 = tpu.vector_load %arg6[%parallel_loop3A_590, %parallel_loop3A_591] {strides = array<i32>} : memref<64x1024xf32, #tpu.memory_space<vmem>>, vector<16xf32>,
      %parallel_loop3A_593 = vector.bitcast %parallel_loop3A_592 : vector<16xf32> to vector<16xi32>
      %parallel_loop3A_594 = arith.constant -64 : i32
      %parallel_loop3A_595 = vector.broadcast %parallel_loop3A_594 : i32 to vector<16xi32>
      %parallel_loop3A_596 = arith.andi %parallel_loop3A_593, %parallel_loop3A_595 : vector<16xi32>
      %parallel_loop3A_597 = arith.constant 20 : i32
      %parallel_loop3A_598 = vector.broadcast %parallel_loop3A_597 : i32 to vector<16xi32>
      %parallel_loop3A_599 = arith.ori %parallel_loop3A_596, %parallel_loop3A_598 : vector<16xi32>
      %parallel_loop3A_600 = vector.bitcast %parallel_loop3A_599 : vector<16xi32> to vector<16xf32>
      %parallel_loop3A_601 = arith.constant 44 : i32
      %parallel_loop3A_602 = arith.index_cast %parallel_loop3A_601 : i32 to index
      %parallel_loop3A_603 = arith.index_cast %parallel_loop3A_72 : i32 to index
      %parallel_loop3A_604 = tpu.vector_load %arg6[%parallel_loop3A_602, %parallel_loop3A_603] {strides = array<i32>} : memref<64x1024xf32, #tpu.memory_space<vmem>>, vector<16xf32>,
      %parallel_loop3A_605 = vector.bitcast %parallel_loop3A_604 : vector<16xf32> to vector<16xi32>
      %parallel_loop3A_606 = arith.constant -64 : i32
      %parallel_loop3A_607 = vector.broadcast %parallel_loop3A_606 : i32 to vector<16xi32>
      %parallel_loop3A_608 = arith.andi %parallel_loop3A_605, %parallel_loop3A_607 : vector<16xi32>
      %parallel_loop3A_609 = arith.constant 19 : i32
      %parallel_loop3A_610 = vector.broadcast %parallel_loop3A_609 : i32 to vector<16xi32>
      %parallel_loop3A_611 = arith.ori %parallel_loop3A_608, %parallel_loop3A_610 : vector<16xi32>
      %parallel_loop3A_612 = vector.bitcast %parallel_loop3A_611 : vector<16xi32> to vector<16xf32>
      %parallel_loop3A_613 = arith.constant 45 : i32
      %parallel_loop3A_614 = arith.index_cast %parallel_loop3A_613 : i32 to index
      %parallel_loop3A_615 = arith.index_cast %parallel_loop3A_72 : i32 to index
      %parallel_loop3A_616 = tpu.vector_load %arg6[%parallel_loop3A_614, %parallel_loop3A_615] {strides = array<i32>} : memref<64x1024xf32, #tpu.memory_space<vmem>>, vector<16xf32>,
      %parallel_loop3A_617 = vector.bitcast %parallel_loop3A_616 : vector<16xf32> to vector<16xi32>
      %parallel_loop3A_618 = arith.constant -64 : i32
      %parallel_loop3A_619 = vector.broadcast %parallel_loop3A_618 : i32 to vector<16xi32>
      %parallel_loop3A_620 = arith.andi %parallel_loop3A_617, %parallel_loop3A_619 : vector<16xi32>
      %parallel_loop3A_621 = arith.constant 18 : i32
      %parallel_loop3A_622 = vector.broadcast %parallel_loop3A_621 : i32 to vector<16xi32>
      %parallel_loop3A_623 = arith.ori %parallel_loop3A_620, %parallel_loop3A_622 : vector<16xi32>
      %parallel_loop3A_624 = vector.bitcast %parallel_loop3A_623 : vector<16xi32> to vector<16xf32>
      %parallel_loop3A_625 = arith.constant 46 : i32
      %parallel_loop3A_626 = arith.index_cast %parallel_loop3A_625 : i32 to index
      %parallel_loop3A_627 = arith.index_cast %parallel_loop3A_72 : i32 to index
      %parallel_loop3A_628 = tpu.vector_load %arg6[%parallel_loop3A_626, %parallel_loop3A_627] {strides = array<i32>} : memref<64x1024xf32, #tpu.memory_space<vmem>>, vector<16xf32>,
      %parallel_loop3A_629 = vector.bitcast %parallel_loop3A_628 : vector<16xf32> to vector<16xi32>
      %parallel_loop3A_630 = arith.constant -64 : i32
      %parallel_loop3A_631 = vector.broadcast %parallel_loop3A_630 : i32 to vector<16xi32>
      %parallel_loop3A_632 = arith.andi %parallel_loop3A_629, %parallel_loop3A_631 : vector<16xi32>
      %parallel_loop3A_633 = arith.constant 17 : i32
      %parallel_loop3A_634 = vector.broadcast %parallel_loop3A_633 : i32 to vector<16xi32>
      %parallel_loop3A_635 = arith.ori %parallel_loop3A_632, %parallel_loop3A_634 : vector<16xi32>
      %parallel_loop3A_636 = vector.bitcast %parallel_loop3A_635 : vector<16xi32> to vector<16xf32>
      %parallel_loop3A_637 = arith.constant 47 : i32
      %parallel_loop3A_638 = arith.index_cast %parallel_loop3A_637 : i32 to index
      %parallel_loop3A_639 = arith.index_cast %parallel_loop3A_72 : i32 to index
      %parallel_loop3A_640 = tpu.vector_load %arg6[%parallel_loop3A_638, %parallel_loop3A_639] {strides = array<i32>} : memref<64x1024xf32, #tpu.memory_space<vmem>>, vector<16xf32>,
      %parallel_loop3A_641 = vector.bitcast %parallel_loop3A_640 : vector<16xf32> to vector<16xi32>
      %parallel_loop3A_642 = arith.constant -64 : i32
      %parallel_loop3A_643 = vector.broadcast %parallel_loop3A_642 : i32 to vector<16xi32>
      %parallel_loop3A_644 = arith.andi %parallel_loop3A_641, %parallel_loop3A_643 : vector<16xi32>
      %parallel_loop3A_645 = arith.constant 16 : i32
      %parallel_loop3A_646 = vector.broadcast %parallel_loop3A_645 : i32 to vector<16xi32>
      %parallel_loop3A_647 = arith.ori %parallel_loop3A_644, %parallel_loop3A_646 : vector<16xi32>
      %parallel_loop3A_648 = vector.bitcast %parallel_loop3A_647 : vector<16xi32> to vector<16xf32>
      %parallel_loop3A_649 = arith.constant 48 : i32
      %parallel_loop3A_650 = arith.index_cast %parallel_loop3A_649 : i32 to index
      %parallel_loop3A_651 = arith.index_cast %parallel_loop3A_72 : i32 to index
      %parallel_loop3A_652 = tpu.vector_load %arg6[%parallel_loop3A_650, %parallel_loop3A_651] {strides = array<i32>} : memref<64x1024xf32, #tpu.memory_space<vmem>>, vector<16xf32>,
      %parallel_loop3A_653 = vector.bitcast %parallel_loop3A_652 : vector<16xf32> to vector<16xi32>
      %parallel_loop3A_654 = arith.constant -64 : i32
      %parallel_loop3A_655 = vector.broadcast %parallel_loop3A_654 : i32 to vector<16xi32>
      %parallel_loop3A_656 = arith.andi %parallel_loop3A_653, %parallel_loop3A_655 : vector<16xi32>
      %parallel_loop3A_657 = arith.constant 15 : i32
      %parallel_loop3A_658 = vector.broadcast %parallel_loop3A_657 : i32 to vector<16xi32>
      %parallel_loop3A_659 = arith.ori %parallel_loop3A_656, %parallel_loop3A_658 : vector<16xi32>
      %parallel_loop3A_660 = vector.bitcast %parallel_loop3A_659 : vector<16xi32> to vector<16xf32>
      %parallel_loop3A_661 = arith.constant 49 : i32
      %parallel_loop3A_662 = arith.index_cast %parallel_loop3A_661 : i32 to index
      %parallel_loop3A_663 = arith.index_cast %parallel_loop3A_72 : i32 to index
      %parallel_loop3A_664 = tpu.vector_load %arg6[%parallel_loop3A_662, %parallel_loop3A_663] {strides = array<i32>} : memref<64x1024xf32, #tpu.memory_space<vmem>>, vector<16xf32>,
      %parallel_loop3A_665 = vector.bitcast %parallel_loop3A_664 : vector<16xf32> to vector<16xi32>
      %parallel_loop3A_666 = arith.constant -64 : i32
      %parallel_loop3A_667 = vector.broadcast %parallel_loop3A_666 : i32 to vector<16xi32>
      %parallel_loop3A_668 = arith.andi %parallel_loop3A_665, %parallel_loop3A_667 : vector<16xi32>
      %parallel_loop3A_669 = arith.constant 14 : i32
      %parallel_loop3A_670 = vector.broadcast %parallel_loop3A_669 : i32 to vector<16xi32>
      %parallel_loop3A_671 = arith.ori %parallel_loop3A_668, %parallel_loop3A_670 : vector<16xi32>
      %parallel_loop3A_672 = vector.bitcast %parallel_loop3A_671 : vector<16xi32> to vector<16xf32>
      %parallel_loop3A_673 = arith.constant 50 : i32
      %parallel_loop3A_674 = arith.index_cast %parallel_loop3A_673 : i32 to index
      %parallel_loop3A_675 = arith.index_cast %parallel_loop3A_72 : i32 to index
      %parallel_loop3A_676 = tpu.vector_load %arg6[%parallel_loop3A_674, %parallel_loop3A_675] {strides = array<i32>} : memref<64x1024xf32, #tpu.memory_space<vmem>>, vector<16xf32>,
      %parallel_loop3A_677 = vector.bitcast %parallel_loop3A_676 : vector<16xf32> to vector<16xi32>
      %parallel_loop3A_678 = arith.constant -64 : i32
      %parallel_loop3A_679 = vector.broadcast %parallel_loop3A_678 : i32 to vector<16xi32>
      %parallel_loop3A_680 = arith.andi %parallel_loop3A_677, %parallel_loop3A_679 : vector<16xi32>
      %parallel_loop3A_681 = arith.constant 13 : i32
      %parallel_loop3A_682 = vector.broadcast %parallel_loop3A_681 : i32 to vector<16xi32>
      %parallel_loop3A_683 = arith.ori %parallel_loop3A_680, %parallel_loop3A_682 : vector<16xi32>
      %parallel_loop3A_684 = vector.bitcast %parallel_loop3A_683 : vector<16xi32> to vector<16xf32>
      %parallel_loop3A_685 = arith.constant 51 : i32
      %parallel_loop3A_686 = arith.index_cast %parallel_loop3A_685 : i32 to index
      %parallel_loop3A_687 = arith.index_cast %parallel_loop3A_72 : i32 to index
      %parallel_loop3A_688 = tpu.vector_load %arg6[%parallel_loop3A_686, %parallel_loop3A_687] {strides = array<i32>} : memref<64x1024xf32, #tpu.memory_space<vmem>>, vector<16xf32>,
      %parallel_loop3A_689 = vector.bitcast %parallel_loop3A_688 : vector<16xf32> to vector<16xi32>
      %parallel_loop3A_690 = arith.constant -64 : i32
      %parallel_loop3A_691 = vector.broadcast %parallel_loop3A_690 : i32 to vector<16xi32>
      %parallel_loop3A_692 = arith.andi %parallel_loop3A_689, %parallel_loop3A_691 : vector<16xi32>
      %parallel_loop3A_693 = arith.constant 12 : i32
      %parallel_loop3A_694 = vector.broadcast %parallel_loop3A_693 : i32 to vector<16xi32>
      %parallel_loop3A_695 = arith.ori %parallel_loop3A_692, %parallel_loop3A_694 : vector<16xi32>
      %parallel_loop3A_696 = vector.bitcast %parallel_loop3A_695 : vector<16xi32> to vector<16xf32>
      %parallel_loop3A_697 = arith.constant 52 : i32
      %parallel_loop3A_698 = arith.index_cast %parallel_loop3A_697 : i32 to index
      %parallel_loop3A_699 = arith.index_cast %parallel_loop3A_72 : i32 to index
      %parallel_loop3A_700 = tpu.vector_load %arg6[%parallel_loop3A_698, %parallel_loop3A_699] {strides = array<i32>} : memref<64x1024xf32, #tpu.memory_space<vmem>>, vector<16xf32>,
      %parallel_loop3A_701 = vector.bitcast %parallel_loop3A_700 : vector<16xf32> to vector<16xi32>
      %parallel_loop3A_702 = arith.constant -64 : i32
      %parallel_loop3A_703 = vector.broadcast %parallel_loop3A_702 : i32 to vector<16xi32>
      %parallel_loop3A_704 = arith.andi %parallel_loop3A_701, %parallel_loop3A_703 : vector<16xi32>
      %parallel_loop3A_705 = arith.constant 11 : i32
      %parallel_loop3A_706 = vector.broadcast %parallel_loop3A_705 : i32 to vector<16xi32>
      %parallel_loop3A_707 = arith.ori %parallel_loop3A_704, %parallel_loop3A_706 : vector<16xi32>
      %parallel_loop3A_708 = vector.bitcast %parallel_loop3A_707 : vector<16xi32> to vector<16xf32>
      %parallel_loop3A_709 = arith.constant 53 : i32
      %parallel_loop3A_710 = arith.index_cast %parallel_loop3A_709 : i32 to index
      %parallel_loop3A_711 = arith.index_cast %parallel_loop3A_72 : i32 to index
      %parallel_loop3A_712 = tpu.vector_load %arg6[%parallel_loop3A_710, %parallel_loop3A_711] {strides = array<i32>} : memref<64x1024xf32, #tpu.memory_space<vmem>>, vector<16xf32>,
      %parallel_loop3A_713 = vector.bitcast %parallel_loop3A_712 : vector<16xf32> to vector<16xi32>
      %parallel_loop3A_714 = arith.constant -64 : i32
      %parallel_loop3A_715 = vector.broadcast %parallel_loop3A_714 : i32 to vector<16xi32>
      %parallel_loop3A_716 = arith.andi %parallel_loop3A_713, %parallel_loop3A_715 : vector<16xi32>
      %parallel_loop3A_717 = arith.constant 10 : i32
      %parallel_loop3A_718 = vector.broadcast %parallel_loop3A_717 : i32 to vector<16xi32>
      %parallel_loop3A_719 = arith.ori %parallel_loop3A_716, %parallel_loop3A_718 : vector<16xi32>
      %parallel_loop3A_720 = vector.bitcast %parallel_loop3A_719 : vector<16xi32> to vector<16xf32>
      %parallel_loop3A_721 = arith.constant 54 : i32
      %parallel_loop3A_722 = arith.index_cast %parallel_loop3A_721 : i32 to index
      %parallel_loop3A_723 = arith.index_cast %parallel_loop3A_72 : i32 to index
      %parallel_loop3A_724 = tpu.vector_load %arg6[%parallel_loop3A_722, %parallel_loop3A_723] {strides = array<i32>} : memref<64x1024xf32, #tpu.memory_space<vmem>>, vector<16xf32>,
      %parallel_loop3A_725 = vector.bitcast %parallel_loop3A_724 : vector<16xf32> to vector<16xi32>
      %parallel_loop3A_726 = arith.constant -64 : i32
      %parallel_loop3A_727 = vector.broadcast %parallel_loop3A_726 : i32 to vector<16xi32>
      %parallel_loop3A_728 = arith.andi %parallel_loop3A_725, %parallel_loop3A_727 : vector<16xi32>
      %parallel_loop3A_729 = arith.constant 9 : i32
      %parallel_loop3A_730 = vector.broadcast %parallel_loop3A_729 : i32 to vector<16xi32>
      %parallel_loop3A_731 = arith.ori %parallel_loop3A_728, %parallel_loop3A_730 : vector<16xi32>
      %parallel_loop3A_732 = vector.bitcast %parallel_loop3A_731 : vector<16xi32> to vector<16xf32>
      %parallel_loop3A_733 = arith.constant 55 : i32
      %parallel_loop3A_734 = arith.index_cast %parallel_loop3A_733 : i32 to index
      %parallel_loop3A_735 = arith.index_cast %parallel_loop3A_72 : i32 to index
      %parallel_loop3A_736 = tpu.vector_load %arg6[%parallel_loop3A_734, %parallel_loop3A_735] {strides = array<i32>} : memref<64x1024xf32, #tpu.memory_space<vmem>>, vector<16xf32>,
      %parallel_loop3A_737 = vector.bitcast %parallel_loop3A_736 : vector<16xf32> to vector<16xi32>
      %parallel_loop3A_738 = arith.constant -64 : i32
      %parallel_loop3A_739 = vector.broadcast %parallel_loop3A_738 : i32 to vector<16xi32>
      %parallel_loop3A_740 = arith.andi %parallel_loop3A_737, %parallel_loop3A_739 : vector<16xi32>
      %parallel_loop3A_741 = arith.constant 8 : i32
      %parallel_loop3A_742 = vector.broadcast %parallel_loop3A_741 : i32 to vector<16xi32>
      %parallel_loop3A_743 = arith.ori %parallel_loop3A_740, %parallel_loop3A_742 : vector<16xi32>
      %parallel_loop3A_744 = vector.bitcast %parallel_loop3A_743 : vector<16xi32> to vector<16xf32>
      %parallel_loop3A_745 = arith.constant 56 : i32
      %parallel_loop3A_746 = arith.index_cast %parallel_loop3A_745 : i32 to index
      %parallel_loop3A_747 = arith.index_cast %parallel_loop3A_72 : i32 to index
      %parallel_loop3A_748 = tpu.vector_load %arg6[%parallel_loop3A_746, %parallel_loop3A_747] {strides = array<i32>} : memref<64x1024xf32, #tpu.memory_space<vmem>>, vector<16xf32>,
      %parallel_loop3A_749 = vector.bitcast %parallel_loop3A_748 : vector<16xf32> to vector<16xi32>
      %parallel_loop3A_750 = arith.constant -64 : i32
      %parallel_loop3A_751 = vector.broadcast %parallel_loop3A_750 : i32 to vector<16xi32>
      %parallel_loop3A_752 = arith.andi %parallel_loop3A_749, %parallel_loop3A_751 : vector<16xi32>
      %parallel_loop3A_753 = arith.constant 7 : i32
      %parallel_loop3A_754 = vector.broadcast %parallel_loop3A_753 : i32 to vector<16xi32>
      %parallel_loop3A_755 = arith.ori %parallel_loop3A_752, %parallel_loop3A_754 : vector<16xi32>
      %parallel_loop3A_756 = vector.bitcast %parallel_loop3A_755 : vector<16xi32> to vector<16xf32>
      %parallel_loop3A_757 = arith.constant 57 : i32
      %parallel_loop3A_758 = arith.index_cast %parallel_loop3A_757 : i32 to index
      %parallel_loop3A_759 = arith.index_cast %parallel_loop3A_72 : i32 to index
      %parallel_loop3A_760 = tpu.vector_load %arg6[%parallel_loop3A_758, %parallel_loop3A_759] {strides = array<i32>} : memref<64x1024xf32, #tpu.memory_space<vmem>>, vector<16xf32>,
      %parallel_loop3A_761 = vector.bitcast %parallel_loop3A_760 : vector<16xf32> to vector<16xi32>
      %parallel_loop3A_762 = arith.constant -64 : i32
      %parallel_loop3A_763 = vector.broadcast %parallel_loop3A_762 : i32 to vector<16xi32>
      %parallel_loop3A_764 = arith.andi %parallel_loop3A_761, %parallel_loop3A_763 : vector<16xi32>
      %parallel_loop3A_765 = arith.constant 6 : i32
      %parallel_loop3A_766 = vector.broadcast %parallel_loop3A_765 : i32 to vector<16xi32>
      %parallel_loop3A_767 = arith.ori %parallel_loop3A_764, %parallel_loop3A_766 : vector<16xi32>
      %parallel_loop3A_768 = vector.bitcast %parallel_loop3A_767 : vector<16xi32> to vector<16xf32>
      %parallel_loop3A_769 = arith.constant 58 : i32
      %parallel_loop3A_770 = arith.index_cast %parallel_loop3A_769 : i32 to index
      %parallel_loop3A_771 = arith.index_cast %parallel_loop3A_72 : i32 to index
      %parallel_loop3A_772 = tpu.vector_load %arg6[%parallel_loop3A_770, %parallel_loop3A_771] {strides = array<i32>} : memref<64x1024xf32, #tpu.memory_space<vmem>>, vector<16xf32>,
      %parallel_loop3A_773 = vector.bitcast %parallel_loop3A_772 : vector<16xf32> to vector<16xi32>
      %parallel_loop3A_774 = arith.constant -64 : i32
      %parallel_loop3A_775 = vector.broadcast %parallel_loop3A_774 : i32 to vector<16xi32>
      %parallel_loop3A_776 = arith.andi %parallel_loop3A_773, %parallel_loop3A_775 : vector<16xi32>
      %parallel_loop3A_777 = arith.constant 5 : i32
      %parallel_loop3A_778 = vector.broadcast %parallel_loop3A_777 : i32 to vector<16xi32>
      %parallel_loop3A_779 = arith.ori %parallel_loop3A_776, %parallel_loop3A_778 : vector<16xi32>
      %parallel_loop3A_780 = vector.bitcast %parallel_loop3A_779 : vector<16xi32> to vector<16xf32>
      %parallel_loop3A_781 = arith.constant 59 : i32
      %parallel_loop3A_782 = arith.index_cast %parallel_loop3A_781 : i32 to index
      %parallel_loop3A_783 = arith.index_cast %parallel_loop3A_72 : i32 to index
      %parallel_loop3A_784 = tpu.vector_load %arg6[%parallel_loop3A_782, %parallel_loop3A_783] {strides = array<i32>} : memref<64x1024xf32, #tpu.memory_space<vmem>>, vector<16xf32>,
      %parallel_loop3A_785 = vector.bitcast %parallel_loop3A_784 : vector<16xf32> to vector<16xi32>
      %parallel_loop3A_786 = arith.constant -64 : i32
      %parallel_loop3A_787 = vector.broadcast %parallel_loop3A_786 : i32 to vector<16xi32>
      %parallel_loop3A_788 = arith.andi %parallel_loop3A_785, %parallel_loop3A_787 : vector<16xi32>
      %parallel_loop3A_789 = arith.constant 4 : i32
      %parallel_loop3A_790 = vector.broadcast %parallel_loop3A_789 : i32 to vector<16xi32>
      %parallel_loop3A_791 = arith.ori %parallel_loop3A_788, %parallel_loop3A_790 : vector<16xi32>
      %parallel_loop3A_792 = vector.bitcast %parallel_loop3A_791 : vector<16xi32> to vector<16xf32>
      %parallel_loop3A_793 = arith.constant 60 : i32
      %parallel_loop3A_794 = arith.index_cast %parallel_loop3A_793 : i32 to index
      %parallel_loop3A_795 = arith.index_cast %parallel_loop3A_72 : i32 to index
      %parallel_loop3A_796 = tpu.vector_load %arg6[%parallel_loop3A_794, %parallel_loop3A_795] {strides = array<i32>} : memref<64x1024xf32, #tpu.memory_space<vmem>>, vector<16xf32>,
      %parallel_loop3A_797 = vector.bitcast %parallel_loop3A_796 : vector<16xf32> to vector<16xi32>
      %parallel_loop3A_798 = arith.constant -64 : i32
      %parallel_loop3A_799 = vector.broadcast %parallel_loop3A_798 : i32 to vector<16xi32>
      %parallel_loop3A_800 = arith.andi %parallel_loop3A_797, %parallel_loop3A_799 : vector<16xi32>
      %parallel_loop3A_801 = arith.constant 3 : i32
      %parallel_loop3A_802 = vector.broadcast %parallel_loop3A_801 : i32 to vector<16xi32>
      %parallel_loop3A_803 = arith.ori %parallel_loop3A_800, %parallel_loop3A_802 : vector<16xi32>
      %parallel_loop3A_804 = vector.bitcast %parallel_loop3A_803 : vector<16xi32> to vector<16xf32>
      %parallel_loop3A_805 = arith.constant 61 : i32
      %parallel_loop3A_806 = arith.index_cast %parallel_loop3A_805 : i32 to index
      %parallel_loop3A_807 = arith.index_cast %parallel_loop3A_72 : i32 to index
      %parallel_loop3A_808 = tpu.vector_load %arg6[%parallel_loop3A_806, %parallel_loop3A_807] {strides = array<i32>} : memref<64x1024xf32, #tpu.memory_space<vmem>>, vector<16xf32>,
      %parallel_loop3A_809 = vector.bitcast %parallel_loop3A_808 : vector<16xf32> to vector<16xi32>
      %parallel_loop3A_810 = arith.constant -64 : i32
      %parallel_loop3A_811 = vector.broadcast %parallel_loop3A_810 : i32 to vector<16xi32>
      %parallel_loop3A_812 = arith.andi %parallel_loop3A_809, %parallel_loop3A_811 : vector<16xi32>
      %parallel_loop3A_813 = arith.constant 2 : i32
      %parallel_loop3A_814 = vector.broadcast %parallel_loop3A_813 : i32 to vector<16xi32>
      %parallel_loop3A_815 = arith.ori %parallel_loop3A_812, %parallel_loop3A_814 : vector<16xi32>
      %parallel_loop3A_816 = vector.bitcast %parallel_loop3A_815 : vector<16xi32> to vector<16xf32>
      %parallel_loop3A_817 = arith.constant 62 : i32
      %parallel_loop3A_818 = arith.index_cast %parallel_loop3A_817 : i32 to index
      %parallel_loop3A_819 = arith.index_cast %parallel_loop3A_72 : i32 to index
      %parallel_loop3A_820 = tpu.vector_load %arg6[%parallel_loop3A_818, %parallel_loop3A_819] {strides = array<i32>} : memref<64x1024xf32, #tpu.memory_space<vmem>>, vector<16xf32>,
      %parallel_loop3A_821 = vector.bitcast %parallel_loop3A_820 : vector<16xf32> to vector<16xi32>
      %parallel_loop3A_822 = arith.constant -64 : i32
      %parallel_loop3A_823 = vector.broadcast %parallel_loop3A_822 : i32 to vector<16xi32>
      %parallel_loop3A_824 = arith.andi %parallel_loop3A_821, %parallel_loop3A_823 : vector<16xi32>
      %parallel_loop3A_825 = arith.constant 1 : i32
      %parallel_loop3A_826 = vector.broadcast %parallel_loop3A_825 : i32 to vector<16xi32>
      %parallel_loop3A_827 = arith.ori %parallel_loop3A_824, %parallel_loop3A_826 : vector<16xi32>
      %parallel_loop3A_828 = vector.bitcast %parallel_loop3A_827 : vector<16xi32> to vector<16xf32>
      %parallel_loop3A_829 = arith.constant 63 : i32
      %parallel_loop3A_830 = arith.index_cast %parallel_loop3A_829 : i32 to index
      %parallel_loop3A_831 = arith.index_cast %parallel_loop3A_72 : i32 to index
      %parallel_loop3A_832 = tpu.vector_load %arg6[%parallel_loop3A_830, %parallel_loop3A_831] {strides = array<i32>} : memref<64x1024xf32, #tpu.memory_space<vmem>>, vector<16xf32>,
      %parallel_loop3A_833 = vector.bitcast %parallel_loop3A_832 : vector<16xf32> to vector<16xi32>
      %parallel_loop3A_834 = arith.constant -64 : i32
      %parallel_loop3A_835 = vector.broadcast %parallel_loop3A_834 : i32 to vector<16xi32>
      %parallel_loop3A_836 = arith.andi %parallel_loop3A_833, %parallel_loop3A_835 : vector<16xi32>
      %parallel_loop3A_837 = arith.constant 0 : i32
      %parallel_loop3A_838 = vector.broadcast %parallel_loop3A_837 : i32 to vector<16xi32>
      %parallel_loop3A_839 = arith.ori %parallel_loop3A_836, %parallel_loop3A_838 : vector<16xi32>
      %parallel_loop3A_840 = vector.bitcast %parallel_loop3A_839 : vector<16xi32> to vector<16xf32>
      %parallel_loop3A_841 = arith.maximumf %parallel_loop3A_84, %parallel_loop3A_96 : vector<16xf32>
      %parallel_loop3A_842 = arith.minimumf %parallel_loop3A_84, %parallel_loop3A_96 : vector<16xf32>
      %parallel_loop3A_843 = arith.maximumf %parallel_loop3A_108, %parallel_loop3A_120 : vector<16xf32>
      %parallel_loop3A_844 = arith.minimumf %parallel_loop3A_108, %parallel_loop3A_120 : vector<16xf32>
      %parallel_loop3A_845 = arith.maximumf %parallel_loop3A_132, %parallel_loop3A_144 : vector<16xf32>
      %parallel_loop3A_846 = arith.minimumf %parallel_loop3A_132, %parallel_loop3A_144 : vector<16xf32>
      %parallel_loop3A_847 = arith.maximumf %parallel_loop3A_156, %parallel_loop3A_168 : vector<16xf32>
      %parallel_loop3A_848 = arith.minimumf %parallel_loop3A_156, %parallel_loop3A_168 : vector<16xf32>
      %parallel_loop3A_849 = arith.maximumf %parallel_loop3A_841, %parallel_loop3A_843 : vector<16xf32>
      %parallel_loop3A_850 = arith.minimumf %parallel_loop3A_841, %parallel_loop3A_843 : vector<16xf32>
      %parallel_loop3A_851 = arith.maximumf %parallel_loop3A_842, %parallel_loop3A_844 : vector<16xf32>
      %parallel_loop3A_852 = arith.minimumf %parallel_loop3A_842, %parallel_loop3A_844 : vector<16xf32>
      %parallel_loop3A_853 = arith.maximumf %parallel_loop3A_845, %parallel_loop3A_847 : vector<16xf32>
      %parallel_loop3A_854 = arith.minimumf %parallel_loop3A_845, %parallel_loop3A_847 : vector<16xf32>
      %parallel_loop3A_855 = arith.maximumf %parallel_loop3A_846, %parallel_loop3A_848 : vector<16xf32>
      %parallel_loop3A_856 = arith.minimumf %parallel_loop3A_846, %parallel_loop3A_848 : vector<16xf32>
      %parallel_loop3A_857 = arith.maximumf %parallel_loop3A_851, %parallel_loop3A_850 : vector<16xf32>
      %parallel_loop3A_858 = arith.minimumf %parallel_loop3A_851, %parallel_loop3A_850 : vector<16xf32>
      %parallel_loop3A_859 = arith.maximumf %parallel_loop3A_855, %parallel_loop3A_854 : vector<16xf32>
      %parallel_loop3A_860 = arith.minimumf %parallel_loop3A_855, %parallel_loop3A_854 : vector<16xf32>
      %parallel_loop3A_861 = arith.maximumf %parallel_loop3A_849, %parallel_loop3A_853 : vector<16xf32>
      %parallel_loop3A_862 = arith.minimumf %parallel_loop3A_849, %parallel_loop3A_853 : vector<16xf32>
      %parallel_loop3A_863 = arith.maximumf %parallel_loop3A_857, %parallel_loop3A_859 : vector<16xf32>
      %parallel_loop3A_864 = arith.minimumf %parallel_loop3A_857, %parallel_loop3A_859 : vector<16xf32>
      %parallel_loop3A_865 = arith.maximumf %parallel_loop3A_858, %parallel_loop3A_860 : vector<16xf32>
      %parallel_loop3A_866 = arith.minimumf %parallel_loop3A_858, %parallel_loop3A_860 : vector<16xf32>
      %parallel_loop3A_867 = arith.maximumf %parallel_loop3A_852, %parallel_loop3A_856 : vector<16xf32>
      %parallel_loop3A_868 = arith.minimumf %parallel_loop3A_852, %parallel_loop3A_856 : vector<16xf32>
      %parallel_loop3A_869 = arith.maximumf %parallel_loop3A_865, %parallel_loop3A_862 : vector<16xf32>
      %parallel_loop3A_870 = arith.minimumf %parallel_loop3A_865, %parallel_loop3A_862 : vector<16xf32>
      %parallel_loop3A_871 = arith.maximumf %parallel_loop3A_867, %parallel_loop3A_864 : vector<16xf32>
      %parallel_loop3A_872 = arith.minimumf %parallel_loop3A_867, %parallel_loop3A_864 : vector<16xf32>
      %parallel_loop3A_873 = arith.maximumf %parallel_loop3A_863, %parallel_loop3A_869 : vector<16xf32>
      %parallel_loop3A_874 = arith.minimumf %parallel_loop3A_863, %parallel_loop3A_869 : vector<16xf32>
      %parallel_loop3A_875 = arith.maximumf %parallel_loop3A_871, %parallel_loop3A_870 : vector<16xf32>
      %parallel_loop3A_876 = arith.minimumf %parallel_loop3A_871, %parallel_loop3A_870 : vector<16xf32>
      %parallel_loop3A_877 = arith.maximumf %parallel_loop3A_872, %parallel_loop3A_866 : vector<16xf32>
      %parallel_loop3A_878 = arith.minimumf %parallel_loop3A_872, %parallel_loop3A_866 : vector<16xf32>
      %parallel_loop3A_879 = arith.maximumf %parallel_loop3A_180, %parallel_loop3A_192 : vector<16xf32>
      %parallel_loop3A_880 = arith.minimumf %parallel_loop3A_180, %parallel_loop3A_192 : vector<16xf32>
      %parallel_loop3A_881 = arith.maximumf %parallel_loop3A_204, %parallel_loop3A_216 : vector<16xf32>
      %parallel_loop3A_882 = arith.minimumf %parallel_loop3A_204, %parallel_loop3A_216 : vector<16xf32>
      %parallel_loop3A_883 = arith.maximumf %parallel_loop3A_228, %parallel_loop3A_240 : vector<16xf32>
      %parallel_loop3A_884 = arith.minimumf %parallel_loop3A_228, %parallel_loop3A_240 : vector<16xf32>
      %parallel_loop3A_885 = arith.maximumf %parallel_loop3A_252, %parallel_loop3A_264 : vector<16xf32>
      %parallel_loop3A_886 = arith.minimumf %parallel_loop3A_252, %parallel_loop3A_264 : vector<16xf32>
      %parallel_loop3A_887 = arith.maximumf %parallel_loop3A_879, %parallel_loop3A_881 : vector<16xf32>
      %parallel_loop3A_888 = arith.minimumf %parallel_loop3A_879, %parallel_loop3A_881 : vector<16xf32>
      %parallel_loop3A_889 = arith.maximumf %parallel_loop3A_880, %parallel_loop3A_882 : vector<16xf32>
      %parallel_loop3A_890 = arith.minimumf %parallel_loop3A_880, %parallel_loop3A_882 : vector<16xf32>
      %parallel_loop3A_891 = arith.maximumf %parallel_loop3A_883, %parallel_loop3A_885 : vector<16xf32>
      %parallel_loop3A_892 = arith.minimumf %parallel_loop3A_883, %parallel_loop3A_885 : vector<16xf32>
      %parallel_loop3A_893 = arith.maximumf %parallel_loop3A_884, %parallel_loop3A_886 : vector<16xf32>
      %parallel_loop3A_894 = arith.minimumf %parallel_loop3A_884, %parallel_loop3A_886 : vector<16xf32>
      %parallel_loop3A_895 = arith.maximumf %parallel_loop3A_889, %parallel_loop3A_888 : vector<16xf32>
      %parallel_loop3A_896 = arith.minimumf %parallel_loop3A_889, %parallel_loop3A_888 : vector<16xf32>
      %parallel_loop3A_897 = arith.maximumf %parallel_loop3A_893, %parallel_loop3A_892 : vector<16xf32>
      %parallel_loop3A_898 = arith.minimumf %parallel_loop3A_893, %parallel_loop3A_892 : vector<16xf32>
      %parallel_loop3A_899 = arith.maximumf %parallel_loop3A_887, %parallel_loop3A_891 : vector<16xf32>
      %parallel_loop3A_900 = arith.minimumf %parallel_loop3A_887, %parallel_loop3A_891 : vector<16xf32>
      %parallel_loop3A_901 = arith.maximumf %parallel_loop3A_895, %parallel_loop3A_897 : vector<16xf32>
      %parallel_loop3A_902 = arith.minimumf %parallel_loop3A_895, %parallel_loop3A_897 : vector<16xf32>
      %parallel_loop3A_903 = arith.maximumf %parallel_loop3A_896, %parallel_loop3A_898 : vector<16xf32>
      %parallel_loop3A_904 = arith.minimumf %parallel_loop3A_896, %parallel_loop3A_898 : vector<16xf32>
      %parallel_loop3A_905 = arith.maximumf %parallel_loop3A_890, %parallel_loop3A_894 : vector<16xf32>
      %parallel_loop3A_906 = arith.minimumf %parallel_loop3A_890, %parallel_loop3A_894 : vector<16xf32>
      %parallel_loop3A_907 = arith.maximumf %parallel_loop3A_903, %parallel_loop3A_900 : vector<16xf32>
      %parallel_loop3A_908 = arith.minimumf %parallel_loop3A_903, %parallel_loop3A_900 : vector<16xf32>
      %parallel_loop3A_909 = arith.maximumf %parallel_loop3A_905, %parallel_loop3A_902 : vector<16xf32>
      %parallel_loop3A_910 = arith.minimumf %parallel_loop3A_905, %parallel_loop3A_902 : vector<16xf32>
      %parallel_loop3A_911 = arith.maximumf %parallel_loop3A_901, %parallel_loop3A_907 : vector<16xf32>
      %parallel_loop3A_912 = arith.minimumf %parallel_loop3A_901, %parallel_loop3A_907 : vector<16xf32>
      %parallel_loop3A_913 = arith.maximumf %parallel_loop3A_909, %parallel_loop3A_908 : vector<16xf32>
      %parallel_loop3A_914 = arith.minimumf %parallel_loop3A_909, %parallel_loop3A_908 : vector<16xf32>
      %parallel_loop3A_915 = arith.maximumf %parallel_loop3A_910, %parallel_loop3A_904 : vector<16xf32>
      %parallel_loop3A_916 = arith.minimumf %parallel_loop3A_910, %parallel_loop3A_904 : vector<16xf32>
      %parallel_loop3A_917 = arith.maximumf %parallel_loop3A_276, %parallel_loop3A_288 : vector<16xf32>
      %parallel_loop3A_918 = arith.minimumf %parallel_loop3A_276, %parallel_loop3A_288 : vector<16xf32>
      %parallel_loop3A_919 = arith.maximumf %parallel_loop3A_300, %parallel_loop3A_312 : vector<16xf32>
      %parallel_loop3A_920 = arith.minimumf %parallel_loop3A_300, %parallel_loop3A_312 : vector<16xf32>
      %parallel_loop3A_921 = arith.maximumf %parallel_loop3A_324, %parallel_loop3A_336 : vector<16xf32>
      %parallel_loop3A_922 = arith.minimumf %parallel_loop3A_324, %parallel_loop3A_336 : vector<16xf32>
      %parallel_loop3A_923 = arith.maximumf %parallel_loop3A_348, %parallel_loop3A_360 : vector<16xf32>
      %parallel_loop3A_924 = arith.minimumf %parallel_loop3A_348, %parallel_loop3A_360 : vector<16xf32>
      %parallel_loop3A_925 = arith.maximumf %parallel_loop3A_917, %parallel_loop3A_919 : vector<16xf32>
      %parallel_loop3A_926 = arith.minimumf %parallel_loop3A_917, %parallel_loop3A_919 : vector<16xf32>
      %parallel_loop3A_927 = arith.maximumf %parallel_loop3A_918, %parallel_loop3A_920 : vector<16xf32>
      %parallel_loop3A_928 = arith.minimumf %parallel_loop3A_918, %parallel_loop3A_920 : vector<16xf32>
      %parallel_loop3A_929 = arith.maximumf %parallel_loop3A_921, %parallel_loop3A_923 : vector<16xf32>
      %parallel_loop3A_930 = arith.minimumf %parallel_loop3A_921, %parallel_loop3A_923 : vector<16xf32>
      %parallel_loop3A_931 = arith.maximumf %parallel_loop3A_922, %parallel_loop3A_924 : vector<16xf32>
      %parallel_loop3A_932 = arith.minimumf %parallel_loop3A_922, %parallel_loop3A_924 : vector<16xf32>
      %parallel_loop3A_933 = arith.maximumf %parallel_loop3A_927, %parallel_loop3A_926 : vector<16xf32>
      %parallel_loop3A_934 = arith.minimumf %parallel_loop3A_927, %parallel_loop3A_926 : vector<16xf32>
      %parallel_loop3A_935 = arith.maximumf %parallel_loop3A_931, %parallel_loop3A_930 : vector<16xf32>
      %parallel_loop3A_936 = arith.minimumf %parallel_loop3A_931, %parallel_loop3A_930 : vector<16xf32>
      %parallel_loop3A_937 = arith.maximumf %parallel_loop3A_925, %parallel_loop3A_929 : vector<16xf32>
      %parallel_loop3A_938 = arith.minimumf %parallel_loop3A_925, %parallel_loop3A_929 : vector<16xf32>
      %parallel_loop3A_939 = arith.maximumf %parallel_loop3A_933, %parallel_loop3A_935 : vector<16xf32>
      %parallel_loop3A_940 = arith.minimumf %parallel_loop3A_933, %parallel_loop3A_935 : vector<16xf32>
      %parallel_loop3A_941 = arith.maximumf %parallel_loop3A_934, %parallel_loop3A_936 : vector<16xf32>
      %parallel_loop3A_942 = arith.minimumf %parallel_loop3A_934, %parallel_loop3A_936 : vector<16xf32>
      %parallel_loop3A_943 = arith.maximumf %parallel_loop3A_928, %parallel_loop3A_932 : vector<16xf32>
      %parallel_loop3A_944 = arith.minimumf %parallel_loop3A_928, %parallel_loop3A_932 : vector<16xf32>
      %parallel_loop3A_945 = arith.maximumf %parallel_loop3A_941, %parallel_loop3A_938 : vector<16xf32>
      %parallel_loop3A_946 = arith.minimumf %parallel_loop3A_941, %parallel_loop3A_938 : vector<16xf32>
      %parallel_loop3A_947 = arith.maximumf %parallel_loop3A_943, %parallel_loop3A_940 : vector<16xf32>
      %parallel_loop3A_948 = arith.minimumf %parallel_loop3A_943, %parallel_loop3A_940 : vector<16xf32>
      %parallel_loop3A_949 = arith.maximumf %parallel_loop3A_939, %parallel_loop3A_945 : vector<16xf32>
      %parallel_loop3A_950 = arith.minimumf %parallel_loop3A_939, %parallel_loop3A_945 : vector<16xf32>
      %parallel_loop3A_951 = arith.maximumf %parallel_loop3A_947, %parallel_loop3A_946 : vector<16xf32>
      %parallel_loop3A_952 = arith.minimumf %parallel_loop3A_947, %parallel_loop3A_946 : vector<16xf32>
      %parallel_loop3A_953 = arith.maximumf %parallel_loop3A_948, %parallel_loop3A_942 : vector<16xf32>
      %parallel_loop3A_954 = arith.minimumf %parallel_loop3A_948, %parallel_loop3A_942 : vector<16xf32>
      %parallel_loop3A_955 = arith.maximumf %parallel_loop3A_372, %parallel_loop3A_384 : vector<16xf32>
      %parallel_loop3A_956 = arith.minimumf %parallel_loop3A_372, %parallel_loop3A_384 : vector<16xf32>
      %parallel_loop3A_957 = arith.maximumf %parallel_loop3A_396, %parallel_loop3A_408 : vector<16xf32>
      %parallel_loop3A_958 = arith.minimumf %parallel_loop3A_396, %parallel_loop3A_408 : vector<16xf32>
      %parallel_loop3A_959 = arith.maximumf %parallel_loop3A_420, %parallel_loop3A_432 : vector<16xf32>
      %parallel_loop3A_960 = arith.minimumf %parallel_loop3A_420, %parallel_loop3A_432 : vector<16xf32>
      %parallel_loop3A_961 = arith.maximumf %parallel_loop3A_444, %parallel_loop3A_456 : vector<16xf32>
      %parallel_loop3A_962 = arith.minimumf %parallel_loop3A_444, %parallel_loop3A_456 : vector<16xf32>
      %parallel_loop3A_963 = arith.maximumf %parallel_loop3A_955, %parallel_loop3A_957 : vector<16xf32>
      %parallel_loop3A_964 = arith.minimumf %parallel_loop3A_955, %parallel_loop3A_957 : vector<16xf32>
      %parallel_loop3A_965 = arith.maximumf %parallel_loop3A_956, %parallel_loop3A_958 : vector<16xf32>
      %parallel_loop3A_966 = arith.minimumf %parallel_loop3A_956, %parallel_loop3A_958 : vector<16xf32>
      %parallel_loop3A_967 = arith.maximumf %parallel_loop3A_959, %parallel_loop3A_961 : vector<16xf32>
      %parallel_loop3A_968 = arith.minimumf %parallel_loop3A_959, %parallel_loop3A_961 : vector<16xf32>
      %parallel_loop3A_969 = arith.maximumf %parallel_loop3A_960, %parallel_loop3A_962 : vector<16xf32>
      %parallel_loop3A_970 = arith.minimumf %parallel_loop3A_960, %parallel_loop3A_962 : vector<16xf32>
      %parallel_loop3A_971 = arith.maximumf %parallel_loop3A_965, %parallel_loop3A_964 : vector<16xf32>
      %parallel_loop3A_972 = arith.minimumf %parallel_loop3A_965, %parallel_loop3A_964 : vector<16xf32>
      %parallel_loop3A_973 = arith.maximumf %parallel_loop3A_969, %parallel_loop3A_968 : vector<16xf32>
      %parallel_loop3A_974 = arith.minimumf %parallel_loop3A_969, %parallel_loop3A_968 : vector<16xf32>
      %parallel_loop3A_975 = arith.maximumf %parallel_loop3A_963, %parallel_loop3A_967 : vector<16xf32>
      %parallel_loop3A_976 = arith.minimumf %parallel_loop3A_963, %parallel_loop3A_967 : vector<16xf32>
      %parallel_loop3A_977 = arith.maximumf %parallel_loop3A_971, %parallel_loop3A_973 : vector<16xf32>
      %parallel_loop3A_978 = arith.minimumf %parallel_loop3A_971, %parallel_loop3A_973 : vector<16xf32>
      %parallel_loop3A_979 = arith.maximumf %parallel_loop3A_972, %parallel_loop3A_974 : vector<16xf32>
      %parallel_loop3A_980 = arith.minimumf %parallel_loop3A_972, %parallel_loop3A_974 : vector<16xf32>
      %parallel_loop3A_981 = arith.maximumf %parallel_loop3A_966, %parallel_loop3A_970 : vector<16xf32>
      %parallel_loop3A_982 = arith.minimumf %parallel_loop3A_966, %parallel_loop3A_970 : vector<16xf32>
      %parallel_loop3A_983 = arith.maximumf %parallel_loop3A_979, %parallel_loop3A_976 : vector<16xf32>
      %parallel_loop3A_984 = arith.minimumf %parallel_loop3A_979, %parallel_loop3A_976 : vector<16xf32>
      %parallel_loop3A_985 = arith.maximumf %parallel_loop3A_981, %parallel_loop3A_978 : vector<16xf32>
      %parallel_loop3A_986 = arith.minimumf %parallel_loop3A_981, %parallel_loop3A_978 : vector<16xf32>
      %parallel_loop3A_987 = arith.maximumf %parallel_loop3A_977, %parallel_loop3A_983 : vector<16xf32>
      %parallel_loop3A_988 = arith.minimumf %parallel_loop3A_977, %parallel_loop3A_983 : vector<16xf32>
      %parallel_loop3A_989 = arith.maximumf %parallel_loop3A_985, %parallel_loop3A_984 : vector<16xf32>
      %parallel_loop3A_990 = arith.minimumf %parallel_loop3A_985, %parallel_loop3A_984 : vector<16xf32>
      %parallel_loop3A_991 = arith.maximumf %parallel_loop3A_986, %parallel_loop3A_980 : vector<16xf32>
      %parallel_loop3A_992 = arith.minimumf %parallel_loop3A_986, %parallel_loop3A_980 : vector<16xf32>
      %parallel_loop3A_993 = arith.maximumf %parallel_loop3A_468, %parallel_loop3A_480 : vector<16xf32>
      %parallel_loop3A_994 = arith.minimumf %parallel_loop3A_468, %parallel_loop3A_480 : vector<16xf32>
      %parallel_loop3A_995 = arith.maximumf %parallel_loop3A_492, %parallel_loop3A_504 : vector<16xf32>
      %parallel_loop3A_996 = arith.minimumf %parallel_loop3A_492, %parallel_loop3A_504 : vector<16xf32>
      %parallel_loop3A_997 = arith.maximumf %parallel_loop3A_516, %parallel_loop3A_528 : vector<16xf32>
      %parallel_loop3A_998 = arith.minimumf %parallel_loop3A_516, %parallel_loop3A_528 : vector<16xf32>
      %parallel_loop3A_999 = arith.maximumf %parallel_loop3A_540, %parallel_loop3A_552 : vector<16xf32>
      %parallel_loop3A_1000 = arith.minimumf %parallel_loop3A_540, %parallel_loop3A_552 : vector<16xf32>
      %parallel_loop3A_1001 = arith.maximumf %parallel_loop3A_993, %parallel_loop3A_995 : vector<16xf32>
      %parallel_loop3A_1002 = arith.minimumf %parallel_loop3A_993, %parallel_loop3A_995 : vector<16xf32>
      %parallel_loop3A_1003 = arith.maximumf %parallel_loop3A_994, %parallel_loop3A_996 : vector<16xf32>
      %parallel_loop3A_1004 = arith.minimumf %parallel_loop3A_994, %parallel_loop3A_996 : vector<16xf32>
      %parallel_loop3A_1005 = arith.maximumf %parallel_loop3A_997, %parallel_loop3A_999 : vector<16xf32>
      %parallel_loop3A_1006 = arith.minimumf %parallel_loop3A_997, %parallel_loop3A_999 : vector<16xf32>
      %parallel_loop3A_1007 = arith.maximumf %parallel_loop3A_998, %parallel_loop3A_1000 : vector<16xf32>
      %parallel_loop3A_1008 = arith.minimumf %parallel_loop3A_998, %parallel_loop3A_1000 : vector<16xf32>
      %parallel_loop3A_1009 = arith.maximumf %parallel_loop3A_1003, %parallel_loop3A_1002 : vector<16xf32>
      %parallel_loop3A_1010 = arith.minimumf %parallel_loop3A_1003, %parallel_loop3A_1002 : vector<16xf32>
      %parallel_loop3A_1011 = arith.maximumf %parallel_loop3A_1007, %parallel_loop3A_1006 : vector<16xf32>
      %parallel_loop3A_1012 = arith.minimumf %parallel_loop3A_1007, %parallel_loop3A_1006 : vector<16xf32>
      %parallel_loop3A_1013 = arith.maximumf %parallel_loop3A_1001, %parallel_loop3A_1005 : vector<16xf32>
      %parallel_loop3A_1014 = arith.minimumf %parallel_loop3A_1001, %parallel_loop3A_1005 : vector<16xf32>
      %parallel_loop3A_1015 = arith.maximumf %parallel_loop3A_1009, %parallel_loop3A_1011 : vector<16xf32>
      %parallel_loop3A_1016 = arith.minimumf %parallel_loop3A_1009, %parallel_loop3A_1011 : vector<16xf32>
      %parallel_loop3A_1017 = arith.maximumf %parallel_loop3A_1010, %parallel_loop3A_1012 : vector<16xf32>
      %parallel_loop3A_1018 = arith.minimumf %parallel_loop3A_1010, %parallel_loop3A_1012 : vector<16xf32>
      %parallel_loop3A_1019 = arith.maximumf %parallel_loop3A_1004, %parallel_loop3A_1008 : vector<16xf32>
      %parallel_loop3A_1020 = arith.minimumf %parallel_loop3A_1004, %parallel_loop3A_1008 : vector<16xf32>
      %parallel_loop3A_1021 = arith.maximumf %parallel_loop3A_1017, %parallel_loop3A_1014 : vector<16xf32>
      %parallel_loop3A_1022 = arith.minimumf %parallel_loop3A_1017, %parallel_loop3A_1014 : vector<16xf32>
      %parallel_loop3A_1023 = arith.maximumf %parallel_loop3A_1019, %parallel_loop3A_1016 : vector<16xf32>
      %parallel_loop3A_1024 = arith.minimumf %parallel_loop3A_1019, %parallel_loop3A_1016 : vector<16xf32>
      %parallel_loop3A_1025 = arith.maximumf %parallel_loop3A_1015, %parallel_loop3A_1021 : vector<16xf32>
      %parallel_loop3A_1026 = arith.minimumf %parallel_loop3A_1015, %parallel_loop3A_1021 : vector<16xf32>
      %parallel_loop3A_1027 = arith.maximumf %parallel_loop3A_1023, %parallel_loop3A_1022 : vector<16xf32>
      %parallel_loop3A_1028 = arith.minimumf %parallel_loop3A_1023, %parallel_loop3A_1022 : vector<16xf32>
      %parallel_loop3A_1029 = arith.maximumf %parallel_loop3A_1024, %parallel_loop3A_1018 : vector<16xf32>
      %parallel_loop3A_1030 = arith.minimumf %parallel_loop3A_1024, %parallel_loop3A_1018 : vector<16xf32>
      %parallel_loop3A_1031 = arith.maximumf %parallel_loop3A_564, %parallel_loop3A_576 : vector<16xf32>
      %parallel_loop3A_1032 = arith.minimumf %parallel_loop3A_564, %parallel_loop3A_576 : vector<16xf32>
      %parallel_loop3A_1033 = arith.maximumf %parallel_loop3A_588, %parallel_loop3A_600 : vector<16xf32>
      %parallel_loop3A_1034 = arith.minimumf %parallel_loop3A_588, %parallel_loop3A_600 : vector<16xf32>
      %parallel_loop3A_1035 = arith.maximumf %parallel_loop3A_612, %parallel_loop3A_624 : vector<16xf32>
      %parallel_loop3A_1036 = arith.minimumf %parallel_loop3A_612, %parallel_loop3A_624 : vector<16xf32>
      %parallel_loop3A_1037 = arith.maximumf %parallel_loop3A_636, %parallel_loop3A_648 : vector<16xf32>
      %parallel_loop3A_1038 = arith.minimumf %parallel_loop3A_636, %parallel_loop3A_648 : vector<16xf32>
      %parallel_loop3A_1039 = arith.maximumf %parallel_loop3A_1031, %parallel_loop3A_1033 : vector<16xf32>
      %parallel_loop3A_1040 = arith.minimumf %parallel_loop3A_1031, %parallel_loop3A_1033 : vector<16xf32>
      %parallel_loop3A_1041 = arith.maximumf %parallel_loop3A_1032, %parallel_loop3A_1034 : vector<16xf32>
      %parallel_loop3A_1042 = arith.minimumf %parallel_loop3A_1032, %parallel_loop3A_1034 : vector<16xf32>
      %parallel_loop3A_1043 = arith.maximumf %parallel_loop3A_1035, %parallel_loop3A_1037 : vector<16xf32>
      %parallel_loop3A_1044 = arith.minimumf %parallel_loop3A_1035, %parallel_loop3A_1037 : vector<16xf32>
      %parallel_loop3A_1045 = arith.maximumf %parallel_loop3A_1036, %parallel_loop3A_1038 : vector<16xf32>
      %parallel_loop3A_1046 = arith.minimumf %parallel_loop3A_1036, %parallel_loop3A_1038 : vector<16xf32>
      %parallel_loop3A_1047 = arith.maximumf %parallel_loop3A_1041, %parallel_loop3A_1040 : vector<16xf32>
      %parallel_loop3A_1048 = arith.minimumf %parallel_loop3A_1041, %parallel_loop3A_1040 : vector<16xf32>
      %parallel_loop3A_1049 = arith.maximumf %parallel_loop3A_1045, %parallel_loop3A_1044 : vector<16xf32>
      %parallel_loop3A_1050 = arith.minimumf %parallel_loop3A_1045, %parallel_loop3A_1044 : vector<16xf32>
      %parallel_loop3A_1051 = arith.maximumf %parallel_loop3A_1039, %parallel_loop3A_1043 : vector<16xf32>
      %parallel_loop3A_1052 = arith.minimumf %parallel_loop3A_1039, %parallel_loop3A_1043 : vector<16xf32>
      %parallel_loop3A_1053 = arith.maximumf %parallel_loop3A_1047, %parallel_loop3A_1049 : vector<16xf32>
      %parallel_loop3A_1054 = arith.minimumf %parallel_loop3A_1047, %parallel_loop3A_1049 : vector<16xf32>
      %parallel_loop3A_1055 = arith.maximumf %parallel_loop3A_1048, %parallel_loop3A_1050 : vector<16xf32>
      %parallel_loop3A_1056 = arith.minimumf %parallel_loop3A_1048, %parallel_loop3A_1050 : vector<16xf32>
      %parallel_loop3A_1057 = arith.maximumf %parallel_loop3A_1042, %parallel_loop3A_1046 : vector<16xf32>
      %parallel_loop3A_1058 = arith.minimumf %parallel_loop3A_1042, %parallel_loop3A_1046 : vector<16xf32>
      %parallel_loop3A_1059 = arith.maximumf %parallel_loop3A_1055, %parallel_loop3A_1052 : vector<16xf32>
      %parallel_loop3A_1060 = arith.minimumf %parallel_loop3A_1055, %parallel_loop3A_1052 : vector<16xf32>
      %parallel_loop3A_1061 = arith.maximumf %parallel_loop3A_1057, %parallel_loop3A_1054 : vector<16xf32>
      %parallel_loop3A_1062 = arith.minimumf %parallel_loop3A_1057, %parallel_loop3A_1054 : vector<16xf32>
      %parallel_loop3A_1063 = arith.maximumf %parallel_loop3A_1053, %parallel_loop3A_1059 : vector<16xf32>
      %parallel_loop3A_1064 = arith.minimumf %parallel_loop3A_1053, %parallel_loop3A_1059 : vector<16xf32>
      %parallel_loop3A_1065 = arith.maximumf %parallel_loop3A_1061, %parallel_loop3A_1060 : vector<16xf32>
      %parallel_loop3A_1066 = arith.minimumf %parallel_loop3A_1061, %parallel_loop3A_1060 : vector<16xf32>
      %parallel_loop3A_1067 = arith.maximumf %parallel_loop3A_1062, %parallel_loop3A_1056 : vector<16xf32>
      %parallel_loop3A_1068 = arith.minimumf %parallel_loop3A_1062, %parallel_loop3A_1056 : vector<16xf32>
      %parallel_loop3A_1069 = arith.maximumf %parallel_loop3A_660, %parallel_loop3A_672 : vector<16xf32>
      %parallel_loop3A_1070 = arith.minimumf %parallel_loop3A_660, %parallel_loop3A_672 : vector<16xf32>
      %parallel_loop3A_1071 = arith.maximumf %parallel_loop3A_684, %parallel_loop3A_696 : vector<16xf32>
      %parallel_loop3A_1072 = arith.minimumf %parallel_loop3A_684, %parallel_loop3A_696 : vector<16xf32>
      %parallel_loop3A_1073 = arith.maximumf %parallel_loop3A_708, %parallel_loop3A_720 : vector<16xf32>
      %parallel_loop3A_1074 = arith.minimumf %parallel_loop3A_708, %parallel_loop3A_720 : vector<16xf32>
      %parallel_loop3A_1075 = arith.maximumf %parallel_loop3A_732, %parallel_loop3A_744 : vector<16xf32>
      %parallel_loop3A_1076 = arith.minimumf %parallel_loop3A_732, %parallel_loop3A_744 : vector<16xf32>
      %parallel_loop3A_1077 = arith.maximumf %parallel_loop3A_1069, %parallel_loop3A_1071 : vector<16xf32>
      %parallel_loop3A_1078 = arith.minimumf %parallel_loop3A_1069, %parallel_loop3A_1071 : vector<16xf32>
      %parallel_loop3A_1079 = arith.maximumf %parallel_loop3A_1070, %parallel_loop3A_1072 : vector<16xf32>
      %parallel_loop3A_1080 = arith.minimumf %parallel_loop3A_1070, %parallel_loop3A_1072 : vector<16xf32>
      %parallel_loop3A_1081 = arith.maximumf %parallel_loop3A_1073, %parallel_loop3A_1075 : vector<16xf32>
      %parallel_loop3A_1082 = arith.minimumf %parallel_loop3A_1073, %parallel_loop3A_1075 : vector<16xf32>
      %parallel_loop3A_1083 = arith.maximumf %parallel_loop3A_1074, %parallel_loop3A_1076 : vector<16xf32>
      %parallel_loop3A_1084 = arith.minimumf %parallel_loop3A_1074, %parallel_loop3A_1076 : vector<16xf32>
      %parallel_loop3A_1085 = arith.maximumf %parallel_loop3A_1079, %parallel_loop3A_1078 : vector<16xf32>
      %parallel_loop3A_1086 = arith.minimumf %parallel_loop3A_1079, %parallel_loop3A_1078 : vector<16xf32>
      %parallel_loop3A_1087 = arith.maximumf %parallel_loop3A_1083, %parallel_loop3A_1082 : vector<16xf32>
      %parallel_loop3A_1088 = arith.minimumf %parallel_loop3A_1083, %parallel_loop3A_1082 : vector<16xf32>
      %parallel_loop3A_1089 = arith.maximumf %parallel_loop3A_1077, %parallel_loop3A_1081 : vector<16xf32>
      %parallel_loop3A_1090 = arith.minimumf %parallel_loop3A_1077, %parallel_loop3A_1081 : vector<16xf32>
      %parallel_loop3A_1091 = arith.maximumf %parallel_loop3A_1085, %parallel_loop3A_1087 : vector<16xf32>
      %parallel_loop3A_1092 = arith.minimumf %parallel_loop3A_1085, %parallel_loop3A_1087 : vector<16xf32>
      %parallel_loop3A_1093 = arith.maximumf %parallel_loop3A_1086, %parallel_loop3A_1088 : vector<16xf32>
      %parallel_loop3A_1094 = arith.minimumf %parallel_loop3A_1086, %parallel_loop3A_1088 : vector<16xf32>
      %parallel_loop3A_1095 = arith.maximumf %parallel_loop3A_1080, %parallel_loop3A_1084 : vector<16xf32>
      %parallel_loop3A_1096 = arith.minimumf %parallel_loop3A_1080, %parallel_loop3A_1084 : vector<16xf32>
      %parallel_loop3A_1097 = arith.maximumf %parallel_loop3A_1093, %parallel_loop3A_1090 : vector<16xf32>
      %parallel_loop3A_1098 = arith.minimumf %parallel_loop3A_1093, %parallel_loop3A_1090 : vector<16xf32>
      %parallel_loop3A_1099 = arith.maximumf %parallel_loop3A_1095, %parallel_loop3A_1092 : vector<16xf32>
      %parallel_loop3A_1100 = arith.minimumf %parallel_loop3A_1095, %parallel_loop3A_1092 : vector<16xf32>
      %parallel_loop3A_1101 = arith.maximumf %parallel_loop3A_1091, %parallel_loop3A_1097 : vector<16xf32>
      %parallel_loop3A_1102 = arith.minimumf %parallel_loop3A_1091, %parallel_loop3A_1097 : vector<16xf32>
      %parallel_loop3A_1103 = arith.maximumf %parallel_loop3A_1099, %parallel_loop3A_1098 : vector<16xf32>
      %parallel_loop3A_1104 = arith.minimumf %parallel_loop3A_1099, %parallel_loop3A_1098 : vector<16xf32>
      %parallel_loop3A_1105 = arith.maximumf %parallel_loop3A_1100, %parallel_loop3A_1094 : vector<16xf32>
      %parallel_loop3A_1106 = arith.minimumf %parallel_loop3A_1100, %parallel_loop3A_1094 : vector<16xf32>
      %parallel_loop3A_1107 = arith.maximumf %parallel_loop3A_756, %parallel_loop3A_768 : vector<16xf32>
      %parallel_loop3A_1108 = arith.minimumf %parallel_loop3A_756, %parallel_loop3A_768 : vector<16xf32>
      %parallel_loop3A_1109 = arith.maximumf %parallel_loop3A_780, %parallel_loop3A_792 : vector<16xf32>
      %parallel_loop3A_1110 = arith.minimumf %parallel_loop3A_780, %parallel_loop3A_792 : vector<16xf32>
      %parallel_loop3A_1111 = arith.maximumf %parallel_loop3A_804, %parallel_loop3A_816 : vector<16xf32>
      %parallel_loop3A_1112 = arith.minimumf %parallel_loop3A_804, %parallel_loop3A_816 : vector<16xf32>
      %parallel_loop3A_1113 = arith.maximumf %parallel_loop3A_828, %parallel_loop3A_840 : vector<16xf32>
      %parallel_loop3A_1114 = arith.minimumf %parallel_loop3A_828, %parallel_loop3A_840 : vector<16xf32>
      %parallel_loop3A_1115 = arith.maximumf %parallel_loop3A_1107, %parallel_loop3A_1109 : vector<16xf32>
      %parallel_loop3A_1116 = arith.minimumf %parallel_loop3A_1107, %parallel_loop3A_1109 : vector<16xf32>
      %parallel_loop3A_1117 = arith.maximumf %parallel_loop3A_1108, %parallel_loop3A_1110 : vector<16xf32>
      %parallel_loop3A_1118 = arith.minimumf %parallel_loop3A_1108, %parallel_loop3A_1110 : vector<16xf32>
      %parallel_loop3A_1119 = arith.maximumf %parallel_loop3A_1111, %parallel_loop3A_1113 : vector<16xf32>
      %parallel_loop3A_1120 = arith.minimumf %parallel_loop3A_1111, %parallel_loop3A_1113 : vector<16xf32>
      %parallel_loop3A_1121 = arith.maximumf %parallel_loop3A_1112, %parallel_loop3A_1114 : vector<16xf32>
      %parallel_loop3A_1122 = arith.minimumf %parallel_loop3A_1112, %parallel_loop3A_1114 : vector<16xf32>
      %parallel_loop3A_1123 = arith.maximumf %parallel_loop3A_1117, %parallel_loop3A_1116 : vector<16xf32>
      %parallel_loop3A_1124 = arith.minimumf %parallel_loop3A_1117, %parallel_loop3A_1116 : vector<16xf32>
      %parallel_loop3A_1125 = arith.maximumf %parallel_loop3A_1121, %parallel_loop3A_1120 : vector<16xf32>
      %parallel_loop3A_1126 = arith.minimumf %parallel_loop3A_1121, %parallel_loop3A_1120 : vector<16xf32>
      %parallel_loop3A_1127 = arith.maximumf %parallel_loop3A_1115, %parallel_loop3A_1119 : vector<16xf32>
      %parallel_loop3A_1128 = arith.minimumf %parallel_loop3A_1115, %parallel_loop3A_1119 : vector<16xf32>
      %parallel_loop3A_1129 = arith.maximumf %parallel_loop3A_1123, %parallel_loop3A_1125 : vector<16xf32>
      %parallel_loop3A_1130 = arith.minimumf %parallel_loop3A_1123, %parallel_loop3A_1125 : vector<16xf32>
      %parallel_loop3A_1131 = arith.maximumf %parallel_loop3A_1124, %parallel_loop3A_1126 : vector<16xf32>
      %parallel_loop3A_1132 = arith.minimumf %parallel_loop3A_1124, %parallel_loop3A_1126 : vector<16xf32>
      %parallel_loop3A_1133 = arith.maximumf %parallel_loop3A_1118, %parallel_loop3A_1122 : vector<16xf32>
      %parallel_loop3A_1134 = arith.minimumf %parallel_loop3A_1118, %parallel_loop3A_1122 : vector<16xf32>
      %parallel_loop3A_1135 = arith.maximumf %parallel_loop3A_1131, %parallel_loop3A_1128 : vector<16xf32>
      %parallel_loop3A_1136 = arith.minimumf %parallel_loop3A_1131, %parallel_loop3A_1128 : vector<16xf32>
      %parallel_loop3A_1137 = arith.maximumf %parallel_loop3A_1133, %parallel_loop3A_1130 : vector<16xf32>
      %parallel_loop3A_1138 = arith.minimumf %parallel_loop3A_1133, %parallel_loop3A_1130 : vector<16xf32>
      %parallel_loop3A_1139 = arith.maximumf %parallel_loop3A_1129, %parallel_loop3A_1135 : vector<16xf32>
      %parallel_loop3A_1140 = arith.minimumf %parallel_loop3A_1129, %parallel_loop3A_1135 : vector<16xf32>
      %parallel_loop3A_1141 = arith.maximumf %parallel_loop3A_1137, %parallel_loop3A_1136 : vector<16xf32>
      %parallel_loop3A_1142 = arith.minimumf %parallel_loop3A_1137, %parallel_loop3A_1136 : vector<16xf32>
      %parallel_loop3A_1143 = arith.maximumf %parallel_loop3A_1138, %parallel_loop3A_1132 : vector<16xf32>
      %parallel_loop3A_1144 = arith.minimumf %parallel_loop3A_1138, %parallel_loop3A_1132 : vector<16xf32>
      %parallel_loop3A_1145 = arith.maximumf %parallel_loop3A_861, %parallel_loop3A_906 : vector<16xf32>
      %parallel_loop3A_1146 = arith.maximumf %parallel_loop3A_873, %parallel_loop3A_916 : vector<16xf32>
      %parallel_loop3A_1147 = arith.maximumf %parallel_loop3A_874, %parallel_loop3A_915 : vector<16xf32>
      %parallel_loop3A_1148 = arith.maximumf %parallel_loop3A_875, %parallel_loop3A_914 : vector<16xf32>
      %parallel_loop3A_1149 = arith.maximumf %parallel_loop3A_876, %parallel_loop3A_913 : vector<16xf32>
      %parallel_loop3A_1150 = arith.maximumf %parallel_loop3A_877, %parallel_loop3A_912 : vector<16xf32>
      %parallel_loop3A_1151 = arith.maximumf %parallel_loop3A_878, %parallel_loop3A_911 : vector<16xf32>
      %parallel_loop3A_1152 = arith.maximumf %parallel_loop3A_868, %parallel_loop3A_899 : vector<16xf32>
      %parallel_loop3A_1153 = arith.maximumf %parallel_loop3A_1145, %parallel_loop3A_1149 : vector<16xf32>
      %parallel_loop3A_1154 = arith.minimumf %parallel_loop3A_1145, %parallel_loop3A_1149 : vector<16xf32>
      %parallel_loop3A_1155 = arith.maximumf %parallel_loop3A_1146, %parallel_loop3A_1150 : vector<16xf32>
      %parallel_loop3A_1156 = arith.minimumf %parallel_loop3A_1146, %parallel_loop3A_1150 : vector<16xf32>
      %parallel_loop3A_1157 = arith.maximumf %parallel_loop3A_1147, %parallel_loop3A_1151 : vector<16xf32>
      %parallel_loop3A_1158 = arith.minimumf %parallel_loop3A_1147, %parallel_loop3A_1151 : vector<16xf32>
      %parallel_loop3A_1159 = arith.maximumf %parallel_loop3A_1148, %parallel_loop3A_1152 : vector<16xf32>
      %parallel_loop3A_1160 = arith.minimumf %parallel_loop3A_1148, %parallel_loop3A_1152 : vector<16xf32>
      %parallel_loop3A_1161 = arith.maximumf %parallel_loop3A_1153, %parallel_loop3A_1157 : vector<16xf32>
      %parallel_loop3A_1162 = arith.minimumf %parallel_loop3A_1153, %parallel_loop3A_1157 : vector<16xf32>
      %parallel_loop3A_1163 = arith.maximumf %parallel_loop3A_1155, %parallel_loop3A_1159 : vector<16xf32>
      %parallel_loop3A_1164 = arith.minimumf %parallel_loop3A_1155, %parallel_loop3A_1159 : vector<16xf32>
      %parallel_loop3A_1165 = arith.maximumf %parallel_loop3A_1154, %parallel_loop3A_1158 : vector<16xf32>
      %parallel_loop3A_1166 = arith.minimumf %parallel_loop3A_1154, %parallel_loop3A_1158 : vector<16xf32>
      %parallel_loop3A_1167 = arith.maximumf %parallel_loop3A_1156, %parallel_loop3A_1160 : vector<16xf32>
      %parallel_loop3A_1168 = arith.minimumf %parallel_loop3A_1156, %parallel_loop3A_1160 : vector<16xf32>
      %parallel_loop3A_1169 = arith.maximumf %parallel_loop3A_1161, %parallel_loop3A_1163 : vector<16xf32>
      %parallel_loop3A_1170 = arith.minimumf %parallel_loop3A_1161, %parallel_loop3A_1163 : vector<16xf32>
      %parallel_loop3A_1171 = arith.maximumf %parallel_loop3A_1162, %parallel_loop3A_1164 : vector<16xf32>
      %parallel_loop3A_1172 = arith.minimumf %parallel_loop3A_1162, %parallel_loop3A_1164 : vector<16xf32>
      %parallel_loop3A_1173 = arith.maximumf %parallel_loop3A_1165, %parallel_loop3A_1167 : vector<16xf32>
      %parallel_loop3A_1174 = arith.minimumf %parallel_loop3A_1165, %parallel_loop3A_1167 : vector<16xf32>
      %parallel_loop3A_1175 = arith.maximumf %parallel_loop3A_1166, %parallel_loop3A_1168 : vector<16xf32>
      %parallel_loop3A_1176 = arith.minimumf %parallel_loop3A_1166, %parallel_loop3A_1168 : vector<16xf32>
      %parallel_loop3A_1177 = arith.maximumf %parallel_loop3A_937, %parallel_loop3A_982 : vector<16xf32>
      %parallel_loop3A_1178 = arith.maximumf %parallel_loop3A_949, %parallel_loop3A_992 : vector<16xf32>
      %parallel_loop3A_1179 = arith.maximumf %parallel_loop3A_950, %parallel_loop3A_991 : vector<16xf32>
      %parallel_loop3A_1180 = arith.maximumf %parallel_loop3A_951, %parallel_loop3A_990 : vector<16xf32>
      %parallel_loop3A_1181 = arith.maximumf %parallel_loop3A_952, %parallel_loop3A_989 : vector<16xf32>
      %parallel_loop3A_1182 = arith.maximumf %parallel_loop3A_953, %parallel_loop3A_988 : vector<16xf32>
      %parallel_loop3A_1183 = arith.maximumf %parallel_loop3A_954, %parallel_loop3A_987 : vector<16xf32>
      %parallel_loop3A_1184 = arith.maximumf %parallel_loop3A_944, %parallel_loop3A_975 : vector<16xf32>
      %parallel_loop3A_1185 = arith.maximumf %parallel_loop3A_1177, %parallel_loop3A_1181 : vector<16xf32>
      %parallel_loop3A_1186 = arith.minimumf %parallel_loop3A_1177, %parallel_loop3A_1181 : vector<16xf32>
      %parallel_loop3A_1187 = arith.maximumf %parallel_loop3A_1178, %parallel_loop3A_1182 : vector<16xf32>
      %parallel_loop3A_1188 = arith.minimumf %parallel_loop3A_1178, %parallel_loop3A_1182 : vector<16xf32>
      %parallel_loop3A_1189 = arith.maximumf %parallel_loop3A_1179, %parallel_loop3A_1183 : vector<16xf32>
      %parallel_loop3A_1190 = arith.minimumf %parallel_loop3A_1179, %parallel_loop3A_1183 : vector<16xf32>
      %parallel_loop3A_1191 = arith.maximumf %parallel_loop3A_1180, %parallel_loop3A_1184 : vector<16xf32>
      %parallel_loop3A_1192 = arith.minimumf %parallel_loop3A_1180, %parallel_loop3A_1184 : vector<16xf32>
      %parallel_loop3A_1193 = arith.maximumf %parallel_loop3A_1185, %parallel_loop3A_1189 : vector<16xf32>
      %parallel_loop3A_1194 = arith.minimumf %parallel_loop3A_1185, %parallel_loop3A_1189 : vector<16xf32>
      %parallel_loop3A_1195 = arith.maximumf %parallel_loop3A_1187, %parallel_loop3A_1191 : vector<16xf32>
      %parallel_loop3A_1196 = arith.minimumf %parallel_loop3A_1187, %parallel_loop3A_1191 : vector<16xf32>
      %parallel_loop3A_1197 = arith.maximumf %parallel_loop3A_1186, %parallel_loop3A_1190 : vector<16xf32>
      %parallel_loop3A_1198 = arith.minimumf %parallel_loop3A_1186, %parallel_loop3A_1190 : vector<16xf32>
      %parallel_loop3A_1199 = arith.maximumf %parallel_loop3A_1188, %parallel_loop3A_1192 : vector<16xf32>
      %parallel_loop3A_1200 = arith.minimumf %parallel_loop3A_1188, %parallel_loop3A_1192 : vector<16xf32>
      %parallel_loop3A_1201 = arith.maximumf %parallel_loop3A_1193, %parallel_loop3A_1195 : vector<16xf32>
      %parallel_loop3A_1202 = arith.minimumf %parallel_loop3A_1193, %parallel_loop3A_1195 : vector<16xf32>
      %parallel_loop3A_1203 = arith.maximumf %parallel_loop3A_1194, %parallel_loop3A_1196 : vector<16xf32>
      %parallel_loop3A_1204 = arith.minimumf %parallel_loop3A_1194, %parallel_loop3A_1196 : vector<16xf32>
      %parallel_loop3A_1205 = arith.maximumf %parallel_loop3A_1197, %parallel_loop3A_1199 : vector<16xf32>
      %parallel_loop3A_1206 = arith.minimumf %parallel_loop3A_1197, %parallel_loop3A_1199 : vector<16xf32>
      %parallel_loop3A_1207 = arith.maximumf %parallel_loop3A_1198, %parallel_loop3A_1200 : vector<16xf32>
      %parallel_loop3A_1208 = arith.minimumf %parallel_loop3A_1198, %parallel_loop3A_1200 : vector<16xf32>
      %parallel_loop3A_1209 = arith.maximumf %parallel_loop3A_1013, %parallel_loop3A_1058 : vector<16xf32>
      %parallel_loop3A_1210 = arith.maximumf %parallel_loop3A_1025, %parallel_loop3A_1068 : vector<16xf32>
      %parallel_loop3A_1211 = arith.maximumf %parallel_loop3A_1026, %parallel_loop3A_1067 : vector<16xf32>
      %parallel_loop3A_1212 = arith.maximumf %parallel_loop3A_1027, %parallel_loop3A_1066 : vector<16xf32>
      %parallel_loop3A_1213 = arith.maximumf %parallel_loop3A_1028, %parallel_loop3A_1065 : vector<16xf32>
      %parallel_loop3A_1214 = arith.maximumf %parallel_loop3A_1029, %parallel_loop3A_1064 : vector<16xf32>
      %parallel_loop3A_1215 = arith.maximumf %parallel_loop3A_1030, %parallel_loop3A_1063 : vector<16xf32>
      %parallel_loop3A_1216 = arith.maximumf %parallel_loop3A_1020, %parallel_loop3A_1051 : vector<16xf32>
      %parallel_loop3A_1217 = arith.maximumf %parallel_loop3A_1209, %parallel_loop3A_1213 : vector<16xf32>
      %parallel_loop3A_1218 = arith.minimumf %parallel_loop3A_1209, %parallel_loop3A_1213 : vector<16xf32>
      %parallel_loop3A_1219 = arith.maximumf %parallel_loop3A_1210, %parallel_loop3A_1214 : vector<16xf32>
      %parallel_loop3A_1220 = arith.minimumf %parallel_loop3A_1210, %parallel_loop3A_1214 : vector<16xf32>
      %parallel_loop3A_1221 = arith.maximumf %parallel_loop3A_1211, %parallel_loop3A_1215 : vector<16xf32>
      %parallel_loop3A_1222 = arith.minimumf %parallel_loop3A_1211, %parallel_loop3A_1215 : vector<16xf32>
      %parallel_loop3A_1223 = arith.maximumf %parallel_loop3A_1212, %parallel_loop3A_1216 : vector<16xf32>
      %parallel_loop3A_1224 = arith.minimumf %parallel_loop3A_1212, %parallel_loop3A_1216 : vector<16xf32>
      %parallel_loop3A_1225 = arith.maximumf %parallel_loop3A_1217, %parallel_loop3A_1221 : vector<16xf32>
      %parallel_loop3A_1226 = arith.minimumf %parallel_loop3A_1217, %parallel_loop3A_1221 : vector<16xf32>
      %parallel_loop3A_1227 = arith.maximumf %parallel_loop3A_1219, %parallel_loop3A_1223 : vector<16xf32>
      %parallel_loop3A_1228 = arith.minimumf %parallel_loop3A_1219, %parallel_loop3A_1223 : vector<16xf32>
      %parallel_loop3A_1229 = arith.maximumf %parallel_loop3A_1218, %parallel_loop3A_1222 : vector<16xf32>
      %parallel_loop3A_1230 = arith.minimumf %parallel_loop3A_1218, %parallel_loop3A_1222 : vector<16xf32>
      %parallel_loop3A_1231 = arith.maximumf %parallel_loop3A_1220, %parallel_loop3A_1224 : vector<16xf32>
      %parallel_loop3A_1232 = arith.minimumf %parallel_loop3A_1220, %parallel_loop3A_1224 : vector<16xf32>
      %parallel_loop3A_1233 = arith.maximumf %parallel_loop3A_1225, %parallel_loop3A_1227 : vector<16xf32>
      %parallel_loop3A_1234 = arith.minimumf %parallel_loop3A_1225, %parallel_loop3A_1227 : vector<16xf32>
      %parallel_loop3A_1235 = arith.maximumf %parallel_loop3A_1226, %parallel_loop3A_1228 : vector<16xf32>
      %parallel_loop3A_1236 = arith.minimumf %parallel_loop3A_1226, %parallel_loop3A_1228 : vector<16xf32>
      %parallel_loop3A_1237 = arith.maximumf %parallel_loop3A_1229, %parallel_loop3A_1231 : vector<16xf32>
      %parallel_loop3A_1238 = arith.minimumf %parallel_loop3A_1229, %parallel_loop3A_1231 : vector<16xf32>
      %parallel_loop3A_1239 = arith.maximumf %parallel_loop3A_1230, %parallel_loop3A_1232 : vector<16xf32>
      %parallel_loop3A_1240 = arith.minimumf %parallel_loop3A_1230, %parallel_loop3A_1232 : vector<16xf32>
      %parallel_loop3A_1241 = arith.maximumf %parallel_loop3A_1089, %parallel_loop3A_1134 : vector<16xf32>
      %parallel_loop3A_1242 = arith.maximumf %parallel_loop3A_1101, %parallel_loop3A_1144 : vector<16xf32>
      %parallel_loop3A_1243 = arith.maximumf %parallel_loop3A_1102, %parallel_loop3A_1143 : vector<16xf32>
      %parallel_loop3A_1244 = arith.maximumf %parallel_loop3A_1103, %parallel_loop3A_1142 : vector<16xf32>
      %parallel_loop3A_1245 = arith.maximumf %parallel_loop3A_1104, %parallel_loop3A_1141 : vector<16xf32>
      %parallel_loop3A_1246 = arith.maximumf %parallel_loop3A_1105, %parallel_loop3A_1140 : vector<16xf32>
      %parallel_loop3A_1247 = arith.maximumf %parallel_loop3A_1106, %parallel_loop3A_1139 : vector<16xf32>
      %parallel_loop3A_1248 = arith.maximumf %parallel_loop3A_1096, %parallel_loop3A_1127 : vector<16xf32>
      %parallel_loop3A_1249 = arith.maximumf %parallel_loop3A_1241, %parallel_loop3A_1245 : vector<16xf32>
      %parallel_loop3A_1250 = arith.minimumf %parallel_loop3A_1241, %parallel_loop3A_1245 : vector<16xf32>
      %parallel_loop3A_1251 = arith.maximumf %parallel_loop3A_1242, %parallel_loop3A_1246 : vector<16xf32>
      %parallel_loop3A_1252 = arith.minimumf %parallel_loop3A_1242, %parallel_loop3A_1246 : vector<16xf32>
      %parallel_loop3A_1253 = arith.maximumf %parallel_loop3A_1243, %parallel_loop3A_1247 : vector<16xf32>
      %parallel_loop3A_1254 = arith.minimumf %parallel_loop3A_1243, %parallel_loop3A_1247 : vector<16xf32>
      %parallel_loop3A_1255 = arith.maximumf %parallel_loop3A_1244, %parallel_loop3A_1248 : vector<16xf32>
      %parallel_loop3A_1256 = arith.minimumf %parallel_loop3A_1244, %parallel_loop3A_1248 : vector<16xf32>
      %parallel_loop3A_1257 = arith.maximumf %parallel_loop3A_1249, %parallel_loop3A_1253 : vector<16xf32>
      %parallel_loop3A_1258 = arith.minimumf %parallel_loop3A_1249, %parallel_loop3A_1253 : vector<16xf32>
      %parallel_loop3A_1259 = arith.maximumf %parallel_loop3A_1251, %parallel_loop3A_1255 : vector<16xf32>
      %parallel_loop3A_1260 = arith.minimumf %parallel_loop3A_1251, %parallel_loop3A_1255 : vector<16xf32>
      %parallel_loop3A_1261 = arith.maximumf %parallel_loop3A_1250, %parallel_loop3A_1254 : vector<16xf32>
      %parallel_loop3A_1262 = arith.minimumf %parallel_loop3A_1250, %parallel_loop3A_1254 : vector<16xf32>
      %parallel_loop3A_1263 = arith.maximumf %parallel_loop3A_1252, %parallel_loop3A_1256 : vector<16xf32>
      %parallel_loop3A_1264 = arith.minimumf %parallel_loop3A_1252, %parallel_loop3A_1256 : vector<16xf32>
      %parallel_loop3A_1265 = arith.maximumf %parallel_loop3A_1257, %parallel_loop3A_1259 : vector<16xf32>
      %parallel_loop3A_1266 = arith.minimumf %parallel_loop3A_1257, %parallel_loop3A_1259 : vector<16xf32>
      %parallel_loop3A_1267 = arith.maximumf %parallel_loop3A_1258, %parallel_loop3A_1260 : vector<16xf32>
      %parallel_loop3A_1268 = arith.minimumf %parallel_loop3A_1258, %parallel_loop3A_1260 : vector<16xf32>
      %parallel_loop3A_1269 = arith.maximumf %parallel_loop3A_1261, %parallel_loop3A_1263 : vector<16xf32>
      %parallel_loop3A_1270 = arith.minimumf %parallel_loop3A_1261, %parallel_loop3A_1263 : vector<16xf32>
      %parallel_loop3A_1271 = arith.maximumf %parallel_loop3A_1262, %parallel_loop3A_1264 : vector<16xf32>
      %parallel_loop3A_1272 = arith.minimumf %parallel_loop3A_1262, %parallel_loop3A_1264 : vector<16xf32>
      %parallel_loop3A_1273 = arith.maximumf %parallel_loop3A_1169, %parallel_loop3A_1208 : vector<16xf32>
      %parallel_loop3A_1274 = arith.maximumf %parallel_loop3A_1170, %parallel_loop3A_1207 : vector<16xf32>
      %parallel_loop3A_1275 = arith.maximumf %parallel_loop3A_1171, %parallel_loop3A_1206 : vector<16xf32>
      %parallel_loop3A_1276 = arith.maximumf %parallel_loop3A_1172, %parallel_loop3A_1205 : vector<16xf32>
      %parallel_loop3A_1277 = arith.maximumf %parallel_loop3A_1173, %parallel_loop3A_1204 : vector<16xf32>
      %parallel_loop3A_1278 = arith.maximumf %parallel_loop3A_1174, %parallel_loop3A_1203 : vector<16xf32>
      %parallel_loop3A_1279 = arith.maximumf %parallel_loop3A_1175, %parallel_loop3A_1202 : vector<16xf32>
      %parallel_loop3A_1280 = arith.maximumf %parallel_loop3A_1176, %parallel_loop3A_1201 : vector<16xf32>
      %parallel_loop3A_1281 = arith.maximumf %parallel_loop3A_1273, %parallel_loop3A_1277 : vector<16xf32>
      %parallel_loop3A_1282 = arith.minimumf %parallel_loop3A_1273, %parallel_loop3A_1277 : vector<16xf32>
      %parallel_loop3A_1283 = arith.maximumf %parallel_loop3A_1274, %parallel_loop3A_1278 : vector<16xf32>
      %parallel_loop3A_1284 = arith.minimumf %parallel_loop3A_1274, %parallel_loop3A_1278 : vector<16xf32>
      %parallel_loop3A_1285 = arith.maximumf %parallel_loop3A_1275, %parallel_loop3A_1279 : vector<16xf32>
      %parallel_loop3A_1286 = arith.minimumf %parallel_loop3A_1275, %parallel_loop3A_1279 : vector<16xf32>
      %parallel_loop3A_1287 = arith.maximumf %parallel_loop3A_1276, %parallel_loop3A_1280 : vector<16xf32>
      %parallel_loop3A_1288 = arith.minimumf %parallel_loop3A_1276, %parallel_loop3A_1280 : vector<16xf32>
      %parallel_loop3A_1289 = arith.maximumf %parallel_loop3A_1281, %parallel_loop3A_1285 : vector<16xf32>
      %parallel_loop3A_1290 = arith.minimumf %parallel_loop3A_1281, %parallel_loop3A_1285 : vector<16xf32>
      %parallel_loop3A_1291 = arith.maximumf %parallel_loop3A_1283, %parallel_loop3A_1287 : vector<16xf32>
      %parallel_loop3A_1292 = arith.minimumf %parallel_loop3A_1283, %parallel_loop3A_1287 : vector<16xf32>
      %parallel_loop3A_1293 = arith.maximumf %parallel_loop3A_1282, %parallel_loop3A_1286 : vector<16xf32>
      %parallel_loop3A_1294 = arith.minimumf %parallel_loop3A_1282, %parallel_loop3A_1286 : vector<16xf32>
      %parallel_loop3A_1295 = arith.maximumf %parallel_loop3A_1284, %parallel_loop3A_1288 : vector<16xf32>
      %parallel_loop3A_1296 = arith.minimumf %parallel_loop3A_1284, %parallel_loop3A_1288 : vector<16xf32>
      %parallel_loop3A_1297 = arith.maximumf %parallel_loop3A_1289, %parallel_loop3A_1291 : vector<16xf32>
      %parallel_loop3A_1298 = arith.minimumf %parallel_loop3A_1289, %parallel_loop3A_1291 : vector<16xf32>
      %parallel_loop3A_1299 = arith.maximumf %parallel_loop3A_1290, %parallel_loop3A_1292 : vector<16xf32>
      %parallel_loop3A_1300 = arith.minimumf %parallel_loop3A_1290, %parallel_loop3A_1292 : vector<16xf32>
      %parallel_loop3A_1301 = arith.maximumf %parallel_loop3A_1293, %parallel_loop3A_1295 : vector<16xf32>
      %parallel_loop3A_1302 = arith.minimumf %parallel_loop3A_1293, %parallel_loop3A_1295 : vector<16xf32>
      %parallel_loop3A_1303 = arith.maximumf %parallel_loop3A_1294, %parallel_loop3A_1296 : vector<16xf32>
      %parallel_loop3A_1304 = arith.minimumf %parallel_loop3A_1294, %parallel_loop3A_1296 : vector<16xf32>
      %parallel_loop3A_1305 = arith.maximumf %parallel_loop3A_1233, %parallel_loop3A_1272 : vector<16xf32>
      %parallel_loop3A_1306 = arith.maximumf %parallel_loop3A_1234, %parallel_loop3A_1271 : vector<16xf32>
      %parallel_loop3A_1307 = arith.maximumf %parallel_loop3A_1235, %parallel_loop3A_1270 : vector<16xf32>
      %parallel_loop3A_1308 = arith.maximumf %parallel_loop3A_1236, %parallel_loop3A_1269 : vector<16xf32>
      %parallel_loop3A_1309 = arith.maximumf %parallel_loop3A_1237, %parallel_loop3A_1268 : vector<16xf32>
      %parallel_loop3A_1310 = arith.maximumf %parallel_loop3A_1238, %parallel_loop3A_1267 : vector<16xf32>
      %parallel_loop3A_1311 = arith.maximumf %parallel_loop3A_1239, %parallel_loop3A_1266 : vector<16xf32>
      %parallel_loop3A_1312 = arith.maximumf %parallel_loop3A_1240, %parallel_loop3A_1265 : vector<16xf32>
      %parallel_loop3A_1313 = arith.maximumf %parallel_loop3A_1305, %parallel_loop3A_1309 : vector<16xf32>
      %parallel_loop3A_1314 = arith.minimumf %parallel_loop3A_1305, %parallel_loop3A_1309 : vector<16xf32>
      %parallel_loop3A_1315 = arith.maximumf %parallel_loop3A_1306, %parallel_loop3A_1310 : vector<16xf32>
      %parallel_loop3A_1316 = arith.minimumf %parallel_loop3A_1306, %parallel_loop3A_1310 : vector<16xf32>
      %parallel_loop3A_1317 = arith.maximumf %parallel_loop3A_1307, %parallel_loop3A_1311 : vector<16xf32>
      %parallel_loop3A_1318 = arith.minimumf %parallel_loop3A_1307, %parallel_loop3A_1311 : vector<16xf32>
      %parallel_loop3A_1319 = arith.maximumf %parallel_loop3A_1308, %parallel_loop3A_1312 : vector<16xf32>
      %parallel_loop3A_1320 = arith.minimumf %parallel_loop3A_1308, %parallel_loop3A_1312 : vector<16xf32>
      %parallel_loop3A_1321 = arith.maximumf %parallel_loop3A_1313, %parallel_loop3A_1317 : vector<16xf32>
      %parallel_loop3A_1322 = arith.minimumf %parallel_loop3A_1313, %parallel_loop3A_1317 : vector<16xf32>
      %parallel_loop3A_1323 = arith.maximumf %parallel_loop3A_1315, %parallel_loop3A_1319 : vector<16xf32>
      %parallel_loop3A_1324 = arith.minimumf %parallel_loop3A_1315, %parallel_loop3A_1319 : vector<16xf32>
      %parallel_loop3A_1325 = arith.maximumf %parallel_loop3A_1314, %parallel_loop3A_1318 : vector<16xf32>
      %parallel_loop3A_1326 = arith.minimumf %parallel_loop3A_1314, %parallel_loop3A_1318 : vector<16xf32>
      %parallel_loop3A_1327 = arith.maximumf %parallel_loop3A_1316, %parallel_loop3A_1320 : vector<16xf32>
      %parallel_loop3A_1328 = arith.minimumf %parallel_loop3A_1316, %parallel_loop3A_1320 : vector<16xf32>
      %parallel_loop3A_1329 = arith.maximumf %parallel_loop3A_1321, %parallel_loop3A_1323 : vector<16xf32>
      %parallel_loop3A_1330 = arith.minimumf %parallel_loop3A_1321, %parallel_loop3A_1323 : vector<16xf32>
      %parallel_loop3A_1331 = arith.maximumf %parallel_loop3A_1322, %parallel_loop3A_1324 : vector<16xf32>
      %parallel_loop3A_1332 = arith.minimumf %parallel_loop3A_1322, %parallel_loop3A_1324 : vector<16xf32>
      %parallel_loop3A_1333 = arith.maximumf %parallel_loop3A_1325, %parallel_loop3A_1327 : vector<16xf32>
      %parallel_loop3A_1334 = arith.minimumf %parallel_loop3A_1325, %parallel_loop3A_1327 : vector<16xf32>
      %parallel_loop3A_1335 = arith.maximumf %parallel_loop3A_1326, %parallel_loop3A_1328 : vector<16xf32>
      %parallel_loop3A_1336 = arith.minimumf %parallel_loop3A_1326, %parallel_loop3A_1328 : vector<16xf32>
      %parallel_loop3A_1337 = arith.maximumf %parallel_loop3A_1297, %parallel_loop3A_1336 : vector<16xf32>
      %parallel_loop3A_1338 = arith.maximumf %parallel_loop3A_1298, %parallel_loop3A_1335 : vector<16xf32>
      %parallel_loop3A_1339 = arith.maximumf %parallel_loop3A_1299, %parallel_loop3A_1334 : vector<16xf32>
      %parallel_loop3A_1340 = arith.maximumf %parallel_loop3A_1300, %parallel_loop3A_1333 : vector<16xf32>
      %parallel_loop3A_1341 = arith.maximumf %parallel_loop3A_1301, %parallel_loop3A_1332 : vector<16xf32>
      %parallel_loop3A_1342 = arith.maximumf %parallel_loop3A_1302, %parallel_loop3A_1331 : vector<16xf32>
      %parallel_loop3A_1343 = arith.maximumf %parallel_loop3A_1303, %parallel_loop3A_1330 : vector<16xf32>
      %parallel_loop3A_1344 = arith.maximumf %parallel_loop3A_1304, %parallel_loop3A_1329 : vector<16xf32>
      %parallel_loop3A_1345 = arith.maximumf %parallel_loop3A_1337, %parallel_loop3A_1341 : vector<16xf32>
      %parallel_loop3A_1346 = arith.minimumf %parallel_loop3A_1337, %parallel_loop3A_1341 : vector<16xf32>
      %parallel_loop3A_1347 = arith.maximumf %parallel_loop3A_1338, %parallel_loop3A_1342 : vector<16xf32>
      %parallel_loop3A_1348 = arith.minimumf %parallel_loop3A_1338, %parallel_loop3A_1342 : vector<16xf32>
      %parallel_loop3A_1349 = arith.maximumf %parallel_loop3A_1339, %parallel_loop3A_1343 : vector<16xf32>
      %parallel_loop3A_1350 = arith.minimumf %parallel_loop3A_1339, %parallel_loop3A_1343 : vector<16xf32>
      %parallel_loop3A_1351 = arith.maximumf %parallel_loop3A_1340, %parallel_loop3A_1344 : vector<16xf32>
      %parallel_loop3A_1352 = arith.minimumf %parallel_loop3A_1340, %parallel_loop3A_1344 : vector<16xf32>
      %parallel_loop3A_1353 = arith.maximumf %parallel_loop3A_1345, %parallel_loop3A_1349 : vector<16xf32>
      %parallel_loop3A_1354 = arith.minimumf %parallel_loop3A_1345, %parallel_loop3A_1349 : vector<16xf32>
      %parallel_loop3A_1355 = arith.maximumf %parallel_loop3A_1347, %parallel_loop3A_1351 : vector<16xf32>
      %parallel_loop3A_1356 = arith.minimumf %parallel_loop3A_1347, %parallel_loop3A_1351 : vector<16xf32>
      %parallel_loop3A_1357 = arith.maximumf %parallel_loop3A_1346, %parallel_loop3A_1350 : vector<16xf32>
      %parallel_loop3A_1358 = arith.minimumf %parallel_loop3A_1346, %parallel_loop3A_1350 : vector<16xf32>
      %parallel_loop3A_1359 = arith.maximumf %parallel_loop3A_1348, %parallel_loop3A_1352 : vector<16xf32>
      %parallel_loop3A_1360 = arith.minimumf %parallel_loop3A_1348, %parallel_loop3A_1352 : vector<16xf32>
      %parallel_loop3A_1361 = arith.maximumf %parallel_loop3A_1353, %parallel_loop3A_1355 : vector<16xf32>
      %parallel_loop3A_1362 = arith.minimumf %parallel_loop3A_1353, %parallel_loop3A_1355 : vector<16xf32>
      %parallel_loop3A_1363 = arith.maximumf %parallel_loop3A_1354, %parallel_loop3A_1356 : vector<16xf32>
      %parallel_loop3A_1364 = arith.minimumf %parallel_loop3A_1354, %parallel_loop3A_1356 : vector<16xf32>
      %parallel_loop3A_1365 = arith.maximumf %parallel_loop3A_1357, %parallel_loop3A_1359 : vector<16xf32>
      %parallel_loop3A_1366 = arith.minimumf %parallel_loop3A_1357, %parallel_loop3A_1359 : vector<16xf32>
      %parallel_loop3A_1367 = arith.maximumf %parallel_loop3A_1358, %parallel_loop3A_1360 : vector<16xf32>
      %parallel_loop3A_1368 = arith.minimumf %parallel_loop3A_1358, %parallel_loop3A_1360 : vector<16xf32>
      %parallel_loop3A_1369 = tpu.iota {dimensions = array<i32: 0>} : vector<16xi32>
      %parallel_loop3A_1370 = vector.broadcast %parallel_loop3A_72 : i32 to vector<16xi32>
      %parallel_loop3A_1371 = arith.addi %parallel_loop3A_1369, %parallel_loop3A_1370 : vector<16xi32>
      %parallel_loop3A_1372 = vector.bitcast %parallel_loop3A_1361 : vector<16xf32> to vector<16xi32>
      %parallel_loop3A_1373 = arith.constant 63 : i32
      %parallel_loop3A_1374 = vector.broadcast %parallel_loop3A_1373 : i32 to vector<16xi32>
      %parallel_loop3A_1375 = arith.andi %parallel_loop3A_1372, %parallel_loop3A_1374 : vector<16xi32>
      %parallel_loop3A_1376 = arith.constant 63 : i32
      %parallel_loop3A_1377 = vector.broadcast %parallel_loop3A_1376 : i32 to vector<16xi32>
      %parallel_loop3A_1378 = arith.subi %parallel_loop3A_1377, %parallel_loop3A_1375 : vector<16xi32>
      %parallel_loop3A_1379 = tpu.vector_load_idx %arg6[%parallel_loop3A_1378, %parallel_loop3A_1371] : memref<64x1024xf32, #tpu.memory_space<vmem>>[vector<16xi32>, vector<16xi32>], vector<16xf32>,
      %parallel_loop3A_1380 = vector.bitcast %parallel_loop3A_1362 : vector<16xf32> to vector<16xi32>
      %parallel_loop3A_1381 = arith.constant 63 : i32
      %parallel_loop3A_1382 = vector.broadcast %parallel_loop3A_1381 : i32 to vector<16xi32>
      %parallel_loop3A_1383 = arith.andi %parallel_loop3A_1380, %parallel_loop3A_1382 : vector<16xi32>
      %parallel_loop3A_1384 = arith.constant 63 : i32
      %parallel_loop3A_1385 = vector.broadcast %parallel_loop3A_1384 : i32 to vector<16xi32>
      %parallel_loop3A_1386 = arith.subi %parallel_loop3A_1385, %parallel_loop3A_1383 : vector<16xi32>
      %parallel_loop3A_1387 = tpu.vector_load_idx %arg6[%parallel_loop3A_1386, %parallel_loop3A_1371] : memref<64x1024xf32, #tpu.memory_space<vmem>>[vector<16xi32>, vector<16xi32>], vector<16xf32>,
      %parallel_loop3A_1388 = vector.bitcast %parallel_loop3A_1363 : vector<16xf32> to vector<16xi32>
      %parallel_loop3A_1389 = arith.constant 63 : i32
      %parallel_loop3A_1390 = vector.broadcast %parallel_loop3A_1389 : i32 to vector<16xi32>
      %parallel_loop3A_1391 = arith.andi %parallel_loop3A_1388, %parallel_loop3A_1390 : vector<16xi32>
      %parallel_loop3A_1392 = arith.constant 63 : i32
      %parallel_loop3A_1393 = vector.broadcast %parallel_loop3A_1392 : i32 to vector<16xi32>
      %parallel_loop3A_1394 = arith.subi %parallel_loop3A_1393, %parallel_loop3A_1391 : vector<16xi32>
      %parallel_loop3A_1395 = tpu.vector_load_idx %arg6[%parallel_loop3A_1394, %parallel_loop3A_1371] : memref<64x1024xf32, #tpu.memory_space<vmem>>[vector<16xi32>, vector<16xi32>], vector<16xf32>,
      %parallel_loop3A_1396 = vector.bitcast %parallel_loop3A_1364 : vector<16xf32> to vector<16xi32>
      %parallel_loop3A_1397 = arith.constant 63 : i32
      %parallel_loop3A_1398 = vector.broadcast %parallel_loop3A_1397 : i32 to vector<16xi32>
      %parallel_loop3A_1399 = arith.andi %parallel_loop3A_1396, %parallel_loop3A_1398 : vector<16xi32>
      %parallel_loop3A_1400 = arith.constant 63 : i32
      %parallel_loop3A_1401 = vector.broadcast %parallel_loop3A_1400 : i32 to vector<16xi32>
      %parallel_loop3A_1402 = arith.subi %parallel_loop3A_1401, %parallel_loop3A_1399 : vector<16xi32>
      %parallel_loop3A_1403 = tpu.vector_load_idx %arg6[%parallel_loop3A_1402, %parallel_loop3A_1371] : memref<64x1024xf32, #tpu.memory_space<vmem>>[vector<16xi32>, vector<16xi32>], vector<16xf32>,
      %parallel_loop3A_1404 = vector.bitcast %parallel_loop3A_1365 : vector<16xf32> to vector<16xi32>
      %parallel_loop3A_1405 = arith.constant 63 : i32
      %parallel_loop3A_1406 = vector.broadcast %parallel_loop3A_1405 : i32 to vector<16xi32>
      %parallel_loop3A_1407 = arith.andi %parallel_loop3A_1404, %parallel_loop3A_1406 : vector<16xi32>
      %parallel_loop3A_1408 = arith.constant 63 : i32
      %parallel_loop3A_1409 = vector.broadcast %parallel_loop3A_1408 : i32 to vector<16xi32>
      %parallel_loop3A_1410 = arith.subi %parallel_loop3A_1409, %parallel_loop3A_1407 : vector<16xi32>
      %parallel_loop3A_1411 = tpu.vector_load_idx %arg6[%parallel_loop3A_1410, %parallel_loop3A_1371] : memref<64x1024xf32, #tpu.memory_space<vmem>>[vector<16xi32>, vector<16xi32>], vector<16xf32>,
      %parallel_loop3A_1412 = vector.bitcast %parallel_loop3A_1366 : vector<16xf32> to vector<16xi32>
      %parallel_loop3A_1413 = arith.constant 63 : i32
      %parallel_loop3A_1414 = vector.broadcast %parallel_loop3A_1413 : i32 to vector<16xi32>
      %parallel_loop3A_1415 = arith.andi %parallel_loop3A_1412, %parallel_loop3A_1414 : vector<16xi32>
      %parallel_loop3A_1416 = arith.constant 63 : i32
      %parallel_loop3A_1417 = vector.broadcast %parallel_loop3A_1416 : i32 to vector<16xi32>
      %parallel_loop3A_1418 = arith.subi %parallel_loop3A_1417, %parallel_loop3A_1415 : vector<16xi32>
      %parallel_loop3A_1419 = tpu.vector_load_idx %arg6[%parallel_loop3A_1418, %parallel_loop3A_1371] : memref<64x1024xf32, #tpu.memory_space<vmem>>[vector<16xi32>, vector<16xi32>], vector<16xf32>,
      %parallel_loop3A_1420 = vector.bitcast %parallel_loop3A_1367 : vector<16xf32> to vector<16xi32>
      %parallel_loop3A_1421 = arith.constant 63 : i32
      %parallel_loop3A_1422 = vector.broadcast %parallel_loop3A_1421 : i32 to vector<16xi32>
      %parallel_loop3A_1423 = arith.andi %parallel_loop3A_1420, %parallel_loop3A_1422 : vector<16xi32>
      %parallel_loop3A_1424 = arith.constant 63 : i32
      %parallel_loop3A_1425 = vector.broadcast %parallel_loop3A_1424 : i32 to vector<16xi32>
      %parallel_loop3A_1426 = arith.subi %parallel_loop3A_1425, %parallel_loop3A_1423 : vector<16xi32>
      %parallel_loop3A_1427 = tpu.vector_load_idx %arg6[%parallel_loop3A_1426, %parallel_loop3A_1371] : memref<64x1024xf32, #tpu.memory_space<vmem>>[vector<16xi32>, vector<16xi32>], vector<16xf32>,
      %parallel_loop3A_1428 = vector.bitcast %parallel_loop3A_1368 : vector<16xf32> to vector<16xi32>
      %parallel_loop3A_1429 = arith.constant 63 : i32
      %parallel_loop3A_1430 = vector.broadcast %parallel_loop3A_1429 : i32 to vector<16xi32>
      %parallel_loop3A_1431 = arith.andi %parallel_loop3A_1428, %parallel_loop3A_1430 : vector<16xi32>
      %parallel_loop3A_1432 = arith.constant 63 : i32
      %parallel_loop3A_1433 = vector.broadcast %parallel_loop3A_1432 : i32 to vector<16xi32>
      %parallel_loop3A_1434 = arith.subi %parallel_loop3A_1433, %parallel_loop3A_1431 : vector<16xi32>
      %parallel_loop3A_1435 = tpu.vector_load_idx %arg6[%parallel_loop3A_1434, %parallel_loop3A_1371] : memref<64x1024xf32, #tpu.memory_space<vmem>>[vector<16xi32>, vector<16xi32>], vector<16xf32>,
      %parallel_loop3A_1436 = arith.cmpf olt, %parallel_loop3A_1379, %parallel_loop3A_1387 : vector<16xf32>
      %parallel_loop3A_1437 = arith.select %parallel_loop3A_1436, %parallel_loop3A_1387, %parallel_loop3A_1379 : vector<16xi1>, vector<16xf32>
      %parallel_loop3A_1438 = arith.select %parallel_loop3A_1436, %parallel_loop3A_1379, %parallel_loop3A_1387 : vector<16xi1>, vector<16xf32>
      %parallel_loop3A_1439 = arith.select %parallel_loop3A_1436, %parallel_loop3A_1386, %parallel_loop3A_1378 : vector<16xi1>, vector<16xi32>
      %parallel_loop3A_1440 = arith.select %parallel_loop3A_1436, %parallel_loop3A_1378, %parallel_loop3A_1386 : vector<16xi1>, vector<16xi32>
      %parallel_loop3A_1441 = arith.cmpf olt, %parallel_loop3A_1395, %parallel_loop3A_1403 : vector<16xf32>
      %parallel_loop3A_1442 = arith.select %parallel_loop3A_1441, %parallel_loop3A_1403, %parallel_loop3A_1395 : vector<16xi1>, vector<16xf32>
      %parallel_loop3A_1443 = arith.select %parallel_loop3A_1441, %parallel_loop3A_1395, %parallel_loop3A_1403 : vector<16xi1>, vector<16xf32>
      %parallel_loop3A_1444 = arith.select %parallel_loop3A_1441, %parallel_loop3A_1402, %parallel_loop3A_1394 : vector<16xi1>, vector<16xi32>
      %parallel_loop3A_1445 = arith.select %parallel_loop3A_1441, %parallel_loop3A_1394, %parallel_loop3A_1402 : vector<16xi1>, vector<16xi32>
      %parallel_loop3A_1446 = arith.cmpf olt, %parallel_loop3A_1411, %parallel_loop3A_1419 : vector<16xf32>
      %parallel_loop3A_1447 = arith.select %parallel_loop3A_1446, %parallel_loop3A_1419, %parallel_loop3A_1411 : vector<16xi1>, vector<16xf32>
      %parallel_loop3A_1448 = arith.select %parallel_loop3A_1446, %parallel_loop3A_1411, %parallel_loop3A_1419 : vector<16xi1>, vector<16xf32>
      %parallel_loop3A_1449 = arith.select %parallel_loop3A_1446, %parallel_loop3A_1418, %parallel_loop3A_1410 : vector<16xi1>, vector<16xi32>
      %parallel_loop3A_1450 = arith.select %parallel_loop3A_1446, %parallel_loop3A_1410, %parallel_loop3A_1418 : vector<16xi1>, vector<16xi32>
      %parallel_loop3A_1451 = arith.cmpf olt, %parallel_loop3A_1427, %parallel_loop3A_1435 : vector<16xf32>
      %parallel_loop3A_1452 = arith.select %parallel_loop3A_1451, %parallel_loop3A_1435, %parallel_loop3A_1427 : vector<16xi1>, vector<16xf32>
      %parallel_loop3A_1453 = arith.select %parallel_loop3A_1451, %parallel_loop3A_1427, %parallel_loop3A_1435 : vector<16xi1>, vector<16xf32>
      %parallel_loop3A_1454 = arith.select %parallel_loop3A_1451, %parallel_loop3A_1434, %parallel_loop3A_1426 : vector<16xi1>, vector<16xi32>
      %parallel_loop3A_1455 = arith.select %parallel_loop3A_1451, %parallel_loop3A_1426, %parallel_loop3A_1434 : vector<16xi1>, vector<16xi32>
      %parallel_loop3A_1456 = arith.cmpf olt, %parallel_loop3A_1438, %parallel_loop3A_1442 : vector<16xf32>
      %parallel_loop3A_1457 = arith.select %parallel_loop3A_1456, %parallel_loop3A_1442, %parallel_loop3A_1438 : vector<16xi1>, vector<16xf32>
      %parallel_loop3A_1458 = arith.select %parallel_loop3A_1456, %parallel_loop3A_1438, %parallel_loop3A_1442 : vector<16xi1>, vector<16xf32>
      %parallel_loop3A_1459 = arith.select %parallel_loop3A_1456, %parallel_loop3A_1444, %parallel_loop3A_1440 : vector<16xi1>, vector<16xi32>
      %parallel_loop3A_1460 = arith.select %parallel_loop3A_1456, %parallel_loop3A_1440, %parallel_loop3A_1444 : vector<16xi1>, vector<16xi32>
      %parallel_loop3A_1461 = arith.cmpf olt, %parallel_loop3A_1443, %parallel_loop3A_1447 : vector<16xf32>
      %parallel_loop3A_1462 = arith.select %parallel_loop3A_1461, %parallel_loop3A_1447, %parallel_loop3A_1443 : vector<16xi1>, vector<16xf32>
      %parallel_loop3A_1463 = arith.select %parallel_loop3A_1461, %parallel_loop3A_1443, %parallel_loop3A_1447 : vector<16xi1>, vector<16xf32>
      %parallel_loop3A_1464 = arith.select %parallel_loop3A_1461, %parallel_loop3A_1449, %parallel_loop3A_1445 : vector<16xi1>, vector<16xi32>
      %parallel_loop3A_1465 = arith.select %parallel_loop3A_1461, %parallel_loop3A_1445, %parallel_loop3A_1449 : vector<16xi1>, vector<16xi32>
      %parallel_loop3A_1466 = arith.cmpf olt, %parallel_loop3A_1448, %parallel_loop3A_1452 : vector<16xf32>
      %parallel_loop3A_1467 = arith.select %parallel_loop3A_1466, %parallel_loop3A_1452, %parallel_loop3A_1448 : vector<16xi1>, vector<16xf32>
      %parallel_loop3A_1468 = arith.select %parallel_loop3A_1466, %parallel_loop3A_1448, %parallel_loop3A_1452 : vector<16xi1>, vector<16xf32>
      %parallel_loop3A_1469 = arith.select %parallel_loop3A_1466, %parallel_loop3A_1454, %parallel_loop3A_1450 : vector<16xi1>, vector<16xi32>
      %parallel_loop3A_1470 = arith.select %parallel_loop3A_1466, %parallel_loop3A_1450, %parallel_loop3A_1454 : vector<16xi1>, vector<16xi32>
      %parallel_loop3A_1471 = arith.cmpf olt, %parallel_loop3A_1437, %parallel_loop3A_1457 : vector<16xf32>
      %parallel_loop3A_1472 = arith.select %parallel_loop3A_1471, %parallel_loop3A_1457, %parallel_loop3A_1437 : vector<16xi1>, vector<16xf32>
      %parallel_loop3A_1473 = arith.select %parallel_loop3A_1471, %parallel_loop3A_1437, %parallel_loop3A_1457 : vector<16xi1>, vector<16xf32>
      %parallel_loop3A_1474 = arith.select %parallel_loop3A_1471, %parallel_loop3A_1459, %parallel_loop3A_1439 : vector<16xi1>, vector<16xi32>
      %parallel_loop3A_1475 = arith.select %parallel_loop3A_1471, %parallel_loop3A_1439, %parallel_loop3A_1459 : vector<16xi1>, vector<16xi32>
      %parallel_loop3A_1476 = arith.cmpf olt, %parallel_loop3A_1458, %parallel_loop3A_1462 : vector<16xf32>
      %parallel_loop3A_1477 = arith.select %parallel_loop3A_1476, %parallel_loop3A_1462, %parallel_loop3A_1458 : vector<16xi1>, vector<16xf32>
      %parallel_loop3A_1478 = arith.select %parallel_loop3A_1476, %parallel_loop3A_1458, %parallel_loop3A_1462 : vector<16xi1>, vector<16xf32>
      %parallel_loop3A_1479 = arith.select %parallel_loop3A_1476, %parallel_loop3A_1464, %parallel_loop3A_1460 : vector<16xi1>, vector<16xi32>
      %parallel_loop3A_1480 = arith.select %parallel_loop3A_1476, %parallel_loop3A_1460, %parallel_loop3A_1464 : vector<16xi1>, vector<16xi32>
      %parallel_loop3A_1481 = arith.cmpf olt, %parallel_loop3A_1463, %parallel_loop3A_1467 : vector<16xf32>
      %parallel_loop3A_1482 = arith.select %parallel_loop3A_1481, %parallel_loop3A_1467, %parallel_loop3A_1463 : vector<16xi1>, vector<16xf32>
      %parallel_loop3A_1483 = arith.select %parallel_loop3A_1481, %parallel_loop3A_1463, %parallel_loop3A_1467 : vector<16xi1>, vector<16xf32>
      %parallel_loop3A_1484 = arith.select %parallel_loop3A_1481, %parallel_loop3A_1469, %parallel_loop3A_1465 : vector<16xi1>, vector<16xi32>
      %parallel_loop3A_1485 = arith.select %parallel_loop3A_1481, %parallel_loop3A_1465, %parallel_loop3A_1469 : vector<16xi1>, vector<16xi32>
      %parallel_loop3A_1486 = arith.cmpf olt, %parallel_loop3A_1468, %parallel_loop3A_1453 : vector<16xf32>
      %parallel_loop3A_1487 = arith.select %parallel_loop3A_1486, %parallel_loop3A_1453, %parallel_loop3A_1468 : vector<16xi1>, vector<16xf32>
      %parallel_loop3A_1488 = arith.select %parallel_loop3A_1486, %parallel_loop3A_1468, %parallel_loop3A_1453 : vector<16xi1>, vector<16xf32>
      %parallel_loop3A_1489 = arith.select %parallel_loop3A_1486, %parallel_loop3A_1455, %parallel_loop3A_1470 : vector<16xi1>, vector<16xi32>
      %parallel_loop3A_1490 = arith.select %parallel_loop3A_1486, %parallel_loop3A_1470, %parallel_loop3A_1455 : vector<16xi1>, vector<16xi32>
      %parallel_loop3A_1491 = arith.subf %parallel_loop3A_1473, %parallel_loop3A_1472 : vector<16xf32>
      %parallel_loop3A_1492 = math.exp %parallel_loop3A_1491 : vector<16xf32>
      %parallel_loop3A_1493 = arith.subf %parallel_loop3A_1477, %parallel_loop3A_1472 : vector<16xf32>
      %parallel_loop3A_1494 = math.exp %parallel_loop3A_1493 : vector<16xf32>
      %parallel_loop3A_1495 = arith.subf %parallel_loop3A_1478, %parallel_loop3A_1472 : vector<16xf32>
      %parallel_loop3A_1496 = math.exp %parallel_loop3A_1495 : vector<16xf32>
      %parallel_loop3A_1497 = arith.subf %parallel_loop3A_1482, %parallel_loop3A_1472 : vector<16xf32>
      %parallel_loop3A_1498 = math.exp %parallel_loop3A_1497 : vector<16xf32>
      %parallel_loop3A_1499 = arith.subf %parallel_loop3A_1483, %parallel_loop3A_1472 : vector<16xf32>
      %parallel_loop3A_1500 = math.exp %parallel_loop3A_1499 : vector<16xf32>
      %parallel_loop3A_1501 = arith.subf %parallel_loop3A_1487, %parallel_loop3A_1472 : vector<16xf32>
      %parallel_loop3A_1502 = math.exp %parallel_loop3A_1501 : vector<16xf32>
      %parallel_loop3A_1503 = arith.subf %parallel_loop3A_1488, %parallel_loop3A_1472 : vector<16xf32>
      %parallel_loop3A_1504 = math.exp %parallel_loop3A_1503 : vector<16xf32>
      %parallel_loop3A_1505 = arith.addf %parallel_loop3A_1492, %parallel_loop3A_1494 : vector<16xf32>
      %parallel_loop3A_1506 = arith.addf %parallel_loop3A_1505, %parallel_loop3A_1496 : vector<16xf32>
      %parallel_loop3A_1507 = arith.addf %parallel_loop3A_1506, %parallel_loop3A_1498 : vector<16xf32>
      %parallel_loop3A_1508 = arith.addf %parallel_loop3A_1507, %parallel_loop3A_1500 : vector<16xf32>
      %parallel_loop3A_1509 = arith.addf %parallel_loop3A_1508, %parallel_loop3A_1502 : vector<16xf32>
      %parallel_loop3A_1510 = arith.addf %parallel_loop3A_1509, %parallel_loop3A_1504 : vector<16xf32>
      %parallel_loop3A_1511 = arith.constant 1.000000e+00 : f32
      %parallel_loop3A_1512 = vector.broadcast %parallel_loop3A_1511 : f32 to vector<16xf32>
      %parallel_loop3A_1513 = arith.addf %parallel_loop3A_1510, %parallel_loop3A_1512 : vector<16xf32>
      %parallel_loop3A_1514 = arith.constant 1.000000e+00 : f32
      %parallel_loop3A_1515 = vector.broadcast %parallel_loop3A_1514 : f32 to vector<16xf32>
      %parallel_loop3A_1516 = arith.divf %parallel_loop3A_1515, %parallel_loop3A_1513 : vector<16xf32>
      %parallel_loop3A_1517 = arith.constant 0 : i32
      %parallel_loop3A_1518 = arith.index_cast %parallel_loop3A_1517 : i32 to index
      %parallel_loop3A_1519 = arith.index_cast %parallel_loop3A_72 : i32 to index
      %parallel_loop3A_1520 = tpu.vector_load %arg7[%parallel_loop3A_1518, %parallel_loop3A_1519] {strides = array<i32>} : memref<8x1024xf32, #tpu.memory_space<vmem>>, vector<16xf32>,
      tpu.vector_store %arg7[%parallel_loop3A_1518, %parallel_loop3A_1519], %parallel_loop3A_1516 {strides = array<i32>} : memref<8x1024xf32, #tpu.memory_space<vmem>>, vector<16xf32>,
      %parallel_loop3A_1521 = arith.mulf %parallel_loop3A_1492, %parallel_loop3A_1516 : vector<16xf32>
      %parallel_loop3A_1522 = arith.constant 1 : i32
      %parallel_loop3A_1523 = arith.index_cast %parallel_loop3A_1522 : i32 to index
      %parallel_loop3A_1524 = arith.index_cast %parallel_loop3A_72 : i32 to index
      %parallel_loop3A_1525 = tpu.vector_load %arg7[%parallel_loop3A_1523, %parallel_loop3A_1524] {strides = array<i32>} : memref<8x1024xf32, #tpu.memory_space<vmem>>, vector<16xf32>,
      tpu.vector_store %arg7[%parallel_loop3A_1523, %parallel_loop3A_1524], %parallel_loop3A_1521 {strides = array<i32>} : memref<8x1024xf32, #tpu.memory_space<vmem>>, vector<16xf32>,
      %parallel_loop3A_1526 = arith.mulf %parallel_loop3A_1494, %parallel_loop3A_1516 : vector<16xf32>
      %parallel_loop3A_1527 = arith.constant 2 : i32
      %parallel_loop3A_1528 = arith.index_cast %parallel_loop3A_1527 : i32 to index
      %parallel_loop3A_1529 = arith.index_cast %parallel_loop3A_72 : i32 to index
      %parallel_loop3A_1530 = tpu.vector_load %arg7[%parallel_loop3A_1528, %parallel_loop3A_1529] {strides = array<i32>} : memref<8x1024xf32, #tpu.memory_space<vmem>>, vector<16xf32>,
      tpu.vector_store %arg7[%parallel_loop3A_1528, %parallel_loop3A_1529], %parallel_loop3A_1526 {strides = array<i32>} : memref<8x1024xf32, #tpu.memory_space<vmem>>, vector<16xf32>,
      %parallel_loop3A_1531 = arith.mulf %parallel_loop3A_1496, %parallel_loop3A_1516 : vector<16xf32>
      %parallel_loop3A_1532 = arith.constant 3 : i32
      %parallel_loop3A_1533 = arith.index_cast %parallel_loop3A_1532 : i32 to index
      %parallel_loop3A_1534 = arith.index_cast %parallel_loop3A_72 : i32 to index
      %parallel_loop3A_1535 = tpu.vector_load %arg7[%parallel_loop3A_1533, %parallel_loop3A_1534] {strides = array<i32>} : memref<8x1024xf32, #tpu.memory_space<vmem>>, vector<16xf32>,
      tpu.vector_store %arg7[%parallel_loop3A_1533, %parallel_loop3A_1534], %parallel_loop3A_1531 {strides = array<i32>} : memref<8x1024xf32, #tpu.memory_space<vmem>>, vector<16xf32>,
      %parallel_loop3A_1536 = arith.mulf %parallel_loop3A_1498, %parallel_loop3A_1516 : vector<16xf32>
      %parallel_loop3A_1537 = arith.constant 4 : i32
      %parallel_loop3A_1538 = arith.index_cast %parallel_loop3A_1537 : i32 to index
      %parallel_loop3A_1539 = arith.index_cast %parallel_loop3A_72 : i32 to index
      %parallel_loop3A_1540 = tpu.vector_load %arg7[%parallel_loop3A_1538, %parallel_loop3A_1539] {strides = array<i32>} : memref<8x1024xf32, #tpu.memory_space<vmem>>, vector<16xf32>,
      tpu.vector_store %arg7[%parallel_loop3A_1538, %parallel_loop3A_1539], %parallel_loop3A_1536 {strides = array<i32>} : memref<8x1024xf32, #tpu.memory_space<vmem>>, vector<16xf32>,
      %parallel_loop3A_1541 = arith.mulf %parallel_loop3A_1500, %parallel_loop3A_1516 : vector<16xf32>
      %parallel_loop3A_1542 = arith.constant 5 : i32
      %parallel_loop3A_1543 = arith.index_cast %parallel_loop3A_1542 : i32 to index
      %parallel_loop3A_1544 = arith.index_cast %parallel_loop3A_72 : i32 to index
      %parallel_loop3A_1545 = tpu.vector_load %arg7[%parallel_loop3A_1543, %parallel_loop3A_1544] {strides = array<i32>} : memref<8x1024xf32, #tpu.memory_space<vmem>>, vector<16xf32>,
      tpu.vector_store %arg7[%parallel_loop3A_1543, %parallel_loop3A_1544], %parallel_loop3A_1541 {strides = array<i32>} : memref<8x1024xf32, #tpu.memory_space<vmem>>, vector<16xf32>,
      %parallel_loop3A_1546 = arith.mulf %parallel_loop3A_1502, %parallel_loop3A_1516 : vector<16xf32>
      %parallel_loop3A_1547 = arith.constant 6 : i32
      %parallel_loop3A_1548 = arith.index_cast %parallel_loop3A_1547 : i32 to index
      %parallel_loop3A_1549 = arith.index_cast %parallel_loop3A_72 : i32 to index
      %parallel_loop3A_1550 = tpu.vector_load %arg7[%parallel_loop3A_1548, %parallel_loop3A_1549] {strides = array<i32>} : memref<8x1024xf32, #tpu.memory_space<vmem>>, vector<16xf32>,
      tpu.vector_store %arg7[%parallel_loop3A_1548, %parallel_loop3A_1549], %parallel_loop3A_1546 {strides = array<i32>} : memref<8x1024xf32, #tpu.memory_space<vmem>>, vector<16xf32>,
      %parallel_loop3A_1551 = arith.mulf %parallel_loop3A_1504, %parallel_loop3A_1516 : vector<16xf32>
      %parallel_loop3A_1552 = arith.constant 7 : i32
      %parallel_loop3A_1553 = arith.index_cast %parallel_loop3A_1552 : i32 to index
      %parallel_loop3A_1554 = arith.index_cast %parallel_loop3A_72 : i32 to index
      %parallel_loop3A_1555 = tpu.vector_load %arg7[%parallel_loop3A_1553, %parallel_loop3A_1554] {strides = array<i32>} : memref<8x1024xf32, #tpu.memory_space<vmem>>, vector<16xf32>,
      tpu.vector_store %arg7[%parallel_loop3A_1553, %parallel_loop3A_1554], %parallel_loop3A_1551 {strides = array<i32>} : memref<8x1024xf32, #tpu.memory_space<vmem>>, vector<16xf32>,
      %parallel_loop3A_1556 = arith.constant 0 : i32
      %parallel_loop3A_1557 = arith.index_cast %parallel_loop3A_1556 : i32 to index
      %parallel_loop3A_1558 = arith.index_cast %parallel_loop3A_72 : i32 to index
      %parallel_loop3A_1559 = tpu.vector_load %arg8[%parallel_loop3A_1557, %parallel_loop3A_1558] {strides = array<i32>} : memref<8x1024xi32, #tpu.memory_space<vmem>>, vector<16xi32>,
      tpu.vector_store %arg8[%parallel_loop3A_1557, %parallel_loop3A_1558], %parallel_loop3A_1474 {strides = array<i32>} : memref<8x1024xi32, #tpu.memory_space<vmem>>, vector<16xi32>,
      %parallel_loop3A_1560 = arith.constant 1 : i32
      %parallel_loop3A_1561 = arith.index_cast %parallel_loop3A_1560 : i32 to index
      %parallel_loop3A_1562 = arith.index_cast %parallel_loop3A_72 : i32 to index
      %parallel_loop3A_1563 = tpu.vector_load %arg8[%parallel_loop3A_1561, %parallel_loop3A_1562] {strides = array<i32>} : memref<8x1024xi32, #tpu.memory_space<vmem>>, vector<16xi32>,
      tpu.vector_store %arg8[%parallel_loop3A_1561, %parallel_loop3A_1562], %parallel_loop3A_1475 {strides = array<i32>} : memref<8x1024xi32, #tpu.memory_space<vmem>>, vector<16xi32>,
      %parallel_loop3A_1564 = arith.constant 2 : i32
      %parallel_loop3A_1565 = arith.index_cast %parallel_loop3A_1564 : i32 to index
      %parallel_loop3A_1566 = arith.index_cast %parallel_loop3A_72 : i32 to index
      %parallel_loop3A_1567 = tpu.vector_load %arg8[%parallel_loop3A_1565, %parallel_loop3A_1566] {strides = array<i32>} : memref<8x1024xi32, #tpu.memory_space<vmem>>, vector<16xi32>,
      tpu.vector_store %arg8[%parallel_loop3A_1565, %parallel_loop3A_1566], %parallel_loop3A_1479 {strides = array<i32>} : memref<8x1024xi32, #tpu.memory_space<vmem>>, vector<16xi32>,
      %parallel_loop3A_1568 = arith.constant 3 : i32
      %parallel_loop3A_1569 = arith.index_cast %parallel_loop3A_1568 : i32 to index
      %parallel_loop3A_1570 = arith.index_cast %parallel_loop3A_72 : i32 to index
      %parallel_loop3A_1571 = tpu.vector_load %arg8[%parallel_loop3A_1569, %parallel_loop3A_1570] {strides = array<i32>} : memref<8x1024xi32, #tpu.memory_space<vmem>>, vector<16xi32>,
      tpu.vector_store %arg8[%parallel_loop3A_1569, %parallel_loop3A_1570], %parallel_loop3A_1480 {strides = array<i32>} : memref<8x1024xi32, #tpu.memory_space<vmem>>, vector<16xi32>,
      %parallel_loop3A_1572 = arith.constant 4 : i32
      %parallel_loop3A_1573 = arith.index_cast %parallel_loop3A_1572 : i32 to index
      %parallel_loop3A_1574 = arith.index_cast %parallel_loop3A_72 : i32 to index
      %parallel_loop3A_1575 = tpu.vector_load %arg8[%parallel_loop3A_1573, %parallel_loop3A_1574] {strides = array<i32>} : memref<8x1024xi32, #tpu.memory_space<vmem>>, vector<16xi32>,
      tpu.vector_store %arg8[%parallel_loop3A_1573, %parallel_loop3A_1574], %parallel_loop3A_1484 {strides = array<i32>} : memref<8x1024xi32, #tpu.memory_space<vmem>>, vector<16xi32>,
      %parallel_loop3A_1576 = arith.constant 5 : i32
      %parallel_loop3A_1577 = arith.index_cast %parallel_loop3A_1576 : i32 to index
      %parallel_loop3A_1578 = arith.index_cast %parallel_loop3A_72 : i32 to index
      %parallel_loop3A_1579 = tpu.vector_load %arg8[%parallel_loop3A_1577, %parallel_loop3A_1578] {strides = array<i32>} : memref<8x1024xi32, #tpu.memory_space<vmem>>, vector<16xi32>,
      tpu.vector_store %arg8[%parallel_loop3A_1577, %parallel_loop3A_1578], %parallel_loop3A_1485 {strides = array<i32>} : memref<8x1024xi32, #tpu.memory_space<vmem>>, vector<16xi32>,
      %parallel_loop3A_1580 = arith.constant 6 : i32
      %parallel_loop3A_1581 = arith.index_cast %parallel_loop3A_1580 : i32 to index
      %parallel_loop3A_1582 = arith.index_cast %parallel_loop3A_72 : i32 to index
      %parallel_loop3A_1583 = tpu.vector_load %arg8[%parallel_loop3A_1581, %parallel_loop3A_1582] {strides = array<i32>} : memref<8x1024xi32, #tpu.memory_space<vmem>>, vector<16xi32>,
      tpu.vector_store %arg8[%parallel_loop3A_1581, %parallel_loop3A_1582], %parallel_loop3A_1489 {strides = array<i32>} : memref<8x1024xi32, #tpu.memory_space<vmem>>, vector<16xi32>,
      %parallel_loop3A_1584 = arith.constant 7 : i32
      %parallel_loop3A_1585 = arith.index_cast %parallel_loop3A_1584 : i32 to index
      %parallel_loop3A_1586 = arith.index_cast %parallel_loop3A_72 : i32 to index
      %parallel_loop3A_1587 = tpu.vector_load %arg8[%parallel_loop3A_1585, %parallel_loop3A_1586] {strides = array<i32>} : memref<8x1024xi32, #tpu.memory_space<vmem>>, vector<16xi32>,
      tpu.vector_store %arg8[%parallel_loop3A_1585, %parallel_loop3A_1586], %parallel_loop3A_1490 {strides = array<i32>} : memref<8x1024xi32, #tpu.memory_space<vmem>>, vector<16xi32>,
    } {sc.loop_unroll_factor = 2 : i64, sc.parallel_access}
    "tpu.region"() ({
      %run_scoped3A = tpu.sem_alloc : memref<!tpu.dma_semaphore, #tpu.memory_space<semaphore_mem>>
      %dma_start3A_70 = arith.constant 0 : i32
      %dma_start3A_71 = tpu.memref_slice %arg3[%dma_start3A_70, %mul3A_2] : memref<8x32768xf32, #tpu.memory_space<hbm>> -> memref<8x1024xf32, #tpu.memory_space<hbm>>
      %dma_start3A_72 = arith.constant 0 : i32
      %dma_start3A_73 = tpu.memref_slice %arg3[%dma_start3A_72, %mul3A_2] : memref<8x32768xf32, #tpu.memory_space<hbm>> -> memref<8x1024xf32, #tpu.memory_space<hbm>>
      tpu.enqueue_dma source(%arg7 : memref<8x1024xf32, #tpu.memory_space<vmem>>) target(%dma_start3A_73 : memref<8x1024xf32, #tpu.memory_space<hbm>>) target_semaphore(%run_scoped3A : memref<!tpu.dma_semaphore, #tpu.memory_space<semaphore_mem>>)
      %dma_wait3A_74 = arith.constant 0 : i32
      %dma_wait3A_75 = tpu.memref_slice %arg3[%dma_wait3A_74, %mul3A_2] : memref<8x32768xf32, #tpu.memory_space<hbm>> -> memref<8x1024xf32, #tpu.memory_space<hbm>>
      %dma_wait3A_76 = arith.constant 0 : i32
      %dma_wait3A_77 = tpu.memref_slice %arg3[%dma_wait3A_76, %mul3A_2] : memref<8x32768xf32, #tpu.memory_space<hbm>> -> memref<8x1024xf32, #tpu.memory_space<hbm>>
      tpu.wait_dma2 semaphore(%run_scoped3A : memref<!tpu.dma_semaphore, #tpu.memory_space<semaphore_mem>>) src(%arg7 : memref<8x1024xf32, #tpu.memory_space<vmem>>) dst(%dma_wait3A_77 : memref<8x1024xf32, #tpu.memory_space<hbm>>)
      tpu.yield
    }) : () -> ()
    "tpu.region"() ({
      %run_scoped3A = tpu.sem_alloc : memref<!tpu.dma_semaphore, #tpu.memory_space<semaphore_mem>>
      %dma_start3A_70 = arith.constant 0 : i32
      %dma_start3A_71 = tpu.memref_slice %arg4[%dma_start3A_70, %mul3A_2] : memref<8x32768xi32, #tpu.memory_space<hbm>> -> memref<8x1024xi32, #tpu.memory_space<hbm>>
      %dma_start3A_72 = arith.constant 0 : i32
      %dma_start3A_73 = tpu.memref_slice %arg4[%dma_start3A_72, %mul3A_2] : memref<8x32768xi32, #tpu.memory_space<hbm>> -> memref<8x1024xi32, #tpu.memory_space<hbm>>
      tpu.enqueue_dma source(%arg8 : memref<8x1024xi32, #tpu.memory_space<vmem>>) target(%dma_start3A_73 : memref<8x1024xi32, #tpu.memory_space<hbm>>) target_semaphore(%run_scoped3A : memref<!tpu.dma_semaphore, #tpu.memory_space<semaphore_mem>>)
      %dma_wait3A_74 = arith.constant 0 : i32
      %dma_wait3A_75 = tpu.memref_slice %arg4[%dma_wait3A_74, %mul3A_2] : memref<8x32768xi32, #tpu.memory_space<hbm>> -> memref<8x1024xi32, #tpu.memory_space<hbm>>
      %dma_wait3A_76 = arith.constant 0 : i32
      %dma_wait3A_77 = tpu.memref_slice %arg4[%dma_wait3A_76, %mul3A_2] : memref<8x32768xi32, #tpu.memory_space<hbm>> -> memref<8x1024xi32, #tpu.memory_space<hbm>>
      tpu.wait_dma2 semaphore(%run_scoped3A : memref<!tpu.dma_semaphore, #tpu.memory_space<semaphore_mem>>) src(%arg8 : memref<8x1024xi32, #tpu.memory_space<vmem>>) dst(%dma_wait3A_77 : memref<8x1024xi32, #tpu.memory_space<hbm>>)
      tpu.yield
    }) : () -> ()
    %dma_wait3A_50 = arith.constant 0 : i32
    %dma_wait3A_51 = arith.constant 0 : i32
    %dma_wait3A_52 = tpu.memref_slice %arg6[%dma_wait3A_50, %dma_wait3A_51] : memref<64x1024xf32, #tpu.memory_space<vmem>> -> memref<64x512xf32, #tpu.memory_space<vmem>>
    %dma_wait3A_53 = arith.constant 0 : i32
    %dma_wait3A_54 = tpu.memref_slice %arg5[%dma_wait3A_53, %mul3A_2] : memref<64x32768xf32, #tpu.memory_space<hbm>> -> memref<64x512xf32, #tpu.memory_space<hbm>>
    %dma_wait3A_55 = arith.constant 0 : i32
    %dma_wait3A_56 = tpu.memref_slice %arg5[%dma_wait3A_55, %mul3A_2] : memref<64x32768xf32, #tpu.memory_space<hbm>> -> memref<64x512xf32, #tpu.memory_space<hbm>>
    %dma_wait3A_57 = arith.constant 0 : i32
    %dma_wait3A_58 = arith.constant 0 : i32
    %dma_wait3A_59 = tpu.memref_slice %arg6[%dma_wait3A_57, %dma_wait3A_58] : memref<64x1024xf32, #tpu.memory_space<vmem>> -> memref<64x512xf32, #tpu.memory_space<vmem>>
    tpu.wait_dma2 semaphore(%arg10 : memref<!tpu.dma_semaphore, #tpu.memory_space<semaphore_mem>>) src(%dma_wait3A_59 : memref<64x512xf32, #tpu.memory_space<vmem>>) dst(%dma_wait3A_56 : memref<64x512xf32, #tpu.memory_space<hbm>>)
    %dma_wait3A_60 = arith.constant 0 : i32
    %dma_wait3A_61 = arith.constant 512 : i32
    %dma_wait3A_62 = tpu.memref_slice %arg6[%dma_wait3A_60, %dma_wait3A_61] : memref<64x1024xf32, #tpu.memory_space<vmem>> -> memref<64x512xf32, #tpu.memory_space<vmem>>
    %dma_wait3A_63 = arith.constant 0 : i32
    %dma_wait3A_64 = tpu.memref_slice %arg5[%dma_wait3A_63, %add3A_36] : memref<64x32768xf32, #tpu.memory_space<hbm>> -> memref<64x512xf32, #tpu.memory_space<hbm>>
    %dma_wait3A_65 = arith.constant 0 : i32
    %dma_wait3A_66 = tpu.memref_slice %arg5[%dma_wait3A_65, %add3A_36] : memref<64x32768xf32, #tpu.memory_space<hbm>> -> memref<64x512xf32, #tpu.memory_space<hbm>>
    %dma_wait3A_67 = arith.constant 0 : i32
    %dma_wait3A_68 = arith.constant 512 : i32
    %dma_wait3A_69 = tpu.memref_slice %arg6[%dma_wait3A_67, %dma_wait3A_68] : memref<64x1024xf32, #tpu.memory_space<vmem>> -> memref<64x512xf32, #tpu.memory_space<vmem>>
    tpu.wait_dma2 semaphore(%arg10 : memref<!tpu.dma_semaphore, #tpu.memory_space<semaphore_mem>>) src(%dma_wait3A_69 : memref<64x512xf32, #tpu.memory_space<vmem>>) dst(%dma_wait3A_66 : memref<64x512xf32, #tpu.memory_space<hbm>>)
    return
  }
}

</mosaic_0001>

<sc_bundles>
// kernel: kernel.3.cloned.1.call-start
scs
__scs_entry_jumppad:
0x0: {  	(pc) =	sbr.rel $0x88, $3  }
0x1: {  	(tag) =	ssettag $0x0;
	lr =	simm.s32 $0x1  }
0x2: {  	[smem:$0x3FA0] =	sst lr;
	_ =	strace $0xD0000000  }
0x3: {  	_ = 	snop  }
0x4: {  	_ = 	snop  }
0x5: {  	_ = 	snop  }
0x6: {  	_ = 	snop  }
0x7: {  	_ = 	snop  }
__scs_overlays_trampoline_lowered:
0x8: {  	[smem:$0x3FAF] =	sst s0  }
0x9: {  	[smem:$0x3FB0] =	sst s1  }
0xa: {  	[smem:$0x3FB1] =	sst s2  }
0xb: {  	[smem:$0x3FB2] =	sst s3  }
0xc: {  	[smem:$0x3FB3] =	sst s4  }
0xd: {  	[smem:$0x3FB4] =	sst s5  }
0xe: {  	[smem:$0x3FB5] =	sst s6  }
0xf: {  	[smem:$0x3FB6] =	sst s7  }
0x10: {  	[smem:$0x3FB7] =	sst s8  }
0x11: {  	[smem:$0x3FB8] =	sst s9;
	s0 =	simm.s32 @!p0 $0x0  }
0x12: {  	s1 =	sld [smem:$0x3F9E];
	s0 =	simm.s32 @p0 $0x1  }
0x13: {  	[smem:$0x3FB9] =	sst s0;
	s0 =	simm.s32 @!p1 $0x0  }
0x14: {  	s2 =	sld [smem:$0x3F9D];
	s0 =	simm.s32 @p1 $0x1  }
0x15: {  	[smem:$0x3FBA] =	sst s0;
	s0 =	simm.s32 @!p2 $0x0  }
0x16: {  	s3 =	sld [smem:$0x3FDB];
	s0 =	simm.s32 @p2 $0x1  }
0x17: {  	s4 =	simm.s32 $0x1BF5;
	[smem:$0x3FBC] =	sst s0  }
0x18: {  	s0 =	sld [smem:$0x3F9F];
	_ =	swait.ge [sflag:s4], $0x0  }
0x19: {  	s7 =	sld [smem:$0x3FA0]  }
0x1a: {  	s8 =	sadd.s32 $0xFFFFE003, lr  }
0x1b: {  	s9 =	sadd.s32 $0xFFFFFEF7, lr;
	s5 =	simm.s32 $0xFFFFFFFF;
	p2 =	slt.u32 s8, $0xFFFFF086  }
0x1c: {  	p1 =	slt.u32 s9, $0xF7A;
	s5 =	simm.s32 @!p2 $0x0  }
0x1d: {  	s5 =	simm.s32 @p1 $0x1;
	p0 =	seq.s32 s7, s2  }
0x1e: {  	s7 =	smul.u32 @!p0 $0xF7A, s2;
	p2 =	seq.s32 @!p0 s5, $0x0  }
0x1f: {  	s9 =	smul.u32 $0xF7A, s1;
	s8 =	simm.s32 @!p0 $0x1BF5;
	p2 =	por !p2, p0  }
0x20: {  	[sflag:s8] =	ssyncset.s32 @!p0 $0xFFFFF086;
	s6 =	sadd.s32 @!p0 s3, s7;
	s7 =	simm.s32 @!p0 $0x108  }
0x21: {  	s3 =	sadd.s32 s3, s9;
	s6 =	sadd.s32 @!p0 $0x88, s6;
	s7 =	simm.s32 @p2 $0x1082  }
0x22: {  	[simem:s7], [sflag:s8] =	dma.local @!p0 [hbm:s6], $0xF7A  }
0x23: {  	s9 =	sor.u32 $0xD0000000, s2;
	s6 =	simm.s32 $0x108;
	_ =	swait.ge @!p0 [sflag:s8], $0x0  }
0x24: {  	s3 =	sadd.s32 $0x88, s3;
	s6 =	simm.s32 @!p1 $0x1082;
	[sflag:s4] =	ssyncset.s32 $0xFFFFF086  }
0x25: {  	[simem:s6], [sflag:s4] =	dma.local [hbm:s3], $0xF7A  }
0x26: {  	[smem:$0x3FA0] =	sst s1;
	(tag) =	ssettag s2;
	_ =	strace s9  }
0x27: {  	s1 =	sld [smem:$0x3FB0]  }
0x28: {  	s2 =	sld [smem:$0x3FB1]  }
0x29: {  	s4 =	sld [smem:$0x3FB3]  }
0x2a: {  	p0 =	seq.s32 s5, $0x0;
	s5 =	sld [smem:$0x3FB4]  }
0x2b: {  	s6 =	sld [smem:$0x3FB5]  }
0x2c: {  	s7 =	sld [smem:$0x3FB6]  }
0x2d: {  	s3 =	simm.s32 $0x108;
	s8 =	sld [smem:$0x3FB7]  }
0x2e: {  	s3 =	simm.s32 @!p0 $0x1082;
	s9 =	sld [smem:$0x3FB8]  }
0x2f: {  	lr =	sadd.s32 s0, s3;
	s0 =	sld [smem:$0x3FAF]  }
0x30: {  	s3 =	sld [smem:$0x3FB2]  }
0x31: {  	[smem:$0x3FBB] =	sst s10  }
0x32: {  	s10 =	sld [smem:$0x3FB9];
	_ =	sdelay $0x3  }
0x33: {  	p0 =	seq.s32 s10, $0x1;
	s10 =	sld [smem:$0x3FBB];
	_ =	sdelay $0x3  }
0x34: {  	[smem:$0x3FBB] =	sst s10  }
0x35: {  	s10 =	sld [smem:$0x3FBA];
	_ =	sdelay $0x3  }
0x36: {  	p1 =	seq.s32 s10, $0x1;
	s10 =	sld [smem:$0x3FBB];
	_ =	sdelay $0x3  }
0x37: {  	[smem:$0x3FBB] =	sst s10  }
0x38: {  	s10 =	sld [smem:$0x3FBC]  }
0x39: {  	_ = 	snop;
	(pc) =	sbr.ind lr, $3  }
0x3a: {  	_ = 	snop  }
0x3b: {  	_ = 	snop  }
0x3c: {  	p2 =	seq.s32 s10, $0x1;
	s10 =	sld [smem:$0x3FBB]  }
0x3d: {  	_ =	shalt  }
0x3e: {  	_ =	shalt  }
0x3f: {  	_ =	shalt  }
0x40: {  	_ =	shalt  }
0x41: {  	_ =	shalt  }
0x42: {  	_ =	shalt  }
0x43: {  	_ =	shalt  }
0x44: {  	_ =	shalt  }
0x45: {  	_ =	shalt  }
0x46: {  	_ =	shalt  }
0x47: {  	_ =	shalt  }
0x48: {  	_ =	shalt  }
0x49: {  	_ =	shalt  }
0x4a: {  	_ =	shalt  }
0x4b: {  	_ =	shalt  }
0x4c: {  	_ =	shalt  }
0x4d: {  	_ =	shalt  }
0x4e: {  	_ =	shalt  }
0x4f: {  	_ =	shalt  }
0x50: {  	_ =	shalt  }
0x51: {  	_ =	shalt  }
0x52: {  	_ =	shalt  }
0x53: {  	_ =	shalt  }
0x54: {  	_ =	shalt  }
0x55: {  	_ =	shalt  }
0x56: {  	_ =	shalt  }
0x57: {  	_ =	shalt  }
0x58: {  	_ =	shalt  }
0x59: {  	_ =	shalt  }
0x5a: {  	_ =	shalt  }
0x5b: {  	_ =	shalt  }
0x5c: {  	_ =	shalt  }
0x5d: {  	_ =	shalt  }
0x5e: {  	_ =	shalt  }
0x5f: {  	_ =	shalt  }
0x60: {  	_ =	shalt  }
0x61: {  	_ =	shalt  }
0x62: {  	_ =	shalt  }
0x63: {  	_ =	shalt  }
0x64: {  	_ =	shalt  }
0x65: {  	_ =	shalt  }
0x66: {  	_ =	shalt  }
0x67: {  	_ =	shalt  }
0x68: {  	_ =	shalt  }
0x69: {  	_ =	shalt  }
0x6a: {  	_ =	shalt  }
0x6b: {  	_ =	shalt  }
0x6c: {  	_ =	shalt  }
0x6d: {  	_ =	shalt  }
0x6e: {  	_ =	shalt  }
0x6f: {  	_ =	shalt  }
0x70: {  	_ =	shalt  }
0x71: {  	_ =	shalt  }
0x72: {  	_ =	shalt  }
0x73: {  	_ =	shalt  }
0x74: {  	_ =	shalt  }
0x75: {  	_ =	shalt  }
0x76: {  	_ =	shalt  }
0x77: {  	_ =	shalt  }
0x78: {  	_ =	shalt  }
0x79: {  	_ =	shalt  }
0x7a: {  	_ =	shalt  }
0x7b: {  	_ =	shalt  }
0x7c: {  	_ =	shalt  }
0x7d: {  	_ =	shalt  }
0x7e: {  	_ =	shalt  }
0x7f: {  	_ =	shalt  }
0x80: {  	_ =	shalt  }
0x81: {  	_ =	shalt  }
0x82: {  	_ =	shalt  }
0x83: {  	_ =	shalt  }
0x84: {  	_ =	shalt  }
0x85: {  	_ =	shalt  }
0x86: {  	_ =	shalt  }
0x87: {  	_ =	shalt  }
.Lfunc_end0:
.L_simem_size_0:
called_computation_lowered:
.L_overlay_start_0:
0x88: {  	s2 =	sld [smem:$0x3FD9]  }
0x89: {  	s3 =	sld [smem:$0x3FFE];
	_ =	sdelay $0x1  }
0x8a: {  	s1 =	srdreg.scid  }
0x8b: {  	s0 =	sand.u32 $0x1, s1  }
0x8c: {  	s15 =	sshll.u32 s0, $0xA;
	s2 =	sadd.s32 s3, s2  }
0x8d: {  	s2 =	sadd.s32 s2, s15  }
0x8e: {  	[smem:$0x3FC7] =	sst s2  }
0x8f: {  	_ = 	snop  }
0x90: {  	s2 =	sld [smem:$0x3FD0];
	_ =	sdelay $0x2  }
0x91: {  	s4 =	simm.s32 $0xA;
	s5 =	simm.s32 $0x10;
	s16 =	sld [smem:$0x3FC9]  }
0x92: {  	[smem:s5], [sflag:s4] =	dma.local [hbm:s2], $0x1  }
0x93: {  	_ =	swait.eq [sflag:s4], $0x1  }
0x94: {  	s17 =	sld [smem:$0x10];
	[sflag:s4] =	ssyncset.done $0x0  }
0x95: {  	s18 =	sld [smem:$0x11];
	[sflag:s4] =	ssyncadd.s32 $0xFFFFFFFF  }
0x96: {  	s19 =	sld [smem:$0x12];
	(tm) =	ssettm $0x1  }
0x97: {  	s6 =	sld [smem:$0x3FFB];
	_ =	sdelay $0x3  }
0x98: {  	_ =	strace s6  }
0x99: {  	s6 =	sld [smem:$0x3FFC];
	_ =	sdelay $0x3  }
0x9a: {  	_ =	strace s6  }
0x9b: {  	s6 =	sld [smem:$0x3FFD];
	_ =	sdelay $0x3  }
0x9c: {  	_ =	strace s6  }
0x9d: {  	_ =	strace $0x8FFFFFFF  }
0x9e: {  	s20 =	sld [smem:$0x3FDB];
	_ =	sdelay $0x1  }
0x9f: {  	s7 =	simm.s32 $_scs_section_size  }
0xa0: {  	s8 =	simm.s32 $_size__tile_overlayer_lowered;
	s9 =	simm.s32 $_tile_overlayer_lowered  }
0xa1: {  	s23 =	simm.s32 $0x1BFF;
	s22 =	sshll.u32 s9, $0x1;
	s6 =	sadd.s32 s7, s20  }
0xa2: {  	s10 =	simm.s32 $0x0;
	s21 =	sshll.u32 s8, $0x1;
	s8 =	sadd.s32 s22, s6  }
0xa3: {  	[timem:s10], [sflag:s23] =	dma.local [hbm:s8], s21  }
0xa4: {  	_ =	swait.ge [sflag:s23], s21  }
0xa5: {  	s7 =	ssub.s32 $0x0, s21;
	[sflag:s23] =	ssyncset.done $0x0  }
0xa6: {  	[sflag:s23] =	ssyncadd.s32 s7;
	_ =	sdelay $0x1  }
0xa7: {  	s24 =	simm.s32 $0x1B8B  }
0xa8: {  	_ =	swait.ge [sflag:s24], $0x1  }
0xa9: {  	[sflag:s24] =	ssyncset.done $0x0  }
0xaa: {  	s25 =	simm.s32 $0x1B8E;
	[sflag:s24] =	ssyncadd.s32 $0xFFFFFFFF  }
0xab: {  	s26 =	simm.s32 $execute0_lowered;
	[smem:$0x3FD2] =	sst s25  }
0xac: {  	s7 =	sshll.u32 s26, $0x1;
	_ =	strace $0x80000046;
	[dreg:$0x1] =	wrdreg $0xFFFFFFFF  }
0xad: {  	s28 =	simm.s32 $_size_execute0_lowered;
	s6 =	sadd.s32 s6, s7;
	[dreg:$0x0] =	wrdreg $0x0  }
0xae: {  	s7 =	sshll.u32 s28, $0x1;
	[dreg:$0x2] =	wrdreg s6  }
0xaf: {  	[dreg:$0x3] =	wrdreg s7  }
0xb0: {  	[dreg:$0x4] =	wrdreg $0xC0  }
0xb1: {  	_ =	task [dreg:s10], $0x5FFFF  }
0xb2: {  	[dreg:$0x1] =	wrdreg $0xFFFFFFFF  }
0xb3: {  	[dreg:$0x0] =	wrdreg $0x60  }
0xb4: {  	[dreg:$0x2] =	wrdreg s16  }
0xb5: {  	[dreg:$0x3] =	wrdreg s17  }
0xb6: {  	[dreg:$0x4] =	wrdreg s18  }
0xb7: {  	[dreg:$0x5] =	wrdreg s19  }
0xb8: {  	[dreg:$0x6] =	wrdreg $0x9  }
0xb9: {  	_ =	task.clear_ibuf [dreg:s10], $0x7FFFF;
	_ =	strace $0x90000046  }
0xba: {  	s29 =	simm.s32 $0x9;
	_ =	strace $0x80000048  }
0xbb: {  	_ =	swait.ge [sflag:s29], $0x1  }
0xbc: {  	[sflag:s29] =	ssyncadd.s32 $0xFFFFFFFF  }
0xbd: {  	_ =	strace $0x90000048  }
0xbe: {  	_ =	sfence  }
0xbf: {  	s30 =	sld [smem:$0x0];
	_ =	sdelay $0x2  }
0xc0: {  	s31 =	sshll.u32 s1, $0xD;
	s1 =	sshrl.u32 s1, $0x2  }
0xc1: {  	s3 =	sand.u32 $0x4000, s31;
	s1 =	sadd.s32 s1, s30  }
0xc2: {  	s0 =	sor.u32 s3, s0;
	s1 =	sshll.u32 s1, $0x11  }
0xc3: {  	s0 =	sor.u32 s1, s0  }
0xc4: {  	s0 =	sadd.s32 $0x8F2B, s0  }
0xc5: {  	[sflag:s0] =	ssyncadd.remote.s32 $0x1  }
0xc6: {  	_ =	sfence.sel $0xFFFF  }
0xc7: {  	[dreg:$0x0] =	wrdreg $0xFFFFFFFF;
	(pc) =	sbr.abs _section_cstart, $3  }
0xc8: {  	[dreg:$0x1] =	wrdreg $0xFFFFFFFF  }
0xc9: {  	_ =	task.clear_ibuf [dreg:s10], $0x2FFFF;
	_ =	strace $0x9FFFFFFF  }
0xca: {  	(tm) =	ssettm $0x7FFFFFFF  }
0xcb: {  	_ =	shalt  }
tec
execute0_lowered:
.L_overlay_start_1:
0x0: {  	(tag) =	ssettag $0x1  }
0x1: {  	s0 =	rddreg [dreg:$0x0];
	s2 =	srdreg.scid  }
0x2: {  	s1 =	rddreg [dreg:$0x1];
	s6 =	stileid.u32;
	s5 =	sand.u32 $0x1, s2  }
0x3: {  	s3 =	rddreg [dreg:$0x2];
	s6 =	sshll.u32 s6, $0xB;
	s7 =	sshll.u32 s5, $0xA  }
0x4: {  	s4 =	rddreg [dreg:$0x3];
	s2 =	simm.s32 $0x0;
	s6 =	sor.u32 s7, s6  }
0x5: {  	[smem:$0x7FF] =	sst s2;
	s19 =	sadd.s32 s4, s6  }
0x6: {  	_ =	strace $0x80000047;
	s21 =	sadd.s32 s1, s6;
	[dreg:$0x7] =	wrdreg s19  }
0x7: {  	s5 =	ssub.s32 $0x2, s5;
	s22 =	sadd.s32 s3, s6;
	[dreg:$0x9] =	wrdreg s21  }
0x8: {  	s8 =	sor.u32 $0x200, s6;
	s18 =	sadd.s32 s0, s6;
	[dreg:$0xa] =	wrdreg s22  }
0x9: {  	s17 =	sshrl.u32 s5, $0x1;
	s0 =	sadd.s32 s0, s8;
	[dreg:$0x5] =	wrdreg s18  }
0xa: {  	s5 =	ssub.s32 s5, s17;
	s20 =	sadd.s32 s4, s8;
	[dreg:$0x6] =	wrdreg s0  }
0xb: {  	s23 =	smax.u32 s5, $0x1;
	[dreg:$0x8] =	wrdreg s20  }
0xc: {  	s24 =	sadd.s32 $0x8000, s18;
	[dreg:$0xb] =	wrdreg s23  }
0xd: {  	s25 =	sadd.s32 $0x10000, s18;
	[dreg:$0xc] =	wrdreg s24  }
0xe: {  	s26 =	sadd.s32 $0x18000, s18;
	[dreg:$0xd] =	wrdreg s25  }
0xf: {  	s28 =	sadd.s32 $0x20000, s18;
	[dreg:$0xe] =	wrdreg s26  }
0x10: {  	s29 =	sadd.s32 $0x28000, s18;
	[dreg:$0xf] =	wrdreg s28  }
0x11: {  	s30 =	sadd.s32 $0x30000, s18;
	[dreg:$0x10] =	wrdreg s29  }
0x12: {  	s31 =	sadd.s32 $0x38000, s18;
	[dreg:$0x11] =	wrdreg s30  }
0x13: {  	s1 =	simm.s32 $0x3;
	s4 =	simm.s32 $0x0;
	[dreg:$0x12] =	wrdreg s31  }
.LBB2_1:
0x14: {  	[dreg:$0x13] =	wrdreg s4  }
0x15: {  	s0 =	rddreg [dreg:$0x5]  }
0x16: {  	[tilespmem:s2], [sflag:$0x3] =	stream.linear.gather [hbm4b:s0+s2], $0x1000, $0x38;
	[tilespmem:$0x14000] =	vst v63  }
0x17: {  	s20 =	rddreg [dreg:$0xc];
	s3 =	simm.s32 $0x2000  }
0x18: {  	[tilespmem:s3], [sflag:$0x3] =	stream.linear.gather [hbm4b:s20+s2], $0x1000, $0x38;
	[tilespmem:$0x14000] =	vst v63  }
0x19: {  	s21 =	rddreg [dreg:$0xd];
	s4 =	simm.s32 $0x4000  }
0x1a: {  	[tilespmem:s4], [sflag:$0x3] =	stream.linear.gather [hbm4b:s21+s2], $0x1000, $0x38;
	[tilespmem:$0x14000] =	vst v63  }
0x1b: {  	s22 =	rddreg [dreg:$0xe];
	s5 =	simm.s32 $0x6000  }
0x1c: {  	[tilespmem:s5], [sflag:$0x3] =	stream.linear.gather [hbm4b:s22+s2], $0x1000, $0x38;
	[tilespmem:$0x14000] =	vst v63  }
0x1d: {  	s23 =	rddreg [dreg:$0xf];
	s6 =	simm.s32 $0x8000  }
0x1e: {  	[tilespmem:s6], [sflag:$0x3] =	stream.linear.gather [hbm4b:s23+s2], $0x1000, $0x38;
	[tilespmem:$0x14000] =	vst v63  }
0x1f: {  	s24 =	rddreg [dreg:$0x10];
	s7 =	simm.s32 $0xA000  }
0x20: {  	[tilespmem:s7], [sflag:$0x3] =	stream.linear.gather [hbm4b:s24+s2], $0x1000, $0x38;
	[tilespmem:$0x14000] =	vst v63  }
0x21: {  	s25 =	rddreg [dreg:$0x11];
	s8 =	simm.s32 $0xC000  }
0x22: {  	[tilespmem:s8], [sflag:$0x3] =	stream.linear.gather [hbm4b:s25+s2], $0x1000, $0x38;
	[tilespmem:$0x14000] =	vst v63  }
0x23: {  	s26 =	rddreg [dreg:$0x12];
	s9 =	simm.s32 $0xE000  }
0x24: {  	[tilespmem:s9], [sflag:$0x3] =	stream.linear.gather [hbm4b:s26+s2], $0x1000, $0x38;
	[tilespmem:$0x14000] =	vst v63  }
0x25: {  	_ =	swait.ge [sflag:s1], $0x8000  }
0x26: {  	[sflag:s1] =	ssyncset.done $0x0  }
0x27: {  	s29 =	simm.s32 $0x1000;
	s28 =	rddreg [dreg:$0x6];
	[sflag:s1] =	ssyncadd.s32 $0xFFFF8000  }
0x28: {  	[tilespmem:s29], [sflag:$0x1] =	stream.linear.gather [hbm4b:s28+s2], $0x1000, $0x38;
	[tilespmem:$0x14000] =	vst v63  }
0x29: {  	s10 =	simm.s32 $0x3000;
	s30 =	sadd.s32 $0x8000, s28  }
0x2a: {  	[tilespmem:s10], [sflag:$0x1] =	stream.linear.gather [hbm4b:s30+s2], $0x1000, $0x38;
	[tilespmem:$0x14000] =	vst v63  }
0x2b: {  	s11 =	simm.s32 $0x5000;
	s10 =	sadd.s32 $0x10000, s28  }
0x2c: {  	[tilespmem:s11], [sflag:$0x1] =	stream.linear.gather [hbm4b:s10+s2], $0x1000, $0x38;
	[tilespmem:$0x14000] =	vst v63  }
0x2d: {  	s13 =	simm.s32 $0x7000;
	s12 =	sadd.s32 $0x18000, s28  }
0x2e: {  	[tilespmem:s13], [sflag:$0x1] =	stream.linear.gather [hbm4b:s12+s2], $0x1000, $0x38;
	[tilespmem:$0x14000] =	vst v63  }
0x2f: {  	s15 =	simm.s32 $0x9000;
	s14 =	sadd.s32 $0x20000, s28  }
0x30: {  	[tilespmem:s15], [sflag:$0x1] =	stream.linear.gather [hbm4b:s14+s2], $0x1000, $0x38;
	[tilespmem:$0x14000] =	vst v63  }
0x31: {  	s17 =	simm.s32 $0xB000;
	s16 =	sadd.s32 $0x28000, s28  }
0x32: {  	[tilespmem:s17], [sflag:$0x1] =	stream.linear.gather [hbm4b:s16+s2], $0x1000, $0x38;
	[tilespmem:$0x14000] =	vst v63  }
0x33: {  	s19 =	simm.s32 $0xD000;
	s18 =	sadd.s32 $0x30000, s28  }
0x34: {  	[tilespmem:s19], [sflag:$0x1] =	stream.linear.gather [hbm4b:s18+s2], $0x1000, $0x38;
	[tilespmem:$0x14000] =	vst v63  }
0x35: {  	s21 =	simm.s32 $0xF000;
	s20 =	sadd.s32 $0x38000, s28  }
0x36: {  	[tilespmem:s21], [sflag:$0x1] =	stream.linear.gather [hbm4b:s20+s2], $0x1000, $0x38;
	[tilespmem:$0x14000] =	vst v63  }
0x37: {  	s22 =	rddreg [dreg:$0x7]  }
0x38: {  	[hbm4b:s22+s2] =	stream.linear.scatter [tilespmem:s2], [sflag:$0x2], $0x1000, $0x38;
	[tilespmem:$0x14000] =	vst v63  }
0x39: {  	s23 =	sadd.s32 $0x8000, s22  }
0x3a: {  	[hbm4b:s23+s2] =	stream.linear.scatter [tilespmem:s3], [sflag:$0x2], $0x1000, $0x38;
	[tilespmem:$0x14000] =	vst v63  }
0x3b: {  	s24 =	sadd.s32 $0x10000, s22  }
0x3c: {  	[hbm4b:s24+s2] =	stream.linear.scatter [tilespmem:s4], [sflag:$0x2], $0x1000, $0x38;
	[tilespmem:$0x14000] =	vst v63  }
0x3d: {  	s25 =	sadd.s32 $0x18000, s22  }
0x3e: {  	[hbm4b:s25+s2] =	stream.linear.scatter [tilespmem:s5], [sflag:$0x2], $0x1000, $0x38;
	[tilespmem:$0x14000] =	vst v63  }
0x3f: {  	s26 =	sadd.s32 $0x20000, s22  }
0x40: {  	[hbm4b:s26+s2] =	stream.linear.scatter [tilespmem:s6], [sflag:$0x2], $0x1000, $0x38;
	[tilespmem:$0x14000] =	vst v63  }
0x41: {  	s31 =	simm.s32 $0xFFFFFFFE;
	s28 =	sadd.s32 $0x28000, s22  }
0x42: {  	[hbm4b:s28+s2] =	stream.linear.scatter [tilespmem:s7], [sflag:$0x2], $0x1000, $0x38;
	[tilespmem:$0x14000] =	vst v63  }
0x43: {  	s29 =	sadd.s32 $0x30000, s22;
	s30 =	sadd.s32 $0x38000, s22;
	s21 =	simm.s32 $0x0  }
0x44: {  	[hbm4b:s29+s2] =	stream.linear.scatter [tilespmem:s8], [sflag:$0x2], $0x1000, $0x38;
	[tilespmem:$0x14000] =	vst v63  }
0x45: {  	s22 =	simm.s32 $0x0;
	s23 =	simm.s32 $0x0;
	s25 =	simm.s32 $0x0  }
0x46: {  	[hbm4b:s30+s2] =	stream.linear.scatter [tilespmem:s9], [sflag:$0x2], $0x1000, $0x38;
	[tilespmem:$0x14000] =	vst v63  }
.LBB2_2:
0x47: {  	s0 =	sand.u32 $0x60, s21;
	s13 =	sand.u32 $0xC00, s25  }
0x48: {  	s26 =	sor.u32 s0, s13  }
0x49: {  	v0 =	vld [tilespmem:s26+$0x0]  }
0x4a: {  	v1 =	vld [tilespmem:s26+$0x80]  }
0x4b: {  	v3 =	vld [tilespmem:s26+$0x100]  }
0x4c: {  	s19 =	sor.u32 s21, s25;
	v5 =	vld [tilespmem:s26+$0x200]  }
0x4d: {  	s1 =	sor.u32 s21, s13;
	s20 =	sor.u32 $0x380, s19;
	v6 =	vld [tilespmem:s26+$0x280]  }
0x4e: {  	s3 =	sand.u32 $0x3, s22;
	s5 =	sor.u32 $0x2080, s13;
	s4 =	sor.u32 $0x180, s1;
	v8 =	vld [tilespmem:s20+$0x0]  }
0x4f: {  	s17 =	sshll.u32 s3, $0x5;
	s3 =	sor.u32 $0x2100, s13;
	s28 =	sor.u32 s0, s5;
	v4 =	vld [tilespmem:s4+$0x0]  }
0x50: {  	s15 =	sor.u32 $0x4180, s13;
	s6 =	sor.u32 s0, s3;
	v10 =	vld [tilespmem:s28+$0x0]  }
0x51: {  	s1 =	sadd.s32 s17, s25;
	s16 =	sor.u32 s0, s15;
	v11 =	vld [tilespmem:s6+$0x0]  }
0x52: {  	s18 =	sor.u32 $0x300, s1;
	s1 =	sor.u32 $0x2000, s13;
	v24 =	vld [tilespmem:s16+$0x0]  }
0x53: {  	[dreg:$0x18] =	wrdreg s4;
	s4 =	sor.u32 $0x2180, s13;
	v7 =	vld [tilespmem:s18+$0x0];
	s24 =	sor.u32 s0, s1  }
0x54: {  	s6 =	sor.u32 $0x2200, s13;
	s7 =	sor.u32 s0, s4;
	v9 =	vld [tilespmem:s24+$0x0]  }
0x55: {  	s16 =	sor.u32 $0x4280, s13;
	s8 =	sor.u32 s0, s6;
	v13 =	vld [tilespmem:s7+$0x0]  }
0x56: {  	[dreg:$0x14] =	wrdreg s18;
	s30 =	sor.u32 s0, s16;
	s18 =	sor.u32 $0x4300, s13;
	v14 =	vld [tilespmem:s8+$0x0]  }
0x57: {  	[dreg:$0x15] =	wrdreg s20;
	s20 =	sor.u32 $0x4380, s13;
	v26 =	vld [tilespmem:s30+$0x0];
	s19 =	sor.u32 s0, s18  }
0x58: {  	s7 =	sor.u32 $0x2280, s13;
	s24 =	sor.u32 s0, s20;
	v27 =	vld [tilespmem:s19+$0x0]  }
0x59: {  	s8 =	sor.u32 $0x2300, s13;
	s9 =	sor.u32 s0, s7;
	v28 =	vld [tilespmem:s24+$0x0]  }
0x5a: {  	s30 =	sor.u32 $0x6080, s13;
	s10 =	sor.u32 s0, s8;
	v16 =	vld [tilespmem:s9+$0x0]  }
0x5b: {  	[smem:$0x7E1] =	sst s20;
	s20 =	sor.u32 $0x6100, s13;
	s19 =	sor.u32 s0, s30;
	v19 =	vld [tilespmem:s10+$0x0]  }
0x5c: {  	[smem:$0x7E3] =	sst s30;
	s24 =	sor.u32 s0, s20;
	s30 =	sor.u32 $0x6200, s13;
	v56 =	vld [tilespmem:s19+$0x0]  }
0x5d: {  	[smem:$0x7E4] =	sst s20;
	s20 =	sor.u32 $0x6280, s13;
	v30 =	vld [tilespmem:s24+$0x0];
	s19 =	sor.u32 s0, s30  }
0x5e: {  	s9 =	sor.u32 $0x2380, s13;
	s24 =	sor.u32 s0, s20;
	v32 =	vld [tilespmem:s19+$0x0]  }
0x5f: {  	s10 =	sor.u32 $0x4000, s13;
	s11 =	sor.u32 s0, s9;
	v34 =	vld [tilespmem:s24+$0x0]  }
0x60: {  	[smem:$0x7E6] =	sst s30;
	s30 =	sor.u32 $0x6380, s13;
	s12 =	sor.u32 s0, s10;
	v20 =	vld [tilespmem:s11+$0x0]  }
0x61: {  	v2 =	vand.u32 $0xFFFFFFC0, v1;
	v1 =	vor.u32 $0x3F, v0;
	v3 =	vand.u32 $0xFFFFFFC0, v3;
	[smem:$0x7E7] =	sst s20;
	s20 =	sor.u32 $0x8000, s13;
	s19 =	sor.u32 s0, s30;
	v21 =	vld [tilespmem:s12+$0x0]  }
0x62: {  	v12 =	vand.u32 $0xFFFFFFC0, v5;
	v6 =	vand.u32 $0xFFFFFFC0, v6;
	v8 =	vand.u32 $0xFFFFFFC0, v8;
	[smem:$0x7E9] =	sst s30;
	s24 =	sor.u32 s0, s20;
	s30 =	sor.u32 $0x8100, s13;
	v36 =	vld [tilespmem:s19+$0x0]  }
0x63: {  	v2 =	vor.u32 $0x3E, v2;
	v4 =	vand.u32 $0xFFFFFFC0, v4;
	v3 =	vor.u32 $0x3D, v3;
	[smem:$0x7EA] =	sst s20;
	s20 =	sor.u32 $0x8180, s13;
	v59 =	vld [tilespmem:s24+$0x0];
	s19 =	sor.u32 s0, s30  }
0x64: {  	v8 =	vor.u32 $0x38, v8;
	v10 =	vand.u32 $0xFFFFFFC0, v10;
	v58 =	vand.u32 $0xFFFFFFC0, v11;
	s11 =	sor.u32 $0x4080, s13;
	s24 =	sor.u32 s0, s20;
	v63 =	vld [tilespmem:s19+$0x0]  }
0x65: {  	v43 =	vand.u32 $0xFFFFFFC0, v24;
	s12 =	sor.u32 $0x4100, s13;
	v5 =	vor.u32 $0x3C, v4;
	v4 =	vor.u32 $0x3B, v12;
	s14 =	sor.u32 s0, s11;
	v38 =	vld [tilespmem:s24+$0x0]  }
0x66: {  	v57 =	vand.u32 $0xFFFFFFC0, v7;
	v7 =	vor.u32 $0x3A, v6;
	v15 =	vor.u32 $0x36, v10;
	[smem:$0x7EC] =	sst s30;
	s30 =	sor.u32 $0x8280, s13;
	s29 =	sor.u32 s0, s12;
	v22 =	vld [tilespmem:s14+$0x0]  }
0x67: {  	v12 =	vor.u32 $0x35, v58;
	[smem:$0x7ED] =	sst s20;
	s20 =	sor.u32 $0x8300, s13;
	v6 =	vor.u32 $0x39, v57;
	v9 =	vand.u32 $0xFFFFFFC0, v9;
	s19 =	sor.u32 s0, s30;
	v23 =	vld [tilespmem:s29+$0x0]  }
0x68: {  	s28 =	sor.u32 $0x6000, s13;
	v60 =	vand.u32 $0xFFFFFFC0, v13;
	v61 =	vand.u32 $0xFFFFFFC0, v14;
	s24 =	sor.u32 s0, s20;
	v49 =	vand.u32 $0xFFFFFFC0, v26;
	v46 =	vld [tilespmem:s19+$0x0]  }
0x69: {  	s14 =	sor.u32 $0x4200, s13;
	s29 =	sor.u32 s0, s28;
	v11 =	vor.u32 $0x37, v9;
	v17 =	vor.u32 $0x34, v60;
	v47 =	vld [tilespmem:s24+$0x0];
	v50 =	vand.u32 $0xFFFFFFC0, v27  }
0x6a: {  	[smem:$0x7E2] =	sst s28;
	s28 =	sor.u32 $0x6180, s13;
	v51 =	vand.u32 $0xFFFFFFC0, v28;
	s17 =	sor.u32 s0, s14;
	v29 =	vld [tilespmem:s29+$0x0];
	v62 =	vand.u32 $0xFFFFFFC0, v16;
	v16 =	vor.u32 $0x33, v61  }
0x6b: {  	[smem:$0x7E5] =	sst s28;
	s29 =	sor.u32 s0, s28;
	s28 =	sor.u32 $0x6300, s13;
	v33 =	vand.u32 $0xFFFFFFC0, v19;
	v24 =	vor.u32 $0x29, v50;
	v0 =	vand.u32 $0xFFFFFFC0, v56;
	v25 =	vld [tilespmem:s17+$0x0]  }
0x6c: {  	v26 =	vor.u32 $0x28, v51;
	v53 =	vand.u32 $0xFFFFFFC0, v30;
	v31 =	vld [tilespmem:s29+$0x0];
	[smem:$0x7E8] =	sst s28;
	s29 =	sor.u32 s0, s28;
	s28 =	sor.u32 $0x8080, s13;
	v18 =	vor.u32 $0x32, v62  }
0x6d: {  	v19 =	vor.u32 $0x31, v33;
	v55 =	vand.u32 $0xFFFFFFC0, v32;
	v44 =	vor.u32 $0x25, v53;
	v35 =	vld [tilespmem:s29+$0x0];
	[smem:$0x7EB] =	sst s28;
	s29 =	sor.u32 s0, s28;
	s28 =	sor.u32 $0x8200, s13  }
0x6e: {  	v56 =	vand.u32 $0xFFFFFFC0, v34;
	v40 =	vand.u32 $0xFFFFFFC0, v20;
	v21 =	vand.u32 $0xFFFFFFC0, v21;
	v37 =	vld [tilespmem:s29+$0x0];
	[smem:$0x7EE] =	sst s28;
	s29 =	sor.u32 s0, s28;
	s28 =	sor.u32 $0x8380, s13  }
0x6f: {  	[smem:$0x7F0] =	sst s20;
	s20 =	sor.u32 $0xA080, s13;
	v45 =	vor.u32 $0x23, v55;
	v58 =	vand.u32 $0xFFFFFFC0, v36;
	v9 =	vand.u32 $0xFFFFFFC0, v59;
	v39 =	vld [tilespmem:s29+$0x0];
	s29 =	sor.u32 s0, s28  }
0x70: {  	[smem:$0x7EF] =	sst s30;
	s30 =	sor.u32 $0xA000, s13;
	s24 =	sor.u32 s0, s20;
	v20 =	vor.u32 $0x30, v40;
	v13 =	vor.u32 $0x2F, v21;
	v55 =	vor.u32 $0x20, v58;
	v27 =	vld [tilespmem:s29+$0x0]  }
0x71: {  	s19 =	sor.u32 s0, s30;
	v10 =	vand.u32 $0xFFFFFFC0, v63;
	v40 =	vor.u32 $0x1F, v9;
	[smem:$0x7F1] =	sst s28;
	s28 =	sor.u32 $0xA100, s13;
	v52 =	vand.u32 $0xFFFFFFC0, v29;
	v29 =	vld [tilespmem:s24+$0x0]  }
0x72: {  	[smem:$0x7F3] =	sst s20;
	s20 =	sor.u32 $0xA200, s13;
	v60 =	vand.u32 $0xFFFFFFC0, v38;
	s29 =	sor.u32 s0, s28;
	v48 =	vand.u32 $0xFFFFFFC0, v25;
	v25 =	vor.u32 $0x2A, v49;
	v49 =	vld [tilespmem:s19+$0x0]  }
0x73: {  	[smem:$0x7F2] =	sst s30;
	s30 =	sor.u32 $0xA180, s13;
	v41 =	vand.u32 $0xFFFFFFC0, v22;
	v22 =	vor.u32 $0x2C, v43;
	v43 =	vor.u32 $0x26, v0;
	s24 =	sor.u32 s0, s20;
	v0 =	vld [tilespmem:s29+$0x0]  }
0x74: {  	v42 =	vand.u32 $0xFFFFFFC0, v23;
	v62 =	vand.u32 $0xFFFFFFC0, v46;
	v63 =	vand.u32 $0xFFFFFFC0, v47;
	[smem:$0x7F4] =	sst s28;
	s28 =	sor.u32 $0xA280, s13;
	s19 =	sor.u32 s0, s30;
	v28 =	vld [tilespmem:s24+$0x0]  }
0x75: {  	[smem:$0x7F6] =	sst s20;
	v21 =	vor.u32 $0x2E, v41;
	v14 =	vor.u32 $0x2D, v42;
	s20 =	sor.u32 $0xA380, s13;
	v41 =	vor.u32 $0x1D, v10;
	s29 =	sor.u32 s0, s28;
	v32 =	vld [tilespmem:s19+$0x0]  }
0x76: {  	[smem:$0x7F5] =	sst s30;
	v53 =	vor.u32 $0x1A, v62;
	v33 =	vor.u32 $0x27, v52;
	s30 =	sor.u32 $0xA300, s13;
	s24 =	sor.u32 s0, s20;
	v57 =	vand.u32 $0xFFFFFFC0, v35;
	v35 =	vld [tilespmem:s29+$0x0]  }
0x77: {  	v54 =	vand.u32 $0xFFFFFFC0, v31;
	[smem:$0x7F7] =	sst s28;
	s28 =	sor.u32 $0xC000, s13;
	v52 =	vor.u32 $0x1C, v60;
	v23 =	vor.u32 $0x2B, v48;
	s19 =	sor.u32 s0, s30;
	v34 =	vld [tilespmem:s24+$0x0]  }
0x78: {  	v48 =	vor.u32 $0x24, v54;
	[smem:$0x7F8] =	sst s30;
	v54 =	vor.u32 $0x22, v56;
	s29 =	sor.u32 s0, s28;
	s30 =	sor.u32 $0xC080, s13;
	v56 =	vor.u32 $0x19, v63;
	v30 =	vld [tilespmem:s19+$0x0]  }
0x79: {  	[smem:$0x7E0] =	sst s18;
	s24 =	sor.u32 $0xC180, s13;
	v50 =	vor.u32 $0x21, v57;
	v59 =	vand.u32 $0xFFFFFFC0, v37;
	v9 =	vld [tilespmem:s29+$0x0];
	s18 =	sor.u32 s0, s30;
	v61 =	vand.u32 $0xFFFFFFC0, v39  }
0x7a: {  	[smem:$0x7FA] =	sst s28;
	s19 =	sor.u32 $0xC100, s13;
	s28 =	sor.u32 s0, s24;
	v42 =	vor.u32 $0x1E, v59;
	v58 =	vld [tilespmem:s18+$0x0];
	v51 =	vor.u32 $0x1B, v61;
	v27 =	vand.u32 $0xFFFFFFC0, v27  }
0x7b: {  	[smem:$0x7F9] =	sst s20;
	s29 =	sor.u32 $0xC200, s13;
	s20 =	sor.u32 s0, s19;
	v59 =	vld [tilespmem:s28+$0x0];
	v47 =	vand.u32 $0xFFFFFFC0, v29;
	v46 =	vand.u32 $0xFFFFFFC0, v49;
	v57 =	vor.u32 $0x18, v27  }
0x7c: {  	[dreg:$0x1d] =	wrdreg s19;
	s18 =	sor.u32 s0, s29;
	s19 =	sor.u32 $0xC280, s13;
	v10 =	vld [tilespmem:s20+$0x0];
	v0 =	vand.u32 $0xFFFFFFC0, v0;
	v38 =	vor.u32 $0x16, v47;
	v61 =	vand.u32 $0xFFFFFFC0, v28  }
0x7d: {  	[dreg:$0x1e] =	wrdreg s24;
	s24 =	sor.u32 $0xC300, s13;
	v36 =	vld [tilespmem:s18+$0x0];
	s20 =	sor.u32 s0, s19;
	v31 =	vor.u32 $0x17, v46;
	v49 =	vand.u32 $0xFFFFFFC0, v32;
	v37 =	vor.u32 $0x15, v0  }
0x7e: {  	[dreg:$0x1f] =	wrdreg s29;
	s28 =	sor.u32 s0, s24;
	s29 =	sor.u32 $0xC380, s13;
	v60 =	vld [tilespmem:s20+$0x0];
	v62 =	vand.u32 $0xFFFFFFC0, v35;
	v46 =	vor.u32 $0x13, v61;
	v34 =	vand.u32 $0xFFFFFFC0, v34  }
0x7f: {  	[smem:$0x7FB] =	sst s19;
	s18 =	sor.u32 s0, s29;
	s19 =	sor.u32 $0xE000, s13;
	v0 =	vld [tilespmem:s28+$0x0];
	v39 =	vor.u32 $0x14, v49;
	v63 =	vand.u32 $0xFFFFFFC0, v30;
	v49 =	vor.u32 $0x12, v62  }
0x80: {  	s20 =	sor.u32 s0, s19;
	v35 =	vld [tilespmem:s18+$0x0];
	v9 =	vand.u32 $0xFFFFFFC0, v9;
	v47 =	vor.u32 $0x11, v63;
	v32 =	vand.u32 $0xFFFFFFC0, v58  }
0x81: {  	v61 =	vld [tilespmem:s20+$0x0];
	v58 =	vor.u32 $0x10, v34;
	v27 =	vor.u32 $0xF, v9;
	v59 =	vand.u32 $0xFFFFFFC0, v59  }
0x82: {  	[smem:$0x7FC] =	sst s24;
	s24 =	sor.u32 $0xE080, s13;
	v28 =	vor.u32 $0xE, v32;
	v34 =	vand.u32 $0xFFFFFFC0, v10;
	v63 =	vand.u32 $0xFFFFFFC0, v36  }
0x83: {  	s28 =	sor.u32 s0, s24;
	v32 =	vor.u32 $0xC, v59;
	v59 =	vmax.f32 v1, v2;
	v1 =	vmin.f32 v1, v2  }
0x84: {  	v62 =	vld [tilespmem:s28+$0x0];
	v29 =	vor.u32 $0xD, v34;
	v30 =	vor.u32 $0xB, v63;
	v34 =	vand.u32 $0xFFFFFFC0, v60  }
0x85: {  	v60 =	vmax.f32 v3, v5;
	v3 =	vmin.f32 v3, v5;
	v0 =	vand.u32 $0xFFFFFFC0, v0  }
0x86: {  	v36 =	vand.u32 $0xFFFFFFC0, v35;
	v35 =	vor.u32 $0xA, v34;
	v9 =	vand.u32 $0xFFFFFFC0, v61  }
0x87: {  	v61 =	vmax.f32 v4, v7;
	v4 =	vmin.f32 v4, v7;
	v63 =	vmax.f32 v1, v3  }
0x88: {  	v3 =	vmin.f32 v1, v3;
	v34 =	vor.u32 $0x9, v0;
	v36 =	vor.u32 $0x8, v36  }
0x89: {  	v10 =	vand.u32 $0xFFFFFFC0, v62;
	v62 =	vmax.f32 v6, v8;
	v6 =	vmin.f32 v6, v8  }
0x8a: {  	v8 =	vmax.f32 v59, v60;
	v0 =	vmin.f32 v59, v60;
	v59 =	vmax.f32 v61, v62  }
0x8b: {  	v60 =	vmin.f32 v61, v62;
	v61 =	vmax.f32 v4, v6;
	v4 =	vmin.f32 v4, v6  }
0x8c: {  	v62 =	vmax.f32 v63, v0;
	v0 =	vmin.f32 v63, v0;
	v63 =	vmax.f32 v61, v60  }
0x8d: {  	v5 =	vmin.f32 v61, v60;
	v60 =	vmax.f32 v8, v59;
	v61 =	vmin.f32 v8, v59  }
0x8e: {  	v8 =	vmax.f32 v62, v63;
	v6 =	vmin.f32 v62, v63;
	v62 =	vmax.f32 v0, v5  }
0x8f: {  	v0 =	vmin.f32 v0, v5;
	v63 =	vmax.f32 v3, v4;
	v4 =	vmin.f32 v3, v4  }
0x90: {  	[tilespmem:$0x1FEF0] =	vst v4;
	v4 =	vmax.f32 v62, v61;
	v7 =	vmin.f32 v62, v61;
	v59 =	vmax.f32 v63, v6  }
0x91: {  	[tilespmem:$0x1FEE0] =	vst v60;
	v60 =	vmin.f32 v63, v6;
	v61 =	vmax.f32 v12, v17;
	v12 =	vmin.f32 v12, v17  }
0x92: {  	v62 =	vmax.f32 v16, v18;
	v16 =	vmin.f32 v16, v18;
	v63 =	vmax.f32 v19, v20  }
0x93: {  	v19 =	vmin.f32 v19, v20;
	v3 =	vmax.f32 v8, v4;
	v4 =	vmin.f32 v8, v4  }
0x94: {  	v5 =	vmax.f32 v59, v7;
	v6 =	vmin.f32 v59, v7;
	v7 =	vmax.f32 v60, v0  }
0x95: {  	v8 =	vmin.f32 v60, v0;
	v60 =	vmax.f32 v11, v15;
	v11 =	vmin.f32 v11, v15  }
0x96: {  	v59 =	vmax.f32 v62, v63;
	v20 =	vmax.f32 v60, v61;
	v0 =	vmin.f32 v60, v61  }
0x97: {  	v60 =	vmax.f32 v11, v12;
	v12 =	vmin.f32 v11, v12;
	v61 =	vmin.f32 v62, v63  }
0x98: {  	v62 =	vmax.f32 v16, v19;
	v16 =	vmin.f32 v16, v19;
	v63 =	vmax.f32 v60, v0  }
0x99: {  	v0 =	vmin.f32 v60, v0;
	v60 =	vmax.f32 v62, v61;
	v17 =	vmin.f32 v62, v61  }
0x9a: {  	v11 =	vmax.f32 v20, v59;
	v61 =	vmin.f32 v20, v59;
	v15 =	vmin.f32 v12, v16  }
0x9b: {  	v20 =	vmax.f32 v63, v60;
	v18 =	vmin.f32 v63, v60;
	v62 =	vmax.f32 v0, v17  }
0x9c: {  	v0 =	vmin.f32 v0, v17;
	v63 =	vmax.f32 v12, v16;
	v60 =	vmax.f32 v13, v21  }
0x9d: {  	v13 =	vmin.f32 v13, v21;
	v16 =	vmax.f32 v62, v61;
	v19 =	vmin.f32 v62, v61  }
0x9e: {  	v1 =	vmax.f32 v63, v18;
	v2 =	vmin.f32 v63, v18;
	v61 =	vmax.f32 v14, v22  }
0x9f: {  	v14 =	vmin.f32 v14, v22;
	v62 =	vmax.f32 v23, v25;
	v23 =	vmin.f32 v23, v25  }
0xa0: {  	v63 =	vmax.f32 v24, v26;
	v24 =	vmin.f32 v24, v26;
	v12 =	vmax.f32 v20, v16  }
0xa1: {  	v16 =	vmin.f32 v20, v16;
	v17 =	vmax.f32 v1, v19;
	v18 =	vmin.f32 v1, v19  }
0xa2: {  	v19 =	vmax.f32 v2, v0;
	v20 =	vmin.f32 v2, v0;
	v26 =	vmax.f32 v60, v61  }
0xa3: {  	v0 =	vmin.f32 v60, v61;
	v2 =	vmax.f32 v13, v14;
	v14 =	vmin.f32 v13, v14  }
0xa4: {  	v60 =	vmax.f32 v62, v63;
	v61 =	vmin.f32 v62, v63;
	v62 =	vmax.f32 v23, v24  }
0xa5: {  	v23 =	vmin.f32 v23, v24;
	v63 =	vmax.f32 v2, v0;
	v0 =	vmin.f32 v2, v0  }
0xa6: {  	v2 =	vmax.f32 v62, v61;
	v22 =	vmin.f32 v62, v61;
	v13 =	vmax.f32 v26, v60  }
0xa7: {  	v59 =	vmin.f32 v26, v60;
	v62 =	vmax.f32 v14, v23;
	v14 =	vmin.f32 v14, v23  }
0xa8: {  	v3 =	vmax.f32 v3, v20;
	v4 =	vmax.f32 v4, v19;
	v5 =	vmax.f32 v5, v18  }
0xa9: {  	v6 =	vmax.f32 v6, v17;
	v7 =	vmax.f32 v7, v16;
	v8 =	vmax.f32 v8, v12  }
0xaa: {  	v60 =	vmax.f32 v63, v2;
	v21 =	vmin.f32 v63, v2;
	v61 =	vmax.f32 v0, v22  }
0xab: {  	v0 =	vmin.f32 v0, v22;
	v19 =	vmax.f32 v3, v7;
	v3 =	vmin.f32 v3, v7  }
0xac: {  	v20 =	vmax.f32 v4, v8;
	v4 =	vmin.f32 v4, v8;
	v63 =	vmax.f32 v61, v59  }
0xad: {  	v24 =	vmin.f32 v61, v59;
	v1 =	vmax.f32 v62, v21;
	v2 =	vmin.f32 v62, v21  }
0xae: {  	v61 =	vmax.f32 v44, v48;
	v44 =	vmin.f32 v44, v48;
	v62 =	vmax.f32 v45, v54  }
0xaf: {  	v45 =	vmin.f32 v45, v54;
	v21 =	vmax.f32 v60, v63;
	v22 =	vmin.f32 v60, v63  }
0xb0: {  	v23 =	vmax.f32 v1, v24;
	v24 =	vmin.f32 v1, v24;
	v25 =	vmax.f32 v2, v0  }
0xb1: {  	v26 =	vmin.f32 v2, v0;
	v60 =	vmax.f32 v33, v43;
	v33 =	vmin.f32 v33, v43  }
0xb2: {  	v63 =	vmax.f32 v50, v55;
	v50 =	vmin.f32 v50, v55;
	v55 =	vmax.f32 v60, v61  }
0xb3: {  	v17 =	vld [tilespmem:$0x1FEF0];
	v0 =	vmin.f32 v60, v61;
	v2 =	vmax.f32 v33, v44;
	v44 =	vmin.f32 v33, v44  }
0xb4: {  	v60 =	vmax.f32 v62, v63;
	v61 =	vmin.f32 v62, v63;
	v62 =	vmax.f32 v45, v50  }
0xb5: {  	v45 =	vmin.f32 v45, v50;
	v63 =	vmax.f32 v2, v0;
	v0 =	vmin.f32 v2, v0  }
0xb6: {  	v2 =	vmax.f32 v62, v61;
	v48 =	vmin.f32 v62, v61;
	v33 =	vmax.f32 v55, v60  }
0xb7: {  	v59 =	vmin.f32 v55, v60;
	v62 =	vmax.f32 v44, v45;
	v44 =	vmin.f32 v44, v45  }
0xb8: {  	v11 =	vmax.f32 v17, v11;
	v60 =	vmax.f32 v63, v2;
	v43 =	vmin.f32 v63, v2  }
0xb9: {  	v61 =	vmax.f32 v0, v48;
	v0 =	vmin.f32 v0, v48;
	v14 =	vmax.f32 v14, v33  }
0xba: {  	v63 =	vmax.f32 v61, v59;
	v50 =	vmin.f32 v61, v59;
	v1 =	vmax.f32 v62, v43  }
0xbb: {  	v2 =	vmin.f32 v62, v43;
	v61 =	vmax.f32 v41, v52;
	v41 =	vmin.f32 v41, v52  }
0xbc: {  	v62 =	vmax.f32 v51, v53;
	v51 =	vmin.f32 v51, v53;
	v43 =	vmax.f32 v60, v63  }
0xbd: {  	v45 =	vmin.f32 v60, v63;
	v48 =	vmax.f32 v1, v50;
	v50 =	vmin.f32 v1, v50  }
0xbe: {  	v54 =	vmax.f32 v2, v0;
	v55 =	vmin.f32 v2, v0;
	v60 =	vmax.f32 v40, v42  }
0xbf: {  	v40 =	vmin.f32 v40, v42;
	v63 =	vmax.f32 v56, v57;
	v56 =	vmin.f32 v56, v57  }
0xc0: {  	v57 =	vmax.f32 v60, v61;
	v0 =	vmin.f32 v60, v61;
	v2 =	vmax.f32 v40, v41  }
0xc1: {  	v41 =	vmin.f32 v40, v41;
	v60 =	vmax.f32 v62, v63;
	v61 =	vmin.f32 v62, v63  }
0xc2: {  	v62 =	vmax.f32 v51, v56;
	v51 =	vmin.f32 v51, v56;
	v50 =	vmax.f32 v23, v50  }
0xc3: {  	v63 =	vmax.f32 v2, v0;
	v0 =	vmin.f32 v2, v0;
	v2 =	vmax.f32 v62, v61  }
0xc4: {  	v52 =	vmin.f32 v62, v61;
	v40 =	vmax.f32 v57, v60;
	v56 =	vmin.f32 v57, v60  }
0xc5: {  	v62 =	vmax.f32 v41, v51;
	v41 =	vmin.f32 v41, v51;
	v33 =	vmax.f32 v50, v14  }
0xc6: {  	v14 =	vmin.f32 v50, v14;
	v60 =	vmax.f32 v63, v2;
	v61 =	vmax.f32 v0, v52  }
0xc7: {  	v42 =	vmin.f32 v63, v2;
	v0 =	vmin.f32 v0, v52;
	v63 =	vmax.f32 v61, v56  }
0xc8: {  	v53 =	vmin.f32 v61, v56;
	v1 =	vmax.f32 v62, v42;
	v2 =	vmin.f32 v62, v42  }
0xc9: {  	v61 =	vmax.f32 v37, v39;
	v37 =	vmin.f32 v37, v39;
	v62 =	vmax.f32 v46, v49  }
0xca: {  	v46 =	vmin.f32 v46, v49;
	v42 =	vmax.f32 v60, v63;
	v51 =	vmin.f32 v60, v63  }
0xcb: {  	v52 =	vmax.f32 v1, v53;
	v53 =	vmin.f32 v1, v53;
	v56 =	vmax.f32 v2, v0  }
0xcc: {  	v57 =	vmin.f32 v2, v0;
	v60 =	vmax.f32 v31, v38;
	v31 =	vmin.f32 v31, v38  }
0xcd: {  	v63 =	vmax.f32 v47, v58;
	v47 =	vmin.f32 v47, v58;
	v58 =	vmax.f32 v60, v61  }
0xce: {  	v0 =	vmin.f32 v60, v61;
	v60 =	vmax.f32 v31, v37;
	v37 =	vmin.f32 v31, v37  }
0xcf: {  	v59 =	vmax.f32 v62, v63;
	v61 =	vmin.f32 v62, v63;
	v62 =	vmax.f32 v46, v47  }
0xd0: {  	v46 =	vmin.f32 v46, v47;
	v63 =	vmax.f32 v60, v0;
	v0 =	vmin.f32 v60, v0  }
0xd1: {  	v60 =	vmax.f32 v62, v61;
	v39 =	vmin.f32 v62, v61;
	v31 =	vmax.f32 v58, v59  }
0xd2: {  	v61 =	vmin.f32 v58, v59;
	v38 =	vmin.f32 v37, v46;
	v58 =	vmax.f32 v63, v60  }
0xd3: {  	v47 =	vmin.f32 v63, v60;
	v62 =	vmax.f32 v0, v39;
	v0 =	vmin.f32 v0, v39  }
0xd4: {  	v63 =	vmax.f32 v37, v46;
	v60 =	vmax.f32 v34, v36;
	v34 =	vmin.f32 v34, v36  }
0xd5: {  	v31 =	vmax.f32 v41, v31;
	v46 =	vmax.f32 v62, v61;
	v49 =	vmin.f32 v62, v61  }
0xd6: {  	v1 =	vmax.f32 v63, v47;
	v2 =	vmin.f32 v63, v47;
	v61 =	vmax.f32 v27, v28  }
0xd7: {  	v27 =	vmin.f32 v27, v28;
	v62 =	vmax.f32 v29, v32;
	v29 =	vmin.f32 v29, v32  }
0xd8: {  	v63 =	vmax.f32 v30, v35;
	v30 =	vmin.f32 v30, v35;
	v37 =	vmax.f32 v58, v46  }
0xd9: {  	v39 =	vmin.f32 v58, v46;
	v46 =	vmax.f32 v1, v49;
	v47 =	vmin.f32 v1, v49  }
0xda: {  	v49 =	vmax.f32 v2, v0;
	v58 =	vmin.f32 v2, v0;
	v36 =	vmax.f32 v61, v62  }
0xdb: {  	v0 =	vmin.f32 v61, v62;
	v61 =	vmax.f32 v27, v29;
	v29 =	vmin.f32 v27, v29  }
0xdc: {  	v59 =	vmax.f32 v63, v60;
	v62 =	vmin.f32 v63, v60;
	v63 =	vmax.f32 v30, v34  }
0xdd: {  	v30 =	vmin.f32 v30, v34;
	v60 =	vmax.f32 v61, v0;
	v0 =	vmin.f32 v61, v0  }
0xde: {  	v61 =	vmax.f32 v63, v62;
	v32 =	vmin.f32 v63, v62;
	v27 =	vmax.f32 v36, v59  }
0xdf: {  	[dreg:$0x19] =	wrdreg s19;
	s19 =	sor.u32 $0xE100, s13;
	v35 =	vmin.f32 v36, v59;
	v28 =	vmin.f32 v29, v30;
	v50 =	vmax.f32 v42, v58  }
0xe0: {  	[smem:$0x7FD] =	sst s29;
	s29 =	sor.u32 s0, s19;
	s18 =	sor.u32 $0xE180, s13;
	v51 =	vmax.f32 v51, v49;
	v56 =	vmax.f32 v56, v39;
	v57 =	vmax.f32 v57, v37  }
0xe1: {  	s20 =	sor.u32 s0, s18;
	v36 =	vld [tilespmem:s29+$0x0];
	s29 =	sor.u32 $0xE200, s13;
	v59 =	vmax.f32 v60, v61;
	v34 =	vmin.f32 v60, v61;
	v60 =	vmax.f32 v0, v32  }
0xe2: {  	[dreg:$0x1b] =	wrdreg s24;
	s28 =	sor.u32 $0xE280, s13;
	v61 =	vld [tilespmem:s20+$0x0];
	v62 =	vmin.f32 v0, v32;
	v0 =	vmax.f32 v29, v30;
	s24 =	sor.u32 s0, s29;
	v23 =	vmin.f32 v51, v57  }
0xe3: {  	s20 =	sor.u32 s0, s28;
	v63 =	vld [tilespmem:s24+$0x0];
	v29 =	vmax.f32 v60, v35;
	v32 =	vmin.f32 v60, v35;
	v35 =	vmax.f32 v0, v34;
	s24 =	sor.u32 $0xE300, s13  }
0xe4: {  	s17 =	sor.u32 $0xE380, s13;
	v60 =	vld [tilespmem:s20+$0x0];
	v0 =	vmin.f32 v0, v34;
	v2 =	vmax.f32 v59, v29;
	v29 =	vmin.f32 v59, v29;
	s20 =	sor.u32 s0, s24  }
0xe5: {  	s0 =	sor.u32 s0, s17;
	v30 =	vmax.f32 v35, v32;
	v32 =	vmin.f32 v35, v32;
	v34 =	vmax.f32 v0, v62;
	v59 =	vld [tilespmem:s20+$0x0]  }
0xe6: {  	v35 =	vmin.f32 v0, v62;
	v0 =	vor.u32 $0x7, v9;
	v9 =	vor.u32 $0x6, v10;
	v1 =	vld [tilespmem:s0+$0x0]  }
0xe7: {  	v10 =	vand.u32 $0xFFFFFFC0, v36;
	v36 =	vand.u32 $0xFFFFFFC0, v61;
	v61 =	vmax.f32 v0, v9  }
0xe8: {  	v0 =	vmin.f32 v0, v9;
	v9 =	vor.u32 $0x5, v10;
	v62 =	vor.u32 $0x4, v36  }
0xe9: {  	v60 =	vand.u32 $0xFFFFFFC0, v60;
	v36 =	vmax.f32 v9, v62;
	v9 =	vmin.f32 v9, v62  }
0xea: {  	v62 =	vand.u32 $0xFFFFFFC0, v63;
	v60 =	vor.u32 $0x2, v60;
	v59 =	vand.u32 $0xFFFFFFC0, v59  }
0xeb: {  	v10 =	vor.u32 $0x3, v62;
	v1 =	vand.u32 $0xFFFFFFC0, v1;
	v59 =	vor.u32 $0x1, v59  }
0xec: {  	v62 =	vmax.f32 v10, v60;
	v10 =	vmin.f32 v10, v60;
	v60 =	vmax.f32 v59, v1  }
0xed: {  	v63 =	vld [tilespmem:$0x1FEE0];
	v1 =	vmin.f32 v59, v1;
	v59 =	vmax.f32 v61, v36;
	v36 =	vmin.f32 v61, v36  }
0xee: {  	v61 =	vmax.f32 v0, v9;
	v0 =	vmin.f32 v0, v9;
	v9 =	vmax.f32 v62, v60  }
0xef: {  	v60 =	vmin.f32 v62, v60;
	v62 =	vmax.f32 v10, v1;
	v1 =	vmin.f32 v10, v1  }
0xf0: {  	v10 =	vmax.f32 v61, v36;
	v36 =	vmin.f32 v61, v36;
	v61 =	vmax.f32 v62, v60  }
0xf1: {  	v60 =	vmin.f32 v62, v60;
	v62 =	vmax.f32 v59, v9;
	v9 =	vmin.f32 v59, v9  }
0xf2: {  	v15 =	vmax.f32 v63, v15;
	v59 =	vmax.f32 v10, v61;
	v10 =	vmin.f32 v10, v61  }
0xf3: {  	v61 =	vmax.f32 v36, v60;
	v36 =	vmin.f32 v36, v60;
	v60 =	vmax.f32 v0, v1  }
0xf4: {  	v0 =	vmin.f32 v0, v1;
	v18 =	vmax.f32 v15, v6;
	v6 =	vmin.f32 v15, v6  }
0xf5: {  	v28 =	vmax.f32 v28, v62;
	v1 =	vmax.f32 v61, v9;
	v9 =	vmin.f32 v61, v9  }
0xf6: {  	v61 =	vmax.f32 v60, v10;
	v10 =	vmin.f32 v60, v10;
	v63 =	vmax.f32 v18, v20  }
0xf7: {  	v7 =	vmin.f32 v18, v20;
	v0 =	vmax.f32 v27, v0;
	v60 =	vmax.f32 v59, v1  }
0xf8: {  	v1 =	vmin.f32 v59, v1;
	v59 =	vmax.f32 v61, v9;
	v9 =	vmin.f32 v61, v9  }
0xf9: {  	v61 =	vmax.f32 v10, v36;
	v10 =	vmin.f32 v10, v36;
	v36 =	vmax.f32 v5, v11  }
0xfa: {  	v5 =	vmin.f32 v5, v11;
	v18 =	vmax.f32 v19, v36;
	v8 =	vmin.f32 v19, v36  }
0xfb: {  	v19 =	vmax.f32 v6, v4;
	v4 =	vmin.f32 v6, v4;
	v20 =	vmax.f32 v3, v5  }
0xfc: {  	v3 =	vmin.f32 v3, v5;
	v36 =	vmax.f32 v21, v55;
	v55 =	vmax.f32 v25, v45  }
0xfd: {  	v2 =	vmax.f32 v2, v10;
	v9 =	vmax.f32 v30, v9;
	v1 =	vmax.f32 v34, v1  }
0xfe: {  	v49 =	vmax.f32 v35, v60;
	v5 =	vmax.f32 v63, v18;
	v11 =	vmin.f32 v63, v18  }
0xff: {  	v12 =	vmax.f32 v7, v8;
	v7 =	vmin.f32 v7, v8;
	v8 =	vmax.f32 v19, v20  }
0x100: {  	v6 =	vmin.f32 v19, v20;
	v15 =	vmax.f32 v4, v3;
	v3 =	vmin.f32 v4, v3  }
0x101: {  	v4 =	vmax.f32 v13, v44;
	v44 =	vmax.f32 v22, v54;
	v54 =	vmax.f32 v24, v48  }
0x102: {  	v63 =	vmax.f32 v26, v43;
	v25 =	vmax.f32 v36, v55;
	v13 =	vmin.f32 v36, v55  }
0x103: {  	v48 =	vmax.f32 v40, v38;
	v55 =	vmax.f32 v53, v46;
	v22 =	vmin.f32 v50, v56  }
0x104: {  	v40 =	vmax.f32 v51, v57;
	v51 =	vmax.f32 v2, v1;
	v1 =	vmin.f32 v2, v1  }
0x105: {  	v53 =	vmax.f32 v9, v28;
	v9 =	vmin.f32 v9, v28;
	v24 =	vmax.f32 v4, v54  }
0x106: {  	v4 =	vmin.f32 v4, v54;
	v26 =	vmax.f32 v44, v63;
	v16 =	vmin.f32 v44, v63  }
0x107: {  	v43 =	vmax.f32 v25, v33;
	v18 =	vmin.f32 v25, v33;
	v45 =	vmax.f32 v13, v14  }
0x108: {  	v13 =	vmin.f32 v13, v14;
	v54 =	vmax.f32 v52, v47;
	v58 =	vmax.f32 v48, v55  }
0x109: {  	v63 =	vmax.f32 v50, v56;
	v47 =	vmax.f32 v29, v61;
	v57 =	vmax.f32 v1, v9  }
0x10a: {  	v1 =	vmin.f32 v1, v9;
	v29 =	vlaneseq.u32;
	v36 =	vmax.f32 v24, v26  }
0x10b: {  	v19 =	vmin.f32 v24, v26;
	v44 =	vmax.f32 v4, v16;
	v4 =	vmin.f32 v4, v16  }
0x10c: {  	v41 =	vmax.f32 v54, v31;
	v24 =	vmin.f32 v54, v31;
	v42 =	vmax.f32 v58, v40  }
0x10d: {  	v26 =	vmin.f32 v58, v40;
	v52 =	vmax.f32 v47, v49;
	v10 =	vmin.f32 v47, v49  }
0x10e: {  	v14 =	vmax.f32 v36, v43;
	v17 =	vmin.f32 v36, v43;
	v21 =	vmax.f32 v19, v18  }
0x10f: {  	v18 =	vmin.f32 v19, v18;
	v19 =	vmax.f32 v44, v45;
	v16 =	vmin.f32 v44, v45  }
0x110: {  	v20 =	vmax.f32 v4, v13;
	v4 =	vmin.f32 v4, v13;
	v13 =	vmin.f32 v48, v55  }
0x111: {  	v43 =	vmax.f32 v63, v41;
	v25 =	vmin.f32 v63, v41;
	v45 =	vmax.f32 v22, v24  }
0x112: {  	v22 =	vmin.f32 v22, v24;
	v48 =	vmax.f32 v32, v59;
	v55 =	vmax.f32 v51, v53  }
0x113: {  	v44 =	vmax.f32 v13, v23;
	v13 =	vmin.f32 v13, v23;
	v46 =	vmax.f32 v42, v43  }
0x114: {  	v31 =	vmin.f32 v42, v43;
	v36 =	vmax.f32 v26, v25;
	v25 =	vmin.f32 v26, v25  }
0x115: {  	v50 =	vmax.f32 v0, v48;
	v0 =	vmin.f32 v0, v48;
	v62 =	vmax.f32 v5, v4  }
0x116: {  	v63 =	vmax.f32 v11, v20;
	v20 =	vmax.f32 v12, v16;
	v7 =	vmax.f32 v7, v19  }
0x117: {  	v8 =	vmax.f32 v8, v18;
	v6 =	vmax.f32 v6, v21;
	v30 =	vmax.f32 v15, v17  }
0x118: {  	v3 =	vmax.f32 v3, v14;
	v26 =	vmax.f32 v44, v45;
	v23 =	vmin.f32 v44, v45  }
0x119: {  	v33 =	vmax.f32 v13, v22;
	v13 =	vmin.f32 v13, v22;
	v54 =	vmax.f32 v50, v52  }
0x11a: {  	v2 =	vmin.f32 v50, v52;
	v22 =	vmin.f32 v51, v53;
	v56 =	vmax.f32 v0, v10  }
0x11b: {  	v0 =	vmin.f32 v0, v10;
	v32 =	vmax.f32 v62, v8;
	v34 =	vmax.f32 v63, v6  }
0x11c: {  	v4 =	vmin.f32 v63, v6;
	v35 =	vmax.f32 v20, v30;
	v5 =	vmin.f32 v20, v30  }
0x11d: {  	v37 =	vmax.f32 v7, v3;
	v3 =	vmin.f32 v7, v3;
	v30 =	vor.u32 s21, v29  }
0x11e: {  	v58 =	vmax.f32 v54, v55;
	v28 =	vmin.f32 v54, v55;
	v59 =	vmax.f32 v2, v22  }
0x11f: {  	v2 =	vmin.f32 v2, v22;
	v60 =	vmax.f32 v56, v57;
	v10 =	vmin.f32 v56, v57  }
0x120: {  	v61 =	vmax.f32 v0, v1;
	v0 =	vmin.f32 v0, v1;
	v1 =	vmin.f32 v62, v8  }
0x121: {  	v38 =	vmax.f32 v32, v35;
	v6 =	vmin.f32 v32, v35;
	v39 =	vmax.f32 v34, v37  }
0x122: {  	v8 =	vmin.f32 v34, v37;
	v41 =	vmax.f32 v4, v3;
	v3 =	vmin.f32 v4, v3  }
0x123: {  	v40 =	vmax.f32 v1, v5;
	v1 =	vmin.f32 v1, v5;
	v42 =	vmax.f32 v38, v39  }
0x124: {  	v7 =	vmin.f32 v38, v39;
	v43 =	vmax.f32 v6, v8;
	v6 =	vmin.f32 v6, v8  }
0x125: {  	v0 =	vmax.f32 v46, v0;
	v46 =	vmax.f32 v31, v61;
	v10 =	vmax.f32 v36, v10  }
0x126: {  	v47 =	vmax.f32 v25, v60;
	v2 =	vmax.f32 v26, v2;
	v48 =	vmax.f32 v23, v59  }
0x127: {  	v49 =	vmax.f32 v33, v28;
	v9 =	vmax.f32 v13, v58;
	v28 =	vmov s21  }
0x128: {  	v44 =	vmax.f32 v40, v41;
	v5 =	vmin.f32 v40, v41;
	v45 =	vmax.f32 v1, v3  }
0x129: {  	v1 =	vmin.f32 v1, v3;
	v50 =	vmax.f32 v0, v2;
	v0 =	vmin.f32 v0, v2  }
0x12a: {  	v51 =	vmax.f32 v46, v48;
	v3 =	vmin.f32 v46, v48;
	v52 =	vmax.f32 v10, v49  }
0x12b: {  	v10 =	vmin.f32 v10, v49;
	v53 =	vmax.f32 v47, v9;
	v9 =	vmin.f32 v47, v9  }
0x12c: {  	v54 =	vmax.f32 v50, v52;
	v13 =	vmin.f32 v50, v52;
	v55 =	vmax.f32 v51, v53  }
0x12d: {  	v2 =	vmin.f32 v51, v53;
	v56 =	vmax.f32 v0, v10;
	v0 =	vmin.f32 v0, v10  }
0x12e: {  	v57 =	vmax.f32 v3, v9;
	v3 =	vmin.f32 v3, v9;
	v9 =	vand.u32 $0x6F, v30  }
0x12f: {  	v58 =	vmax.f32 v54, v55;
	v14 =	vmin.f32 v54, v55;
	v59 =	vmax.f32 v13, v2  }
0x130: {  	v2 =	vmin.f32 v13, v2;
	v61 =	vmax.f32 v0, v3;
	v0 =	vmin.f32 v0, v3  }
0x131: {  	v60 =	vmax.f32 v56, v57;
	v62 =	vmin.f32 v56, v57;
	v0 =	vmax.f32 v42, v0  }
0x132: {  	v63 =	vmax.f32 v7, v61;
	v3 =	vmax.f32 v43, v62;
	v6 =	vmax.f32 v6, v60  }
0x133: {  	v2 =	vmax.f32 v44, v2;
	v5 =	vmax.f32 v5, v59;
	v12 =	vmax.f32 v45, v14  }
0x134: {  	v1 =	vmax.f32 v1, v58;
	v8 =	vmax.f32 v0, v2;
	v0 =	vmin.f32 v0, v2  }
0x135: {  	v13 =	vmax.f32 v63, v5;
	v4 =	vmin.f32 v63, v5;
	v14 =	vmax.f32 v3, v12  }
0x136: {  	v3 =	vmin.f32 v3, v12;
	v15 =	vmax.f32 v6, v1;
	v1 =	vmin.f32 v6, v1  }
0x137: {  	v16 =	vmax.f32 v8, v14;
	v17 =	vmin.f32 v8, v14;
	v18 =	vmax.f32 v13, v15  }
0x138: {  	v2 =	vmin.f32 v13, v15;
	v19 =	vmax.f32 v0, v3;
	v0 =	vmin.f32 v0, v3  }
0x139: {  	v20 =	vmax.f32 v4, v1;
	v21 =	vmin.f32 v4, v1;
	v22 =	vmax.f32 v16, v18  }
0x13a: {  	v23 =	vmin.f32 v16, v18;
	v24 =	vmax.f32 v17, v2;
	v7 =	vmin.f32 v17, v2  }
0x13b: {  	v25 =	vmax.f32 v19, v20;
	v26 =	vmin.f32 v19, v20;
	v27 =	vmax.f32 v0, v21  }
0x13c: {  	v3 =	vmin.f32 v0, v21;
	v0 =	vshll.u32 v28, $0x3;
	v31 =	vxor.u32 $0xFFFFFFFF, v22  }
0x13d: {  	v33 =	vand.u32 $0xC00, v0;
	v35 =	vxor.u32 $0xFFFFFFFF, v23;
	v37 =	vxor.u32 $0xFFFFFFFF, v24  }
0x13e: {  	v41 =	vxor.u32 $0xFFFFFFFF, v7;
	v46 =	vxor.u32 $0xFFFFFFFF, v25;
	v49 =	vxor.u32 $0xFFFFFFFF, v26  }
0x13f: {  	v52 =	vxor.u32 $0xFFFFFFFF, v27;
	v57 =	vxor.u32 $0xFFFFFFFF, v3;
	v32 =	vshll.u32 v31, $0xA  }
0x140: {  	v10 =	vshll.u32 v31, $0x7;
	v36 =	vshll.u32 v35, $0xA;
	v40 =	vshll.u32 v37, $0xA  }
0x141: {  	v13 =	vshll.u32 v37, $0x7;
	v42 =	vshll.u32 v41, $0xA;
	v48 =	vshll.u32 v46, $0xA  }
0x142: {  	v50 =	vshll.u32 v49, $0xA;
	v54 =	vshll.u32 v52, $0xA;
	v56 =	vshll.u32 v52, $0x7  }
0x143: {  	v59 =	vshll.u32 v57, $0xA;
	v11 =	vand.u32 $0xE000, v32;
	v10 =	vand.u32 $0x380, v10  }
0x144: {  	v13 =	vand.u32 $0x380, v13;
	v15 =	vand.u32 $0xE000, v42;
	v51 =	vand.u32 $0xE000, v50  }
0x145: {  	v55 =	vand.u32 $0xE000, v54;
	v58 =	vand.u32 $0x380, v56;
	v34 =	vor.u32 v11, v10  }
0x146: {  	v60 =	vand.u32 $0xE000, v59;
	v10 =	vshll.u32 v35, $0x7;
	v0 =	vor.u32 v33, v34  }
0x147: {  	v11 =	vand.u32 $0xE000, v36;
	v10 =	vand.u32 $0x380, v10;
	v38 =	vor.u32 v9, v0  }
0x148: {  	v39 =	vor.u32 v11, v10;
	v10 =	vand.u32 $0xE000, v40;
	v11 =	vshll.u32 v41, $0x7  }
0x149: {  	s0 =	sadd.s32 $0x10, s21;
	v0 =	vor.u32 v33, v39;
	v11 =	vand.u32 $0x380, v11;
	v44 =	vor.u32 v10, v13  }
0x14a: {  	s20 =	sand.u32 $0x70, s0;
	v43 =	vor.u32 v9, v0;
	v45 =	vor.u32 v15, v11;
	v0 =	vor.u32 v33, v44  }
0x14b: {  	s5 =	sor.u32 s20, s5;
	v11 =	vshll.u32 v46, $0x7;
	v15 =	vshll.u32 v49, $0x7;
	v10 =	vor.u32 v33, v45  }
0x14c: {  	v63 =	vld [tilespmem:s5+$0x0];
	s5 =	sor.u32 s20, s3;
	v47 =	vor.u32 v9, v0;
	v0 =	vand.u32 $0xE000, v48;
	v11 =	vand.u32 $0x380, v11  }
0x14d: {  	s1 =	sor.u32 s20, s1;
	s3 =	sor.u32 s20, s4;
	v4 =	vld [tilespmem:s5+$0x0];
	v15 =	vand.u32 $0x380, v15;
	v10 =	vor.u32 v9, v10;
	v0 =	vor.u32 v0, v11  }
0x14e: {  	s4 =	sor.u32 s20, s6;
	s6 =	sor.u32 s20, s8;
	s8 =	sor.u32 s20, s10;
	v11 =	vor.u32 v51, v15;
	v15 =	vshll.u32 v57, $0x7;
	v0 =	vor.u32 v33, v0;
	v14 =	vld.idx.msk [tilespmem:v38+s2+$0x0], $0xffff  }
0x14f: {  	s10 =	sor.u32 s20, s12;
	s12 =	sor.u32 s20, s14;
	s14 =	sor.u32 s20, s16;
	v11 =	vor.u32 v33, v11;
	v15 =	vand.u32 $0x380, v15;
	v53 =	vor.u32 v9, v0;
	v0 =	vld [tilespmem:s1+$0x0]  }
0x150: {  	v18 =	vor.u32 v55, v58;
	v11 =	vor.u32 v9, v11;
	v15 =	vor.u32 v60, v15;
	v60 =	vld [tilespmem:s14+$0x0]  }
0x151: {  	v18 =	vor.u32 v33, v18;
	v16 =	vld.idx.msk [tilespmem:v43+s2+$0x0], $0xffff  }
0x152: {  	v52 =	vimm.s32 $0x0;
	v18 =	vor.u32 v9, v18;
	v12 =	vor.u32 v33, v15;
	v13 =	vld.idx.msk [tilespmem:v47+s2+$0x0], $0xffff  }
0x153: {  	v54 =	vimm.s32 $0x0;
	v63 =	vand.u32 $0xFFFFFFC0, v63;
	v9 =	vor.u32 v9, v12;
	v10 =	vld.idx.msk [tilespmem:v10+s2+$0x0], $0xffff  }
0x154: {  	v58 =	vimm.s32 $0x0;
	v4 =	vand.u32 $0xFFFFFFC0, v4;
	v21 =	vor.u32 $0x36, v63;
	v61 =	vld.idx.msk [tilespmem:v53+s2+$0x0], $0xffff  }
0x155: {  	v19 =	vor.u32 $0x35, v4;
	v49 =	vimm.s32 $0x0;
	v45 =	vimm.s32 $0x0;
	v11 =	vld.idx.msk [tilespmem:v11+s2+$0x0], $0xffff  }
0x156: {  	v32 =	vld [tilespmem:s12+$0x0];
	v43 =	vimm.s32 $0x0;
	v47 =	vimm.s32 $0x0;
	v0 =	vand.u32 $0xFFFFFFC0, v0  }
0x157: {  	v62 =	vld.idx.msk [tilespmem:v18+s2+$0x0], $0xffff;
	v60 =	vand.u32 $0xFFFFFFC0, v60;
	vm1 =	vlt.f32 v14, v16;
	v17 =	vor.u32 $0x37, v0  }
0x158: {  	s12 =	sor.u32 s13, s20;
	v0 =	vor.u32 $0x2A, v60;
	v9 =	vld.idx.msk [tilespmem:v9+s2+$0x0], $0xffff;
	v1 =	vsel vm1, $0xFFFFFFFF, v43;
	vm0 =	vlt.f32 v13, v10  }
0x159: {  	s5 =	sor.u32 s20, s7;
	s7 =	sor.u32 s20, s9;
	v44 =	vsel vm1, v16, v14;
	v14 =	vsel vm1, v14, v16;
	v43 =	vld [tilespmem:s12+$0x200];
	[tilespmem:$0x1FF30] =	vst v1;
	v1 =	vsel vm0, $0xFFFFFFFF, v45  }
0x15a: {  	s9 =	sor.u32 s20, s11;
	s11 =	sor.u32 s20, s15;
	s15 =	sor.u32 s0, s13;
	v20 =	vld [tilespmem:s4+$0x0];
	v46 =	vsel vm0, v10, v13;
	v10 =	vsel vm0, v13, v10;
	vm14 =	vlt.f32 v61, v11  }
0x15b: {  	s13 =	sor.u32 $0x180, s15;
	v38 =	vld [tilespmem:s12+$0x80];
	[tilespmem:$0x1FF60] =	vst v1;
	vm6 =	vlt.f32 v14, v46;
	v1 =	vsel vm14, $0xFFFFFFFF, v47;
	v48 =	vsel vm14, v11, v61  }
0x15c: {  	s16 =	sand.u32 $0x7, s23;
	v42 =	vld [tilespmem:s13+$0x0];
	v11 =	vsel vm14, v61, v11;
	v51 =	vsel vm6, v46, v14;
	v14 =	vsel vm6, v14, v46  }
0x15d: {  	[tilespmem:$0x1FF70] =	vst v25;
	v18 =	vld [tilespmem:s3+$0x0];
	s3 =	sshll.u32 s16, $0x4;
	vm15 =	vlt.f32 v62, v9;
	vm5 =	vlt.f32 v10, v48;
	vm10 =	vlt.f32 v44, v51  }
0x15e: {  	v25 =	vld [tilespmem:s6+$0x0];
	s3 =	sadd.s32 s25, s3;
	[tilespmem:$0x1FF90] =	vst v1;
	v12 =	vand.u32 $0xFFFFFFC0, v43;
	v1 =	vsel vm15, $0xFFFFFFFF, v49;
	v50 =	vsel vm15, v9, v62  }
0x15f: {  	[tilespmem:$0x1FF80] =	vst v26;
	v26 =	vld [tilespmem:s7+$0x0];
	s1 =	sadd.s32 $0x10, s3;
	v9 =	vsel vm15, v62, v9;
	v53 =	vsel vm5, v48, v10;
	v10 =	vsel vm5, v10, v48  }
0x160: {  	s4 =	sor.u32 s0, s25;
	v39 =	vld [tilespmem:s12+$0x100];
	s14 =	sor.u32 $0x300, s1;
	v56 =	vsel vm10, v51, v44;
	v15 =	vsel vm10, v44, v51;
	v49 =	vand.u32 $0xFFFFFFC0, v38  }
0x161: {  	s15 =	sor.u32 $0x380, s4;
	v46 =	vld [tilespmem:s14+$0x0];
	v51 =	vand.u32 $0xFFFFFFC0, v42;
	v12 =	vor.u32 $0x3B, v12;
	[tilespmem:$0x1FFD0] =	vst v1;
	v1 =	vsel vm5, $0xFFFFFFFF, v52  }
0x162: {  	v47 =	vld [tilespmem:s15+$0x0];
	vm7 =	vlt.f32 v11, v50;
	vm8 =	vlt.f32 v14, v53;
	v15 =	vsub.f32 v15, v56  }
0x163: {  	v29 =	vld [tilespmem:s10+$0x0];
	v13 =	vor.u32 $0x3C, v51;
	[tilespmem:$0x1FFC0] =	vst v1;
	v1 =	vsel vm7, $0xFFFFFFFF, v54;
	v55 =	vsel vm7, v50, v11  }
0x164: {  	v11 =	vsel vm7, v11, v50;
	v57 =	vsel vm8, v53, v14;
	v14 =	vsel vm8, v14, v53  }
0x165: {  	[tilespmem:$0x1FFA0] =	vst v27;
	v27 =	vld [tilespmem:s8+$0x0];
	v50 =	vand.u32 $0xFFFFFFC0, v39;
	v53 =	vand.u32 $0xFFFFFFC0, v25;
	v54 =	vand.u32 $0xFFFFFFC0, v26  }
0x166: {  	v30 =	vld [tilespmem:s11+$0x0];
	vm9 =	vlt.f32 v10, v55;
	v5 =	vsub.f32 v57, v56;
	v15 =	vmul.f32 $1.442695020e+00, v15  }
0x167: {  	[tilespmem:$0x1FF20] =	vst v23;
	v23 =	vld [tilespmem:s5+$0x0];
	s5 =	sld [smem:$0x7E0];
	v14 =	vsub.f32 v14, v56;
	v61 =	vand.u32 $0xFFFFFFC0, v46;
	v62 =	vand.u32 $0xFFFFFFC0, v47  }
0x168: {  	v28 =	vld [tilespmem:s9+$0x0];
	[tilespmem:$0x1FF50] =	vst v7;
	s6 =	sld [smem:$0x7E1];
	v25 =	vor.u32 $0x31, v53;
	v31 =	vor.u32 $0x30, v54;
	v57 =	vand.u32 $0xFFFFFFC0, v29  }
0x169: {  	s7 =	sld [smem:$0x7E2];
	v7 =	vld [tilespmem:s12+$0x0];
	[tilespmem:$0x1FFE0] =	vst v1;
	v1 =	vsel vm9, $0xFFFFFFFF, v58;
	v59 =	vsel vm9, v55, v10;
	v10 =	vsel vm9, v10, v55  }
0x16a: {  	s8 =	sld [smem:$0x7E3];
	s1 =	sor.u32 s20, s5;
	v45 =	vld [tilespmem:s12+$0x280];
	vm9 =	vlt.f32 v11, v9;
	v16 =	vor.u32 $0x38, v62;
	v55 =	vand.u32 $0xFFFFFFC0, v27  }
0x16b: {  	s9 =	sld [smem:$0x7E4];
	v48 =	vld [tilespmem:s1+$0x0];
	s1 =	sor.u32 s20, s6;
	v58 =	vand.u32 $0xFFFFFFC0, v30;
	v26 =	vor.u32 $0x2D, v57;
	v36 =	vmul.f32 $1.442695020e+00, v5  }
0x16c: {  	s10 =	sld [smem:$0x7E5];
	v35 =	vld [tilespmem:s1+$0x0];
	s1 =	sor.u32 s20, s7;
	v6 =	vsel vm9, v9, v11;
	v9 =	vsel vm9, v11, v9;
	(erf) = vpow2.f32 v15  }
0x16d: {  	s11 =	sld [smem:$0x7E6];
	v37 =	vsub.f32 v59, v56;
	v14 =	vmul.f32 $1.442695020e+00, v14;
	(erf) = vpow2.f32 v36;
	v36 =	vld [tilespmem:s1+$0x0];
	s1 =	sor.u32 s20, s8  }
0x16e: {  	s16 =	sld [smem:$0x7E7];
	v10 =	vsub.f32 v10, v56;
	v11 =	vor.u32 $0x3D, v50;
	v15 =	vor.u32 $0x39, v61;
	v52 =	vld [tilespmem:s1+$0x0];
	s1 =	sor.u32 s20, s9  }
0x16f: {  	s3 =	sld [smem:$0x7E8];
	v5 =	vand.u32 $0xFFFFFFC0, v18;
	v18 =	vor.u32 $0x2F, v55;
	v40 =	vmul.f32 $1.442695020e+00, v37;
	v38 =	vld [tilespmem:s1+$0x0];
	s1 =	sor.u32 s20, s10  }
0x170: {  	s4 =	sld [smem:$0x7E9];
	v27 =	vor.u32 $0x2C, v58;
	v41 =	vsub.f32 v6, v56;
	(erf) = vpow2.f32 v14;
	v39 =	vld [tilespmem:s1+$0x0];
	s1 =	sor.u32 s20, s11  }
0x171: {  	s5 =	sld [smem:$0x7EA];
	v59 =	vand.u32 $0xFFFFFFC0, v32;
	v61 =	vand.u32 $0xFFFFFFC0, v48;
	(erf) = vpow2.f32 v40;
	v40 =	vld [tilespmem:s1+$0x0];
	s1 =	sor.u32 s20, s16  }
0x172: {  	s6 =	sld [smem:$0x7EB];
	v9 =	vsub.f32 v9, v56;
	v10 =	vmul.f32 $1.442695020e+00, v10;
	v44 =	vmul.f32 $1.442695020e+00, v41;
	v41 =	vld [tilespmem:s1+$0x0];
	s1 =	sor.u32 s20, s3  }
0x173: {  	[tilespmem:$0x1FF10] =	vst v22;
	s7 =	sld [smem:$0x7EC];
	v22 =	vor.u32 $0x34, v5;
	v6 =	vand.u32 $0xFFFFFFC0, v20;
	v56 =	vand.u32 $0xFFFFFFC0, v28;
	v42 =	vld [tilespmem:s1+$0x0];
	s1 =	sor.u32 s20, s4  }
0x174: {  	v28 =	vor.u32 $0x2B, v59;
	v29 =	vor.u32 $0x29, v61;
	s8 =	sld [smem:$0x7ED];
	(erf) = vpow2.f32 v10;
	v8 =	vld [tilespmem:s1+$0x0];
	s1 =	sor.u32 s20, s5  }
0x175: {  	v62 =	vand.u32 $0xFFFFFFC0, v35;
	v20 =	vor.u32 $0x2E, v56;
	s9 =	sld [smem:$0x7EE];
	(erf) = vpow2.f32 v44;
	v44 =	vld [tilespmem:s1+$0x0];
	s1 =	sor.u32 s20, s6  }
0x176: {  	v30 =	vor.u32 $0x28, v62;
	v9 =	vmul.f32 $1.442695020e+00, v9;
	v14 =	vand.u32 $0xFFFFFFC0, v45;
	s10 =	sld [smem:$0x7EF];
	v45 =	vld [tilespmem:s1+$0x0];
	s1 =	sor.u32 s20, s7  }
0x177: {  	v59 =	vmax.f32 v29, v30;
	v29 =	vmin.f32 v29, v30;
	v14 =	vor.u32 $0x3A, v14;
	s11 =	sld [smem:$0x7F0];
	v46 =	vld [tilespmem:s1+$0x0];
	s1 =	sor.u32 s20, s8  }
0x178: {  	v10 =	vor.u32 $0x3E, v49;
	s16 =	sld [smem:$0x7F1];
	(erf) = vpow2.f32 v9;
	v9 =	vor.u32 $0x3F, v7;
	v47 =	vld [tilespmem:s1+$0x0];
	s1 =	sor.u32 s20, s9  }
0x179: {  	[tilespmem:$0x1FF40] =	vst v24;
	v7 =	vand.u32 $0xFFFFFFC0, v23;
	v23 =	vor.u32 $0x33, v6;
	v63 =	vand.u32 $0xFFFFFFC0, v36;
	v32 =	vld [tilespmem:s1+$0x0];
	s1 =	sor.u32 s20, s10  }
0x17a: {  	[tilespmem:$0x1FFF0] =	vst v1;
	s3 =	sld [smem:$0x7F2];
	v24 =	vor.u32 $0x32, v7;
	v1 =	vand.u32 $0xFFFFFFC0, v52;
	v2 =	vand.u32 $0xFFFFFFC0, v38;
	v49 =	vld [tilespmem:s1+$0x0];
	s1 =	sor.u32 s20, s11  }
0x17b: {  	v33 =	vor.u32 $0x27, v63;
	s4 =	sld [smem:$0x7F3];
	v34 =	vor.u32 $0x26, v1;
	v37 =	vor.u32 $0x25, v2;
	v50 =	vld [tilespmem:s1+$0x0];
	s1 =	sor.u32 s20, s16  }
0x17c: {  	[tilespmem:$0x1FFB0] =	vst v3;
	s5 =	sld [smem:$0x7F4];
	v3 =	vand.u32 $0xFFFFFFC0, v39;
	v4 =	vand.u32 $0xFFFFFFC0, v40;
	v5 =	vand.u32 $0xFFFFFFC0, v41;
	s16 =	sor.u32 s20, s30;
	v51 =	vld [tilespmem:s1+$0x0]  }
0x17d: {  	s6 =	sld [smem:$0x7F5];
	v39 =	vor.u32 $0x24, v3;
	v38 =	vor.u32 $0x23, v4;
	v40 =	vor.u32 $0x22, v5;
	s1 =	sor.u32 s20, s3;
	v5 =	vld [tilespmem:s16+$0x0]  }
0x17e: {  	s7 =	sld [smem:$0x7F6];
	v6 =	vand.u32 $0xFFFFFFC0, v42;
	v7 =	vand.u32 $0xFFFFFFC0, v8;
	v44 =	vand.u32 $0xFFFFFFC0, v44;
	v52 =	vld [tilespmem:s1+$0x0];
	s1 =	sor.u32 s20, s4  }
0x17f: {  	s8 =	sld [smem:$0x7F7];
	v41 =	vor.u32 $0x21, v6;
	v48 =	vor.u32 $0x20, v7;
	v35 =	vor.u32 $0x1F, v44;
	v53 =	vld [tilespmem:s1+$0x0];
	s1 =	sor.u32 s20, s5  }
0x180: {  	s9 =	sld [smem:$0x7F8];
	v45 =	vand.u32 $0xFFFFFFC0, v45;
	v46 =	vand.u32 $0xFFFFFFC0, v46;
	v60 =	vand.u32 $0xFFFFFFC0, v47;
	v54 =	vld [tilespmem:s1+$0x0];
	s1 =	sor.u32 s20, s6  }
0x181: {  	v42 =	vor.u32 $0x1E, v45;
	v36 =	vor.u32 $0x1D, v46;
	v43 =	vor.u32 $0x1C, v60;
	v8 =	vld [tilespmem:s1+$0x0];
	s1 =	sor.u32 s20, s7  }
0x182: {  	s10 =	sld [smem:$0x7F9];
	v32 =	vand.u32 $0xFFFFFFC0, v32;
	v62 =	vand.u32 $0xFFFFFFC0, v49;
	v1 =	vand.u32 $0xFFFFFFC0, v50;
	v56 =	vld [tilespmem:s1+$0x0];
	s1 =	sor.u32 s20, s8  }
0x183: {  	s11 =	sld [smem:$0x7FA];
	v44 =	vor.u32 $0x1B, v32;
	v45 =	vor.u32 $0x1A, v62;
	v46 =	vor.u32 $0x19, v1;
	v57 =	vld [tilespmem:s1+$0x0];
	s1 =	sor.u32 s20, s9  }
0x184: {  	v3 =	vand.u32 $0xFFFFFFC0, v51;
	v50 =	vand.u32 $0xFFFFFFC0, v5;
	v1 =	vmax.f32 v11, v13;
	v61 =	vld [tilespmem:s1+$0x0]  }
0x185: {  	v11 =	vmin.f32 v11, v13;
	v4 =	vand.u32 $0xFFFFFFC0, v52;
	v47 =	vor.u32 $0x18, v3;
	s1 =	sor.u32 s20, s10  }
0x186: {  	v3 =	vmax.f32 v15, v16;
	v15 =	vmin.f32 v15, v16;
	v51 =	vor.u32 $0x17, v4;
	v63 =	vld [tilespmem:s1+$0x0];
	s1 =	sor.u32 s20, s11  }
0x187: {  	v6 =	vand.u32 $0xFFFFFFC0, v53;
	v7 =	vand.u32 $0xFFFFFFC0, v54;
	v2 =	vld [tilespmem:s1+$0x0];
	v8 =	vand.u32 $0xFFFFFFC0, v8  }
0x188: {  	v52 =	vor.u32 $0x16, v6;
	v53 =	vor.u32 $0x15, v7;
	v54 =	vor.u32 $0x14, v8  }
0x189: {  	v56 =	vand.u32 $0xFFFFFFC0, v56;
	v60 =	vand.u32 $0xFFFFFFC0, v57;
	v61 =	vand.u32 $0xFFFFFFC0, v61  }
0x18a: {  	v55 =	vor.u32 $0x13, v56;
	v57 =	vor.u32 $0x12, v60;
	v56 =	vor.u32 $0x11, v61  }
0x18b: {  	v62 =	vand.u32 $0xFFFFFFC0, v63;
	v63 =	vmax.f32 v9, v10;
	v9 =	vmin.f32 v9, v10  }
0x18c: {  	v58 =	vor.u32 $0x10, v62;
	v49 =	vand.u32 $0xFFFFFFC0, v2;
	v2 =	vmax.f32 v12, v14  }
0x18d: {  	v12 =	vmin.f32 v12, v14;
	v4 =	vmax.f32 v63, v1;
	v10 =	vmin.f32 v63, v1  }
0x18e: {  	v5 =	vmax.f32 v9, v11;
	v11 =	vmin.f32 v9, v11;
	v6 =	vmax.f32 v2, v3  }
0x18f: {  	v7 =	vmin.f32 v2, v3;
	v60 =	vmax.f32 v12, v15;
	v12 =	vmin.f32 v12, v15  }
0x190: {  	v61 =	vmax.f32 v5, v10;
	v10 =	vmin.f32 v5, v10;
	v62 =	vmax.f32 v60, v7  }
0x191: {  	v13 =	vmin.f32 v60, v7;
	v63 =	vmax.f32 v4, v6;
	v16 =	vmin.f32 v4, v6  }
0x192: {  	v4 =	vmax.f32 v11, v12;
	v1 =	vmax.f32 v61, v62;
	v14 =	vmin.f32 v61, v62  }
0x193: {  	v2 =	vmax.f32 v10, v13;
	v3 =	vmin.f32 v10, v13;
	v10 =	vmin.f32 v11, v12  }
0x194: {  	v61 =	vmax.f32 v17, v21;
	v17 =	vmin.f32 v17, v21;
	v62 =	vmax.f32 v19, v22  }
0x195: {  	[tilespmem:$0x1FF00] =	vst v63;
	v19 =	vmin.f32 v19, v22;
	v63 =	vmax.f32 v23, v24;
	v23 =	vmin.f32 v23, v24  }
0x196: {  	v5 =	vmax.f32 v2, v16;
	v15 =	vmin.f32 v2, v16;
	v6 =	vmax.f32 v4, v14  }
0x197: {  	v7 =	vmin.f32 v4, v14;
	v2 =	vmax.f32 v61, v62;
	v21 =	vmin.f32 v61, v62  }
0x198: {  	v11 =	vmax.f32 v1, v5;
	v12 =	vmin.f32 v1, v5;
	v13 =	vmax.f32 v6, v15  }
0x199: {  	v14 =	vmin.f32 v6, v15;
	v15 =	vmax.f32 v7, v3;
	v16 =	vmin.f32 v7, v3  }
0x19a: {  	v1 =	vmax.f32 v25, v31;
	v25 =	vmin.f32 v25, v31;
	v3 =	vmax.f32 v17, v19  }
0x19b: {  	v19 =	vmin.f32 v17, v19;
	v4 =	vmax.f32 v63, v1;
	v5 =	vmin.f32 v63, v1  }
0x19c: {  	v6 =	vmax.f32 v23, v25;
	v23 =	vmin.f32 v23, v25;
	v7 =	vmax.f32 v3, v21  }
0x19d: {  	v21 =	vmin.f32 v3, v21;
	v8 =	vmax.f32 v6, v5;
	v22 =	vmin.f32 v6, v5  }
0x19e: {  	v17 =	vmax.f32 v2, v4;
	v31 =	vmin.f32 v2, v4;
	v3 =	vmax.f32 v19, v23  }
0x19f: {  	v9 =	vmax.f32 v7, v8;
	v24 =	vmin.f32 v7, v8;
	v1 =	vmax.f32 v21, v22  }
0x1a0: {  	v2 =	vmin.f32 v21, v22;
	v21 =	vmin.f32 v19, v23;
	v7 =	vmax.f32 v18, v20  }
0x1a1: {  	v18 =	vmin.f32 v18, v20;
	v8 =	vmax.f32 v26, v27;
	v26 =	vmin.f32 v26, v27  }
0x1a2: {  	v10 =	vmax.f32 v10, v17;
	v4 =	vmax.f32 v1, v31;
	v25 =	vmin.f32 v1, v31  }
0x1a3: {  	v5 =	vmax.f32 v3, v24;
	v6 =	vmin.f32 v3, v24;
	v60 =	vmax.f32 v7, v8  }
0x1a4: {  	v20 =	vmin.f32 v7, v8;
	v61 =	vmax.f32 v18, v26;
	v18 =	vmin.f32 v18, v26  }
0x1a5: {  	v19 =	vmax.f32 v9, v4;
	v22 =	vmin.f32 v9, v4;
	v23 =	vmax.f32 v5, v25  }
0x1a6: {  	v24 =	vmin.f32 v5, v25;
	v25 =	vmax.f32 v6, v2;
	v31 =	vmin.f32 v6, v2  }
0x1a7: {  	v9 =	vmax.f32 v28, v0;
	v0 =	vmin.f32 v28, v0;
	v2 =	vmax.f32 v61, v20  }
0x1a8: {  	v32 =	vmin.f32 v61, v20;
	v62 =	vmax.f32 v9, v59;
	v27 =	vmin.f32 v9, v59  }
0x1a9: {  	v63 =	vmax.f32 v0, v29;
	v0 =	vmin.f32 v0, v29;
	v11 =	vmax.f32 v11, v31  }
0x1aa: {  	v12 =	vmax.f32 v12, v25;
	v13 =	vmax.f32 v13, v24;
	v14 =	vmax.f32 v14, v23  }
0x1ab: {  	v3 =	vmax.f32 v63, v27;
	v27 =	vmin.f32 v63, v27;
	v20 =	vmax.f32 v60, v62  }
0x1ac: {  	v26 =	vmin.f32 v60, v62;
	v6 =	vmax.f32 v18, v0;
	v18 =	vmin.f32 v18, v0  }
0x1ad: {  	v63 =	vmax.f32 v33, v34;
	v33 =	vmin.f32 v33, v34;
	v28 =	vmax.f32 v2, v3  }
0x1ae: {  	v29 =	vmin.f32 v2, v3;
	v4 =	vmax.f32 v32, v27;
	v5 =	vmin.f32 v32, v27  }
0x1af: {  	v3 =	vmax.f32 v37, v39;
	v37 =	vmin.f32 v37, v39;
	v7 =	vmax.f32 v4, v26  }
0x1b0: {  	v30 =	vmin.f32 v4, v26;
	v8 =	vmax.f32 v6, v29;
	v9 =	vmin.f32 v6, v29  }
0x1b1: {  	v4 =	vmax.f32 v38, v40;
	v38 =	vmin.f32 v38, v40;
	v6 =	vmax.f32 v63, v3  }
0x1b2: {  	v0 =	vmin.f32 v63, v3;
	v32 =	vmax.f32 v28, v7;
	v26 =	vmin.f32 v28, v7  }
0x1b3: {  	v27 =	vmax.f32 v8, v30;
	v28 =	vmin.f32 v8, v30;
	v29 =	vmax.f32 v9, v5  }
0x1b4: {  	v30 =	vmin.f32 v9, v5;
	v5 =	vmax.f32 v41, v48;
	v41 =	vmin.f32 v41, v48  }
0x1b5: {  	v7 =	vmax.f32 v33, v37;
	v37 =	vmin.f32 v33, v37;
	v8 =	vmax.f32 v4, v5  }
0x1b6: {  	v9 =	vmin.f32 v4, v5;
	v60 =	vmax.f32 v38, v41;
	v38 =	vmin.f32 v38, v41  }
0x1b7: {  	v61 =	vmax.f32 v7, v0;
	v0 =	vmin.f32 v7, v0;
	v62 =	vmax.f32 v60, v9  }
0x1b8: {  	v39 =	vmin.f32 v60, v9;
	v33 =	vmax.f32 v6, v8;
	v63 =	vmin.f32 v6, v8  }
0x1b9: {  	v6 =	vmax.f32 v37, v38;
	v38 =	vmin.f32 v37, v38;
	v60 =	vmax.f32 v35, v42  }
0x1ba: {  	v35 =	vmin.f32 v35, v42;
	v4 =	vmax.f32 v61, v62;
	v34 =	vmin.f32 v61, v62  }
0x1bb: {  	v5 =	vmax.f32 v0, v39;
	v0 =	vmin.f32 v0, v39;
	v61 =	vmax.f32 v36, v43  }
0x1bc: {  	v36 =	vmin.f32 v36, v43;
	v62 =	vmax.f32 v44, v45;
	v44 =	vmin.f32 v44, v45  }
0x1bd: {  	v7 =	vmax.f32 v5, v63;
	v40 =	vmin.f32 v5, v63;
	v8 =	vmax.f32 v6, v34  }
0x1be: {  	v9 =	vmin.f32 v6, v34;
	v63 =	vmax.f32 v46, v47;
	v46 =	vmin.f32 v46, v47  }
0x1bf: {  	v5 =	vmax.f32 v35, v36;
	v36 =	vmin.f32 v35, v36;
	v34 =	vmax.f32 v4, v7  }
0x1c0: {  	v37 =	vmin.f32 v4, v7;
	v39 =	vmax.f32 v8, v40;
	v40 =	vmin.f32 v8, v40  }
0x1c1: {  	v41 =	vmax.f32 v9, v0;
	v48 =	vmin.f32 v9, v0;
	v4 =	vmax.f32 v60, v61  }
0x1c2: {  	v0 =	vmin.f32 v60, v61;
	v6 =	vmax.f32 v62, v63;
	v7 =	vmin.f32 v62, v63  }
0x1c3: {  	v8 =	vmax.f32 v44, v46;
	v44 =	vmin.f32 v44, v46;
	v9 =	vmax.f32 v5, v0  }
0x1c4: {  	v0 =	vmin.f32 v5, v0;
	v60 =	vmax.f32 v8, v7;
	v43 =	vmin.f32 v8, v7  }
0x1c5: {  	v35 =	vmax.f32 v4, v6;
	v61 =	vmin.f32 v4, v6;
	v3 =	vmax.f32 v36, v44  }
0x1c6: {  	v36 =	vmin.f32 v36, v44;
	v7 =	vmax.f32 v51, v52;
	v51 =	vmin.f32 v51, v52  }
0x1c7: {  	v8 =	vmax.f32 v53, v54;
	v53 =	vmin.f32 v53, v54;
	v62 =	vmax.f32 v9, v60  }
0x1c8: {  	v42 =	vmin.f32 v9, v60;
	v63 =	vmax.f32 v0, v43;
	v0 =	vmin.f32 v0, v43  }
0x1c9: {  	v9 =	vmax.f32 v55, v57;
	v55 =	vmin.f32 v55, v57;
	v60 =	vmax.f32 v56, v58  }
0x1ca: {  	v56 =	vmin.f32 v56, v58;
	v4 =	vmax.f32 v63, v61;
	v45 =	vmin.f32 v63, v61  }
0x1cb: {  	v5 =	vmax.f32 v3, v42;
	v6 =	vmin.f32 v3, v42;
	v61 =	vmax.f32 v7, v8  }
0x1cc: {  	v63 =	vmax.f32 v9, v60;
	v42 =	vmax.f32 v62, v4;
	v43 =	vmin.f32 v62, v4  }
0x1cd: {  	v44 =	vmax.f32 v5, v45;
	v45 =	vmin.f32 v5, v45;
	v46 =	vmax.f32 v6, v0  }
0x1ce: {  	v47 =	vmin.f32 v6, v0;
	v0 =	vmin.f32 v7, v8;
	v62 =	vmax.f32 v51, v53  }
0x1cf: {  	s30 =	rddreg [dreg:$0x1d];
	v53 =	vmin.f32 v51, v53;
	v4 =	vmin.f32 v9, v60;
	v5 =	vmax.f32 v55, v56  }
0x1d0: {  	s3 =	rddreg [dreg:$0x1e];
	s1 =	sor.u32 s20, s30;
	v55 =	vmin.f32 v55, v56;
	v51 =	vmax.f32 v61, v63;
	v58 =	vmin.f32 v61, v63  }
0x1d1: {  	s4 =	rddreg [dreg:$0x1f];
	v57 =	vld [tilespmem:s1+$0x0];
	v6 =	vmax.f32 v62, v0;
	v0 =	vmin.f32 v62, v0;
	v7 =	vmax.f32 v5, v4  }
0x1d2: {  	s5 =	sld [smem:$0x7FB];
	s1 =	sor.u32 s20, s3;
	v54 =	vmin.f32 v5, v4;
	v4 =	vmax.f32 v53, v55;
	v52 =	vmin.f32 v53, v55  }
0x1d3: {  	s6 =	sld [smem:$0x7FC];
	v60 =	vld [tilespmem:s1+$0x0];
	v8 =	vmax.f32 v6, v7;
	v56 =	vmin.f32 v6, v7;
	v9 =	vmax.f32 v0, v54  }
0x1d4: {  	s7 =	sld [smem:$0x7FD];
	s1 =	sor.u32 s20, s4;
	v1 =	vmin.f32 v0, v54;
	v5 =	vmax.f32 v9, v58;
	v58 =	vmin.f32 v9, v58  }
0x1d5: {  	v62 =	vld [tilespmem:s1+$0x0];
	s1 =	sor.u32 s20, s5;
	v6 =	vmax.f32 v4, v56;
	v7 =	vmin.f32 v4, v56;
	v9 =	vor.u32 $0xE, v50  }
0x1d6: {  	v63 =	vld [tilespmem:s1+$0x0];
	s1 =	sor.u32 s20, s6;
	v57 =	vand.u32 $0xFFFFFFC0, v57;
	v53 =	vmax.f32 v8, v5;
	v54 =	vmin.f32 v8, v5  }
0x1d7: {  	v2 =	vld [tilespmem:s1+$0x0];
	s1 =	sor.u32 s20, s7;
	v55 =	vmax.f32 v6, v58;
	v56 =	vmin.f32 v6, v58;
	v8 =	vor.u32 $0xF, v49  }
0x1d8: {  	v58 =	vld [tilespmem:s1+$0x0];
	v49 =	vmax.f32 v7, v1;
	v50 =	vmin.f32 v7, v1;
	v4 =	vand.u32 $0xFFFFFFC0, v60  }
0x1d9: {  	v57 =	vor.u32 $0xD, v57;
	v0 =	vmax.f32 v8, v9;
	v59 =	vor.u32 $0xC, v4  }
0x1da: {  	s11 =	sor.u32 s20, s18;
	v1 =	vmin.f32 v8, v9;
	v5 =	vand.u32 $0xFFFFFFC0, v62;
	v6 =	vmax.f32 v57, v59  }
0x1db: {  	v4 =	vld [tilespmem:s11+$0x0];
	v57 =	vmin.f32 v57, v59;
	v7 =	vor.u32 $0xB, v5;
	v8 =	vand.u32 $0xFFFFFFC0, v63  }
0x1dc: {  	v2 =	vand.u32 $0xFFFFFFC0, v2;
	v60 =	vor.u32 $0xA, v8;
	v8 =	vmax.f32 v1, v57  }
0x1dd: {  	v5 =	vmin.f32 v1, v57;
	v58 =	vand.u32 $0xFFFFFFC0, v58;
	v2 =	vor.u32 $0x9, v2  }
0x1de: {  	v62 =	vmax.f32 v7, v60;
	v59 =	vmin.f32 v7, v60;
	v58 =	vor.u32 $0x8, v58  }
0x1df: {  	v9 =	vmax.f32 v2, v58;
	v2 =	vmin.f32 v2, v58;
	v58 =	vmax.f32 v0, v6  }
0x1e0: {  	v0 =	vmin.f32 v0, v6;
	v4 =	vand.u32 $0xFFFFFFC0, v4;
	v63 =	vmax.f32 v62, v9  }
0x1e1: {  	s8 =	rddreg [dreg:$0x19];
	v57 =	vmin.f32 v62, v9;
	v60 =	vmax.f32 v59, v2;
	v2 =	vmin.f32 v59, v2  }
0x1e2: {  	s9 =	rddreg [dreg:$0x1b];
	s1 =	sor.u32 s20, s8;
	v9 =	vmax.f32 v8, v0;
	v0 =	vmin.f32 v8, v0;
	v3 =	vmax.f32 v60, v57  }
0x1e3: {  	s10 =	sor.u32 s20, s19;
	s19 =	sor.u32 s20, s24;
	s24 =	sor.u32 s20, s17;
	v6 =	vld [tilespmem:s1+$0x0];
	v60 =	vmin.f32 v60, v57;
	v57 =	vmax.f32 v58, v63;
	v62 =	vmin.f32 v58, v63  }
0x1e4: {  	s3 =	sor.u32 s20, s9;
	v1 =	vld [tilespmem:s24+$0x0];
	v63 =	vmax.f32 v9, v3;
	v59 =	vmin.f32 v9, v3;
	v61 =	vmax.f32 v0, v60  }
0x1e5: {  	v7 =	vld [tilespmem:s3+$0x0];
	v3 =	vmin.f32 v0, v60;
	v60 =	vmax.f32 v5, v2;
	v9 =	vmin.f32 v5, v2  }
0x1e6: {  	s16 =	sor.u32 s20, s29;
	v58 =	vld [tilespmem:s10+$0x0];
	v8 =	vmax.f32 v61, v62;
	v62 =	vmin.f32 v61, v62;
	v5 =	vmax.f32 v60, v59  }
0x1e7: {  	s18 =	sor.u32 s20, s28;
	v2 =	vmin.f32 v60, v59;
	v59 =	vmax.f32 v63, v8;
	v60 =	vmin.f32 v63, v8;
	v8 =	vld [tilespmem:s16+$0x0]  }
0x1e8: {  	v61 =	vmax.f32 v5, v62;
	v62 =	vmin.f32 v5, v62;
	v6 =	vand.u32 $0xFFFFFFC0, v6;
	v5 =	vld [tilespmem:s18+$0x0]  }
0x1e9: {  	v63 =	vmax.f32 v2, v3;
	v2 =	vmin.f32 v2, v3;
	v3 =	vor.u32 $0x7, v6;
	v6 =	vld [tilespmem:s19+$0x0]  }
0x1ea: {  	v15 =	vmax.f32 v15, v22;
	v4 =	vor.u32 $0x4, v4;
	v7 =	vand.u32 $0xFFFFFFC0, v7  }
0x1eb: {  	v1 =	vand.u32 $0xFFFFFFC0, v1;
	v7 =	vor.u32 $0x6, v7;
	v58 =	vand.u32 $0xFFFFFFC0, v58  }
0x1ec: {  	v0 =	vmax.f32 v3, v7;
	v3 =	vmin.f32 v3, v7;
	v58 =	vor.u32 $0x5, v58  }
0x1ed: {  	v7 =	vmax.f32 v58, v4;
	v8 =	vand.u32 $0xFFFFFFC0, v8;
	v5 =	vand.u32 $0xFFFFFFC0, v5  }
0x1ee: {  	v8 =	vor.u32 $0x3, v8;
	v5 =	vor.u32 $0x2, v5;
	v6 =	vand.u32 $0xFFFFFFC0, v6  }
0x1ef: {  	v4 =	vmin.f32 v58, v4;
	v6 =	vor.u32 $0x1, v6;
	v58 =	vmax.f32 v8, v5  }
0x1f0: {  	v5 =	vmin.f32 v8, v5;
	v8 =	vmax.f32 v6, v1;
	v1 =	vmin.f32 v6, v1  }
0x1f1: {  	v6 =	vmax.f32 v0, v7;
	v0 =	vmin.f32 v0, v7;
	v7 =	vmax.f32 v3, v4  }
0x1f2: {  	v3 =	vmin.f32 v3, v4;
	v4 =	vmax.f32 v58, v8;
	v8 =	vmin.f32 v58, v8  }
0x1f3: {  	v58 =	vmax.f32 v5, v1;
	v1 =	vmin.f32 v5, v1;
	v5 =	vmax.f32 v7, v0  }
0x1f4: {  	v0 =	vmin.f32 v7, v0;
	v7 =	vmax.f32 v58, v8;
	v8 =	vmin.f32 v58, v8  }
0x1f5: {  	v58 =	vmax.f32 v6, v4;
	v4 =	vmin.f32 v6, v4;
	v6 =	vmax.f32 v5, v7  }
0x1f6: {  	v5 =	vmin.f32 v5, v7;
	v7 =	vmax.f32 v0, v8;
	v0 =	vmin.f32 v0, v8  }
0x1f7: {  	v8 =	vmax.f32 v3, v1;
	v1 =	vmin.f32 v3, v1;
	v3 =	vmax.f32 v7, v4  }
0x1f8: {  	v4 =	vmin.f32 v7, v4;
	v7 =	vmax.f32 v8, v5;
	v5 =	vmin.f32 v8, v5  }
0x1f9: {  	v8 =	vmax.f32 v6, v3;
	v3 =	vmin.f32 v6, v3;
	v6 =	vmax.f32 v7, v4  }
0x1fa: {  	v4 =	vmin.f32 v7, v4;
	v7 =	vmax.f32 v5, v0;
	v0 =	vmin.f32 v5, v0;
	v5 =	vld [tilespmem:$0x1FF00]  }
0x1fb: {  	v16 =	vmax.f32 v16, v19;
	v25 =	vmax.f32 v11, v15;
	v11 =	vmin.f32 v11, v15  }
0x1fc: {  	v31 =	vmax.f32 v12, v16;
	v12 =	vmin.f32 v12, v16;
	v18 =	vmax.f32 v18, v33  }
0x1fd: {  	v40 =	vmax.f32 v27, v40;
	v1 =	vmax.f32 v57, v1;
	v0 =	vmax.f32 v59, v0  }
0x1fe: {  	v7 =	vmax.f32 v60, v7;
	v4 =	vmax.f32 v61, v4;
	v6 =	vmax.f32 v62, v6  }
0x1ff: {  	v3 =	vmax.f32 v63, v3;
	v2 =	vmax.f32 v2, v8;
	v5 =	vmax.f32 v5, v21  }
0x200: {  	v21 =	vmax.f32 v13, v10;
	v10 =	vmin.f32 v13, v10;
	v24 =	vmax.f32 v5, v14  }
0x201: {  	v5 =	vmin.f32 v5, v14;
	v23 =	vmax.f32 v25, v21;
	v14 =	vmin.f32 v25, v21  }
0x202: {  	v25 =	vmax.f32 v11, v10;
	v10 =	vmin.f32 v11, v10;
	v22 =	vmax.f32 v24, v31  }
0x203: {  	v15 =	vmin.f32 v24, v31;
	v24 =	vmax.f32 v5, v12;
	v5 =	vmin.f32 v5, v12  }
0x204: {  	v31 =	vlaneseq.u32;
	v11 =	vmax.f32 v22, v23;
	v13 =	vmin.f32 v22, v23  }
0x205: {  	v17 =	vmax.f32 v15, v14;
	v15 =	vmin.f32 v15, v14;
	v19 =	vmax.f32 v24, v25  }
0x206: {  	v12 =	vmin.f32 v24, v25;
	v16 =	vmax.f32 v5, v10;
	v5 =	vmin.f32 v5, v10  }
0x207: {  	v10 =	vmax.f32 v20, v38;
	v20 =	vmax.f32 v32, v48;
	v14 =	vmov s0  }
0x208: {  	v21 =	vor.u32 s0, v31;
	v38 =	vmax.f32 v26, v41;
	v41 =	vmax.f32 v28, v39  }
0x209: {  	v48 =	vmax.f32 v29, v37;
	v31 =	vmax.f32 v30, v34;
	v37 =	vmax.f32 v40, v18  }
0x20a: {  	v18 =	vmin.f32 v40, v18;
	v32 =	vmax.f32 v10, v41;
	v10 =	vmin.f32 v10, v41  }
0x20b: {  	v33 =	vmax.f32 v20, v48;
	v20 =	vmin.f32 v20, v48;
	v34 =	vmax.f32 v38, v31  }
0x20c: {  	v22 =	vmin.f32 v38, v31;
	v48 =	vmax.f32 v35, v52;
	v52 =	vmax.f32 v42, v50  }
0x20d: {  	v42 =	vmax.f32 v36, v51;
	v50 =	vmax.f32 v9, v58;
	v51 =	vmax.f32 v1, v6  }
0x20e: {  	v1 =	vmin.f32 v1, v6;
	v38 =	vmax.f32 v32, v34;
	v25 =	vmin.f32 v32, v34  }
0x20f: {  	v39 =	vmax.f32 v33, v37;
	v24 =	vmin.f32 v33, v37;
	v40 =	vmax.f32 v10, v22  }
0x210: {  	v10 =	vmin.f32 v10, v22;
	v41 =	vmax.f32 v20, v18;
	v18 =	vmin.f32 v20, v18  }
0x211: {  	v37 =	vmax.f32 v43, v49;
	v20 =	vmax.f32 v38, v39;
	v23 =	vmin.f32 v38, v39  }
0x212: {  	v27 =	vmax.f32 v25, v24;
	v24 =	vmin.f32 v25, v24;
	v25 =	vmax.f32 v40, v41  }
0x213: {  	v22 =	vmin.f32 v40, v41;
	v26 =	vmax.f32 v10, v18;
	v10 =	vmin.f32 v10, v18  }
0x214: {  	v38 =	vmax.f32 v44, v56;
	v39 =	vmax.f32 v45, v55;
	v40 =	vmax.f32 v46, v54  }
0x215: {  	v41 =	vmax.f32 v47, v53;
	v53 =	vmax.f32 v7, v2;
	v2 =	vmin.f32 v7, v2  }
0x216: {  	v54 =	vmax.f32 v4, v50;
	v4 =	vmin.f32 v4, v50;
	v35 =	vmax.f32 v48, v39  }
0x217: {  	v18 =	vmin.f32 v48, v39;
	v43 =	vmax.f32 v52, v40;
	v28 =	vmin.f32 v52, v40  }
0x218: {  	v44 =	vmax.f32 v37, v41;
	v29 =	vmin.f32 v37, v41;
	v45 =	vmax.f32 v38, v42  }
0x219: {  	v30 =	vmin.f32 v38, v42;
	v52 =	vmax.f32 v0, v3;
	v0 =	vmin.f32 v0, v3  }
0x21a: {  	v55 =	vmax.f32 v51, v53;
	v3 =	vmin.f32 v51, v53;
	v57 =	vmax.f32 v1, v2  }
0x21b: {  	v1 =	vmin.f32 v1, v2;
	v63 =	vmax.f32 v11, v10;
	v36 =	vmax.f32 v13, v26  }
0x21c: {  	v37 =	vmax.f32 v17, v22;
	v15 =	vmax.f32 v15, v25;
	v38 =	vmax.f32 v19, v24  }
0x21d: {  	v12 =	vmax.f32 v12, v27;
	v16 =	vmax.f32 v16, v23;
	v5 =	vmax.f32 v5, v20  }
0x21e: {  	v46 =	vmax.f32 v35, v44;
	v32 =	vmin.f32 v35, v44;
	v47 =	vmax.f32 v43, v45  }
0x21f: {  	v31 =	vmin.f32 v43, v45;
	v48 =	vmax.f32 v18, v29;
	v18 =	vmin.f32 v18, v29  }
0x220: {  	v49 =	vmax.f32 v28, v30;
	v28 =	vmin.f32 v28, v30;
	v56 =	vmax.f32 v52, v54  }
0x221: {  	v6 =	vmin.f32 v52, v54;
	v58 =	vmax.f32 v0, v4;
	v0 =	vmin.f32 v0, v4  }
0x222: {  	v40 =	vmax.f32 v63, v38;
	v41 =	vmax.f32 v36, v12;
	v11 =	vmin.f32 v36, v12  }
0x223: {  	v42 =	vmax.f32 v37, v16;
	v13 =	vmin.f32 v37, v16;
	v43 =	vmax.f32 v15, v5  }
0x224: {  	v5 =	vmin.f32 v15, v5;
	v30 =	vmax.f32 v46, v47;
	v34 =	vmin.f32 v46, v47  }
0x225: {  	v35 =	vmax.f32 v32, v31;
	v31 =	vmin.f32 v32, v31;
	v32 =	vmax.f32 v48, v49  }
0x226: {  	v29 =	vmin.f32 v48, v49;
	v33 =	vmax.f32 v18, v28;
	v18 =	vmin.f32 v18, v28  }
0x227: {  	v59 =	vmax.f32 v55, v56;
	v8 =	vmin.f32 v55, v56;
	v60 =	vmax.f32 v3, v6  }
0x228: {  	v3 =	vmin.f32 v3, v6;
	v61 =	vmax.f32 v57, v58;
	v2 =	vmin.f32 v57, v58  }
0x229: {  	v62 =	vmax.f32 v1, v0;
	v0 =	vmin.f32 v1, v0;
	v1 =	vmin.f32 v63, v38  }
0x22a: {  	v9 =	vpop (erf);
	v44 =	vmax.f32 v40, v42;
	v12 =	vmin.f32 v40, v42;
	v45 =	vmax.f32 v41, v43  }
0x22b: {  	v10 =	vpop (erf);
	v16 =	vmin.f32 v41, v43;
	v47 =	vmax.f32 v11, v5;
	v5 =	vmin.f32 v11, v5  }
0x22c: {  	v43 =	vshll.u32 v14, $0x3;
	v39 =	vadd.f32 v10, v9;
	v46 =	vmax.f32 v1, v13  }
0x22d: {  	v1 =	vmin.f32 v1, v13;
	v48 =	vmax.f32 v44, v45;
	v20 =	vmin.f32 v44, v45  }
0x22e: {  	v49 =	vmax.f32 v12, v16;
	v12 =	vmin.f32 v12, v16;
	v0 =	vmax.f32 v30, v0  }
0x22f: {  	v7 =	vmax.f32 v34, v62;
	v2 =	vmax.f32 v35, v2;
	v6 =	vmax.f32 v31, v61  }
0x230: {  	v3 =	vmax.f32 v32, v3;
	v53 =	vmax.f32 v29, v60;
	v8 =	vmax.f32 v33, v8  }
0x231: {  	v4 =	vmax.f32 v18, v59;
	v44 =	vand.u32 $0xC00, v43;
	v45 =	vand.u32 $0x7F, v21  }
0x232: {  	v50 =	vmax.f32 v46, v47;
	v13 =	vmin.f32 v46, v47;
	v51 =	vmax.f32 v1, v5  }
0x233: {  	v1 =	vmin.f32 v1, v5;
	v54 =	vmax.f32 v0, v3;
	v0 =	vmin.f32 v0, v3  }
0x234: {  	v55 =	vmax.f32 v7, v53;
	v7 =	vmin.f32 v7, v53;
	v56 =	vmax.f32 v2, v8  }
0x235: {  	v15 =	vpop (erf);
	v2 =	vmin.f32 v2, v8;
	v57 =	vmax.f32 v6, v4;
	v4 =	vmin.f32 v6, v4  }
0x236: {  	v52 =	vadd.f32 v39, v15;
	v58 =	vmax.f32 v54, v56;
	v18 =	vmin.f32 v54, v56  }
0x237: {  	v59 =	vmax.f32 v55, v57;
	v3 =	vmin.f32 v55, v57;
	v60 =	vmax.f32 v0, v2  }
0x238: {  	v0 =	vmin.f32 v0, v2;
	v61 =	vmax.f32 v7, v4;
	v4 =	vmin.f32 v7, v4  }
0x239: {  	v62 =	vmax.f32 v58, v59;
	v6 =	vmin.f32 v58, v59;
	v63 =	vmax.f32 v18, v3  }
0x23a: {  	v16 =	vpop (erf);
	v3 =	vmin.f32 v18, v3;
	v28 =	vmax.f32 v60, v61;
	v29 =	vmin.f32 v0, v4  }
0x23b: {  	v2 =	vmin.f32 v60, v61;
	v0 =	vmax.f32 v0, v4;
	v5 =	vadd.f32 v16, v52  }
0x23c: {  	v30 =	vmax.f32 v48, v29;
	v0 =	vmax.f32 v20, v0;
	v2 =	vmax.f32 v49, v2  }
0x23d: {  	v31 =	vmax.f32 v12, v28;
	v3 =	vmax.f32 v50, v3;
	v32 =	vmax.f32 v13, v63  }
0x23e: {  	v6 =	vmax.f32 v51, v6;
	v1 =	vmax.f32 v1, v62;
	v33 =	vmax.f32 v30, v3  }
0x23f: {  	v3 =	vmin.f32 v30, v3;
	v34 =	vmax.f32 v0, v32;
	v0 =	vmin.f32 v0, v32  }
0x240: {  	v35 =	vmax.f32 v2, v6;
	v2 =	vmin.f32 v2, v6;
	v36 =	vmax.f32 v31, v1  }
0x241: {  	v1 =	vmin.f32 v31, v1;
	v37 =	vmax.f32 v33, v35;
	v7 =	vmin.f32 v33, v35  }
0x242: {  	v38 =	vmax.f32 v34, v36;
	v4 =	vmin.f32 v34, v36;
	v39 =	vmax.f32 v3, v2  }
0x243: {  	v2 =	vmin.f32 v3, v2;
	v40 =	vmax.f32 v0, v1;
	v0 =	vmin.f32 v0, v1  }
0x244: {  	v20 =	vmax.f32 v37, v38;
	v18 =	vmin.f32 v37, v38;
	v19 =	vmax.f32 v7, v4  }
0x245: {  	v17 =	vmin.f32 v7, v4;
	v12 =	vmax.f32 v39, v40;
	v13 =	vmin.f32 v39, v40  }
0x246: {  	v11 =	vmax.f32 v2, v0;
	v14 =	vmin.f32 v2, v0;
	v41 =	vxor.u32 $0xFFFFFFFF, v20  }
0x247: {  	v46 =	vxor.u32 $0xFFFFFFFF, v18;
	v48 =	vxor.u32 $0xFFFFFFFF, v19;
	v50 =	vxor.u32 $0xFFFFFFFF, v17  }
0x248: {  	v52 =	vxor.u32 $0xFFFFFFFF, v12;
	v54 =	vxor.u32 $0xFFFFFFFF, v13;
	v57 =	vxor.u32 $0xFFFFFFFF, v11  }
0x249: {  	v59 =	vxor.u32 $0xFFFFFFFF, v14;
	v42 =	vshll.u32 v41, $0xA;
	v1 =	vshll.u32 v41, $0x7  }
0x24a: {  	v47 =	vshll.u32 v46, $0xA;
	v49 =	vshll.u32 v48, $0xA;
	v6 =	vshll.u32 v48, $0x7  }
0x24b: {  	v51 =	vshll.u32 v50, $0xA;
	v53 =	vshll.u32 v52, $0xA;
	v8 =	vshll.u32 v52, $0x7  }
0x24c: {  	v55 =	vshll.u32 v54, $0xA;
	v21 =	vshll.u32 v54, $0x7;
	v58 =	vshll.u32 v57, $0xA  }
0x24d: {  	v60 =	vshll.u32 v59, $0xA;
	v23 =	vshll.u32 v59, $0x7;
	v3 =	vand.u32 $0xE000, v42  }
0x24e: {  	v1 =	vand.u32 $0x380, v1;
	v4 =	vand.u32 $0xE000, v47;
	v6 =	vand.u32 $0x380, v6  }
0x24f: {  	v7 =	vand.u32 $0xE000, v51;
	v8 =	vand.u32 $0x380, v8;
	v22 =	vand.u32 $0xE000, v55  }
0x250: {  	v21 =	vand.u32 $0x380, v21;
	v61 =	vand.u32 $0xE000, v60;
	v23 =	vand.u32 $0x380, v23  }
0x251: {  	v1 =	vor.u32 v3, v1;
	v3 =	vshll.u32 v46, $0x7;
	v56 =	vor.u32 v22, v21  }
0x252: {  	v22 =	vand.u32 $0xE000, v58;
	v21 =	vshll.u32 v57, $0x7;
	v1 =	vor.u32 v44, v1  }
0x253: {  	v3 =	vand.u32 $0x380, v3;
	v21 =	vand.u32 $0x380, v21;
	v1 =	vor.u32 v45, v1  }
0x254: {  	v3 =	vor.u32 v4, v3;
	v4 =	vand.u32 $0xE000, v49;
	v21 =	vor.u32 v22, v21  }
0x255: {  	v22 =	vor.u32 v61, v23;
	v3 =	vor.u32 v44, v3;
	v4 =	vor.u32 v4, v6  }
0x256: {  	v6 =	vshll.u32 v50, $0x7;
	v21 =	vor.u32 v44, v21;
	v3 =	vor.u32 v45, v3  }
0x257: {  	v0 =	vor.u32 v44, v22;
	v6 =	vand.u32 $0x380, v6;
	v21 =	vor.u32 v45, v21  }
0x258: {  	v4 =	vor.u32 v44, v4;
	v0 =	vor.u32 v45, v0;
	v6 =	vor.u32 v7, v6  }
0x259: {  	v4 =	vor.u32 v45, v4;
	v7 =	vand.u32 $0xE000, v53;
	v6 =	vor.u32 v44, v6  }
0x25a: {  	v7 =	vor.u32 v7, v8;
	v8 =	vor.u32 v44, v56;
	v6 =	vor.u32 v45, v6;
	v1 =	vld.idx.msk [tilespmem:v1+s2+$0x0], $0xffff  }
0x25b: {  	v7 =	vor.u32 v44, v7;
	v8 =	vor.u32 v45, v8;
	v3 =	vld.idx.msk [tilespmem:v3+s2+$0x0], $0xffff  }
0x25c: {  	v7 =	vor.u32 v45, v7;
	v21 =	vld.idx.msk [tilespmem:v21+s2+$0x0], $0xffff  }
0x25d: {  	v0 =	vld.idx.msk [tilespmem:v0+s2+$0x0], $0xffff  }
0x25e: {  	v62 =	vpop (erf);
	v4 =	vld.idx.msk [tilespmem:v4+s2+$0x0], $0xffff  }
0x25f: {  	v5 =	vadd.f32 v5, v62;
	v6 =	vld.idx.msk [tilespmem:v6+s2+$0x0], $0xffff  }
0x260: {  	v63 =	vpop (erf);
	v8 =	vld.idx.msk [tilespmem:v8+s2+$0x0], $0xffff  }
0x261: {  	v26 =	vadd.f32 v5, v63;
	v27 =	vld.idx.msk [tilespmem:v7+s2+$0x0], $0xffff  }
0x262: {  	v7 =	vpop (erf)  }
0x263: {  	v2 =	vadd.f32 v26, v7;
	vm2 =	vlt.f32 v1, v3  }
0x264: {  	vm12 =	vlt.f32 v21, v0;
	v28 =	vsel vm2, v3, v1;
	v1 =	vsel vm2, v1, v3  }
0x265: {  	v34 =	vsel vm12, v0, v21;
	v0 =	vsel vm12, v21, v0;
	vm7 =	vlt.f32 v4, v6  }
0x266: {  	v2 =	vadd.f32 $1.000000000e+00, v2;
	v29 =	vsel vm7, v6, v4;
	vm11 =	vlt.f32 v27, v8  }
0x267: {  	v4 =	vsel vm7, v4, v6;
	vm4 =	vlt.f32 v1, v29;
	v30 =	vsel vm11, v8, v27  }
0x268: {  	v5 =	vsel vm11, v27, v8;
	v31 =	vsel vm4, v29, v1;
	vm13 =	vlt.f32 v4, v30  }
0x269: {  	v1 =	vsel vm4, v1, v29;
	vm3 =	vlt.f32 v28, v31;
	v32 =	vsel vm13, v30, v4  }
0x26a: {  	v33 =	vsel vm3, v31, v28;
	v8 =	vsel vm3, v28, v31;
	vm15 =	vlt.f32 v1, v32  }
0x26b: {  	(erf) = vrcp.f32 v2;
	v35 =	vsel vm15, v32, v1;
	v8 =	vsub.f32 v8, v33  }
0x26c: {  	vm14 =	vlt.f32 v5, v34;
	v4 =	vsel vm13, v4, v30;
	v36 =	vsub.f32 v35, v33  }
0x26d: {  	v37 =	vsel vm14, v34, v5;
	v1 =	vsel vm15, v1, v32;
	v8 =	vmul.f32 $1.442695020e+00, v8  }
0x26e: {  	vm5 =	vlt.f32 v4, v37;
	v1 =	vsub.f32 v1, v33;
	v38 =	vmul.f32 $1.442695020e+00, v36  }
0x26f: {  	v41 =	vsel vm14, v5, v34;
	v39 =	vsel vm5, v37, v4;
	(erf) = vpow2.f32 v8  }
0x270: {  	v40 =	vsub.f32 v39, v33;
	v1 =	vmul.f32 $1.442695020e+00, v1;
	(erf) = vpow2.f32 v38  }
0x271: {  	vm1 =	vlt.f32 v41, v0;
	v4 =	vsel vm5, v4, v37  }
0x272: {  	v43 =	vsub.f32 v4, v33;
	v42 =	vmul.f32 $1.442695020e+00, v40;
	(erf) = vpow2.f32 v1  }
0x273: {  	v44 =	vsel vm1, v0, v41  }
0x274: {  	v46 =	vsub.f32 v44, v33;
	v45 =	vmul.f32 $1.442695020e+00, v43;
	(erf) = vpow2.f32 v42  }
0x275: {  	v0 =	vsel vm1, v41, v0  }
0x276: {  	v0 =	vsub.f32 v0, v33;
	v47 =	vmul.f32 $1.442695020e+00, v46;
	(erf) = vpow2.f32 v45  }
0x277: {  	v48 =	vpop (erf)  }
0x278: {  	v0 =	vmul.f32 $1.442695020e+00, v0;
	(erf) = vpow2.f32 v47;
	v49 =	vpop (erf)  }
0x279: {  	v50 =	vpop (erf)  }
0x27a: {  	(erf) = vpow2.f32 v0;
	v51 =	vadd.f32 v50, v49  }
0x27b: {  	v59 =	vld [tilespmem:$0x1FF30];
	v52 =	vpop (erf)  }
0x27c: {  	v60 =	vld [tilespmem:$0x1FF40];
	v0 =	vadd.f32 v51, v52  }
0x27d: {  	v58 =	vld [tilespmem:$0x1FF20];
	v53 =	vpop (erf)  }
0x27e: {  	v27 =	vld [tilespmem:$0x1FF80];
	v0 =	vadd.f32 v53, v0  }
0x27f: {  	v57 =	vld [tilespmem:$0x1FF10];
	v54 =	vpop (erf)  }
0x280: {  	v61 =	vld [tilespmem:$0x1FF50];
	v0 =	vadd.f32 v0, v54  }
0x281: {  	vm0 =	vnez.u8 v59;
	v26 =	vld [tilespmem:$0x1FF70];
	v55 =	vpop (erf)  }
0x282: {  	v23 =	vandn.u32 $0x3F, v58;
	v24 =	vmul.f32 v48, v62;
	v62 =	vld [tilespmem:$0x1FF60];
	v0 =	vadd.f32 v0, v55  }
0x283: {  	v29 =	vld [tilespmem:$0x1FF90];
	v22 =	vandn.u32 $0x3F, v27;
	v9 =	vmul.f32 v48, v9;
	v10 =	vmul.f32 v48, v10;
	v56 =	vpop (erf)  }
0x284: {  	v31 =	vld [tilespmem:$0x1FFB0];
	v15 =	vmul.f32 v48, v15;
	[tilespmem:s26+$0x10000] =	vst v48;
	v16 =	vmul.f32 v48, v16;
	v0 =	vadd.f32 v0, v56  }
0x285: {  	v30 =	vld [tilespmem:$0x1FFA0];
	v63 =	vmul.f32 v48, v63;
	v2 =	vmul.f32 v48, v7;
	[tilespmem:s26+$0x10080] =	vst v9;
	v9 =	vandn.u32 $0x3F, v57  }
0x286: {  	s28 =	rddreg [dreg:$0x18];
	v32 =	vld [tilespmem:$0x1FFC0];
	[tilespmem:s26+$0x10100] =	vst v10;
	v10 =	vsel vm0, v23, v9;
	v9 =	vsel vm0, v9, v23;
	v0 =	vadd.f32 $1.000000000e+00, v0  }
0x287: {  	v33 =	vld [tilespmem:$0x1FFD0];
	[tilespmem:s28+$0x10000] =	vst v15;
	v15 =	vandn.u32 $0x3F, v60;
	v23 =	vandn.u32 $0x3F, v61;
	vm0 =	vnez.u8 v62  }
0x288: {  	[tilespmem:s26+$0x10200] =	vst v16;
	(erf) = vrcp.f32 v0;
	v0 =	vsel vm0, v23, v15;
	v15 =	vsel vm0, v15, v23  }
0x289: {  	s29 =	rddreg [dreg:$0x14];
	v35 =	vld [tilespmem:$0x1FFE0];
	[tilespmem:s26+$0x10280] =	vst v24;
	v23 =	vandn.u32 $0x3F, v31;
	v25 =	vsel vm6, v0, v9;
	v0 =	vsel vm6, v9, v0  }
0x28a: {  	s30 =	rddreg [dreg:$0x15];
	v36 =	vld [tilespmem:$0x1FFF0];
	[tilespmem:s29+$0x10000] =	vst v63;
	v9 =	vandn.u32 $0x3F, v26;
	vm6 =	vnez.u8 v29;
	v28 =	vsel vm10, v25, v10  }
0x28b: {  	[tilespmem:s30+$0x10000] =	vst v2;
	v7 =	vsel vm10, v10, v25;
	v2 =	vsel vm6, v22, v9;
	v10 =	vandn.u32 $0x3F, v30  }
0x28c: {  	vm10 =	vnez.u8 v32;
	v9 =	vsel vm6, v9, v22;
	vm6 =	vnez.u8 v33  }
0x28d: {  	[tilespmem:s26+$0x12000] =	vst v28;
	v16 =	vsel vm10, v2, v15;
	v22 =	vsel vm6, v23, v10  }
0x28e: {  	[tilespmem:s26+$0x12080] =	vst v7;
	v34 =	vsel vm8, v16, v0;
	v0 =	vsel vm8, v0, v16;
	vm8 =	vnez.u8 v35  }
0x28f: {  	v2 =	vsel vm10, v15, v2;
	vm10 =	vnez.u8 v36;
	[tilespmem:s26+$0x12100] =	vst v34;
	v7 =	vsel vm8, v22, v9  }
0x290: {  	[tilespmem:s28+$0x12000] =	vst v0;
	v0 =	vsel vm10, v7, v2  }
0x291: {  	v10 =	vsel vm6, v10, v23;
	v9 =	vsel vm8, v9, v22;
	v2 =	vsel vm10, v2, v7;
	[tilespmem:s26+$0x12200] =	vst v0  }
0x292: {  	v37 =	vsel vm9, v10, v9;
	[tilespmem:s26+$0x12280] =	vst v2  }
0x293: {  	v39 =	vsel vm9, v9, v10;
	[tilespmem:s29+$0x12000] =	vst v37;
	v38 =	vpop (erf)  }
0x294: {  	[tilespmem:s30+$0x12000] =	vst v39;
	v3 =	vmul.f32 v38, v49  }
0x295: {  	v40 =	vmul.f32 v38, v50;
	[tilespmem:s12+$0x10000] =	vst v38  }
0x296: {  	v41 =	vandn.u32 $0x3F, v20;
	v42 =	vmul.f32 v38, v52;
	[tilespmem:s12+$0x10080] =	vst v3  }
0x297: {  	v44 =	vandn.u32 $0x3F, v19;
	v43 =	vandn.u32 $0x3F, v18;
	v5 =	vmul.f32 v38, v53;
	[tilespmem:s12+$0x10100] =	vst v40  }
0x298: {  	v46 =	vsel vm2, v43, v41;
	v45 =	vandn.u32 $0x3F, v17;
	v6 =	vmul.f32 v38, v54;
	[tilespmem:s13+$0x10000] =	vst v42  }
0x299: {  	v47 =	vsel vm7, v45, v44;
	v4 =	vsel vm7, v44, v45;
	v48 =	vmul.f32 v38, v55;
	[tilespmem:s12+$0x10200] =	vst v5  }
0x29a: {  	v51 =	vandn.u32 $0x3F, v13;
	v0 =	vsel vm2, v41, v43;
	v2 =	vmul.f32 v38, v56;
	[tilespmem:s12+$0x10280] =	vst v6  }
0x29b: {  	v49 =	vsel vm4, v47, v0;
	v0 =	vsel vm4, v0, v47;
	v50 =	vandn.u32 $0x3F, v12;
	[tilespmem:s14+$0x10000] =	vst v48  }
0x29c: {  	v54 =	vandn.u32 $0x3F, v11;
	v52 =	vsel vm3, v49, v46;
	v53 =	vsel vm11, v51, v50;
	[tilespmem:s15+$0x10000] =	vst v2  }
0x29d: {  	v55 =	vandn.u32 $0x3F, v14;
	v1 =	vsel vm3, v46, v49;
	v56 =	vsel vm13, v53, v4;
	[tilespmem:s12+$0x12000] =	vst v52  }
0x29e: {  	s31 =	sadd.s32 $0x2, s31;
	v57 =	vsel vm12, v55, v54;
	v3 =	vsel vm11, v50, v51;
	v58 =	vsel vm15, v56, v0;
	[tilespmem:s12+$0x12080] =	vst v1  }
0x29f: {  	p0 =	slt.u32 s31, $0x1E;
	v0 =	vsel vm15, v0, v56;
	v59 =	vsel vm14, v57, v3;
	v2 =	vsel vm13, v4, v53;
	[tilespmem:s12+$0x12100] =	vst v58  }
.Ltmp0:
0x2a0: {  	v60 =	vsel vm5, v59, v2;
	[tilespmem:s13+$0x12000] =	vst v0;
	(pc) =	sbr.rel @p0 .LBB2_2-.Ltmp0, $4  }
0x2a1: {  	v61 =	vsel vm12, v54, v55;
	v3 =	vsel vm14, v3, v57;
	v1 =	vsel vm5, v2, v59;
	[tilespmem:s12+$0x12200] =	vst v60  }
0x2a2: {  	v62 =	vsel vm1, v61, v3;
	[tilespmem:s12+$0x12280] =	vst v1  }
0x2a3: {  	s22 =	sadd.s32 $0x1, s22;
	v63 =	vsel vm1, v3, v61;
	[tilespmem:s14+$0x12000] =	vst v62  }
0x2a4: {  	s21 =	sadd.s32 $0x20, s21;
	s23 =	sadd.s32 $0x2, s23;
	s25 =	sadd.s32 $0x100, s25;
	[tilespmem:s15+$0x12000] =	vst v63  }
0x2a5: {  	s0 =	simm.s32 $0x1  }
0x2a6: {  	_ =	swait.ge [sflag:s0], $0x8000  }
0x2a7: {  	s20 =	simm.s32 $0x0;
	[sflag:s0] =	ssyncset.done $0x0  }
0x2a8: {  	s15 =	simm.s32 $0x1000;
	s1 =	rddreg [dreg:$0x8];
	[sflag:s0] =	ssyncadd.s32 $0xFFFF8000  }
0x2a9: {  	[hbm4b:s1+s20] =	stream.linear.scatter [tilespmem:s15], [sflag:$0x2], $0x1000, $0x38;
	[tilespmem:$0x14000] =	vst v63  }
0x2aa: {  	s3 =	simm.s32 $0x3000;
	s16 =	sadd.s32 $0x8000, s1  }
0x2ab: {  	[hbm4b:s16+s20] =	stream.linear.scatter [tilespmem:s3], [sflag:$0x2], $0x1000, $0x38;
	[tilespmem:$0x14000] =	vst v63  }
0x2ac: {  	s18 =	simm.s32 $0x5000;
	s17 =	sadd.s32 $0x10000, s1  }
0x2ad: {  	[hbm4b:s17+s20] =	stream.linear.scatter [tilespmem:s18], [sflag:$0x2], $0x1000, $0x38;
	[tilespmem:$0x14000] =	vst v63  }
0x2ae: {  	s21 =	simm.s32 $0x7000;
	s19 =	sadd.s32 $0x18000, s1  }
0x2af: {  	[hbm4b:s19+s20] =	stream.linear.scatter [tilespmem:s21], [sflag:$0x2], $0x1000, $0x38;
	[tilespmem:$0x14000] =	vst v63  }
0x2b0: {  	s23 =	simm.s32 $0x9000;
	s25 =	simm.s32 $0xB000;
	s22 =	sadd.s32 $0x20000, s1  }
0x2b1: {  	[hbm4b:s22+s20] =	stream.linear.scatter [tilespmem:s23], [sflag:$0x2], $0x1000, $0x38;
	[tilespmem:$0x14000] =	vst v63  }
0x2b2: {  	s28 =	simm.s32 $0xD000;
	s30 =	simm.s32 $0xF000;
	s24 =	sadd.s32 $0x28000, s1  }
0x2b3: {  	[hbm4b:s24+s20] =	stream.linear.scatter [tilespmem:s25], [sflag:$0x2], $0x1000, $0x38;
	[tilespmem:$0x14000] =	vst v63  }
0x2b4: {  	s31 =	simm.s32 $0x1E;
	s26 =	sadd.s32 $0x30000, s1;
	s29 =	sadd.s32 $0x38000, s1  }
0x2b5: {  	[hbm4b:s26+s20] =	stream.linear.scatter [tilespmem:s28], [sflag:$0x2], $0x1000, $0x38;
	[tilespmem:$0x14000] =	vst v63  }
0x2b6: {  	s22 =	simm.s32 $0x200;
	s23 =	simm.s32 $0x0;
	s25 =	simm.s32 $0x0  }
0x2b7: {  	[hbm4b:s29+s20] =	stream.linear.scatter [tilespmem:s30], [sflag:$0x2], $0x1000, $0x38;
	[tilespmem:$0x14000] =	vst v63  }
.LBB2_4:
0x2b8: {  	s14 =	sadd.s32 $0x1000, s25  }
0x2b9: {  	s0 =	sand.u32 $0x60, s22;
	s12 =	sand.u32 $0x1C00, s14  }
0x2ba: {  	s26 =	sor.u32 s0, s12  }
0x2bb: {  	v0 =	vld [tilespmem:s26+$0x0]  }
0x2bc: {  	v1 =	vld [tilespmem:s26+$0x80]  }
0x2bd: {  	v3 =	vld [tilespmem:s26+$0x100]  }
0x2be: {  	s1 =	sand.u32 $0x3, s20;
	v4 =	vld [tilespmem:s26+$0x180]  }
0x2bf: {  	s1 =	sshll.u32 s1, $0x5;
	s21 =	sor.u32 s22, s14;
	v5 =	vld [tilespmem:s26+$0x200]  }
0x2c0: {  	s1 =	sadd.s32 s1, s14;
	s24 =	sor.u32 $0x380, s21;
	v6 =	vld [tilespmem:s26+$0x280]  }
0x2c1: {  	s5 =	sor.u32 $0x2080, s12;
	s3 =	sor.u32 $0x300, s1;
	v8 =	vld [tilespmem:s24+$0x0]  }
0x2c2: {  	s18 =	sor.u32 $0x4280, s12;
	s4 =	sor.u32 s0, s5;
	v7 =	vld [tilespmem:s3+$0x0]  }
0x2c3: {  	s19 =	sor.u32 $0x4300, s12;
	s30 =	sor.u32 s0, s18;
	v10 =	vld [tilespmem:s4+$0x0]  }
0x2c4: {  	s21 =	sor.u32 $0x4380, s12;
	[smem:$0x7BE] =	sst s19;
	s19 =	sor.u32 s0, s19;
	v26 =	vld [tilespmem:s30+$0x0]  }
0x2c5: {  	[dreg:$0x17] =	wrdreg s24;
	s1 =	sor.u32 $0x2000, s12;
	s24 =	sor.u32 s0, s21;
	v27 =	vld [tilespmem:s19+$0x0]  }
0x2c6: {  	[smem:$0x7BF] =	sst s21;
	s21 =	sor.u32 $0x6100, s12;
	s28 =	sor.u32 s0, s1;
	v28 =	vld [tilespmem:s24+$0x0]  }
0x2c7: {  	[dreg:$0x16] =	wrdreg s3;
	s3 =	sor.u32 $0x2100, s12;
	s24 =	sor.u32 s0, s21;
	v9 =	vld [tilespmem:s28+$0x0]  }
0x2c8: {  	s4 =	sor.u32 $0x2180, s12;
	s6 =	sor.u32 s0, s3;
	v30 =	vld [tilespmem:s24+$0x0]  }
0x2c9: {  	s30 =	sor.u32 $0x6080, s12;
	s7 =	sor.u32 s0, s4;
	v11 =	vld [tilespmem:s6+$0x0]  }
0x2ca: {  	[smem:$0x7C2] =	sst s21;
	s21 =	sor.u32 $0x6280, s12;
	s19 =	sor.u32 s0, s30;
	v13 =	vld [tilespmem:s7+$0x0]  }
0x2cb: {  	[smem:$0x7C1] =	sst s30;
	s30 =	sor.u32 $0x6200, s12;
	s24 =	sor.u32 s0, s21;
	v56 =	vld [tilespmem:s19+$0x0]  }
0x2cc: {  	[smem:$0x7C5] =	sst s21;
	s21 =	sor.u32 $0x8000, s12;
	s19 =	sor.u32 s0, s30;
	v34 =	vld [tilespmem:s24+$0x0]  }
0x2cd: {  	s6 =	sor.u32 $0x2200, s12;
	s24 =	sor.u32 s0, s21;
	v32 =	vld [tilespmem:s19+$0x0]  }
0x2ce: {  	s7 =	sor.u32 $0x2280, s12;
	s8 =	sor.u32 s0, s6;
	v59 =	vld [tilespmem:s24+$0x0]  }
0x2cf: {  	[smem:$0x7C4] =	sst s30;
	s30 =	sor.u32 $0x6380, s12;
	s9 =	sor.u32 s0, s7;
	v14 =	vld [tilespmem:s8+$0x0]  }
0x2d0: {  	[smem:$0x7C8] =	sst s21;
	s21 =	sor.u32 $0x8180, s12;
	s19 =	sor.u32 s0, s30;
	v16 =	vld [tilespmem:s9+$0x0]  }
0x2d1: {  	[smem:$0x7C7] =	sst s30;
	s30 =	sor.u32 $0x8100, s12;
	s24 =	sor.u32 s0, s21;
	v36 =	vld [tilespmem:s19+$0x0]  }
0x2d2: {  	[smem:$0x7CB] =	sst s21;
	s21 =	sor.u32 $0x8300, s12;
	v2 =	vand.u32 $0xFFFFFFC0, v1;
	s19 =	sor.u32 s0, s30;
	v38 =	vld [tilespmem:s24+$0x0]  }
0x2d3: {  	s8 =	sor.u32 $0x2300, s12;
	v1 =	vor.u32 $0x3F, v0;
	v3 =	vand.u32 $0xFFFFFFC0, v3;
	v4 =	vand.u32 $0xFFFFFFC0, v4;
	s24 =	sor.u32 s0, s21;
	v63 =	vld [tilespmem:s19+$0x0]  }
0x2d4: {  	s9 =	sor.u32 $0x2380, s12;
	v12 =	vand.u32 $0xFFFFFFC0, v5;
	v6 =	vand.u32 $0xFFFFFFC0, v6;
	v8 =	vand.u32 $0xFFFFFFC0, v8;
	s10 =	sor.u32 s0, s8;
	v47 =	vld [tilespmem:s24+$0x0]  }
0x2d5: {  	[smem:$0x7CA] =	sst s30;
	s30 =	sor.u32 $0x8280, s12;
	s11 =	sor.u32 s0, s9;
	v2 =	vor.u32 $0x3E, v2;
	v3 =	vor.u32 $0x3D, v3;
	v5 =	vor.u32 $0x3C, v4;
	v19 =	vld [tilespmem:s10+$0x0]  }
0x2d6: {  	v4 =	vor.u32 $0x3B, v12;
	v57 =	vand.u32 $0xFFFFFFC0, v7;
	v7 =	vor.u32 $0x3A, v6;
	s19 =	sor.u32 s0, s30;
	s10 =	sor.u32 $0x4000, s12;
	v20 =	vld [tilespmem:s11+$0x0]  }
0x2d7: {  	v8 =	vor.u32 $0x38, v8;
	v10 =	vand.u32 $0xFFFFFFC0, v10;
	v49 =	vand.u32 $0xFFFFFFC0, v26;
	s11 =	sor.u32 $0x4080, s12;
	v46 =	vld [tilespmem:s19+$0x0];
	s13 =	sor.u32 s0, s10  }
0x2d8: {  	v50 =	vand.u32 $0xFFFFFFC0, v27;
	v51 =	vand.u32 $0xFFFFFFC0, v28;
	v6 =	vor.u32 $0x39, v57;
	s15 =	sor.u32 s0, s11;
	v21 =	vld [tilespmem:s13+$0x0];
	s13 =	sor.u32 $0x4100, s12  }
0x2d9: {  	v9 =	vand.u32 $0xFFFFFFC0, v9;
	v15 =	vor.u32 $0x36, v10;
	v26 =	vor.u32 $0x28, v51;
	v22 =	vld [tilespmem:s15+$0x0];
	s15 =	sor.u32 $0x4180, s12;
	s16 =	sor.u32 s0, s13  }
0x2da: {  	v53 =	vand.u32 $0xFFFFFFC0, v30;
	v58 =	vand.u32 $0xFFFFFFC0, v11;
	v11 =	vor.u32 $0x37, v9;
	s17 =	sor.u32 s0, s15;
	v23 =	vld [tilespmem:s16+$0x0];
	s16 =	sor.u32 $0x4200, s12  }
0x2db: {  	s28 =	sor.u32 $0x6000, s12;
	v60 =	vand.u32 $0xFFFFFFC0, v13;
	v0 =	vand.u32 $0xFFFFFFC0, v56;
	v44 =	vor.u32 $0x25, v53;
	v24 =	vld [tilespmem:s17+$0x0];
	s29 =	sor.u32 s0, s16  }
0x2dc: {  	[smem:$0x7C0] =	sst s28;
	v56 =	vand.u32 $0xFFFFFFC0, v34;
	v12 =	vor.u32 $0x35, v58;
	v17 =	vor.u32 $0x34, v60;
	v25 =	vld [tilespmem:s29+$0x0];
	s29 =	sor.u32 s0, s28;
	s28 =	sor.u32 $0x6180, s12  }
0x2dd: {  	v55 =	vand.u32 $0xFFFFFFC0, v32;
	v9 =	vand.u32 $0xFFFFFFC0, v59;
	v61 =	vand.u32 $0xFFFFFFC0, v14;
	v29 =	vld [tilespmem:s29+$0x0];
	[smem:$0x7C3] =	sst s28;
	s29 =	sor.u32 s0, s28;
	s28 =	sor.u32 $0x6300, s12  }
0x2de: {  	v62 =	vand.u32 $0xFFFFFFC0, v16;
	v45 =	vor.u32 $0x23, v55;
	v58 =	vand.u32 $0xFFFFFFC0, v36;
	v31 =	vld [tilespmem:s29+$0x0];
	[smem:$0x7C6] =	sst s28;
	s29 =	sor.u32 s0, s28;
	s28 =	sor.u32 $0x8080, s12  }
0x2df: {  	v60 =	vand.u32 $0xFFFFFFC0, v38;
	v16 =	vor.u32 $0x33, v61;
	v18 =	vor.u32 $0x32, v62;
	v35 =	vld [tilespmem:s29+$0x0];
	[smem:$0x7C9] =	sst s28;
	s29 =	sor.u32 s0, s28;
	s28 =	sor.u32 $0x8200, s12  }
0x2e0: {  	[smem:$0x7CD] =	sst s30;
	s30 =	sor.u32 $0xA000, s12;
	v55 =	vor.u32 $0x20, v58;
	v10 =	vand.u32 $0xFFFFFFC0, v63;
	v63 =	vand.u32 $0xFFFFFFC0, v47;
	v37 =	vld [tilespmem:s29+$0x0];
	s29 =	sor.u32 s0, s28  }
0x2e1: {  	s19 =	sor.u32 s0, s30;
	v33 =	vand.u32 $0xFFFFFFC0, v19;
	v40 =	vand.u32 $0xFFFFFFC0, v20;
	v62 =	vand.u32 $0xFFFFFFC0, v46;
	[smem:$0x7CC] =	sst s28;
	s28 =	sor.u32 $0x8380, s12;
	v39 =	vld [tilespmem:s29+$0x0]  }
0x2e2: {  	[smem:$0x7CE] =	sst s21;
	s21 =	sor.u32 $0xA080, s12;
	v19 =	vor.u32 $0x31, v33;
	v48 =	vand.u32 $0xFFFFFFC0, v25;
	s29 =	sor.u32 s0, s28;
	v25 =	vor.u32 $0x2A, v49;
	v49 =	vld [tilespmem:s19+$0x0]  }
0x2e3: {  	s24 =	sor.u32 s0, s21;
	[smem:$0x7D0] =	sst s30;
	s30 =	sor.u32 $0xA180, s12;
	v20 =	vor.u32 $0x30, v40;
	v40 =	vor.u32 $0x1F, v9;
	v53 =	vor.u32 $0x1A, v62;
	v27 =	vld [tilespmem:s29+$0x0]  }
0x2e4: {  	v21 =	vand.u32 $0xFFFFFFC0, v21;
	v41 =	vand.u32 $0xFFFFFFC0, v22;
	[smem:$0x7CF] =	sst s28;
	s28 =	sor.u32 $0xA100, s12;
	s19 =	sor.u32 s0, s30;
	v52 =	vand.u32 $0xFFFFFFC0, v29;
	v29 =	vld [tilespmem:s24+$0x0]  }
0x2e5: {  	[smem:$0x7D1] =	sst s21;
	s21 =	sor.u32 $0xA200, s12;
	v13 =	vor.u32 $0x2F, v21;
	v21 =	vor.u32 $0x2E, v41;
	v43 =	vand.u32 $0xFFFFFFC0, v24;
	s29 =	sor.u32 s0, s28;
	v32 =	vld [tilespmem:s19+$0x0]  }
0x2e6: {  	[smem:$0x7D3] =	sst s30;
	v42 =	vand.u32 $0xFFFFFFC0, v23;
	v22 =	vor.u32 $0x2C, v43;
	v43 =	vor.u32 $0x26, v0;
	s30 =	sor.u32 $0xA300, s12;
	s24 =	sor.u32 s0, s21;
	v0 =	vld [tilespmem:s29+$0x0]  }
0x2e7: {  	v41 =	vor.u32 $0x1D, v10;
	v24 =	vor.u32 $0x29, v50;
	v14 =	vor.u32 $0x2D, v42;
	[smem:$0x7D2] =	sst s28;
	s28 =	sor.u32 $0xA280, s12;
	s19 =	sor.u32 s0, s30;
	v28 =	vld [tilespmem:s24+$0x0]  }
0x2e8: {  	[smem:$0x7D4] =	sst s21;
	v23 =	vor.u32 $0x2B, v48;
	s21 =	sor.u32 $0xA380, s12;
	v33 =	vor.u32 $0x27, v52;
	v54 =	vand.u32 $0xFFFFFFC0, v31;
	s29 =	sor.u32 s0, s28;
	v30 =	vld [tilespmem:s19+$0x0]  }
0x2e9: {  	[smem:$0x7D6] =	sst s30;
	s30 =	sor.u32 $0xC080, s12;
	s24 =	sor.u32 s0, s21;
	v52 =	vor.u32 $0x1C, v60;
	v48 =	vor.u32 $0x24, v54;
	v57 =	vand.u32 $0xFFFFFFC0, v35;
	v35 =	vld [tilespmem:s29+$0x0]  }
0x2ea: {  	[smem:$0x7D5] =	sst s28;
	s28 =	sor.u32 $0xC000, s12;
	s19 =	sor.u32 s0, s30;
	v54 =	vor.u32 $0x22, v56;
	v34 =	vld [tilespmem:s24+$0x0];
	v56 =	vor.u32 $0x19, v63;
	v59 =	vand.u32 $0xFFFFFFC0, v37  }
0x2eb: {  	[smem:$0x7D7] =	sst s21;
	s21 =	sor.u32 $0xC100, s12;
	s29 =	sor.u32 s0, s28;
	v58 =	vld [tilespmem:s19+$0x0];
	v50 =	vor.u32 $0x21, v57;
	v42 =	vor.u32 $0x1E, v59;
	v61 =	vand.u32 $0xFFFFFFC0, v39  }
0x2ec: {  	[smem:$0x7D9] =	sst s30;
	s30 =	sor.u32 $0xC200, s12;
	s24 =	sor.u32 s0, s21;
	v9 =	vld [tilespmem:s29+$0x0];
	v46 =	vand.u32 $0xFFFFFFC0, v49;
	v51 =	vor.u32 $0x1B, v61;
	v27 =	vand.u32 $0xFFFFFFC0, v27  }
0x2ed: {  	[smem:$0x7D8] =	sst s28;
	s28 =	sor.u32 $0xC180, s12;
	s19 =	sor.u32 s0, s30;
	v10 =	vld [tilespmem:s24+$0x0];
	v31 =	vor.u32 $0x17, v46;
	v47 =	vand.u32 $0xFFFFFFC0, v29;
	v49 =	vand.u32 $0xFFFFFFC0, v32  }
0x2ee: {  	[smem:$0x7DA] =	sst s21;
	s21 =	sor.u32 $0xC280, s12;
	s29 =	sor.u32 s0, s28;
	v36 =	vld [tilespmem:s19+$0x0];
	v57 =	vor.u32 $0x18, v27;
	v0 =	vand.u32 $0xFFFFFFC0, v0;
	v38 =	vor.u32 $0x16, v47  }
0x2ef: {  	s24 =	sor.u32 s0, s21;
	v59 =	vld [tilespmem:s29+$0x0];
	v39 =	vor.u32 $0x14, v49;
	v61 =	vand.u32 $0xFFFFFFC0, v28;
	v63 =	vand.u32 $0xFFFFFFC0, v30  }
0x2f0: {  	[smem:$0x7DB] =	sst s28;
	s28 =	sor.u32 $0xC300, s12;
	v60 =	vld [tilespmem:s24+$0x0];
	v37 =	vor.u32 $0x15, v0;
	v62 =	vand.u32 $0xFFFFFFC0, v35;
	v46 =	vor.u32 $0x13, v61  }
0x2f1: {  	[smem:$0x7DC] =	sst s30;
	s30 =	sor.u32 $0xC380, s12;
	s29 =	sor.u32 s0, s28;
	v47 =	vor.u32 $0x11, v63;
	v34 =	vand.u32 $0xFFFFFFC0, v34;
	v32 =	vand.u32 $0xFFFFFFC0, v58  }
0x2f2: {  	[smem:$0x7DD] =	sst s21;
	s19 =	sor.u32 s0, s30;
	s21 =	sor.u32 $0xE000, s12;
	v0 =	vld [tilespmem:s29+$0x0];
	v49 =	vor.u32 $0x12, v62;
	v9 =	vand.u32 $0xFFFFFFC0, v9;
	v58 =	vor.u32 $0x10, v34  }
0x2f3: {  	[smem:$0x7DE] =	sst s28;
	s24 =	sor.u32 s0, s21;
	s28 =	sor.u32 $0xE080, s12;
	v35 =	vld [tilespmem:s19+$0x0];
	v28 =	vor.u32 $0xE, v32;
	v34 =	vand.u32 $0xFFFFFFC0, v10;
	v63 =	vand.u32 $0xFFFFFFC0, v36  }
0x2f4: {  	v61 =	vld [tilespmem:s24+$0x0];
	s29 =	sor.u32 s0, s28;
	v27 =	vor.u32 $0xF, v9;
	v59 =	vand.u32 $0xFFFFFFC0, v59;
	v29 =	vor.u32 $0xD, v34  }
0x2f5: {  	v62 =	vld [tilespmem:s29+$0x0];
	v34 =	vand.u32 $0xFFFFFFC0, v60;
	v60 =	vmax.f32 v3, v5;
	v3 =	vmin.f32 v3, v5  }
0x2f6: {  	v32 =	vor.u32 $0xC, v59;
	v59 =	vmax.f32 v1, v2;
	v1 =	vmin.f32 v1, v2  }
0x2f7: {  	v30 =	vor.u32 $0xB, v63;
	v63 =	vmax.f32 v1, v3;
	v3 =	vmin.f32 v1, v3  }
0x2f8: {  	v0 =	vand.u32 $0xFFFFFFC0, v0;
	v36 =	vand.u32 $0xFFFFFFC0, v35;
	v35 =	vor.u32 $0xA, v34  }
0x2f9: {  	v9 =	vand.u32 $0xFFFFFFC0, v61;
	v61 =	vmax.f32 v4, v7;
	v4 =	vmin.f32 v4, v7  }
0x2fa: {  	v34 =	vor.u32 $0x9, v0;
	v10 =	vand.u32 $0xFFFFFFC0, v62;
	v62 =	vmax.f32 v6, v8  }
0x2fb: {  	v6 =	vmin.f32 v6, v8;
	v8 =	vmax.f32 v59, v60;
	v0 =	vmin.f32 v59, v60  }
0x2fc: {  	v59 =	vmax.f32 v61, v62;
	v60 =	vmin.f32 v61, v62;
	v61 =	vmax.f32 v4, v6  }
0x2fd: {  	v4 =	vmin.f32 v4, v6;
	v62 =	vmax.f32 v63, v0;
	v0 =	vmin.f32 v63, v0  }
0x2fe: {  	v63 =	vmax.f32 v61, v60;
	v5 =	vmin.f32 v61, v60;
	v60 =	vmax.f32 v8, v59  }
0x2ff: {  	v61 =	vmin.f32 v8, v59;
	v8 =	vmax.f32 v62, v63;
	v6 =	vmin.f32 v62, v63  }
0x300: {  	v62 =	vmax.f32 v0, v5;
	v63 =	vmax.f32 v3, v4;
	v4 =	vmin.f32 v3, v4  }
0x301: {  	v36 =	vor.u32 $0x8, v36;
	v0 =	vmin.f32 v0, v5;
	[tilespmem:$0x1FDD0] =	vst v4;
	v4 =	vmax.f32 v62, v61  }
0x302: {  	[tilespmem:$0x1FDC0] =	vst v60;
	v7 =	vmin.f32 v62, v61;
	v59 =	vmax.f32 v63, v6;
	v60 =	vmin.f32 v63, v6  }
0x303: {  	v61 =	vmax.f32 v12, v17;
	v12 =	vmin.f32 v12, v17;
	v62 =	vmax.f32 v16, v18  }
0x304: {  	v16 =	vmin.f32 v16, v18;
	v63 =	vmax.f32 v19, v20;
	v19 =	vmin.f32 v19, v20  }
0x305: {  	v3 =	vmax.f32 v8, v4;
	v4 =	vmin.f32 v8, v4;
	v5 =	vmax.f32 v59, v7  }
0x306: {  	v6 =	vmin.f32 v59, v7;
	v7 =	vmax.f32 v60, v0;
	v8 =	vmin.f32 v60, v0  }
0x307: {  	v60 =	vmax.f32 v11, v15;
	v11 =	vmin.f32 v11, v15;
	v59 =	vmax.f32 v62, v63  }
0x308: {  	v20 =	vmax.f32 v60, v61;
	v0 =	vmin.f32 v60, v61;
	v60 =	vmax.f32 v11, v12  }
0x309: {  	v12 =	vmin.f32 v11, v12;
	v61 =	vmin.f32 v62, v63;
	v62 =	vmax.f32 v16, v19  }
0x30a: {  	v16 =	vmin.f32 v16, v19;
	v63 =	vmax.f32 v60, v0;
	v0 =	vmin.f32 v60, v0  }
0x30b: {  	v60 =	vmax.f32 v62, v61;
	v17 =	vmin.f32 v62, v61;
	v11 =	vmax.f32 v20, v59  }
0x30c: {  	v61 =	vmin.f32 v20, v59;
	v15 =	vmin.f32 v12, v16;
	v20 =	vmax.f32 v63, v60  }
0x30d: {  	v18 =	vmin.f32 v63, v60;
	v62 =	vmax.f32 v0, v17;
	v0 =	vmin.f32 v0, v17  }
0x30e: {  	v63 =	vmax.f32 v12, v16;
	v60 =	vmax.f32 v13, v21;
	v13 =	vmin.f32 v13, v21  }
0x30f: {  	v16 =	vmax.f32 v62, v61;
	v19 =	vmin.f32 v62, v61;
	v1 =	vmax.f32 v63, v18  }
0x310: {  	v2 =	vmin.f32 v63, v18;
	v61 =	vmax.f32 v14, v22;
	v14 =	vmin.f32 v14, v22  }
0x311: {  	v62 =	vmax.f32 v23, v25;
	v23 =	vmin.f32 v23, v25;
	v63 =	vmax.f32 v24, v26  }
0x312: {  	v24 =	vmin.f32 v24, v26;
	v12 =	vmax.f32 v20, v16;
	v16 =	vmin.f32 v20, v16  }
0x313: {  	v17 =	vmax.f32 v1, v19;
	v18 =	vmin.f32 v1, v19;
	v19 =	vmax.f32 v2, v0  }
0x314: {  	v20 =	vmin.f32 v2, v0;
	v26 =	vmax.f32 v60, v61;
	v0 =	vmin.f32 v60, v61  }
0x315: {  	v2 =	vmax.f32 v13, v14;
	v14 =	vmin.f32 v13, v14;
	v60 =	vmax.f32 v62, v63  }
0x316: {  	v61 =	vmin.f32 v62, v63;
	v62 =	vmax.f32 v23, v24;
	v23 =	vmin.f32 v23, v24  }
0x317: {  	v63 =	vmax.f32 v2, v0;
	v0 =	vmin.f32 v2, v0;
	v2 =	vmax.f32 v62, v61  }
0x318: {  	v22 =	vmin.f32 v62, v61;
	v13 =	vmax.f32 v26, v60;
	v59 =	vmin.f32 v26, v60  }
0x319: {  	v62 =	vmax.f32 v14, v23;
	v14 =	vmin.f32 v14, v23;
	v3 =	vmax.f32 v3, v20  }
0x31a: {  	v4 =	vmax.f32 v4, v19;
	v5 =	vmax.f32 v5, v18;
	v6 =	vmax.f32 v6, v17  }
0x31b: {  	v7 =	vmax.f32 v7, v16;
	v8 =	vmax.f32 v8, v12;
	v60 =	vmax.f32 v63, v2  }
0x31c: {  	v21 =	vmin.f32 v63, v2;
	v61 =	vmax.f32 v0, v22;
	v0 =	vmin.f32 v0, v22  }
0x31d: {  	v19 =	vmax.f32 v3, v7;
	v3 =	vmin.f32 v3, v7;
	v20 =	vmax.f32 v4, v8  }
0x31e: {  	v4 =	vmin.f32 v4, v8;
	v63 =	vmax.f32 v61, v59;
	v24 =	vmin.f32 v61, v59  }
0x31f: {  	v1 =	vmax.f32 v62, v21;
	v2 =	vmin.f32 v62, v21;
	v61 =	vmax.f32 v44, v48  }
0x320: {  	v44 =	vmin.f32 v44, v48;
	v62 =	vmax.f32 v45, v54;
	v45 =	vmin.f32 v45, v54  }
0x321: {  	v21 =	vmax.f32 v60, v63;
	v22 =	vmin.f32 v60, v63;
	v23 =	vmax.f32 v1, v24  }
0x322: {  	v24 =	vmin.f32 v1, v24;
	v25 =	vmax.f32 v2, v0;
	v26 =	vmin.f32 v2, v0  }
0x323: {  	v60 =	vmax.f32 v33, v43;
	v33 =	vmin.f32 v33, v43;
	v63 =	vmax.f32 v50, v55  }
0x324: {  	v17 =	vld [tilespmem:$0x1FDD0];
	v50 =	vmin.f32 v50, v55;
	v55 =	vmax.f32 v60, v61;
	v0 =	vmin.f32 v60, v61  }
0x325: {  	v2 =	vmax.f32 v33, v44;
	v44 =	vmin.f32 v33, v44;
	v60 =	vmax.f32 v62, v63  }
0x326: {  	v61 =	vmin.f32 v62, v63;
	v62 =	vmax.f32 v45, v50;
	v45 =	vmin.f32 v45, v50  }
0x327: {  	v63 =	vmax.f32 v2, v0;
	v0 =	vmin.f32 v2, v0;
	v2 =	vmax.f32 v62, v61  }
0x328: {  	v48 =	vmin.f32 v62, v61;
	v33 =	vmax.f32 v55, v60;
	v59 =	vmin.f32 v55, v60  }
0x329: {  	v62 =	vmax.f32 v44, v45;
	v44 =	vmin.f32 v44, v45;
	v11 =	vmax.f32 v17, v11  }
0x32a: {  	v60 =	vmax.f32 v63, v2;
	v43 =	vmin.f32 v63, v2;
	v61 =	vmax.f32 v0, v48  }
0x32b: {  	v0 =	vmin.f32 v0, v48;
	v14 =	vmax.f32 v14, v33;
	v63 =	vmax.f32 v61, v59  }
0x32c: {  	v50 =	vmin.f32 v61, v59;
	v1 =	vmax.f32 v62, v43;
	v2 =	vmin.f32 v62, v43  }
0x32d: {  	v61 =	vmax.f32 v41, v52;
	v41 =	vmin.f32 v41, v52;
	v62 =	vmax.f32 v51, v53  }
0x32e: {  	v51 =	vmin.f32 v51, v53;
	v43 =	vmax.f32 v60, v63;
	v45 =	vmin.f32 v60, v63  }
0x32f: {  	v48 =	vmax.f32 v1, v50;
	v50 =	vmin.f32 v1, v50;
	v54 =	vmax.f32 v2, v0  }
0x330: {  	v55 =	vmin.f32 v2, v0;
	v60 =	vmax.f32 v40, v42;
	v40 =	vmin.f32 v40, v42  }
0x331: {  	v63 =	vmax.f32 v56, v57;
	v56 =	vmin.f32 v56, v57;
	v57 =	vmax.f32 v60, v61  }
0x332: {  	v0 =	vmin.f32 v60, v61;
	v2 =	vmax.f32 v40, v41;
	v41 =	vmin.f32 v40, v41  }
0x333: {  	v60 =	vmax.f32 v62, v63;
	v61 =	vmin.f32 v62, v63;
	v62 =	vmax.f32 v51, v56  }
0x334: {  	v51 =	vmin.f32 v51, v56;
	v50 =	vmax.f32 v23, v50;
	v63 =	vmax.f32 v2, v0  }
0x335: {  	v0 =	vmin.f32 v2, v0;
	v2 =	vmax.f32 v62, v61;
	v52 =	vmin.f32 v62, v61  }
0x336: {  	v40 =	vmax.f32 v57, v60;
	v56 =	vmin.f32 v57, v60;
	v62 =	vmax.f32 v41, v51  }
0x337: {  	v41 =	vmin.f32 v41, v51;
	v33 =	vmax.f32 v50, v14;
	v14 =	vmin.f32 v50, v14  }
0x338: {  	v60 =	vmax.f32 v63, v2;
	v42 =	vmin.f32 v63, v2;
	v61 =	vmax.f32 v0, v52  }
0x339: {  	v0 =	vmin.f32 v0, v52;
	v63 =	vmax.f32 v61, v56;
	v53 =	vmin.f32 v61, v56  }
0x33a: {  	v1 =	vmax.f32 v62, v42;
	v2 =	vmin.f32 v62, v42;
	v61 =	vmax.f32 v37, v39  }
0x33b: {  	v37 =	vmin.f32 v37, v39;
	v62 =	vmax.f32 v46, v49;
	v46 =	vmin.f32 v46, v49  }
0x33c: {  	v42 =	vmax.f32 v60, v63;
	v51 =	vmin.f32 v60, v63;
	v52 =	vmax.f32 v1, v53  }
0x33d: {  	v53 =	vmin.f32 v1, v53;
	v56 =	vmax.f32 v2, v0;
	v57 =	vmin.f32 v2, v0  }
0x33e: {  	v60 =	vmax.f32 v31, v38;
	v31 =	vmin.f32 v31, v38;
	v63 =	vmax.f32 v47, v58  }
0x33f: {  	v47 =	vmin.f32 v47, v58;
	v58 =	vmax.f32 v60, v61;
	v0 =	vmin.f32 v60, v61  }
0x340: {  	v60 =	vmax.f32 v31, v37;
	v37 =	vmin.f32 v31, v37;
	v59 =	vmax.f32 v62, v63  }
0x341: {  	v61 =	vmin.f32 v62, v63;
	v62 =	vmax.f32 v46, v47;
	v46 =	vmin.f32 v46, v47  }
0x342: {  	v63 =	vmax.f32 v60, v0;
	v0 =	vmin.f32 v60, v0;
	v60 =	vmax.f32 v62, v61  }
0x343: {  	v39 =	vmin.f32 v62, v61;
	v31 =	vmax.f32 v58, v59;
	v61 =	vmin.f32 v58, v59  }
0x344: {  	v38 =	vmin.f32 v37, v46;
	v58 =	vmax.f32 v63, v60;
	v47 =	vmin.f32 v63, v60  }
0x345: {  	v62 =	vmax.f32 v0, v39;
	v0 =	vmin.f32 v0, v39;
	v63 =	vmax.f32 v37, v46  }
0x346: {  	v60 =	vmax.f32 v34, v36;
	v34 =	vmin.f32 v34, v36;
	v31 =	vmax.f32 v41, v31  }
0x347: {  	v46 =	vmax.f32 v62, v61;
	v49 =	vmin.f32 v62, v61;
	v1 =	vmax.f32 v63, v47  }
0x348: {  	v2 =	vmin.f32 v63, v47;
	v61 =	vmax.f32 v27, v28;
	v27 =	vmin.f32 v27, v28  }
0x349: {  	v62 =	vmax.f32 v29, v32;
	v29 =	vmin.f32 v29, v32;
	v63 =	vmax.f32 v30, v35  }
0x34a: {  	v30 =	vmin.f32 v30, v35;
	v37 =	vmax.f32 v58, v46;
	v39 =	vmin.f32 v58, v46  }
0x34b: {  	v46 =	vmax.f32 v1, v49;
	v47 =	vmin.f32 v1, v49;
	v49 =	vmax.f32 v2, v0  }
0x34c: {  	v58 =	vmin.f32 v2, v0;
	v36 =	vmax.f32 v61, v62;
	v0 =	vmin.f32 v61, v62  }
0x34d: {  	v61 =	vmax.f32 v27, v29;
	v29 =	vmin.f32 v27, v29;
	v59 =	vmax.f32 v63, v60  }
0x34e: {  	v62 =	vmin.f32 v63, v60;
	v63 =	vmax.f32 v30, v34;
	v30 =	vmin.f32 v30, v34  }
0x34f: {  	v60 =	vmax.f32 v61, v0;
	v0 =	vmin.f32 v61, v0;
	v61 =	vmax.f32 v63, v62  }
0x350: {  	s24 =	sor.u32 $0xE100, s12;
	v32 =	vmin.f32 v63, v62;
	v27 =	vmax.f32 v36, v59;
	v35 =	vmin.f32 v36, v59  }
0x351: {  	[smem:$0x7DF] =	sst s30;
	s19 =	sor.u32 $0xE180, s12;
	s30 =	sor.u32 s0, s24;
	v28 =	vmin.f32 v29, v30;
	v50 =	vmax.f32 v42, v58;
	v51 =	vmax.f32 v51, v49  }
0x352: {  	[dreg:$0x1a] =	wrdreg s21;
	s21 =	sor.u32 s0, s19;
	v36 =	vld [tilespmem:s30+$0x0];
	s30 =	sor.u32 $0xE200, s12;
	v56 =	vmax.f32 v56, v39;
	v57 =	vmax.f32 v57, v37;
	v59 =	vmax.f32 v60, v61  }
0x353: {  	[dreg:$0x1c] =	wrdreg s28;
	s29 =	sor.u32 $0xE280, s12;
	v34 =	vmin.f32 v60, v61;
	v60 =	vmax.f32 v0, v32;
	v61 =	vld [tilespmem:s21+$0x0];
	v62 =	vmin.f32 v0, v32;
	s28 =	sor.u32 s0, s30  }
0x354: {  	v0 =	vmax.f32 v29, v30;
	s21 =	sor.u32 s0, s29;
	v23 =	vmin.f32 v51, v57;
	v63 =	vld [tilespmem:s28+$0x0];
	v29 =	vmax.f32 v60, v35  }
0x355: {  	v32 =	vmin.f32 v60, v35;
	v35 =	vmax.f32 v0, v34;
	s28 =	sor.u32 $0xE300, s12;
	v60 =	vld [tilespmem:s21+$0x0];
	v0 =	vmin.f32 v0, v34  }
0x356: {  	s17 =	sor.u32 $0xE380, s12;
	v2 =	vmax.f32 v59, v29;
	v29 =	vmin.f32 v59, v29;
	s21 =	sor.u32 s0, s28;
	v30 =	vmax.f32 v35, v32  }
0x357: {  	s0 =	sor.u32 s0, s17;
	v32 =	vmin.f32 v35, v32;
	v34 =	vmax.f32 v0, v62;
	v35 =	vmin.f32 v0, v62;
	v59 =	vld [tilespmem:s21+$0x0]  }
0x358: {  	v0 =	vor.u32 $0x7, v9;
	v9 =	vor.u32 $0x6, v10;
	v1 =	vld [tilespmem:s0+$0x0];
	v10 =	vand.u32 $0xFFFFFFC0, v36  }
0x359: {  	v36 =	vand.u32 $0xFFFFFFC0, v61;
	v61 =	vmax.f32 v0, v9;
	v0 =	vmin.f32 v0, v9  }
0x35a: {  	v9 =	vor.u32 $0x5, v10;
	v62 =	vor.u32 $0x4, v36;
	v60 =	vand.u32 $0xFFFFFFC0, v60  }
0x35b: {  	v36 =	vmax.f32 v9, v62;
	v9 =	vmin.f32 v9, v62;
	v62 =	vand.u32 $0xFFFFFFC0, v63  }
0x35c: {  	v60 =	vor.u32 $0x2, v60;
	v10 =	vor.u32 $0x3, v62;
	v59 =	vand.u32 $0xFFFFFFC0, v59  }
0x35d: {  	v1 =	vand.u32 $0xFFFFFFC0, v1;
	v59 =	vor.u32 $0x1, v59;
	v62 =	vmax.f32 v10, v60  }
0x35e: {  	v63 =	vld [tilespmem:$0x1FDC0];
	v10 =	vmin.f32 v10, v60;
	v60 =	vmax.f32 v59, v1;
	v1 =	vmin.f32 v59, v1  }
0x35f: {  	v59 =	vmax.f32 v61, v36;
	v36 =	vmin.f32 v61, v36;
	v61 =	vmax.f32 v0, v9  }
0x360: {  	v0 =	vmin.f32 v0, v9;
	v9 =	vmax.f32 v62, v60;
	v60 =	vmin.f32 v62, v60  }
0x361: {  	v62 =	vmax.f32 v10, v1;
	v1 =	vmin.f32 v10, v1;
	v10 =	vmax.f32 v61, v36  }
0x362: {  	v36 =	vmin.f32 v61, v36;
	v61 =	vmax.f32 v62, v60;
	v60 =	vmin.f32 v62, v60  }
0x363: {  	v62 =	vmax.f32 v59, v9;
	v9 =	vmin.f32 v59, v9;
	v15 =	vmax.f32 v63, v15  }
0x364: {  	v59 =	vmax.f32 v10, v61;
	v10 =	vmin.f32 v10, v61;
	v61 =	vmax.f32 v36, v60  }
0x365: {  	v36 =	vmin.f32 v36, v60;
	v60 =	vmax.f32 v0, v1;
	v0 =	vmin.f32 v0, v1  }
0x366: {  	v18 =	vmax.f32 v15, v6;
	v6 =	vmin.f32 v15, v6;
	v28 =	vmax.f32 v28, v62  }
0x367: {  	v1 =	vmax.f32 v61, v9;
	v9 =	vmin.f32 v61, v9;
	v61 =	vmax.f32 v60, v10  }
0x368: {  	v10 =	vmin.f32 v60, v10;
	v63 =	vmax.f32 v18, v20;
	v7 =	vmin.f32 v18, v20  }
0x369: {  	v0 =	vmax.f32 v27, v0;
	v60 =	vmax.f32 v59, v1;
	v1 =	vmin.f32 v59, v1  }
0x36a: {  	v59 =	vmax.f32 v61, v9;
	v9 =	vmin.f32 v61, v9;
	v61 =	vmax.f32 v10, v36  }
0x36b: {  	v10 =	vmin.f32 v10, v36;
	v36 =	vmax.f32 v5, v11;
	v5 =	vmin.f32 v5, v11  }
0x36c: {  	v18 =	vmax.f32 v19, v36;
	v8 =	vmin.f32 v19, v36;
	v19 =	vmax.f32 v6, v4  }
0x36d: {  	v4 =	vmin.f32 v6, v4;
	v20 =	vmax.f32 v3, v5;
	v3 =	vmin.f32 v3, v5  }
0x36e: {  	v36 =	vmax.f32 v21, v55;
	v55 =	vmax.f32 v25, v45;
	v2 =	vmax.f32 v2, v10  }
0x36f: {  	v9 =	vmax.f32 v30, v9;
	v1 =	vmax.f32 v34, v1;
	v49 =	vmax.f32 v35, v60  }
0x370: {  	v5 =	vmax.f32 v63, v18;
	v11 =	vmin.f32 v63, v18;
	v12 =	vmax.f32 v7, v8  }
0x371: {  	v7 =	vmin.f32 v7, v8;
	v8 =	vmax.f32 v19, v20;
	v6 =	vmin.f32 v19, v20  }
0x372: {  	v15 =	vmax.f32 v4, v3;
	v3 =	vmin.f32 v4, v3;
	v4 =	vmax.f32 v13, v44  }
0x373: {  	v44 =	vmax.f32 v22, v54;
	v54 =	vmax.f32 v24, v48;
	v63 =	vmax.f32 v26, v43  }
0x374: {  	v25 =	vmax.f32 v36, v55;
	v13 =	vmin.f32 v36, v55;
	v48 =	vmax.f32 v40, v38  }
0x375: {  	v55 =	vmax.f32 v53, v46;
	v22 =	vmin.f32 v50, v56;
	v40 =	vmax.f32 v51, v57  }
0x376: {  	v51 =	vmax.f32 v2, v1;
	v1 =	vmin.f32 v2, v1;
	v53 =	vmax.f32 v9, v28  }
0x377: {  	v9 =	vmin.f32 v9, v28;
	v24 =	vmax.f32 v4, v54;
	v4 =	vmin.f32 v4, v54  }
0x378: {  	v26 =	vmax.f32 v44, v63;
	v16 =	vmin.f32 v44, v63;
	v43 =	vmax.f32 v25, v33  }
0x379: {  	v18 =	vmin.f32 v25, v33;
	v45 =	vmax.f32 v13, v14;
	v13 =	vmin.f32 v13, v14  }
0x37a: {  	v54 =	vmax.f32 v52, v47;
	v58 =	vmax.f32 v48, v55;
	v63 =	vmax.f32 v50, v56  }
0x37b: {  	v47 =	vmax.f32 v29, v61;
	v57 =	vmax.f32 v1, v9;
	v1 =	vmin.f32 v1, v9  }
0x37c: {  	v29 =	vlaneseq.u32;
	v36 =	vmax.f32 v24, v26;
	v19 =	vmin.f32 v24, v26  }
0x37d: {  	v44 =	vmax.f32 v4, v16;
	v4 =	vmin.f32 v4, v16;
	v41 =	vmax.f32 v54, v31  }
0x37e: {  	v24 =	vmin.f32 v54, v31;
	v42 =	vmax.f32 v58, v40;
	v26 =	vmin.f32 v58, v40  }
0x37f: {  	v52 =	vmax.f32 v47, v49;
	v10 =	vmin.f32 v47, v49;
	v14 =	vmax.f32 v36, v43  }
0x380: {  	v17 =	vmin.f32 v36, v43;
	v21 =	vmax.f32 v19, v18;
	v18 =	vmin.f32 v19, v18  }
0x381: {  	v19 =	vmax.f32 v44, v45;
	v16 =	vmin.f32 v44, v45;
	v20 =	vmax.f32 v4, v13  }
0x382: {  	v4 =	vmin.f32 v4, v13;
	v13 =	vmin.f32 v48, v55;
	v43 =	vmax.f32 v63, v41  }
0x383: {  	v25 =	vmin.f32 v63, v41;
	v45 =	vmax.f32 v22, v24;
	v22 =	vmin.f32 v22, v24  }
0x384: {  	v48 =	vmax.f32 v32, v59;
	v55 =	vmax.f32 v51, v53;
	v44 =	vmax.f32 v13, v23  }
0x385: {  	v13 =	vmin.f32 v13, v23;
	v46 =	vmax.f32 v42, v43;
	v31 =	vmin.f32 v42, v43  }
0x386: {  	v36 =	vmax.f32 v26, v25;
	v25 =	vmin.f32 v26, v25;
	v50 =	vmax.f32 v0, v48  }
0x387: {  	v0 =	vmin.f32 v0, v48;
	v62 =	vmax.f32 v5, v4;
	v63 =	vmax.f32 v11, v20  }
0x388: {  	v20 =	vmax.f32 v12, v16;
	v7 =	vmax.f32 v7, v19;
	v8 =	vmax.f32 v8, v18  }
0x389: {  	v6 =	vmax.f32 v6, v21;
	v30 =	vmax.f32 v15, v17;
	v3 =	vmax.f32 v3, v14  }
0x38a: {  	v26 =	vmax.f32 v44, v45;
	v23 =	vmin.f32 v44, v45;
	v33 =	vmax.f32 v13, v22  }
0x38b: {  	v13 =	vmin.f32 v13, v22;
	v54 =	vmax.f32 v50, v52;
	v2 =	vmin.f32 v50, v52  }
0x38c: {  	v22 =	vmin.f32 v51, v53;
	v56 =	vmax.f32 v0, v10;
	v0 =	vmin.f32 v0, v10  }
0x38d: {  	v32 =	vmax.f32 v62, v8;
	v34 =	vmax.f32 v63, v6;
	v4 =	vmin.f32 v63, v6  }
0x38e: {  	v35 =	vmax.f32 v20, v30;
	v5 =	vmin.f32 v20, v30;
	v37 =	vmax.f32 v7, v3  }
0x38f: {  	v3 =	vmin.f32 v7, v3;
	v30 =	vor.u32 s22, v29;
	v58 =	vmax.f32 v54, v55  }
0x390: {  	v28 =	vmin.f32 v54, v55;
	v59 =	vmax.f32 v2, v22;
	v2 =	vmin.f32 v2, v22  }
0x391: {  	v60 =	vmax.f32 v56, v57;
	v10 =	vmin.f32 v56, v57;
	v61 =	vmax.f32 v0, v1  }
0x392: {  	v0 =	vmin.f32 v0, v1;
	v1 =	vmin.f32 v62, v8;
	v38 =	vmax.f32 v32, v35  }
0x393: {  	v6 =	vmin.f32 v32, v35;
	v39 =	vmax.f32 v34, v37;
	v8 =	vmin.f32 v34, v37  }
0x394: {  	v41 =	vmax.f32 v4, v3;
	v3 =	vmin.f32 v4, v3;
	v40 =	vmax.f32 v1, v5  }
0x395: {  	v1 =	vmin.f32 v1, v5;
	v42 =	vmax.f32 v38, v39;
	v7 =	vmin.f32 v38, v39  }
0x396: {  	v43 =	vmax.f32 v6, v8;
	v6 =	vmin.f32 v6, v8;
	v0 =	vmax.f32 v46, v0  }
0x397: {  	v46 =	vmax.f32 v31, v61;
	v10 =	vmax.f32 v36, v10;
	v47 =	vmax.f32 v25, v60  }
0x398: {  	v2 =	vmax.f32 v26, v2;
	v48 =	vmax.f32 v23, v59;
	v49 =	vmax.f32 v33, v28  }
0x399: {  	v9 =	vmax.f32 v13, v58;
	v28 =	vmov s22;
	v44 =	vmax.f32 v40, v41  }
0x39a: {  	v5 =	vmin.f32 v40, v41;
	v45 =	vmax.f32 v1, v3;
	v1 =	vmin.f32 v1, v3  }
0x39b: {  	v50 =	vmax.f32 v0, v2;
	v0 =	vmin.f32 v0, v2;
	v51 =	vmax.f32 v46, v48  }
0x39c: {  	v3 =	vmin.f32 v46, v48;
	v52 =	vmax.f32 v10, v49;
	v10 =	vmin.f32 v10, v49  }
0x39d: {  	v53 =	vmax.f32 v47, v9;
	v9 =	vmin.f32 v47, v9;
	v54 =	vmax.f32 v50, v52  }
0x39e: {  	v13 =	vmin.f32 v50, v52;
	v55 =	vmax.f32 v51, v53;
	v2 =	vmin.f32 v51, v53  }
0x39f: {  	v56 =	vmax.f32 v0, v10;
	v0 =	vmin.f32 v0, v10;
	v57 =	vmax.f32 v3, v9  }
0x3a0: {  	v3 =	vmin.f32 v3, v9;
	v9 =	vand.u32 $0x6F, v30;
	v58 =	vmax.f32 v54, v55  }
0x3a1: {  	v14 =	vmin.f32 v54, v55;
	v59 =	vmax.f32 v13, v2;
	v2 =	vmin.f32 v13, v2  }
0x3a2: {  	v60 =	vmax.f32 v56, v57;
	v61 =	vmax.f32 v0, v3;
	v0 =	vmin.f32 v0, v3  }
0x3a3: {  	v62 =	vmin.f32 v56, v57;
	v0 =	vmax.f32 v42, v0;
	v63 =	vmax.f32 v7, v61  }
0x3a4: {  	v3 =	vmax.f32 v43, v62;
	v6 =	vmax.f32 v6, v60;
	v2 =	vmax.f32 v44, v2  }
0x3a5: {  	v5 =	vmax.f32 v5, v59;
	v12 =	vmax.f32 v45, v14;
	v1 =	vmax.f32 v1, v58  }
0x3a6: {  	v8 =	vmax.f32 v0, v2;
	v0 =	vmin.f32 v0, v2;
	v13 =	vmax.f32 v63, v5  }
0x3a7: {  	v4 =	vmin.f32 v63, v5;
	v14 =	vmax.f32 v3, v12;
	v3 =	vmin.f32 v3, v12  }
0x3a8: {  	v15 =	vmax.f32 v6, v1;
	v1 =	vmin.f32 v6, v1;
	v16 =	vmax.f32 v8, v14  }
0x3a9: {  	v17 =	vmin.f32 v8, v14;
	v18 =	vmax.f32 v13, v15;
	v2 =	vmin.f32 v13, v15  }
0x3aa: {  	v19 =	vmax.f32 v0, v3;
	v0 =	vmin.f32 v0, v3;
	v20 =	vmax.f32 v4, v1  }
0x3ab: {  	v21 =	vmin.f32 v4, v1;
	v22 =	vmax.f32 v16, v18;
	v23 =	vmin.f32 v16, v18  }
0x3ac: {  	v24 =	vmax.f32 v17, v2;
	v7 =	vmin.f32 v17, v2;
	v25 =	vmax.f32 v19, v20  }
0x3ad: {  	v27 =	vmax.f32 v0, v21;
	v3 =	vmin.f32 v0, v21;
	v0 =	vshll.u32 v28, $0x3  }
0x3ae: {  	v26 =	vmin.f32 v19, v20;
	v31 =	vxor.u32 $0xFFFFFFFF, v22;
	v33 =	vand.u32 $0x1C00, v0  }
0x3af: {  	v35 =	vxor.u32 $0xFFFFFFFF, v23;
	v37 =	vxor.u32 $0xFFFFFFFF, v24;
	v41 =	vxor.u32 $0xFFFFFFFF, v7  }
0x3b0: {  	v46 =	vxor.u32 $0xFFFFFFFF, v25;
	v49 =	vxor.u32 $0xFFFFFFFF, v26;
	v52 =	vxor.u32 $0xFFFFFFFF, v27  }
0x3b1: {  	v57 =	vxor.u32 $0xFFFFFFFF, v3;
	v32 =	vshll.u32 v31, $0xA;
	v10 =	vshll.u32 v31, $0x7  }
0x3b2: {  	v36 =	vshll.u32 v35, $0xA;
	v40 =	vshll.u32 v37, $0xA;
	v13 =	vshll.u32 v37, $0x7  }
0x3b3: {  	v42 =	vshll.u32 v41, $0xA;
	v48 =	vshll.u32 v46, $0xA;
	v50 =	vshll.u32 v49, $0xA  }
0x3b4: {  	v54 =	vshll.u32 v52, $0xA;
	v56 =	vshll.u32 v52, $0x7;
	v59 =	vshll.u32 v57, $0xA  }
0x3b5: {  	v11 =	vand.u32 $0xE000, v32;
	v10 =	vand.u32 $0x380, v10;
	v13 =	vand.u32 $0x380, v13  }
0x3b6: {  	v15 =	vand.u32 $0xE000, v42;
	v51 =	vand.u32 $0xE000, v50;
	v55 =	vand.u32 $0xE000, v54  }
0x3b7: {  	v58 =	vand.u32 $0x380, v56;
	v60 =	vand.u32 $0xE000, v59;
	v34 =	vor.u32 v11, v10  }
0x3b8: {  	v10 =	vshll.u32 v35, $0x7;
	v11 =	vand.u32 $0xE000, v36;
	v0 =	vor.u32 v33, v34  }
0x3b9: {  	v18 =	vor.u32 v55, v58;
	v10 =	vand.u32 $0x380, v10;
	v38 =	vor.u32 v9, v0  }
0x3ba: {  	v39 =	vor.u32 v11, v10;
	v10 =	vand.u32 $0xE000, v40;
	v11 =	vshll.u32 v41, $0x7  }
0x3bb: {  	s0 =	sadd.s32 $0x10, s22;
	v0 =	vor.u32 v33, v39;
	v11 =	vand.u32 $0x380, v11;
	v44 =	vor.u32 v10, v13  }
0x3bc: {  	s21 =	sand.u32 $0x70, s0;
	v43 =	vor.u32 v9, v0;
	v45 =	vor.u32 v15, v11;
	v0 =	vor.u32 v33, v44  }
0x3bd: {  	s5 =	sor.u32 s21, s5;
	v11 =	vshll.u32 v46, $0x7;
	v15 =	vshll.u32 v49, $0x7;
	v10 =	vor.u32 v33, v45  }
0x3be: {  	s3 =	sor.u32 s21, s3;
	v63 =	vld [tilespmem:s5+$0x0];
	v47 =	vor.u32 v9, v0;
	v0 =	vand.u32 $0xE000, v48;
	v11 =	vand.u32 $0x380, v11  }
0x3bf: {  	v4 =	vld [tilespmem:s3+$0x0];
	v15 =	vand.u32 $0x380, v15;
	v10 =	vor.u32 v9, v10;
	v0 =	vor.u32 v0, v11  }
0x3c0: {  	s1 =	sor.u32 s21, s1;
	v11 =	vor.u32 v51, v15;
	v15 =	vshll.u32 v57, $0x7;
	v0 =	vor.u32 v33, v0;
	v14 =	vld.idx.msk [tilespmem:v38+s2+$0x0], $0xffff  }
0x3c1: {  	s3 =	sor.u32 s21, s7;
	s7 =	sor.u32 s21, s11;
	s11 =	sor.u32 s21, s18;
	v11 =	vor.u32 v33, v11;
	v15 =	vand.u32 $0x380, v15;
	v53 =	vor.u32 v9, v0;
	v0 =	vld [tilespmem:s1+$0x0]  }
0x3c2: {  	v18 =	vor.u32 v33, v18;
	v11 =	vor.u32 v9, v11;
	v15 =	vor.u32 v60, v15;
	v60 =	vld [tilespmem:s11+$0x0]  }
0x3c3: {  	v18 =	vor.u32 v9, v18;
	v16 =	vld.idx.msk [tilespmem:v43+s2+$0x0], $0xffff;
	v12 =	vor.u32 v33, v15  }
0x3c4: {  	v13 =	vld.idx.msk [tilespmem:v47+s2+$0x0], $0xffff;
	v9 =	vor.u32 v9, v12  }
0x3c5: {  	v52 =	vimm.s32 $0x0;
	v54 =	vimm.s32 $0x0;
	v63 =	vand.u32 $0xFFFFFFC0, v63;
	v10 =	vld.idx.msk [tilespmem:v10+s2+$0x0], $0xffff  }
0x3c6: {  	v58 =	vimm.s32 $0x0;
	v4 =	vand.u32 $0xFFFFFFC0, v4;
	v21 =	vor.u32 $0x36, v63;
	v61 =	vld.idx.msk [tilespmem:v53+s2+$0x0], $0xffff  }
0x3c7: {  	v19 =	vor.u32 $0x35, v4;
	v49 =	vimm.s32 $0x0;
	v45 =	vimm.s32 $0x0;
	v11 =	vld.idx.msk [tilespmem:v11+s2+$0x0], $0xffff  }
0x3c8: {  	v62 =	vld.idx.msk [tilespmem:v18+s2+$0x0], $0xffff;
	v43 =	vimm.s32 $0x0;
	v47 =	vimm.s32 $0x0;
	v0 =	vand.u32 $0xFFFFFFC0, v0  }
0x3c9: {  	s12 =	sor.u32 s12, s21;
	v60 =	vand.u32 $0xFFFFFFC0, v60;
	vm1 =	vlt.f32 v14, v16;
	v17 =	vor.u32 $0x37, v0;
	v9 =	vld.idx.msk [tilespmem:v9+s2+$0x0], $0xffff  }
0x3ca: {  	v1 =	vsel vm1, $0xFFFFFFFF, v43;
	v44 =	vsel vm1, v16, v14;
	v43 =	vld [tilespmem:s12+$0x200];
	vm0 =	vlt.f32 v13, v10  }
0x3cb: {  	v14 =	vsel vm1, v14, v16;
	[tilespmem:$0x1FE10] =	vst v1;
	v1 =	vsel vm0, $0xFFFFFFFF, v45;
	v46 =	vsel vm0, v10, v13  }
0x3cc: {  	v42 =	vld [tilespmem:s12+$0x180];
	v10 =	vsel vm0, v13, v10;
	vm14 =	vlt.f32 v61, v11;
	vm6 =	vlt.f32 v14, v46  }
0x3cd: {  	s5 =	sor.u32 s21, s4;
	v38 =	vld [tilespmem:s12+$0x80];
	[tilespmem:$0x1FE40] =	vst v1;
	v1 =	vsel vm14, $0xFFFFFFFF, v47;
	v48 =	vsel vm14, v11, v61;
	v11 =	vsel vm14, v61, v11  }
0x3ce: {  	s4 =	sor.u32 s21, s8;
	s8 =	sor.u32 s21, s13;
	s13 =	sand.u32 $0x7, s23;
	v51 =	vsel vm6, v46, v14;
	v14 =	vsel vm6, v14, v46;
	vm15 =	vlt.f32 v62, v9  }
0x3cf: {  	v20 =	vld [tilespmem:s5+$0x0];
	[tilespmem:$0x1FE50] =	vst v25;
	s1 =	sshll.u32 s13, $0x4;
	vm5 =	vlt.f32 v10, v48;
	vm10 =	vlt.f32 v44, v51;
	v12 =	vand.u32 $0xFFFFFFC0, v43  }
0x3d0: {  	v25 =	vld [tilespmem:s4+$0x0];
	s1 =	sadd.s32 s25, s1;
	[tilespmem:$0x1FE70] =	vst v1;
	v1 =	vsel vm15, $0xFFFFFFFF, v49;
	v50 =	vsel vm15, v9, v62;
	v9 =	vsel vm15, v62, v9  }
0x3d1: {  	s5 =	sor.u32 s21, s9;
	v39 =	vld [tilespmem:s12+$0x100];
	s1 =	sadd.s32 $0x1010, s1;
	v53 =	vsel vm5, v48, v10;
	v10 =	vsel vm5, v10, v48;
	v56 =	vsel vm10, v51, v44  }
0x3d2: {  	s14 =	sor.u32 s0, s14;
	[tilespmem:$0x1FE60] =	vst v26;
	v26 =	vld [tilespmem:s5+$0x0];
	s13 =	sor.u32 $0x300, s1;
	v15 =	vsel vm10, v44, v51;
	v49 =	vand.u32 $0xFFFFFFC0, v38;
	v51 =	vand.u32 $0xFFFFFFC0, v42  }
0x3d3: {  	s14 =	sor.u32 $0x380, s14;
	v46 =	vld [tilespmem:s13+$0x0];
	v12 =	vor.u32 $0x3B, v12;
	[tilespmem:$0x1FEB0] =	vst v1;
	v1 =	vsel vm5, $0xFFFFFFFF, v52;
	vm7 =	vlt.f32 v11, v50  }
0x3d4: {  	v47 =	vld [tilespmem:s14+$0x0];
	vm8 =	vlt.f32 v14, v53;
	v15 =	vsub.f32 v15, v56;
	v13 =	vor.u32 $0x3C, v51  }
0x3d5: {  	s6 =	sor.u32 s21, s6;
	v29 =	vld [tilespmem:s8+$0x0];
	[tilespmem:$0x1FEA0] =	vst v1;
	v1 =	vsel vm7, $0xFFFFFFFF, v54;
	v55 =	vsel vm7, v50, v11;
	v11 =	vsel vm7, v11, v50  }
0x3d6: {  	[tilespmem:$0x1FE00] =	vst v23;
	v23 =	vld [tilespmem:s6+$0x0];
	s6 =	sor.u32 s21, s10;
	v57 =	vsel vm8, v53, v14;
	v14 =	vsel vm8, v14, v53;
	v50 =	vand.u32 $0xFFFFFFC0, v39  }
0x3d7: {  	s9 =	sor.u32 s21, s15;
	[tilespmem:$0x1FE80] =	vst v27;
	v27 =	vld [tilespmem:s6+$0x0];
	v53 =	vand.u32 $0xFFFFFFC0, v25;
	v54 =	vand.u32 $0xFFFFFFC0, v26;
	vm9 =	vlt.f32 v10, v55  }
0x3d8: {  	v30 =	vld [tilespmem:s9+$0x0];
	v5 =	vsub.f32 v57, v56;
	v15 =	vmul.f32 $1.442695020e+00, v15;
	v14 =	vsub.f32 v14, v56  }
0x3d9: {  	v28 =	vld [tilespmem:s7+$0x0];
	s15 =	sld [smem:$0x7BE];
	[tilespmem:$0x1FE20] =	vst v24;
	v61 =	vand.u32 $0xFFFFFFC0, v46;
	v62 =	vand.u32 $0xFFFFFFC0, v47;
	v25 =	vor.u32 $0x31, v53  }
0x3da: {  	[tilespmem:$0x1FE30] =	vst v7;
	v24 =	vld [tilespmem:s3+$0x0];
	v31 =	vor.u32 $0x30, v54;
	v57 =	vand.u32 $0xFFFFFFC0, v29;
	v29 =	vor.u32 $0x2A, v60  }
0x3db: {  	s10 =	sor.u32 s21, s16;
	v7 =	vld [tilespmem:s12+$0x0];
	s16 =	sld [smem:$0x7BF];
	[tilespmem:$0x1FEC0] =	vst v1;
	v1 =	vsel vm9, $0xFFFFFFFF, v58;
	v59 =	vsel vm9, v55, v10;
	v10 =	vsel vm9, v10, v55  }
0x3dc: {  	s18 =	sld [smem:$0x7C0];
	v32 =	vld [tilespmem:s10+$0x0];
	s1 =	sor.u32 s21, s15;
	vm9 =	vlt.f32 v11, v9;
	v16 =	vor.u32 $0x38, v62;
	v55 =	vand.u32 $0xFFFFFFC0, v27  }
0x3dd: {  	s3 =	sld [smem:$0x7C1];
	v48 =	vld [tilespmem:s1+$0x0];
	v58 =	vand.u32 $0xFFFFFFC0, v30;
	v26 =	vor.u32 $0x2D, v57;
	v6 =	vsel vm9, v9, v11  }
0x3de: {  	s4 =	sld [smem:$0x7C2];
	v45 =	vld [tilespmem:s12+$0x280];
	s1 =	sor.u32 s21, s16;
	v9 =	vsel vm9, v11, v9;
	v36 =	vmul.f32 $1.442695020e+00, v5;
	v37 =	vsub.f32 v59, v56  }
0x3df: {  	s5 =	sld [smem:$0x7C3];
	v35 =	vld [tilespmem:s1+$0x0];
	s1 =	sor.u32 s21, s18;
	(erf) = vpow2.f32 v15;
	v14 =	vmul.f32 $1.442695020e+00, v14;
	v10 =	vsub.f32 v10, v56  }
0x3e0: {  	s6 =	sld [smem:$0x7C4];
	v11 =	vor.u32 $0x3D, v50;
	v15 =	vor.u32 $0x39, v61;
	(erf) = vpow2.f32 v36;
	v36 =	vld [tilespmem:s1+$0x0];
	s1 =	sor.u32 s21, s3  }
0x3e1: {  	s7 =	sld [smem:$0x7C5];
	v5 =	vand.u32 $0xFFFFFFC0, v20;
	v18 =	vor.u32 $0x2F, v55;
	v27 =	vor.u32 $0x2C, v58;
	v52 =	vld [tilespmem:s1+$0x0];
	s1 =	sor.u32 s21, s4  }
0x3e2: {  	s8 =	sld [smem:$0x7C6];
	v59 =	vand.u32 $0xFFFFFFC0, v32;
	v61 =	vand.u32 $0xFFFFFFC0, v48;
	v40 =	vmul.f32 $1.442695020e+00, v37;
	v38 =	vld [tilespmem:s1+$0x0];
	s1 =	sor.u32 s21, s5  }
0x3e3: {  	s9 =	sld [smem:$0x7C7];
	v41 =	vsub.f32 v6, v56;
	v9 =	vsub.f32 v9, v56;
	(erf) = vpow2.f32 v14;
	v39 =	vld [tilespmem:s1+$0x0];
	s1 =	sor.u32 s21, s6  }
0x3e4: {  	[tilespmem:$0x1FDF0] =	vst v22;
	s10 =	sld [smem:$0x7C8];
	v22 =	vor.u32 $0x34, v5;
	v6 =	vand.u32 $0xFFFFFFC0, v23;
	(erf) = vpow2.f32 v40;
	v40 =	vld [tilespmem:s1+$0x0];
	s1 =	sor.u32 s21, s7  }
0x3e5: {  	s11 =	sld [smem:$0x7C9];
	v56 =	vand.u32 $0xFFFFFFC0, v28;
	v10 =	vmul.f32 $1.442695020e+00, v10;
	v44 =	vmul.f32 $1.442695020e+00, v41;
	v41 =	vld [tilespmem:s1+$0x0];
	s1 =	sor.u32 s21, s8  }
0x3e6: {  	s15 =	sld [smem:$0x7CA];
	v28 =	vor.u32 $0x2B, v59;
	v0 =	vor.u32 $0x29, v61;
	v62 =	vand.u32 $0xFFFFFFC0, v35;
	v42 =	vld [tilespmem:s1+$0x0];
	s1 =	sor.u32 s21, s9  }
0x3e7: {  	s16 =	sld [smem:$0x7CB];
	v23 =	vor.u32 $0x33, v6;
	v20 =	vor.u32 $0x2E, v56;
	(erf) = vpow2.f32 v10;
	v8 =	vld [tilespmem:s1+$0x0];
	s1 =	sor.u32 s21, s10  }
0x3e8: {  	s18 =	sld [smem:$0x7CC];
	v30 =	vor.u32 $0x28, v62;
	v9 =	vmul.f32 $1.442695020e+00, v9;
	(erf) = vpow2.f32 v44;
	v44 =	vld [tilespmem:s1+$0x0];
	s1 =	sor.u32 s21, s11  }
0x3e9: {  	s3 =	sld [smem:$0x7CD];
	v14 =	vand.u32 $0xFFFFFFC0, v45;
	v59 =	vmax.f32 v0, v30;
	v0 =	vmin.f32 v0, v30;
	v45 =	vld [tilespmem:s1+$0x0];
	s1 =	sor.u32 s21, s15  }
0x3ea: {  	s4 =	sld [smem:$0x7CE];
	v14 =	vor.u32 $0x3A, v14;
	v10 =	vor.u32 $0x3E, v49;
	(erf) = vpow2.f32 v9;
	v46 =	vld [tilespmem:s1+$0x0];
	s1 =	sor.u32 s21, s16  }
0x3eb: {  	s5 =	sld [smem:$0x7CF];
	v9 =	vor.u32 $0x3F, v7;
	v7 =	vand.u32 $0xFFFFFFC0, v24;
	v63 =	vand.u32 $0xFFFFFFC0, v36;
	v47 =	vld [tilespmem:s1+$0x0];
	s1 =	sor.u32 s21, s18  }
0x3ec: {  	[tilespmem:$0x1FED0] =	vst v1;
	s6 =	sld [smem:$0x7D0];
	v24 =	vor.u32 $0x32, v7;
	v1 =	vand.u32 $0xFFFFFFC0, v52;
	v2 =	vand.u32 $0xFFFFFFC0, v38;
	v32 =	vld [tilespmem:s1+$0x0];
	s1 =	sor.u32 s21, s3  }
0x3ed: {  	s7 =	sld [smem:$0x7D1];
	v33 =	vor.u32 $0x27, v63;
	v34 =	vor.u32 $0x26, v1;
	v37 =	vor.u32 $0x25, v2;
	v49 =	vld [tilespmem:s1+$0x0];
	s1 =	sor.u32 s21, s4  }
0x3ee: {  	[tilespmem:$0x1FE90] =	vst v3;
	s8 =	sld [smem:$0x7D2];
	v3 =	vand.u32 $0xFFFFFFC0, v39;
	v4 =	vand.u32 $0xFFFFFFC0, v40;
	v5 =	vand.u32 $0xFFFFFFC0, v41;
	v50 =	vld [tilespmem:s1+$0x0];
	s1 =	sor.u32 s21, s5  }
0x3ef: {  	s9 =	sld [smem:$0x7D3];
	v39 =	vor.u32 $0x24, v3;
	v38 =	vor.u32 $0x23, v4;
	v40 =	vor.u32 $0x22, v5;
	v51 =	vld [tilespmem:s1+$0x0];
	s1 =	sor.u32 s21, s6  }
0x3f0: {  	s10 =	sld [smem:$0x7D4];
	v6 =	vand.u32 $0xFFFFFFC0, v42;
	v7 =	vand.u32 $0xFFFFFFC0, v8;
	v44 =	vand.u32 $0xFFFFFFC0, v44;
	v52 =	vld [tilespmem:s1+$0x0];
	s1 =	sor.u32 s21, s7  }
0x3f1: {  	s11 =	sld [smem:$0x7D5];
	v41 =	vor.u32 $0x21, v6;
	v48 =	vor.u32 $0x20, v7;
	v35 =	vor.u32 $0x1F, v44;
	v53 =	vld [tilespmem:s1+$0x0];
	s1 =	sor.u32 s21, s8  }
0x3f2: {  	s15 =	sld [smem:$0x7D6];
	v45 =	vand.u32 $0xFFFFFFC0, v45;
	v46 =	vand.u32 $0xFFFFFFC0, v46;
	v60 =	vand.u32 $0xFFFFFFC0, v47;
	v54 =	vld [tilespmem:s1+$0x0];
	s1 =	sor.u32 s21, s9  }
0x3f3: {  	s16 =	sld [smem:$0x7D7];
	v42 =	vor.u32 $0x1E, v45;
	v36 =	vor.u32 $0x1D, v46;
	v43 =	vor.u32 $0x1C, v60;
	v8 =	vld [tilespmem:s1+$0x0];
	s1 =	sor.u32 s21, s10  }
0x3f4: {  	v32 =	vand.u32 $0xFFFFFFC0, v32;
	v62 =	vand.u32 $0xFFFFFFC0, v49;
	v1 =	vand.u32 $0xFFFFFFC0, v50;
	v56 =	vld [tilespmem:s1+$0x0];
	s1 =	sor.u32 s21, s11  }
0x3f5: {  	s18 =	sld [smem:$0x7D8];
	v44 =	vor.u32 $0x1B, v32;
	v45 =	vor.u32 $0x1A, v62;
	v46 =	vor.u32 $0x19, v1;
	v57 =	vld [tilespmem:s1+$0x0];
	s1 =	sor.u32 s21, s15  }
0x3f6: {  	s3 =	sld [smem:$0x7D9];
	v3 =	vand.u32 $0xFFFFFFC0, v51;
	v1 =	vmax.f32 v11, v13;
	v11 =	vmin.f32 v11, v13;
	v61 =	vld [tilespmem:s1+$0x0];
	s1 =	sor.u32 s21, s16  }
0x3f7: {  	v4 =	vand.u32 $0xFFFFFFC0, v52;
	v47 =	vor.u32 $0x18, v3;
	v3 =	vmax.f32 v15, v16;
	v63 =	vld [tilespmem:s1+$0x0]  }
0x3f8: {  	v15 =	vmin.f32 v15, v16;
	v51 =	vor.u32 $0x17, v4;
	v6 =	vand.u32 $0xFFFFFFC0, v53;
	s1 =	sor.u32 s21, s18  }
0x3f9: {  	v52 =	vor.u32 $0x16, v6;
	v7 =	vand.u32 $0xFFFFFFC0, v54;
	v2 =	vld [tilespmem:s1+$0x0];
	s1 =	sor.u32 s21, s3;
	v8 =	vand.u32 $0xFFFFFFC0, v8  }
0x3fa: {  	v53 =	vor.u32 $0x15, v7;
	v5 =	vld [tilespmem:s1+$0x0];
	v54 =	vor.u32 $0x14, v8;
	v56 =	vand.u32 $0xFFFFFFC0, v56  }
0x3fb: {  	v55 =	vor.u32 $0x13, v56;
	v60 =	vand.u32 $0xFFFFFFC0, v57;
	v61 =	vand.u32 $0xFFFFFFC0, v61  }
0x3fc: {  	v57 =	vor.u32 $0x12, v60;
	v56 =	vor.u32 $0x11, v61;
	v62 =	vand.u32 $0xFFFFFFC0, v63  }
0x3fd: {  	v63 =	vmax.f32 v9, v10;
	v9 =	vmin.f32 v9, v10;
	v58 =	vor.u32 $0x10, v62  }
0x3fe: {  	v49 =	vand.u32 $0xFFFFFFC0, v2;
	v2 =	vmax.f32 v12, v14;
	v12 =	vmin.f32 v12, v14  }
0x3ff: {  	v4 =	vmax.f32 v63, v1;
	v10 =	vmin.f32 v63, v1;
	v50 =	vand.u32 $0xFFFFFFC0, v5  }
0x400: {  	v5 =	vmax.f32 v9, v11;
	v11 =	vmin.f32 v9, v11;
	v6 =	vmax.f32 v2, v3  }
0x401: {  	v7 =	vmin.f32 v2, v3;
	v60 =	vmax.f32 v12, v15;
	v12 =	vmin.f32 v12, v15  }
0x402: {  	v61 =	vmax.f32 v5, v10;
	v10 =	vmin.f32 v5, v10;
	v62 =	vmax.f32 v60, v7  }
0x403: {  	v13 =	vmin.f32 v60, v7;
	v63 =	vmax.f32 v4, v6;
	v16 =	vmin.f32 v4, v6  }
0x404: {  	v4 =	vmax.f32 v11, v12;
	v1 =	vmax.f32 v61, v62;
	v14 =	vmin.f32 v61, v62  }
0x405: {  	v2 =	vmax.f32 v10, v13;
	v3 =	vmin.f32 v10, v13;
	v10 =	vmin.f32 v11, v12  }
0x406: {  	v61 =	vmax.f32 v17, v21;
	v17 =	vmin.f32 v17, v21;
	v62 =	vmax.f32 v19, v22  }
0x407: {  	[tilespmem:$0x1FDE0] =	vst v63;
	v19 =	vmin.f32 v19, v22;
	v63 =	vmax.f32 v23, v24;
	v23 =	vmin.f32 v23, v24  }
0x408: {  	v5 =	vmax.f32 v2, v16;
	v15 =	vmin.f32 v2, v16;
	v6 =	vmax.f32 v4, v14  }
0x409: {  	v7 =	vmin.f32 v4, v14;
	v2 =	vmax.f32 v61, v62;
	v21 =	vmin.f32 v61, v62  }
0x40a: {  	v11 =	vmax.f32 v1, v5;
	v12 =	vmin.f32 v1, v5;
	v13 =	vmax.f32 v6, v15  }
0x40b: {  	v14 =	vmin.f32 v6, v15;
	v15 =	vmax.f32 v7, v3;
	v16 =	vmin.f32 v7, v3  }
0x40c: {  	v1 =	vmax.f32 v25, v31;
	v25 =	vmin.f32 v25, v31;
	v3 =	vmax.f32 v17, v19  }
0x40d: {  	v19 =	vmin.f32 v17, v19;
	v4 =	vmax.f32 v63, v1;
	v5 =	vmin.f32 v63, v1  }
0x40e: {  	v6 =	vmax.f32 v23, v25;
	v23 =	vmin.f32 v23, v25;
	v7 =	vmax.f32 v3, v21  }
0x40f: {  	v21 =	vmin.f32 v3, v21;
	v8 =	vmax.f32 v6, v5;
	v22 =	vmin.f32 v6, v5  }
0x410: {  	v17 =	vmax.f32 v2, v4;
	v31 =	vmin.f32 v2, v4;
	v3 =	vmax.f32 v19, v23  }
0x411: {  	v9 =	vmax.f32 v7, v8;
	v24 =	vmin.f32 v7, v8;
	v1 =	vmax.f32 v21, v22  }
0x412: {  	v2 =	vmin.f32 v21, v22;
	v21 =	vmin.f32 v19, v23;
	v7 =	vmax.f32 v18, v20  }
0x413: {  	v18 =	vmin.f32 v18, v20;
	v8 =	vmax.f32 v26, v27;
	v26 =	vmin.f32 v26, v27  }
0x414: {  	v10 =	vmax.f32 v10, v17;
	v4 =	vmax.f32 v1, v31;
	v25 =	vmin.f32 v1, v31  }
0x415: {  	v5 =	vmax.f32 v3, v24;
	v6 =	vmin.f32 v3, v24;
	v60 =	vmax.f32 v7, v8  }
0x416: {  	v20 =	vmin.f32 v7, v8;
	v61 =	vmax.f32 v18, v26;
	v18 =	vmin.f32 v18, v26  }
0x417: {  	v3 =	vmax.f32 v36, v43;
	v36 =	vmin.f32 v36, v43;
	v19 =	vmax.f32 v9, v4  }
0x418: {  	v22 =	vmin.f32 v9, v4;
	v23 =	vmax.f32 v5, v25;
	v24 =	vmin.f32 v5, v25  }
0x419: {  	v25 =	vmax.f32 v6, v2;
	v31 =	vmin.f32 v6, v2;
	v9 =	vmax.f32 v28, v29  }
0x41a: {  	v28 =	vmin.f32 v28, v29;
	v4 =	vmax.f32 v61, v20;
	v32 =	vmin.f32 v61, v20  }
0x41b: {  	v62 =	vmax.f32 v9, v59;
	v27 =	vmin.f32 v9, v59;
	v63 =	vmax.f32 v28, v0  }
0x41c: {  	v0 =	vmin.f32 v28, v0;
	v11 =	vmax.f32 v11, v31;
	v12 =	vmax.f32 v12, v25  }
0x41d: {  	v13 =	vmax.f32 v13, v24;
	v14 =	vmax.f32 v14, v23;
	v15 =	vmax.f32 v15, v22  }
0x41e: {  	v16 =	vmax.f32 v16, v19;
	v5 =	vmax.f32 v63, v27;
	v27 =	vmin.f32 v63, v27  }
0x41f: {  	v20 =	vmax.f32 v60, v62;
	v26 =	vmin.f32 v60, v62;
	v8 =	vmax.f32 v18, v0  }
0x420: {  	v18 =	vmin.f32 v18, v0;
	v25 =	vmax.f32 v11, v15;
	v11 =	vmin.f32 v11, v15  }
0x421: {  	v29 =	vmax.f32 v4, v5;
	v28 =	vmin.f32 v4, v5;
	v6 =	vmax.f32 v32, v27  }
0x422: {  	v7 =	vmin.f32 v32, v27;
	v9 =	vmax.f32 v6, v26;
	v30 =	vmin.f32 v6, v26  }
0x423: {  	v4 =	vmax.f32 v8, v28;
	v5 =	vmin.f32 v8, v28;
	v6 =	vmax.f32 v33, v34  }
0x424: {  	v33 =	vmin.f32 v33, v34;
	v8 =	vmax.f32 v38, v40;
	v38 =	vmin.f32 v38, v40  }
0x425: {  	v32 =	vmax.f32 v29, v9;
	v26 =	vmin.f32 v29, v9;
	v27 =	vmax.f32 v4, v30  }
0x426: {  	v28 =	vmin.f32 v4, v30;
	v29 =	vmax.f32 v5, v7;
	v30 =	vmin.f32 v5, v7  }
0x427: {  	v7 =	vmax.f32 v37, v39;
	v37 =	vmin.f32 v37, v39;
	v9 =	vmax.f32 v41, v48  }
0x428: {  	v41 =	vmin.f32 v41, v48;
	v60 =	vmax.f32 v6, v7;
	v0 =	vmin.f32 v6, v7  }
0x429: {  	v61 =	vmax.f32 v33, v37;
	v37 =	vmin.f32 v33, v37;
	v62 =	vmax.f32 v8, v9  }
0x42a: {  	v63 =	vmin.f32 v8, v9;
	v4 =	vmax.f32 v38, v41;
	v38 =	vmin.f32 v38, v41  }
0x42b: {  	v5 =	vmax.f32 v61, v0;
	v0 =	vmin.f32 v61, v0;
	v6 =	vmax.f32 v4, v63  }
0x42c: {  	v39 =	vmin.f32 v4, v63;
	v33 =	vmax.f32 v60, v62;
	v7 =	vmin.f32 v60, v62  }
0x42d: {  	v59 =	vmax.f32 v37, v38;
	v38 =	vmin.f32 v37, v38;
	v63 =	vmax.f32 v35, v42  }
0x42e: {  	v35 =	vmin.f32 v35, v42;
	v4 =	vmax.f32 v44, v45;
	v44 =	vmin.f32 v44, v45  }
0x42f: {  	v8 =	vmax.f32 v5, v6;
	v34 =	vmin.f32 v5, v6;
	v9 =	vmax.f32 v0, v39  }
0x430: {  	v0 =	vmin.f32 v0, v39;
	v5 =	vmax.f32 v46, v47;
	v46 =	vmin.f32 v46, v47  }
0x431: {  	v6 =	vmax.f32 v63, v3;
	v60 =	vmax.f32 v9, v7;
	v40 =	vmin.f32 v9, v7  }
0x432: {  	v61 =	vmax.f32 v59, v34;
	v62 =	vmin.f32 v59, v34;
	v7 =	vmax.f32 v35, v36  }
0x433: {  	v36 =	vmin.f32 v35, v36;
	v9 =	vmin.f32 v4, v5;
	v34 =	vmax.f32 v8, v60  }
0x434: {  	v37 =	vmin.f32 v8, v60;
	v39 =	vmax.f32 v61, v40;
	v40 =	vmin.f32 v61, v40  }
0x435: {  	v41 =	vmax.f32 v62, v0;
	v48 =	vmin.f32 v62, v0;
	v0 =	vmin.f32 v63, v3  }
0x436: {  	v8 =	vmax.f32 v4, v5;
	v60 =	vmax.f32 v44, v46;
	v44 =	vmin.f32 v44, v46  }
0x437: {  	v61 =	vmax.f32 v7, v0;
	v0 =	vmin.f32 v7, v0;
	v62 =	vmax.f32 v60, v9  }
0x438: {  	v43 =	vmin.f32 v60, v9;
	v35 =	vmax.f32 v6, v8;
	v63 =	vmin.f32 v6, v8  }
0x439: {  	v6 =	vmax.f32 v36, v44;
	v36 =	vmin.f32 v36, v44;
	v60 =	vmax.f32 v51, v52  }
0x43a: {  	v51 =	vmin.f32 v51, v52;
	v4 =	vmax.f32 v61, v62;
	v42 =	vmin.f32 v61, v62  }
0x43b: {  	v5 =	vmax.f32 v0, v43;
	v0 =	vmin.f32 v0, v43;
	v61 =	vmax.f32 v53, v54  }
0x43c: {  	v53 =	vmin.f32 v53, v54;
	v62 =	vmax.f32 v55, v57;
	v55 =	vmin.f32 v55, v57  }
0x43d: {  	v7 =	vmax.f32 v5, v63;
	v45 =	vmin.f32 v5, v63;
	v8 =	vmax.f32 v6, v42  }
0x43e: {  	v9 =	vmin.f32 v6, v42;
	v63 =	vmax.f32 v56, v58;
	v56 =	vmin.f32 v56, v58  }
0x43f: {  	v5 =	vmax.f32 v51, v53;
	v53 =	vmin.f32 v51, v53;
	v42 =	vmax.f32 v4, v7  }
0x440: {  	s4 =	sld [smem:$0x7DA];
	v43 =	vmin.f32 v4, v7;
	v44 =	vmax.f32 v8, v45;
	v45 =	vmin.f32 v8, v45  }
0x441: {  	v46 =	vmax.f32 v9, v0;
	v47 =	vmin.f32 v9, v0;
	v4 =	vmax.f32 v60, v61  }
0x442: {  	s5 =	sld [smem:$0x7DB];
	v0 =	vmin.f32 v60, v61;
	v6 =	vmax.f32 v62, v63;
	v7 =	vmin.f32 v62, v63  }
0x443: {  	s6 =	sld [smem:$0x7DC];
	s1 =	sor.u32 s21, s4;
	v8 =	vmax.f32 v55, v56;
	v55 =	vmin.f32 v55, v56;
	v9 =	vmax.f32 v5, v0  }
0x444: {  	s7 =	sld [smem:$0x7DD];
	v57 =	vld [tilespmem:s1+$0x0];
	v0 =	vmin.f32 v5, v0;
	v3 =	vmax.f32 v8, v7;
	v54 =	vmin.f32 v8, v7  }
0x445: {  	s1 =	sor.u32 s21, s5;
	v51 =	vmax.f32 v4, v6;
	v58 =	vmin.f32 v4, v6;
	v6 =	vmax.f32 v53, v55  }
0x446: {  	s8 =	sld [smem:$0x7DE];
	v60 =	vld [tilespmem:s1+$0x0];
	s1 =	sor.u32 s21, s6;
	v52 =	vmin.f32 v53, v55;
	v4 =	vmax.f32 v9, v3;
	v5 =	vmax.f32 v0, v54  }
0x447: {  	v62 =	vld [tilespmem:s1+$0x0];
	s1 =	sor.u32 s21, s7;
	v56 =	vmin.f32 v9, v3;
	v1 =	vmin.f32 v0, v54;
	v7 =	vmax.f32 v5, v58  }
0x448: {  	s9 =	sld [smem:$0x7DF];
	s16 =	sor.u32 s21, s19;
	v63 =	vld [tilespmem:s1+$0x0];
	v58 =	vmin.f32 v5, v58;
	v8 =	vmax.f32 v6, v56;
	v9 =	vmin.f32 v6, v56  }
0x449: {  	s1 =	sor.u32 s21, s8;
	v3 =	vld [tilespmem:s16+$0x0];
	v5 =	vor.u32 $0xE, v50;
	v57 =	vand.u32 $0xFFFFFFC0, v57;
	v53 =	vmax.f32 v4, v7  }
0x44a: {  	v2 =	vld [tilespmem:s1+$0x0];
	v54 =	vmin.f32 v4, v7;
	v55 =	vmax.f32 v8, v58;
	v56 =	vmin.f32 v8, v58  }
0x44b: {  	s1 =	sor.u32 s21, s9;
	v4 =	vor.u32 $0xF, v49;
	v49 =	vmax.f32 v9, v1;
	v50 =	vmin.f32 v9, v1  }
0x44c: {  	v58 =	vld [tilespmem:s1+$0x0];
	v57 =	vor.u32 $0xD, v57;
	v0 =	vmax.f32 v4, v5;
	v6 =	vand.u32 $0xFFFFFFC0, v60  }
0x44d: {  	v1 =	vmin.f32 v4, v5;
	v59 =	vor.u32 $0xC, v6;
	v7 =	vand.u32 $0xFFFFFFC0, v62  }
0x44e: {  	v8 =	vmax.f32 v57, v59;
	v57 =	vmin.f32 v57, v59;
	v9 =	vor.u32 $0xB, v7  }
0x44f: {  	v4 =	vand.u32 $0xFFFFFFC0, v63;
	v3 =	vand.u32 $0xFFFFFFC0, v3;
	v2 =	vand.u32 $0xFFFFFFC0, v2  }
0x450: {  	v60 =	vor.u32 $0xA, v4;
	v7 =	vmax.f32 v1, v57;
	v1 =	vmin.f32 v1, v57  }
0x451: {  	s10 =	rddreg [dreg:$0x1a];
	v3 =	vor.u32 $0x4, v3;
	v58 =	vand.u32 $0xFFFFFFC0, v58;
	v2 =	vor.u32 $0x9, v2  }
0x452: {  	s1 =	sor.u32 s21, s10;
	v5 =	vmax.f32 v9, v60;
	v59 =	vmin.f32 v9, v60;
	v58 =	vor.u32 $0x8, v58  }
0x453: {  	v4 =	vld [tilespmem:s1+$0x0];
	v6 =	vmax.f32 v2, v58;
	v2 =	vmin.f32 v2, v58;
	v58 =	vmax.f32 v0, v8  }
0x454: {  	v0 =	vmin.f32 v0, v8;
	v63 =	vmax.f32 v5, v6;
	v57 =	vmin.f32 v5, v6  }
0x455: {  	s11 =	rddreg [dreg:$0x1c];
	v60 =	vmax.f32 v59, v2;
	v2 =	vmin.f32 v59, v2;
	v8 =	vmax.f32 v7, v0  }
0x456: {  	s3 =	sor.u32 s21, s11;
	v0 =	vmin.f32 v7, v0;
	v9 =	vmax.f32 v60, v57;
	v60 =	vmin.f32 v60, v57  }
0x457: {  	s15 =	sor.u32 s21, s24;
	v5 =	vld [tilespmem:s3+$0x0];
	v57 =	vmax.f32 v58, v63;
	v62 =	vmin.f32 v58, v63;
	v7 =	vmax.f32 v1, v2  }
0x458: {  	v58 =	vld [tilespmem:s15+$0x0];
	v4 =	vand.u32 $0xFFFFFFC0, v4;
	v63 =	vmax.f32 v8, v9;
	v59 =	vmin.f32 v8, v9  }
0x459: {  	s19 =	sor.u32 s21, s29;
	v6 =	vmax.f32 v0, v60;
	v60 =	vmin.f32 v0, v60;
	v9 =	vmin.f32 v1, v2  }
0x45a: {  	s18 =	sor.u32 s21, s30;
	v2 =	vld [tilespmem:s19+$0x0];
	v8 =	vmax.f32 v6, v62;
	v62 =	vmin.f32 v6, v62;
	v1 =	vmax.f32 v7, v59  }
0x45b: {  	s24 =	sor.u32 s21, s28;
	v0 =	vmin.f32 v7, v59;
	v6 =	vld [tilespmem:s18+$0x0];
	v59 =	vmax.f32 v63, v8;
	v8 =	vmin.f32 v63, v8  }
0x45c: {  	s28 =	sor.u32 s21, s17;
	v7 =	vmax.f32 v0, v60;
	v63 =	vmin.f32 v0, v60;
	v0 =	vor.u32 $0x7, v4;
	v4 =	vld [tilespmem:s24+$0x0]  }
0x45d: {  	v61 =	vmax.f32 v1, v62;
	v60 =	vld [tilespmem:s28+$0x0];
	v5 =	vand.u32 $0xFFFFFFC0, v5;
	v58 =	vand.u32 $0xFFFFFFC0, v58  }
0x45e: {  	v62 =	vmin.f32 v1, v62;
	v5 =	vor.u32 $0x6, v5;
	v58 =	vor.u32 $0x5, v58  }
0x45f: {  	v1 =	vmax.f32 v0, v5;
	v0 =	vmin.f32 v0, v5;
	v2 =	vand.u32 $0xFFFFFFC0, v2  }
0x460: {  	v5 =	vmax.f32 v58, v3;
	v3 =	vmin.f32 v58, v3;
	v6 =	vand.u32 $0xFFFFFFC0, v6  }
0x461: {  	v2 =	vor.u32 $0x2, v2;
	v6 =	vor.u32 $0x3, v6;
	v4 =	vand.u32 $0xFFFFFFC0, v4  }
0x462: {  	v58 =	vand.u32 $0xFFFFFFC0, v60;
	v4 =	vor.u32 $0x1, v4;
	v60 =	vmax.f32 v6, v2  }
0x463: {  	v2 =	vmin.f32 v6, v2;
	v6 =	vmax.f32 v4, v58;
	v4 =	vmin.f32 v4, v58  }
0x464: {  	v58 =	vmax.f32 v1, v5;
	v1 =	vmin.f32 v1, v5;
	v5 =	vmax.f32 v0, v3  }
0x465: {  	v0 =	vmin.f32 v0, v3;
	v3 =	vmax.f32 v60, v6;
	v6 =	vmin.f32 v60, v6  }
0x466: {  	v60 =	vmax.f32 v2, v4;
	v2 =	vmin.f32 v2, v4;
	v4 =	vmax.f32 v5, v1  }
0x467: {  	v1 =	vmin.f32 v5, v1;
	v5 =	vmax.f32 v60, v6;
	v6 =	vmin.f32 v60, v6  }
0x468: {  	v60 =	vmax.f32 v58, v3;
	v3 =	vmin.f32 v58, v3;
	v58 =	vmax.f32 v4, v5  }
0x469: {  	v4 =	vmin.f32 v4, v5;
	v5 =	vmax.f32 v1, v6;
	v1 =	vmin.f32 v1, v6  }
0x46a: {  	v6 =	vmax.f32 v0, v2;
	v0 =	vmin.f32 v0, v2;
	v2 =	vmax.f32 v5, v3  }
0x46b: {  	v3 =	vmin.f32 v5, v3;
	v5 =	vmax.f32 v6, v4;
	v4 =	vmin.f32 v6, v4  }
0x46c: {  	v6 =	vmax.f32 v58, v2;
	v2 =	vmin.f32 v58, v2;
	v58 =	vmax.f32 v5, v3  }
0x46d: {  	v3 =	vmin.f32 v5, v3;
	v5 =	vmax.f32 v4, v1;
	v1 =	vmin.f32 v4, v1;
	v4 =	vld [tilespmem:$0x1FDE0]  }
0x46e: {  	v31 =	vmax.f32 v12, v16;
	v18 =	vmax.f32 v18, v33;
	v40 =	vmax.f32 v27, v40  }
0x46f: {  	v12 =	vmin.f32 v12, v16;
	v30 =	vmax.f32 v30, v34;
	v34 =	vmax.f32 v40, v18  }
0x470: {  	v18 =	vmin.f32 v40, v18;
	v0 =	vmax.f32 v57, v0;
	v1 =	vmax.f32 v59, v1  }
0x471: {  	v5 =	vmax.f32 v8, v5;
	v3 =	vmax.f32 v61, v3;
	v2 =	vmax.f32 v7, v2  }
0x472: {  	v6 =	vmax.f32 v63, v6;
	v4 =	vmax.f32 v4, v21;
	v21 =	vmax.f32 v13, v10  }
0x473: {  	v10 =	vmin.f32 v13, v10;
	v24 =	vmax.f32 v4, v14;
	v4 =	vmin.f32 v4, v14  }
0x474: {  	v23 =	vmax.f32 v25, v21;
	v14 =	vmin.f32 v25, v21;
	v25 =	vmax.f32 v11, v10  }
0x475: {  	v10 =	vmin.f32 v11, v10;
	v22 =	vmax.f32 v24, v31;
	v15 =	vmin.f32 v24, v31  }
0x476: {  	v24 =	vmax.f32 v4, v12;
	v4 =	vmin.f32 v4, v12;
	v31 =	vlaneseq.u32  }
0x477: {  	v11 =	vmax.f32 v22, v23;
	v13 =	vmin.f32 v22, v23;
	v17 =	vmax.f32 v15, v14  }
0x478: {  	v15 =	vmin.f32 v15, v14;
	v19 =	vmax.f32 v24, v25;
	v12 =	vmin.f32 v24, v25  }
0x479: {  	v16 =	vmax.f32 v4, v10;
	v4 =	vmin.f32 v4, v10;
	v10 =	vmax.f32 v20, v38  }
0x47a: {  	v20 =	vmax.f32 v32, v48;
	v14 =	vmov s0;
	v21 =	vor.u32 s0, v31  }
0x47b: {  	v38 =	vmax.f32 v26, v41;
	v41 =	vmax.f32 v28, v39;
	v48 =	vmax.f32 v29, v37  }
0x47c: {  	v31 =	vmax.f32 v10, v41;
	v10 =	vmin.f32 v10, v41;
	v32 =	vmax.f32 v20, v48  }
0x47d: {  	v20 =	vmin.f32 v20, v48;
	v33 =	vmax.f32 v38, v30;
	v22 =	vmin.f32 v38, v30  }
0x47e: {  	v41 =	vmax.f32 v35, v52;
	v48 =	vmax.f32 v42, v50;
	v50 =	vmax.f32 v43, v49  }
0x47f: {  	v52 =	vmax.f32 v44, v56;
	v56 =	vmax.f32 v45, v55;
	v37 =	vmax.f32 v31, v33  }
0x480: {  	v25 =	vmin.f32 v31, v33;
	v38 =	vmax.f32 v32, v34;
	v24 =	vmin.f32 v32, v34  }
0x481: {  	v39 =	vmax.f32 v10, v22;
	v10 =	vmin.f32 v10, v22;
	v40 =	vmax.f32 v20, v18  }
0x482: {  	v18 =	vmin.f32 v20, v18;
	v35 =	vmax.f32 v41, v56;
	v20 =	vmax.f32 v37, v38  }
0x483: {  	v23 =	vmin.f32 v37, v38;
	v27 =	vmax.f32 v25, v24;
	v24 =	vmin.f32 v25, v24  }
0x484: {  	v25 =	vmax.f32 v39, v40;
	v22 =	vmin.f32 v39, v40;
	v26 =	vmax.f32 v10, v18  }
0x485: {  	v10 =	vmin.f32 v10, v18;
	v37 =	vmax.f32 v46, v54;
	v38 =	vmax.f32 v47, v53  }
0x486: {  	v39 =	vmax.f32 v36, v51;
	v18 =	vmin.f32 v41, v56;
	v47 =	vmax.f32 v62, v58  }
0x487: {  	v51 =	vmax.f32 v5, v6;
	v5 =	vmin.f32 v5, v6;
	v40 =	vmax.f32 v48, v37  }
0x488: {  	v28 =	vmin.f32 v48, v37;
	v41 =	vmax.f32 v50, v38;
	v29 =	vmin.f32 v50, v38  }
0x489: {  	v42 =	vmax.f32 v52, v39;
	v30 =	vmin.f32 v52, v39;
	v48 =	vmax.f32 v9, v60  }
0x48a: {  	v49 =	vmax.f32 v0, v47;
	v0 =	vmin.f32 v0, v47;
	v50 =	vmax.f32 v1, v2  }
0x48b: {  	v1 =	vmin.f32 v1, v2;
	v61 =	vmax.f32 v11, v10;
	v62 =	vmax.f32 v13, v26  }
0x48c: {  	v63 =	vmax.f32 v17, v22;
	v15 =	vmax.f32 v15, v25;
	v26 =	vmax.f32 v19, v24  }
0x48d: {  	v12 =	vmax.f32 v12, v27;
	v16 =	vmax.f32 v16, v23;
	v4 =	vmax.f32 v4, v20  }
0x48e: {  	v43 =	vmax.f32 v35, v41;
	v32 =	vmin.f32 v35, v41;
	v44 =	vmax.f32 v40, v42  }
0x48f: {  	v31 =	vmin.f32 v40, v42;
	v45 =	vmax.f32 v18, v29;
	v18 =	vmin.f32 v18, v29  }
0x490: {  	v46 =	vmax.f32 v28, v30;
	v28 =	vmin.f32 v28, v30;
	v52 =	vmax.f32 v3, v48  }
0x491: {  	v3 =	vmin.f32 v3, v48;
	v53 =	vmax.f32 v49, v51;
	v2 =	vmin.f32 v49, v51  }
0x492: {  	v55 =	vmax.f32 v0, v5;
	v0 =	vmin.f32 v0, v5;
	v37 =	vmax.f32 v61, v26  }
0x493: {  	v38 =	vmax.f32 v62, v12;
	v11 =	vmin.f32 v62, v12;
	v39 =	vmax.f32 v63, v16  }
0x494: {  	v13 =	vmin.f32 v63, v16;
	v40 =	vmax.f32 v15, v4;
	v4 =	vmin.f32 v15, v4  }
0x495: {  	v30 =	vmax.f32 v43, v44;
	v34 =	vmin.f32 v43, v44;
	v35 =	vmax.f32 v32, v31  }
0x496: {  	v31 =	vmin.f32 v32, v31;
	v32 =	vmax.f32 v45, v46;
	v29 =	vmin.f32 v45, v46  }
0x497: {  	v33 =	vmax.f32 v18, v28;
	v18 =	vmin.f32 v18, v28;
	v54 =	vmax.f32 v50, v52  }
0x498: {  	v6 =	vmin.f32 v50, v52;
	v56 =	vmax.f32 v1, v3;
	v1 =	vmin.f32 v1, v3  }
0x499: {  	v41 =	vmax.f32 v37, v39;
	v12 =	vmin.f32 v37, v39;
	v42 =	vmax.f32 v38, v40  }
0x49a: {  	v16 =	vmin.f32 v38, v40;
	v44 =	vmax.f32 v11, v4;
	v4 =	vmin.f32 v11, v4  }
0x49b: {  	v40 =	vshll.u32 v14, $0x3;
	v57 =	vmax.f32 v53, v54;
	v7 =	vmin.f32 v53, v54  }
0x49c: {  	v9 =	vpop (erf);
	v58 =	vmax.f32 v2, v6;
	v2 =	vmin.f32 v2, v6;
	v59 =	vmax.f32 v55, v56  }
0x49d: {  	v10 =	vpop (erf);
	v5 =	vmin.f32 v55, v56;
	v60 =	vmax.f32 v0, v1;
	v0 =	vmin.f32 v0, v1  }
0x49e: {  	v36 =	vadd.f32 v10, v9;
	v1 =	vmin.f32 v61, v26;
	v45 =	vmax.f32 v41, v42  }
0x49f: {  	v46 =	vmin.f32 v41, v42;
	v47 =	vmax.f32 v12, v16;
	v12 =	vmin.f32 v12, v16  }
0x4a0: {  	v41 =	vand.u32 $0x1C00, v40;
	v42 =	vand.u32 $0x7F, v21;
	v43 =	vmax.f32 v1, v13  }
0x4a1: {  	v1 =	vmin.f32 v1, v13;
	v0 =	vmax.f32 v30, v0;
	v8 =	vmax.f32 v34, v60  }
0x4a2: {  	v5 =	vmax.f32 v35, v5;
	v6 =	vmax.f32 v31, v59;
	v2 =	vmax.f32 v32, v2  }
0x4a3: {  	v51 =	vmax.f32 v29, v58;
	v7 =	vmax.f32 v33, v7;
	v3 =	vmax.f32 v18, v57  }
0x4a4: {  	v15 =	vpop (erf);
	v48 =	vmax.f32 v43, v44;
	v13 =	vmin.f32 v43, v44;
	v49 =	vmax.f32 v1, v4  }
0x4a5: {  	v1 =	vmin.f32 v1, v4;
	v50 =	vadd.f32 v36, v15;
	v52 =	vmax.f32 v0, v2  }
0x4a6: {  	v0 =	vmin.f32 v0, v2;
	v53 =	vmax.f32 v8, v51;
	v8 =	vmin.f32 v8, v51  }
0x4a7: {  	v54 =	vmax.f32 v5, v7;
	v5 =	vmin.f32 v5, v7;
	v55 =	vmax.f32 v6, v3  }
0x4a8: {  	v3 =	vmin.f32 v6, v3;
	v56 =	vmax.f32 v52, v54;
	v18 =	vmin.f32 v52, v54  }
0x4a9: {  	v57 =	vmax.f32 v53, v55;
	v2 =	vmin.f32 v53, v55;
	v58 =	vmax.f32 v0, v5  }
0x4aa: {  	v20 =	vpop (erf);
	v0 =	vmin.f32 v0, v5;
	v59 =	vmax.f32 v8, v3;
	v3 =	vmin.f32 v8, v3  }
0x4ab: {  	v4 =	vadd.f32 v20, v50;
	v60 =	vmax.f32 v56, v57;
	v6 =	vmin.f32 v56, v57  }
0x4ac: {  	v61 =	vmax.f32 v18, v2;
	v2 =	vmin.f32 v18, v2;
	v62 =	vmax.f32 v58, v59  }
0x4ad: {  	v63 =	vmin.f32 v0, v3;
	v5 =	vmin.f32 v58, v59;
	v0 =	vmax.f32 v0, v3  }
0x4ae: {  	v27 =	vmax.f32 v45, v63;
	v0 =	vmax.f32 v46, v0;
	v5 =	vmax.f32 v47, v5  }
0x4af: {  	v28 =	vmax.f32 v12, v62;
	v2 =	vmax.f32 v48, v2;
	v29 =	vmax.f32 v13, v61  }
0x4b0: {  	v6 =	vmax.f32 v49, v6;
	v1 =	vmax.f32 v1, v60;
	v30 =	vmax.f32 v27, v2  }
0x4b1: {  	v2 =	vmin.f32 v27, v2;
	v31 =	vmax.f32 v0, v29;
	v0 =	vmin.f32 v0, v29  }
0x4b2: {  	v32 =	vmax.f32 v5, v6;
	v5 =	vmin.f32 v5, v6;
	v33 =	vmax.f32 v28, v1  }
0x4b3: {  	v1 =	vmin.f32 v28, v1;
	v34 =	vmax.f32 v30, v32;
	v8 =	vmin.f32 v30, v32  }
0x4b4: {  	v35 =	vmax.f32 v31, v33;
	v3 =	vmin.f32 v31, v33;
	v36 =	vmax.f32 v2, v5  }
0x4b5: {  	v2 =	vmin.f32 v2, v5;
	v37 =	vmax.f32 v0, v1;
	v0 =	vmin.f32 v0, v1  }
0x4b6: {  	v18 =	vmax.f32 v34, v35;
	v19 =	vmin.f32 v34, v35;
	v16 =	vmax.f32 v8, v3  }
0x4b7: {  	v17 =	vmin.f32 v8, v3;
	v12 =	vmax.f32 v36, v37;
	v13 =	vmin.f32 v36, v37  }
0x4b8: {  	v11 =	vmax.f32 v2, v0;
	v14 =	vmin.f32 v2, v0;
	v38 =	vxor.u32 $0xFFFFFFFF, v18  }
0x4b9: {  	v43 =	vxor.u32 $0xFFFFFFFF, v19;
	v45 =	vxor.u32 $0xFFFFFFFF, v16;
	v47 =	vxor.u32 $0xFFFFFFFF, v17  }
0x4ba: {  	v49 =	vxor.u32 $0xFFFFFFFF, v12;
	v51 =	vxor.u32 $0xFFFFFFFF, v13;
	v54 =	vxor.u32 $0xFFFFFFFF, v11  }
0x4bb: {  	v56 =	vxor.u32 $0xFFFFFFFF, v14;
	v39 =	vshll.u32 v38, $0xA;
	v1 =	vshll.u32 v38, $0x7  }
0x4bc: {  	v44 =	vshll.u32 v43, $0xA;
	v46 =	vshll.u32 v45, $0xA;
	v6 =	vshll.u32 v45, $0x7  }
0x4bd: {  	v48 =	vshll.u32 v47, $0xA;
	v50 =	vshll.u32 v49, $0xA;
	v8 =	vshll.u32 v49, $0x7  }
0x4be: {  	v52 =	vshll.u32 v51, $0xA;
	v21 =	vshll.u32 v51, $0x7;
	v55 =	vshll.u32 v54, $0xA  }
0x4bf: {  	v57 =	vshll.u32 v56, $0xA;
	v23 =	vshll.u32 v56, $0x7;
	v3 =	vand.u32 $0xE000, v39  }
0x4c0: {  	v1 =	vand.u32 $0x380, v1;
	v5 =	vand.u32 $0xE000, v44;
	v6 =	vand.u32 $0x380, v6  }
0x4c1: {  	v7 =	vand.u32 $0xE000, v48;
	v8 =	vand.u32 $0x380, v8;
	v22 =	vand.u32 $0xE000, v52  }
0x4c2: {  	v21 =	vand.u32 $0x380, v21;
	v58 =	vand.u32 $0xE000, v57;
	v23 =	vand.u32 $0x380, v23  }
0x4c3: {  	v1 =	vor.u32 v3, v1;
	v3 =	vshll.u32 v43, $0x7;
	v53 =	vor.u32 v22, v21  }
0x4c4: {  	v22 =	vand.u32 $0xE000, v55;
	v21 =	vshll.u32 v54, $0x7;
	v1 =	vor.u32 v41, v1  }
0x4c5: {  	v3 =	vand.u32 $0x380, v3;
	v21 =	vand.u32 $0x380, v21;
	v1 =	vor.u32 v42, v1  }
0x4c6: {  	v3 =	vor.u32 v5, v3;
	v5 =	vand.u32 $0xE000, v46;
	v21 =	vor.u32 v22, v21  }
0x4c7: {  	v22 =	vor.u32 v58, v23;
	v3 =	vor.u32 v41, v3;
	v5 =	vor.u32 v5, v6  }
0x4c8: {  	v6 =	vshll.u32 v47, $0x7;
	v21 =	vor.u32 v41, v21;
	v3 =	vor.u32 v42, v3  }
0x4c9: {  	v0 =	vor.u32 v41, v22;
	v6 =	vand.u32 $0x380, v6;
	v21 =	vor.u32 v42, v21  }
0x4ca: {  	v5 =	vor.u32 v41, v5;
	v0 =	vor.u32 v42, v0;
	v6 =	vor.u32 v7, v6  }
0x4cb: {  	v5 =	vor.u32 v42, v5;
	v7 =	vand.u32 $0xE000, v50;
	v6 =	vor.u32 v41, v6  }
0x4cc: {  	v7 =	vor.u32 v7, v8;
	v8 =	vor.u32 v41, v53;
	v6 =	vor.u32 v42, v6;
	v1 =	vld.idx.msk [tilespmem:v1+s2+$0x0], $0xffff  }
0x4cd: {  	v7 =	vor.u32 v41, v7;
	v8 =	vor.u32 v42, v8;
	v3 =	vld.idx.msk [tilespmem:v3+s2+$0x0], $0xffff  }
0x4ce: {  	v7 =	vor.u32 v42, v7;
	v21 =	vld.idx.msk [tilespmem:v21+s2+$0x0], $0xffff  }
0x4cf: {  	v0 =	vld.idx.msk [tilespmem:v0+s2+$0x0], $0xffff  }
0x4d0: {  	v24 =	vpop (erf);
	v5 =	vld.idx.msk [tilespmem:v5+s2+$0x0], $0xffff  }
0x4d1: {  	v4 =	vadd.f32 v4, v24;
	v6 =	vld.idx.msk [tilespmem:v6+s2+$0x0], $0xffff  }
0x4d2: {  	v22 =	vpop (erf);
	v8 =	vld.idx.msk [tilespmem:v8+s2+$0x0], $0xffff  }
0x4d3: {  	v59 =	vadd.f32 v4, v22;
	v60 =	vld.idx.msk [tilespmem:v7+s2+$0x0], $0xffff  }
0x4d4: {  	v7 =	vpop (erf)  }
0x4d5: {  	v2 =	vadd.f32 v59, v7;
	vm2 =	vlt.f32 v1, v3  }
0x4d6: {  	vm12 =	vlt.f32 v21, v0;
	v61 =	vsel vm2, v3, v1;
	v1 =	vsel vm2, v1, v3  }
0x4d7: {  	v31 =	vsel vm12, v0, v21;
	v0 =	vsel vm12, v21, v0;
	vm7 =	vlt.f32 v5, v6  }
0x4d8: {  	v2 =	vadd.f32 $1.000000000e+00, v2;
	v62 =	vsel vm7, v6, v5;
	vm11 =	vlt.f32 v60, v8  }
0x4d9: {  	v5 =	vsel vm7, v5, v6;
	vm4 =	vlt.f32 v1, v62;
	v63 =	vsel vm11, v8, v60  }
0x4da: {  	v4 =	vsel vm11, v60, v8;
	v28 =	vsel vm4, v62, v1;
	vm13 =	vlt.f32 v5, v63  }
0x4db: {  	v1 =	vsel vm4, v1, v62;
	vm3 =	vlt.f32 v61, v28;
	v29 =	vsel vm13, v63, v5  }
0x4dc: {  	v30 =	vsel vm3, v28, v61;
	v8 =	vsel vm3, v61, v28;
	vm15 =	vlt.f32 v1, v29  }
0x4dd: {  	(erf) = vrcp.f32 v2;
	v32 =	vsel vm15, v29, v1;
	v8 =	vsub.f32 v8, v30  }
0x4de: {  	vm14 =	vlt.f32 v4, v31;
	v5 =	vsel vm13, v5, v63;
	v33 =	vsub.f32 v32, v30  }
0x4df: {  	v34 =	vsel vm14, v31, v4;
	v1 =	vsel vm15, v1, v29;
	v8 =	vmul.f32 $1.442695020e+00, v8  }
0x4e0: {  	vm5 =	vlt.f32 v5, v34;
	v1 =	vsub.f32 v1, v30;
	v35 =	vmul.f32 $1.442695020e+00, v33  }
0x4e1: {  	v38 =	vsel vm14, v4, v31;
	v36 =	vsel vm5, v34, v5;
	(erf) = vpow2.f32 v8  }
0x4e2: {  	v37 =	vsub.f32 v36, v30;
	v1 =	vmul.f32 $1.442695020e+00, v1;
	(erf) = vpow2.f32 v35  }
0x4e3: {  	vm1 =	vlt.f32 v38, v0;
	v39 =	vsel vm5, v5, v34  }
0x4e4: {  	v41 =	vsub.f32 v39, v30;
	v40 =	vmul.f32 $1.442695020e+00, v37;
	(erf) = vpow2.f32 v1  }
0x4e5: {  	v42 =	vsel vm1, v0, v38  }
0x4e6: {  	v44 =	vsub.f32 v42, v30;
	v43 =	vmul.f32 $1.442695020e+00, v41;
	(erf) = vpow2.f32 v40  }
0x4e7: {  	v0 =	vsel vm1, v38, v0  }
0x4e8: {  	v0 =	vsub.f32 v0, v30;
	v45 =	vmul.f32 $1.442695020e+00, v44;
	(erf) = vpow2.f32 v43  }
0x4e9: {  	v46 =	vpop (erf)  }
0x4ea: {  	v0 =	vmul.f32 $1.442695020e+00, v0;
	(erf) = vpow2.f32 v45;
	v47 =	vpop (erf)  }
0x4eb: {  	v48 =	vpop (erf)  }
0x4ec: {  	(erf) = vpow2.f32 v0;
	v49 =	vadd.f32 v48, v47  }
0x4ed: {  	v25 =	vld [tilespmem:$0x1FE60];
	v50 =	vpop (erf)  }
0x4ee: {  	v58 =	vld [tilespmem:$0x1FE10];
	v0 =	vadd.f32 v49, v50  }
0x4ef: {  	v56 =	vld [tilespmem:$0x1FDF0];
	v51 =	vpop (erf)  }
0x4f0: {  	v57 =	vld [tilespmem:$0x1FE00];
	v0 =	vadd.f32 v51, v0  }
0x4f1: {  	v60 =	vld [tilespmem:$0x1FE20];
	v52 =	vpop (erf)  }
0x4f2: {  	v29 =	vld [tilespmem:$0x1FE90];
	v0 =	vadd.f32 v0, v52  }
0x4f3: {  	vm0 =	vnez.u8 v58;
	v61 =	vld [tilespmem:$0x1FE30];
	v53 =	vpop (erf)  }
0x4f4: {  	v62 =	vld [tilespmem:$0x1FE40];
	v9 =	vmul.f32 v46, v9;
	v10 =	vmul.f32 v46, v10;
	v0 =	vadd.f32 v0, v53  }
0x4f5: {  	v27 =	vld [tilespmem:$0x1FE70];
	v55 =	vmul.f32 v46, v15;
	v15 =	vandn.u32 $0x3F, v57;
	v20 =	vmul.f32 v46, v20;
	v54 =	vpop (erf)  }
0x4f6: {  	v31 =	vld [tilespmem:$0x1FEB0];
	v59 =	vmul.f32 v46, v24;
	v22 =	vmul.f32 v46, v22;
	[tilespmem:s26+$0x10080] =	vst v9;
	v0 =	vadd.f32 v0, v54  }
0x4f7: {  	v2 =	vmul.f32 v46, v7;
	v24 =	vld [tilespmem:$0x1FE50];
	v23 =	vandn.u32 $0x3F, v29;
	[tilespmem:s26+$0x10100] =	vst v10;
	v10 =	vandn.u32 $0x3F, v56  }
0x4f8: {  	v28 =	vld [tilespmem:$0x1FE80];
	[tilespmem:s26+$0x10200] =	vst v20;
	v20 =	vandn.u32 $0x3F, v61;
	v9 =	vsel vm0, v15, v10;
	v0 =	vadd.f32 $1.000000000e+00, v0  }
0x4f9: {  	v30 =	vld [tilespmem:$0x1FEA0];
	[tilespmem:s26+$0x10000] =	vst v46;
	v10 =	vsel vm0, v10, v15;
	v15 =	vandn.u32 $0x3F, v60;
	vm0 =	vnez.u8 v62  }
0x4fa: {  	[tilespmem:s26+$0x10180] =	vst v55;
	(erf) = vrcp.f32 v0;
	v0 =	vsel vm0, v20, v15;
	v15 =	vsel vm0, v15, v20  }
0x4fb: {  	s29 =	rddreg [dreg:$0x16];
	v33 =	vld [tilespmem:$0x1FEC0];
	[tilespmem:s26+$0x10280] =	vst v59;
	v20 =	vandn.u32 $0x3F, v25;
	v63 =	vsel vm6, v0, v10;
	v0 =	vsel vm6, v10, v0  }
0x4fc: {  	s30 =	rddreg [dreg:$0x17];
	v34 =	vld [tilespmem:$0x1FED0];
	[tilespmem:s29+$0x10000] =	vst v22;
	v10 =	vandn.u32 $0x3F, v24;
	vm6 =	vnez.u8 v27;
	v26 =	vsel vm10, v63, v9  }
0x4fd: {  	[tilespmem:s30+$0x10000] =	vst v2;
	v7 =	vsel vm10, v9, v63;
	v2 =	vsel vm6, v20, v10;
	v9 =	vandn.u32 $0x3F, v28  }
0x4fe: {  	vm10 =	vnez.u8 v30;
	v10 =	vsel vm6, v10, v20;
	vm6 =	vnez.u8 v31  }
0x4ff: {  	[tilespmem:s26+$0x12000] =	vst v26;
	v22 =	vsel vm10, v2, v15;
	v20 =	vsel vm6, v23, v9  }
0x500: {  	[tilespmem:s26+$0x12080] =	vst v7;
	v32 =	vsel vm8, v22, v0;
	v0 =	vsel vm8, v0, v22;
	vm8 =	vnez.u8 v33  }
0x501: {  	v2 =	vsel vm10, v15, v2;
	vm10 =	vnez.u8 v34;
	[tilespmem:s26+$0x12100] =	vst v32;
	v7 =	vsel vm8, v20, v10  }
0x502: {  	[tilespmem:s26+$0x12180] =	vst v0;
	v0 =	vsel vm10, v7, v2  }
0x503: {  	v9 =	vsel vm6, v9, v23;
	v10 =	vsel vm8, v10, v20;
	v2 =	vsel vm10, v2, v7;
	[tilespmem:s26+$0x12200] =	vst v0  }
0x504: {  	v35 =	vsel vm9, v9, v10;
	[tilespmem:s26+$0x12280] =	vst v2  }
0x505: {  	v37 =	vsel vm9, v10, v9;
	[tilespmem:s29+$0x12000] =	vst v35;
	v36 =	vpop (erf)  }
0x506: {  	[tilespmem:s30+$0x12000] =	vst v37;
	v3 =	vmul.f32 v36, v47  }
0x507: {  	v38 =	vmul.f32 v36, v48;
	[tilespmem:s12+$0x10000] =	vst v36  }
0x508: {  	v42 =	vandn.u32 $0x3F, v19;
	v39 =	vmul.f32 v36, v50;
	[tilespmem:s12+$0x10080] =	vst v3  }
0x509: {  	v41 =	vandn.u32 $0x3F, v18;
	v44 =	vandn.u32 $0x3F, v16;
	v40 =	vmul.f32 v36, v51;
	[tilespmem:s12+$0x10100] =	vst v38  }
0x50a: {  	v46 =	vsel vm2, v42, v41;
	v1 =	vsel vm2, v41, v42;
	v43 =	vmul.f32 v36, v52;
	[tilespmem:s12+$0x10180] =	vst v39  }
0x50b: {  	v55 =	vandn.u32 $0x3F, v14;
	v45 =	vandn.u32 $0x3F, v17;
	v48 =	vmul.f32 v36, v53;
	[tilespmem:s12+$0x10200] =	vst v40  }
0x50c: {  	v5 =	vsel vm7, v44, v45;
	v47 =	vsel vm7, v45, v44;
	v2 =	vmul.f32 v36, v54;
	[tilespmem:s12+$0x10280] =	vst v43  }
0x50d: {  	v50 =	vandn.u32 $0x3F, v12;
	v51 =	vandn.u32 $0x3F, v13;
	v49 =	vsel vm4, v47, v1;
	[tilespmem:s13+$0x10000] =	vst v48  }
0x50e: {  	v54 =	vandn.u32 $0x3F, v11;
	v53 =	vsel vm11, v51, v50;
	v52 =	vsel vm3, v49, v46;
	[tilespmem:s14+$0x10000] =	vst v2  }
0x50f: {  	v1 =	vsel vm4, v1, v47;
	v0 =	vsel vm3, v46, v49;
	v56 =	vsel vm13, v53, v5;
	[tilespmem:s12+$0x12000] =	vst v52  }
0x510: {  	s31 =	sadd.s32 $0x2, s31;
	v57 =	vsel vm12, v55, v54;
	v3 =	vsel vm11, v50, v51;
	v58 =	vsel vm15, v56, v1;
	[tilespmem:s12+$0x12080] =	vst v0  }
0x511: {  	p0 =	slt.u32 s31, $0x3E;
	v1 =	vsel vm15, v1, v56;
	v59 =	vsel vm14, v57, v3;
	v2 =	vsel vm13, v5, v53;
	[tilespmem:s12+$0x12100] =	vst v58  }
.Ltmp1:
0x512: {  	[tilespmem:s12+$0x12180] =	vst v1;
	v60 =	vsel vm5, v59, v2;
	(pc) =	sbr.rel @p0 .LBB2_4-.Ltmp1, $4  }
0x513: {  	v61 =	vsel vm12, v54, v55;
	v3 =	vsel vm14, v3, v57;
	v0 =	vsel vm5, v2, v59;
	[tilespmem:s12+$0x12200] =	vst v60  }
0x514: {  	v62 =	vsel vm1, v61, v3;
	[tilespmem:s12+$0x12280] =	vst v0  }
0x515: {  	s20 =	sadd.s32 $0x1, s20;
	v63 =	vsel vm1, v3, v61;
	[tilespmem:s13+$0x12000] =	vst v62  }
0x516: {  	s22 =	sadd.s32 $0x20, s22;
	s23 =	sadd.s32 $0x2, s23;
	s25 =	sadd.s32 $0x100, s25;
	[tilespmem:s14+$0x12000] =	vst v63  }
0x517: {  	s0 =	rddreg [dreg:$0x9];
	s1 =	simm.s32 $0x10000  }
0x518: {  	[hbm4b:s0+s2] =	stream.linear.scatter [tilespmem:s1], [sflag:$0x3], $0x2000, $0x38;
	[tilespmem:$0x14000] =	vst v63  }
0x519: {  	s1 =	simm.s32 $0x3  }
0x51a: {  	_ =	swait.ge [sflag:s1], $0x2000  }
0x51b: {  	[sflag:s1] =	ssyncset.done $0x0  }
0x51c: {  	s3 =	simm.s32 $0x12000;
	s29 =	rddreg [dreg:$0xa];
	[sflag:s1] =	ssyncadd.s32 $0xFFFFE000  }
0x51d: {  	[hbm4b:s29+s2] =	stream.linear.scatter [tilespmem:s3], [sflag:$0x3], $0x2000, $0x38;
	[tilespmem:$0x14000] =	vst v63  }
0x51e: {  	_ =	swait.ge [sflag:s1], $0x2000  }
0x51f: {  	[sflag:s1] =	ssyncset.done $0x0  }
0x520: {  	s30 =	simm.s32 $0x2;
	[sflag:s1] =	ssyncadd.s32 $0xFFFFE000  }
0x521: {  	_ =	swait.ge [sflag:s30], $0x8000  }
0x522: {  	[sflag:s30] =	ssyncset.done $0x0  }
0x523: {  	[sflag:s30] =	ssyncadd.s32 $0xFFFF8000  }
0x524: {  	_ =	swait.ge [sflag:s30], $0x8000  }
0x525: {  	s4 =	rddreg [dreg:$0x13]  }
0x526: {  	s31 =	rddreg [dreg:$0xb];
	s4 =	sadd.s32 $0x1, s4  }
0x527: {  	p0 =	sne.s32 s4, s31  }
.Ltmp2:
0x528: {  	_ = 	snop;
	(pc) =	sbr.rel @p0 .LBB2_1-.Ltmp2, $3  }
0x529: {  	_ =	sdelay $0x1  }
0x52a: {  	[sflag:s30] =	ssyncset.done $0x0  }
0x52b: {  	[sflag:s30] =	ssyncadd.s32 $0xFFFF8000  }
0x52c: {  	_ =	sfence.sel $0x180000  }
0x52d: {  	[bflag:$0x0] =	sbarrier.arrive $0xFFFF  }
0x52e: {  	_ =	strace $0x90000047  }
0x52f: {  	s0 =	stileid.u32;
	[bflag:$0x2] =	sbarrier.arrive $0xFFFF  }
0x530: {  	p0 =	sne.s32 s0, $0x0;
	s0 =	rddreg [dreg:$0x4]  }
0x531: {  	s0 =	sadd.s32 @!p0 $0x100000, s0  }
0x532: {  	[sflag:s0] =	ssyncadd.tile.s32 @!p0 $0x1;
	_ =	shalt  }
.Lfunc_end2:
_tile_overlayer_lowered:
.L_overlay_start_2:
0x533: {  	(tag) =	ssettag $0x2  }
0x534: {  	s0 =	rddreg [dreg:$0x0];
	s2 =	stileid.u32  }
0x535: {  	s1 =	rddreg [dreg:$0x1];
	p0 =	sne.s32 s2, $0x0  }
0x536: {  	s3 =	rddreg [dreg:$0x2];
	[bflag:$0x3] =	sbarrier.arrive $0xFFFF;
	s2 =	simm.s32 @!p0 $0x1C03  }
0x537: {  	[timem:s3], [sflag:s2] =	dma.local @!p0 [hbm:s0], s1  }
0x538: {  	s0 =	simm.s32 @!p0 $0x3  }
0x539: {  	_ =	swait.ge @!p0 [sflag:s0], s1  }
0x53a: {  	s1 =	ssub.s32 @!p0 $0x0, s1;
	[sflag:s0] =	ssyncset.done @!p0 $0x0  }
0x53b: {  	[sflag:s0] =	ssyncadd.s32 @!p0 s1  }
0x53c: {  	[bflag:$0x3] =	sbarrier.arrive $0xFFFF  }
0x53d: {  	_ =	shalt  }

</sc_bundles>
